<compile_context>
chip_gen: v7x
topology: tpu7x:2x2x1
jax: 0.10.2.dev20260603
libtpu: 0.0.44.dev20260713+nightly
codegen_flags: <defaults>
</compile_context>

<pallas_src>
import jax
import jax.numpy as jnp
from jax.experimental import pallas as pl
from jax.experimental.pallas import tpu as pltpu
from jax.experimental.pallas import tpu_sc as plsc

S, D, H, E, FF, TOPK = 2048, 768, 12, 8, 1024, 2
DH = D // H
BT = 256
NT = S // BT
NEG = -1e30

NA = TOPK * S
AR, AC = 32, 128
BME = 512
P = 8192
NB = P // BME
WSC = 128


def _qkv_kernel(x_ref, ln1_ref, wq_ref, wk_ref, wv_ref, cos_ref, sin_ref,
                q_ref, k_ref, v_ref):
    x = x_ref[...]
    var = jnp.mean(jnp.square(x), axis=-1, keepdims=True)
    h = (x * jax.lax.rsqrt(var + 1e-6) * ln1_ref[...]).astype(jnp.bfloat16)
    q = jnp.dot(h, wq_ref[...], preferred_element_type=jnp.float32)
    k = jnp.dot(h, wk_ref[...], preferred_element_type=jnp.float32)
    v = jnp.dot(h, wv_ref[...], preferred_element_type=jnp.float32)
    cos = cos_ref[...]
    sin = sin_ref[...]
    col = jax.lax.broadcasted_iota(jnp.int32, (BT, D), 1)
    first_half = (col % DH) < (DH // 2)

    def rope(u):
        rot = jnp.where(first_half,
                        -pltpu.roll(u, D - DH // 2, 1),
                        pltpu.roll(u, DH // 2, 1))
        return u * cos + rot * sin

    q_ref[...] = (rope(q) * (1.0 / (DH ** 0.5))).astype(jnp.bfloat16)
    k_ref[...] = rope(k).astype(jnp.bfloat16)
    v_ref[...] = v.astype(jnp.bfloat16)


BQ = 1024
NQ = S // BQ


def _attn_kernel(q_ref, k_ref, v_ref, o_ref):
    qi = pl.program_id(1)
    qs = (q_ref[:, :DH], q_ref[:, DH:])

    def step(kb, carry, masked):
        kk = k_ref[pl.ds(kb * BQ, BQ), :]
        vv = v_ref[pl.ds(kb * BQ, BQ), :]
        if masked:
            rows = jax.lax.broadcasted_iota(jnp.int32, (BQ, BQ), 0)
            cols = jax.lax.broadcasted_iota(jnp.int32, (BQ, BQ), 1)
            vis = rows >= cols
        out = []
        for hh in range(2):
            m, l, acc = carry[hh]
            k = kk[:, hh * DH:(hh + 1) * DH]
            s = jax.lax.dot_general(qs[hh], k, (((1,), (1,)), ((), ())),
                                    preferred_element_type=jnp.float32)
            if masked:
                s = jnp.where(vis, s, NEG)
            m_new = jnp.maximum(m, jnp.max(s, axis=1, keepdims=True))
            alpha = jnp.exp(m - m_new)
            p = jnp.exp(s - m_new)
            l = l * alpha + jnp.sum(p, axis=1, keepdims=True)
            v = vv[:, hh * DH:(hh + 1) * DH]
            pv = jnp.dot(p.astype(jnp.bfloat16), v,
                         preferred_element_type=jnp.float32)
            acc = acc * alpha + pv
            out.append((m_new, l, acc))
        return tuple(out)

    init = tuple((jnp.full((BQ, 1), NEG, jnp.float32),
                  jnp.zeros((BQ, 1), jnp.float32),
                  jnp.zeros((BQ, DH), jnp.float32)) for _ in range(2))
    carry = jax.lax.fori_loop(0, qi, lambda kb, c: step(kb, c, False), init)
    res = step(qi, carry, True)
    o_ref[...] = jnp.concatenate(
        [(acc / l).astype(jnp.bfloat16) for (m, l, acc) in res], axis=1)


def _post_attn_kernel(ctx_ref, wo_ref, dec_ref, ln2_ref, wr_ref,
                      h2_ref, x2_ref, ti_ref, tw_ref):
    ctx = ctx_ref[...]
    h2 = dec_ref[...] + jnp.dot(ctx, wo_ref[...],
                                preferred_element_type=jnp.float32)
    h2_ref[...] = h2
    var = jnp.mean(jnp.square(h2), axis=-1, keepdims=True)
    x2 = h2 * jax.lax.rsqrt(var + 1e-6) * ln2_ref[...]
    x2_ref[...] = _pack(x2.astype(jnp.bfloat16))
    logits = jax.lax.dot_general(x2, wr_ref[...], (((1,), (0,)), ((), ())),
                                 precision=jax.lax.Precision.HIGHEST,
                                 preferred_element_type=jnp.float32)
    col = jax.lax.broadcasted_iota(jnp.int32, (BT, E), 1)
    m1 = jnp.max(logits, axis=1, keepdims=True)
    i1 = jnp.min(jnp.where(logits == m1, col, E), axis=1, keepdims=True)
    masked = jnp.where(col == i1, NEG, logits)
    m2 = jnp.max(masked, axis=1, keepdims=True)
    i2 = jnp.min(jnp.where(masked == m2, col, E), axis=1, keepdims=True)
    w1 = 1.0 / (1.0 + jnp.exp(m2 - m1))
    w2 = 1.0 - w1
    two = jax.lax.broadcasted_iota(jnp.int32, (BT, TOPK), 1)
    ti_ref[...] = jnp.where(two == 0, i1, i2)
    tw_ref[...] = jnp.where(two == 0, w1, w2)


D2 = D // 2


def _pack(xb):
    lo = jax.lax.bitcast_convert_type(xb[:, :D2], jnp.uint16)
    hi = jax.lax.bitcast_convert_type(xb[:, D2:], jnp.uint16)
    u = (hi.astype(jnp.uint32) << 16) | lo.astype(jnp.uint32)
    return jax.lax.bitcast_convert_type(u, jnp.int32)


def _unpack(p):
    u = jax.lax.bitcast_convert_type(p, jnp.uint32)
    lo = jax.lax.bitcast_convert_type((u & 0xffff).astype(jnp.uint16),
                                      jnp.bfloat16)
    hi = jax.lax.bitcast_convert_type((u >> 16).astype(jnp.uint16),
                                      jnp.bfloat16)
    return jnp.concatenate([lo, hi], axis=1)


def _dispatch_kernel(ej_ref, pos_ref, be_ref, act_ref):
    ej = ej_ref[...]
    lane = jax.lax.broadcasted_iota(jnp.int32, (AR, AC), 1)
    srow = jax.lax.broadcasted_iota(jnp.int32, (AR, 1), 0)
    nb_iota = jax.lax.broadcasted_iota(jnp.int32, (1, NB), 1)
    pos = jnp.zeros((AR, AC), jnp.int32)
    be = jnp.zeros((1, NB), jnp.int32)
    off = jnp.int32(0)
    for e in range(E):
        m = (ej == e).astype(jnp.int32)
        pr = m
        for sh in (1, 2, 4, 8, 16, 32, 64):
            pr = pr + jnp.where(lane >= sh, pltpu.roll(pr, sh, 1), 0)
        rowtot = jnp.sum(m, axis=1, keepdims=True)
        rp = rowtot
        for sh in (1, 2, 4, 8, 16):
            rp = rp + jnp.where(srow >= sh, pltpu.roll(rp, sh, 0), 0)
        rank = (pr - m) + (rp - rowtot)
        cnt = jnp.sum(m)
        padded = ((cnt + BME - 1) // BME) * BME
        pos = jnp.where(ej == e, off + rank, pos)
        start_b = off // BME
        nblk = padded // BME
        be = jnp.where((nb_iota >= start_b) & (nb_iota < start_b + nblk),
                       e, be)
        off = off + padded
    pos_ref[...] = pos
    be_ref[...] = be
    act_ref[...] = (nb_iota < off // BME).astype(jnp.int32)


def _gmm_kernel(be_ref, act_ref, xg_ref, wg_ref, wu_ref, wd_ref, yg_ref):
    @pl.when(act_ref[pl.program_id(0)] != 0)
    def _():
        x = _unpack(xg_ref[...])
        g = jnp.dot(x, wg_ref[0], preferred_element_type=jnp.float32)
        u = jnp.dot(x, wu_ref[0], preferred_element_type=jnp.float32)
        act = (g * jax.nn.sigmoid(g) * u).astype(jnp.bfloat16)
        eo = jnp.dot(act, wd_ref[0], preferred_element_type=jnp.float32)
        yg_ref[...] = _pack(eo.astype(jnp.bfloat16))


def _final_kernel(h2_ref, a_ref, b_ref, tw_ref, out_ref):
    tw = tw_ref[...]
    w0 = tw[:, 0:1]
    w1 = tw[:, 1:2]
    out_ref[...] = (h2_ref[...]
                    + w0 * _unpack(a_ref[...]).astype(jnp.float32)
                    + w1 * _unpack(b_ref[...]).astype(jnp.float32))


def _sc_mesh():
    return plsc.VectorSubcoreMesh(core_axis_name="c", subcore_axis_name="s")


def _sc_scatter(x2i, p0, p1):
    @pl.kernel(out_type=jax.ShapeDtypeStruct((P, D2), jnp.int32),
               mesh=_sc_mesh())
    def scat(x2_hbm, p0_hbm, p1_hbm, xg_hbm):
        def body(x_vmem, i0_vmem, i1_vmem):
            pltpu.sync_copy(x_vmem, xg_hbm.at[i0_vmem.at[0]])
            pltpu.sync_copy(x_vmem, xg_hbm.at[i1_vmem.at[0]])

        pltpu.emit_pipeline(
            body,
            grid=(S // WSC,),
            in_specs=[pl.BlockSpec((WSC, D2), lambda i: (i, 0)),
                      pl.BlockSpec((1, WSC), lambda i: (0, i)),
                      pl.BlockSpec((1, WSC), lambda i: (0, i))],
            out_specs=[],
            core_axis_name=("c", "s"),
            dimension_semantics=(pltpu.PARALLEL,),
        )(x2_hbm, p0_hbm, p1_hbm)

    return scat(x2i, p0, p1)


def _sc_gather(ygi, p01):
    @pl.kernel(out_type=jax.ShapeDtypeStruct((2 * S, D2), jnp.int32),
               mesh=_sc_mesh())
    def gath(yg_hbm, p01_hbm, ab_hbm):
        def body(idx_vmem, ab_vmem):
            pltpu.sync_copy(yg_hbm.at[idx_vmem.at[0]], ab_vmem)

        pltpu.emit_pipeline(
            body,
            grid=(2 * S // WSC,),
            in_specs=[pl.BlockSpec((1, WSC), lambda i: (0, i))],
            out_specs=[pl.BlockSpec((WSC, D2), lambda i: (i, 0))],
            core_axis_name=("c", "s"),
            dimension_semantics=(pltpu.PARALLEL,),
        )(p01_hbm, ab_hbm)

    return gath(ygi, p01)


def kernel(dec_inp, ln1_w, ln2_w, Wq, Wk, Wv, Wo, Wrouter, Wgate, Wup, Wdown):
    b, s, d = dec_inp.shape
    x = dec_inp.reshape(s, d)
    ln1 = ln1_w.reshape(1, d)
    ln2 = ln2_w.reshape(1, d)
    wq = Wq.astype(jnp.bfloat16)
    wk = Wk.astype(jnp.bfloat16)
    wv = Wv.astype(jnp.bfloat16)
    wo = Wo.astype(jnp.bfloat16)
    wg = Wgate.astype(jnp.bfloat16)
    wu = Wup.astype(jnp.bfloat16)
    wd = Wdown.astype(jnp.bfloat16)

    inv_freq = 1.0 / (10000.0 ** (jnp.arange(0, DH, 2, dtype=jnp.float32) / DH))
    t = jnp.arange(s, dtype=jnp.float32)
    freqs = jnp.outer(t, inv_freq)
    emb = jnp.concatenate([freqs, freqs], axis=-1)
    cos = jnp.tile(jnp.cos(emb), (1, H))
    sin = jnp.tile(jnp.sin(emb), (1, H))

    bf = jnp.bfloat16
    q, k, v = pl.pallas_call(
        _qkv_kernel,
        grid=(NT,),
        in_specs=[
            pl.BlockSpec((BT, D), lambda i: (i, 0)),
            pl.BlockSpec((1, D), lambda i: (0, 0)),
            pl.BlockSpec((D, D), lambda i: (0, 0)),
            pl.BlockSpec((D, D), lambda i: (0, 0)),
            pl.BlockSpec((D, D), lambda i: (0, 0)),
            pl.BlockSpec((BT, D), lambda i: (i, 0)),
            pl.BlockSpec((BT, D), lambda i: (i, 0)),
        ],
        out_specs=[
            pl.BlockSpec((BT, D), lambda i: (i, 0)),
            pl.BlockSpec((BT, D), lambda i: (i, 0)),
            pl.BlockSpec((BT, D), lambda i: (i, 0)),
        ],
        out_shape=[jax.ShapeDtypeStruct((s, d), bf)] * 3,
        compiler_params=pltpu.CompilerParams(
            dimension_semantics=("parallel",)),
    )(x, ln1, wq, wk, wv, cos, sin)

    ctx = pl.pallas_call(
        _attn_kernel,
        grid=(H // 2, NQ),
        in_specs=[
            pl.BlockSpec((BQ, 2 * DH), lambda h, i: (i, h)),
            pl.BlockSpec((S, 2 * DH), lambda h, i: (0, h)),
            pl.BlockSpec((S, 2 * DH), lambda h, i: (0, h)),
        ],
        out_specs=pl.BlockSpec((BQ, 2 * DH), lambda h, i: (i, h)),
        out_shape=jax.ShapeDtypeStruct((s, d), bf),
        compiler_params=pltpu.CompilerParams(
            dimension_semantics=("parallel", "arbitrary")),
    )(q, k, v)

    h2, x2, ti, tw = pl.pallas_call(
        _post_attn_kernel,
        grid=(NT,),
        in_specs=[
            pl.BlockSpec((BT, D), lambda i: (i, 0)),
            pl.BlockSpec((D, D), lambda i: (0, 0)),
            pl.BlockSpec((BT, D), lambda i: (i, 0)),
            pl.BlockSpec((1, D), lambda i: (0, 0)),
            pl.BlockSpec((D, E), lambda i: (0, 0)),
        ],
        out_specs=[
            pl.BlockSpec((BT, D), lambda i: (i, 0)),
            pl.BlockSpec((BT, D2), lambda i: (i, 0)),
            pl.BlockSpec((BT, TOPK), lambda i: (i, 0)),
            pl.BlockSpec((BT, TOPK), lambda i: (i, 0)),
        ],
        out_shape=[
            jax.ShapeDtypeStruct((s, d), jnp.float32),
            jax.ShapeDtypeStruct((s, D2), jnp.int32),
            jax.ShapeDtypeStruct((s, TOPK), jnp.int32),
            jax.ShapeDtypeStruct((s, TOPK), jnp.float32),
        ],
        compiler_params=pltpu.CompilerParams(
            dimension_semantics=("parallel",)),
    )(ctx, wo, x, ln2, Wrouter)

    ej = ti.reshape(AR, AC)
    pos, be, act = pl.pallas_call(
        _dispatch_kernel,
        grid=(1,),
        in_specs=[pl.BlockSpec((AR, AC), lambda i: (0, 0))],
        out_specs=[
            pl.BlockSpec((AR, AC), lambda i: (0, 0)),
            pl.BlockSpec((1, NB), lambda i: (0, 0)),
            pl.BlockSpec((1, NB), lambda i: (0, 0)),
        ],
        out_shape=[
            jax.ShapeDtypeStruct((AR, AC), jnp.int32),
            jax.ShapeDtypeStruct((1, NB), jnp.int32),
            jax.ShapeDtypeStruct((1, NB), jnp.int32),
        ],
    )(ej)
    pos_flat = pos.reshape(NA)
    p0 = pos_flat[0::2].reshape(1, S)
    p1 = pos_flat[1::2].reshape(1, S)

    xg = _sc_scatter(x2, p0, p1)

    yg = pl.pallas_call(
        _gmm_kernel,
        grid_spec=pltpu.PrefetchScalarGridSpec(
            num_scalar_prefetch=2,
            grid=(NB,),
            in_specs=[
                pl.BlockSpec((BME, D2), lambda i, be_, act_: (i, 0)),
                pl.BlockSpec((1, D, FF),
                             lambda i, be_, act_: (be_[i], 0, 0)),
                pl.BlockSpec((1, D, FF),
                             lambda i, be_, act_: (be_[i], 0, 0)),
                pl.BlockSpec((1, FF, D),
                             lambda i, be_, act_: (be_[i], 0, 0)),
            ],
            out_specs=pl.BlockSpec((BME, D2), lambda i, be_, act_: (i, 0)),
        ),
        out_shape=jax.ShapeDtypeStruct((P, D2), jnp.int32),
        compiler_params=pltpu.CompilerParams(
            dimension_semantics=("arbitrary",)),
    )(be.reshape(NB), act.reshape(NB), xg, wg, wu, wd)

    ab = _sc_gather(yg, jnp.concatenate([p0, p1], axis=1))

    out = pl.pallas_call(
        _final_kernel,
        grid=(NT,),
        in_specs=[
            pl.BlockSpec((BT, D), lambda i: (i, 0)),
            pl.BlockSpec((BT, D2), lambda i: (i, 0)),
            pl.BlockSpec((BT, D2), lambda i: (i + NT, 0)),
            pl.BlockSpec((BT, TOPK), lambda i: (i, 0)),
        ],
        out_specs=pl.BlockSpec((BT, D), lambda i: (i, 0)),
        out_shape=jax.ShapeDtypeStruct((s, d), jnp.float32),
        compiler_params=pltpu.CompilerParams(
            dimension_semantics=("parallel",)),
    )(h2, ab, ab, tw)

    return out.reshape(b, s, d)

# --- scband reference (transcript-rebuilt; emitter-appended) ---
"""Pipeline reference for scband-sky-decoder-layer-79156247265927 (READ-ONLY COPY).

The authoritative reference and input builder live on the scoring server;
editing this copy changes nothing except your own understanding.
"""

import jax, jax.numpy as jnp
import numpy as np

B, S, D, H, E, FF, TOPK = 1, 2048, 768, 12, 8, 1024, 2
DH = D // H

def _rms_norm(x, w, eps=1e-6):
    v = jnp.mean(jnp.square(x), axis=-1, keepdims=True)
    return x * jax.lax.rsqrt(v + eps) * w

def _rotate_half(x):
    x1, x2 = jnp.split(x, 2, axis=-1)
    return jnp.concatenate([-x2, x1], axis=-1)

def _apply_rope(q, k):
    s = q.shape[2]
    inv_freq = 1.0 / (10000.0 ** (jnp.arange(0, DH, 2, dtype=jnp.float32) / DH))
    t = jnp.arange(s, dtype=jnp.float32)
    freqs = jnp.outer(t, inv_freq)
    emb = jnp.concatenate([freqs, freqs], axis=-1)
    cos = jnp.cos(emb)[None, None, :, :]
    sin = jnp.sin(emb)[None, None, :, :]
    return q * cos + _rotate_half(q) * sin, k * cos + _rotate_half(k) * sin

def setup_inputs(seed: int = 0):
    key = jax.random.key(seed)
    ks = jax.random.split(key, 12)
    sc = 0.02
    return {
        'dec_inp': jax.random.normal(ks[0], (B, S, D), jnp.float32),
        'ln1_w': jnp.ones((D,), jnp.float32),
        'ln2_w': jnp.ones((D,), jnp.float32),
        'Wq': jax.random.normal(ks[1], (D, D), jnp.float32) * sc,
        'Wk': jax.random.normal(ks[2], (D, D), jnp.float32) * sc,
        'Wv': jax.random.normal(ks[3], (D, D), jnp.float32) * sc,
        'Wo': jax.random.normal(ks[4], (D, D), jnp.float32) * sc,
        'Wrouter': jax.random.normal(ks[5], (D, E), jnp.float32) * sc,
        'Wgate': jax.random.normal(ks[6], (E, D, FF), jnp.float32) * sc,
        'Wup': jax.random.normal(ks[7], (E, D, FF), jnp.float32) * sc,
        'Wdown': jax.random.normal(ks[8], (E, FF, D), jnp.float32) * sc,
    }

def reference(dec_inp, ln1_w, ln2_w, Wq, Wk, Wv, Wo, Wrouter, Wgate, Wup, Wdown):
    b, s, d = dec_inp.shape
    residual = dec_inp
    h = _rms_norm(dec_inp, ln1_w)
    q = (h @ Wq).reshape(b, s, H, DH).transpose(0, 2, 1, 3)
    k = (h @ Wk).reshape(b, s, H, DH).transpose(0, 2, 1, 3)
    v = (h @ Wv).reshape(b, s, H, DH).transpose(0, 2, 1, 3)
    q, k = _apply_rope(q, k)
    scores = jnp.einsum('bhqd,bhkd->bhqk', q, k) / jnp.sqrt(jnp.float32(DH))
    causal = jnp.tril(jnp.ones((s, s), dtype=bool))
    scores = jnp.where(causal[None, None, :, :], scores, jnp.finfo(jnp.float32).min)
    attn = jax.nn.softmax(scores, axis=-1)
    ctx = jnp.einsum('bhqk,bhkd->bhqd', attn, v)
    ctx = ctx.transpose(0, 2, 1, 3).reshape(b, s, d)
    h = residual + ctx @ Wo
    residual = h
    x = _rms_norm(h, ln2_w)
    xt = x.reshape(b * s, d)
    logits = xt @ Wrouter
    probs = jax.nn.softmax(logits, axis=-1)
    topv, topi = jax.lax.top_k(probs, TOPK)
    topv = topv / jnp.sum(topv, axis=-1, keepdims=True)
    t = b * s
    combine = jnp.zeros((t, E), jnp.float32).at[jnp.arange(t)[:, None], topi].set(topv)
    g = jnp.einsum('td,edf->etf', xt, Wgate)
    u = jnp.einsum('td,edf->etf', xt, Wup)
    act = jax.nn.silu(g) * u
    eo = jnp.einsum('etf,efd->etd', act, Wdown)
    moe = jnp.einsum('te,etd->td', combine, eo).reshape(b, s, d)
    return residual + moe

if __name__ == "__main__":
    import jax
    _d = setup_inputs()
    print(jax.jit(kernel)(*tuple(_d.values())))

</pallas_src>

<mosaic_0001>
#map = affine_map<(d0, d1) -> (0, 0)>
module attributes {stable_mosaic.version = 14 : i64} {
  func.func @scat(%arg0: i32, %arg1: i32, %arg2: memref<2048x384xi32, #tpu.memory_space<hbm>>, %arg3: memref<1x2048xi32, #tpu.memory_space<hbm>>, %arg4: memref<1x2048xi32, #tpu.memory_space<hbm>>, %arg5: memref<8192x384xi32, #tpu.memory_space<hbm>>) attributes {dimension_semantics = [#tpu.dimension_semantics<core_parallel>, #tpu.dimension_semantics<subcore_parallel>], iteration_bounds = array<i64: 2, 16>, scalar_prefetch = 0 : i64, scratch_operands = 0 : i64, tpu.core_type = #tpu.core_type<sc_vector_subcore>, window_params = [{transform_indices = #map}, {transform_indices = #map}, {transform_indices = #map}, {transform_indices = #map}]} {
    %mul3A = arith.constant 1 : i32
    %mul3A_0 = arith.muli %arg1, %mul3A : i32
    %add3A = arith.constant 0 : i32
    %add3A_1 = arith.addi %add3A, %mul3A_0 : i32
    %mul3A_2 = arith.constant 16 : i32
    %mul3A_3 = arith.muli %arg0, %mul3A_2 : i32
    %add3A_4 = arith.addi %add3A_1, %mul3A_3 : i32
    %lt3A = arith.constant 16 : i32
    %lt3A_5 = arith.cmpi slt, %add3A_4, %lt3A : i32
    %jit3A = arith.constant 1 : i32
    %jit3A_6 = arith.constant 0 : i32
    %select_n3A = arith.select %lt3A_5, %jit3A, %jit3A_6 : i32
    %lt3A_7 = arith.constant 16 : i32
    %lt3A_8 = arith.cmpi slt, %add3A_4, %lt3A_7 : i32
    %mul3A_9 = arith.muli %add3A_4, %select_n3A : i32
    %mul3A_10 = arith.constant 0 : i32
    %mul3A_11 = arith.muli %add3A_4, %mul3A_10 : i32
    %add3A_12 = arith.constant 16 : i32
    %add3A_13 = arith.addi %mul3A_11, %add3A_12 : i32
    %select_n3A_14 = arith.select %lt3A_8, %mul3A_9, %add3A_13 : i32
    %mul3A_15 = arith.constant 1 : i32
    %mul3A_16 = arith.muli %mul3A_15, %select_n3A : i32
    "tpu.region"() ({
      %run_scoped3A = memref.alloca() : memref<2x128x384xi32, #tpu.memory_space<vmem>>
      %run_scoped3A_17 = tpu.sem_alloc : memref<2x!tpu.dma_semaphore, #tpu.memory_space<semaphore_mem>>
      %run_scoped3A_18 = memref.alloca() : memref<2x1x128xi32, #tpu.memory_space<vmem>>
      %run_scoped3A_19 = tpu.sem_alloc : memref<2x!tpu.dma_semaphore, #tpu.memory_space<semaphore_mem>>
      %run_scoped3A_20 = memref.alloca() : memref<2x1x128xi32, #tpu.memory_space<vmem>>
      %run_scoped3A_21 = tpu.sem_alloc : memref<2x!tpu.dma_semaphore, #tpu.memory_space<semaphore_mem>>
      %gt3A = arith.constant 0 : i32
      %gt3A_22 = arith.cmpi sgt, %mul3A_16, %gt3A : i32
      %convert_element_type3A = arith.extui %gt3A_22 : i1 to i32
      %cond3A = arith.constant 0 : i32
      %cond3A_23 = arith.cmpi ne, %convert_element_type3A, %cond3A : i32
      scf.if %cond3A_23 {
        %mul3A_24 = arith.constant 1 : i32
        %mul3A_25 = arith.muli %mul3A_24, %select_n3A : i32
        %sub3A = arith.constant 1 : i32
        %sub3A_26 = arith.subi %mul3A_25, %sub3A : i32
        %eq3A = arith.constant 0 : i32
        %eq3A_27 = arith.cmpi eq, %sub3A_26, %eq3A : i32
        %add3A_28 = arith.constant 0 : i32
        %add3A_29 = arith.addi %add3A_28, %select_n3A_14 : i32
        %select_n3A_30 = arith.constant true
        %select_n3A_31 = arith.constant 0 : i32
        %select_n3A_32 = arith.constant -1 : i32
        %select_n3A_33 = arith.select %select_n3A_30, %select_n3A_32, %select_n3A_31 : i32
        %eq3A_34 = arith.constant -1 : i32
        %eq3A_35 = arith.cmpi eq, %select_n3A_33, %eq3A_34 : i32
        %sub3A_36 = arith.constant 1 : i32
        %sub3A_37 = arith.subi %select_n3A, %sub3A_36 : i32
        %select_n3A_38 = arith.select %eq3A_35, %sub3A_37, %select_n3A_33 : i32
        %add3A_39 = arith.addi %select_n3A_38, %select_n3A_14 : i32
        %select_n3A_40 = arith.constant true
        %select_n3A_41 = arith.constant 0 : i32
        %select_n3A_42 = arith.constant 1 : i32
        %select_n3A_43 = arith.select %select_n3A_40, %select_n3A_42, %select_n3A_41 : i32
        %eq3A_44 = arith.cmpi eq, %select_n3A_43, %select_n3A : i32
        %select_n3A_45 = arith.constant 0 : i32
        %select_n3A_46 = arith.select %eq3A_44, %select_n3A_45, %select_n3A_43 : i32
        %add3A_47 = arith.addi %select_n3A_46, %select_n3A_14 : i32
        %add3A_48 = arith.constant 1 : i32
        %add3A_49 = arith.addi %select_n3A_46, %add3A_48 : i32
        %select_n3A_50 = arith.constant true
        %select_n3A_51 = arith.select %select_n3A_50, %add3A_49, %select_n3A_46 : i32
        %eq3A_52 = arith.cmpi eq, %select_n3A_51, %select_n3A : i32
        %select_n3A_53 = arith.constant 0 : i32
        %select_n3A_54 = arith.select %eq3A_52, %select_n3A_53, %select_n3A_51 : i32
        %add3A_55 = arith.addi %select_n3A_54, %select_n3A_14 : i32
        "tpu.trace_start"() <{level = 10 : i32, message = "ep_initialize_0"}> : () -> ()
        %rem3A = arith.constant 0 : i32
        %rem3A_56 = arith.constant 2 : i32
        %rem3A_57 = arith.remui %rem3A, %rem3A_56 : i32
        %mul3A_58 = arith.constant 128 : i32
        %mul3A_59 = arith.muli %mul3A_58, %add3A_29 : i32
        %dma_start3A = arith.constant 0 : i32
        %dma_start3A_60 = arith.constant 0 : i32
        %dma_start3A_61 = tpu.memref_slice %run_scoped3A[%rem3A_57, %dma_start3A, %dma_start3A_60] : memref<2x128x384xi32, #tpu.memory_space<vmem>> -> memref<1x128x384xi32, #tpu.memory_space<vmem>>
        %dma_start3A_62 = tpu.memref_squeeze %dma_start3A_61 : memref<1x128x384xi32, #tpu.memory_space<vmem>> -> memref<128x384xi32, #tpu.memory_space<vmem>>
        %dma_start3A_63 = arith.constant 0 : i32
        %dma_start3A_64 = tpu.memref_slice %arg2[%mul3A_59, %dma_start3A_63] : memref<2048x384xi32, #tpu.memory_space<hbm>> -> memref<128x384xi32, #tpu.memory_space<hbm>>
        %dma_start3A_65 = tpu.memref_slice %run_scoped3A_17[%rem3A_57] : memref<2x!tpu.dma_semaphore, #tpu.memory_space<semaphore_mem>> -> memref<1x!tpu.dma_semaphore, #tpu.memory_space<semaphore_mem>>
        %dma_start3A_66 = tpu.memref_squeeze %dma_start3A_65 : memref<1x!tpu.dma_semaphore, #tpu.memory_space<semaphore_mem>> -> memref<!tpu.dma_semaphore, #tpu.memory_space<semaphore_mem>>
        %dma_start3A_67 = arith.constant 0 : i32
        %dma_start3A_68 = arith.constant 0 : i32
        %dma_start3A_69 = tpu.memref_slice %run_scoped3A[%rem3A_57, %dma_start3A_67, %dma_start3A_68] : memref<2x128x384xi32, #tpu.memory_space<vmem>> -> memref<1x128x384xi32, #tpu.memory_space<vmem>>
        %dma_start3A_70 = tpu.memref_squeeze %dma_start3A_69 : memref<1x128x384xi32, #tpu.memory_space<vmem>> -> memref<128x384xi32, #tpu.memory_space<vmem>>
        %dma_start3A_71 = arith.constant 0 : i32
        %dma_start3A_72 = tpu.memref_slice %arg2[%mul3A_59, %dma_start3A_71] : memref<2048x384xi32, #tpu.memory_space<hbm>> -> memref<128x384xi32, #tpu.memory_space<hbm>>
        tpu.enqueue_dma source(%dma_start3A_72 : memref<128x384xi32, #tpu.memory_space<hbm>>) target(%dma_start3A_70 : memref<128x384xi32, #tpu.memory_space<vmem>>) target_semaphore(%dma_start3A_66 : memref<!tpu.dma_semaphore, #tpu.memory_space<semaphore_mem>>)
        %add3A_73 = arith.constant 0 : i32
        %add3A_74 = arith.constant 1 : i32
        %add3A_75 = arith.addi %add3A_73, %add3A_74 : i32
        %select_n3A_76 = arith.constant true
        %select_n3A_77 = arith.constant 0 : i32
        %select_n3A_78 = arith.select %select_n3A_76, %add3A_75, %select_n3A_77 : i32
        %rem3A_79 = arith.constant 0 : i32
        %rem3A_80 = arith.constant 2 : i32
        %rem3A_81 = arith.remui %rem3A_79, %rem3A_80 : i32
        %mul3A_82 = arith.constant 128 : i32
        %mul3A_83 = arith.muli %mul3A_82, %add3A_29 : i32
        %dma_start3A_84 = arith.constant 0 : i32
        %dma_start3A_85 = arith.constant 0 : i32
        %dma_start3A_86 = tpu.memref_slice %run_scoped3A_18[%rem3A_81, %dma_start3A_84, %dma_start3A_85] : memref<2x1x128xi32, #tpu.memory_space<vmem>> -> memref<1x1x128xi32, #tpu.memory_space<vmem>>
        %dma_start3A_87 = tpu.memref_squeeze %dma_start3A_86 : memref<1x1x128xi32, #tpu.memory_space<vmem>> -> memref<1x128xi32, #tpu.memory_space<vmem>>
        %dma_start3A_88 = arith.constant 0 : i32
        %dma_start3A_89 = tpu.memref_slice %arg3[%dma_start3A_88, %mul3A_83] : memref<1x2048xi32, #tpu.memory_space<hbm>> -> memref<1x128xi32, #tpu.memory_space<hbm>>
        %dma_start3A_90 = tpu.memref_slice %run_scoped3A_19[%rem3A_81] : memref<2x!tpu.dma_semaphore, #tpu.memory_space<semaphore_mem>> -> memref<1x!tpu.dma_semaphore, #tpu.memory_space<semaphore_mem>>
        %dma_start3A_91 = tpu.memref_squeeze %dma_start3A_90 : memref<1x!tpu.dma_semaphore, #tpu.memory_space<semaphore_mem>> -> memref<!tpu.dma_semaphore, #tpu.memory_space<semaphore_mem>>
        %dma_start3A_92 = arith.constant 0 : i32
        %dma_start3A_93 = arith.constant 0 : i32
        %dma_start3A_94 = tpu.memref_slice %run_scoped3A_18[%rem3A_81, %dma_start3A_92, %dma_start3A_93] : memref<2x1x128xi32, #tpu.memory_space<vmem>> -> memref<1x1x128xi32, #tpu.memory_space<vmem>>
        %dma_start3A_95 = tpu.memref_squeeze %dma_start3A_94 : memref<1x1x128xi32, #tpu.memory_space<vmem>> -> memref<1x128xi32, #tpu.memory_space<vmem>>
        %dma_start3A_96 = arith.constant 0 : i32
        %dma_start3A_97 = tpu.memref_slice %arg3[%dma_start3A_96, %mul3A_83] : memref<1x2048xi32, #tpu.memory_space<hbm>> -> memref<1x128xi32, #tpu.memory_space<hbm>>
        tpu.enqueue_dma source(%dma_start3A_97 : memref<1x128xi32, #tpu.memory_space<hbm>>) target(%dma_start3A_95 : memref<1x128xi32, #tpu.memory_space<vmem>>) target_semaphore(%dma_start3A_91 : memref<!tpu.dma_semaphore, #tpu.memory_space<semaphore_mem>>)
        %add3A_98 = arith.constant 0 : i32
        %add3A_99 = arith.constant 1 : i32
        %add3A_100 = arith.addi %add3A_98, %add3A_99 : i32
        %select_n3A_101 = arith.constant true
        %select_n3A_102 = arith.constant 0 : i32
        %select_n3A_103 = arith.select %select_n3A_101, %add3A_100, %select_n3A_102 : i32
        %rem3A_104 = arith.constant 0 : i32
        %rem3A_105 = arith.constant 2 : i32
        %rem3A_106 = arith.remui %rem3A_104, %rem3A_105 : i32
        %mul3A_107 = arith.constant 128 : i32
        %mul3A_108 = arith.muli %mul3A_107, %add3A_29 : i32
        %dma_start3A_109 = arith.constant 0 : i32
        %dma_start3A_110 = arith.constant 0 : i32
        %dma_start3A_111 = tpu.memref_slice %run_scoped3A_20[%rem3A_106, %dma_start3A_109, %dma_start3A_110] : memref<2x1x128xi32, #tpu.memory_space<vmem>> -> memref<1x1x128xi32, #tpu.memory_space<vmem>>
        %dma_start3A_112 = tpu.memref_squeeze %dma_start3A_111 : memref<1x1x128xi32, #tpu.memory_space<vmem>> -> memref<1x128xi32, #tpu.memory_space<vmem>>
        %dma_start3A_113 = arith.constant 0 : i32
        %dma_start3A_114 = tpu.memref_slice %arg4[%dma_start3A_113, %mul3A_108] : memref<1x2048xi32, #tpu.memory_space<hbm>> -> memref<1x128xi32, #tpu.memory_space<hbm>>
        %dma_start3A_115 = tpu.memref_slice %run_scoped3A_21[%rem3A_106] : memref<2x!tpu.dma_semaphore, #tpu.memory_space<semaphore_mem>> -> memref<1x!tpu.dma_semaphore, #tpu.memory_space<semaphore_mem>>
        %dma_start3A_116 = tpu.memref_squeeze %dma_start3A_115 : memref<1x!tpu.dma_semaphore, #tpu.memory_space<semaphore_mem>> -> memref<!tpu.dma_semaphore, #tpu.memory_space<semaphore_mem>>
        %dma_start3A_117 = arith.constant 0 : i32
        %dma_start3A_118 = arith.constant 0 : i32
        %dma_start3A_119 = tpu.memref_slice %run_scoped3A_20[%rem3A_106, %dma_start3A_117, %dma_start3A_118] : memref<2x1x128xi32, #tpu.memory_space<vmem>> -> memref<1x1x128xi32, #tpu.memory_space<vmem>>
        %dma_start3A_120 = tpu.memref_squeeze %dma_start3A_119 : memref<1x1x128xi32, #tpu.memory_space<vmem>> -> memref<1x128xi32, #tpu.memory_space<vmem>>
        %dma_start3A_121 = arith.constant 0 : i32
        %dma_start3A_122 = tpu.memref_slice %arg4[%dma_start3A_121, %mul3A_108] : memref<1x2048xi32, #tpu.memory_space<hbm>> -> memref<1x128xi32, #tpu.memory_space<hbm>>
        tpu.enqueue_dma source(%dma_start3A_122 : memref<1x128xi32, #tpu.memory_space<hbm>>) target(%dma_start3A_120 : memref<1x128xi32, #tpu.memory_space<vmem>>) target_semaphore(%dma_start3A_116 : memref<!tpu.dma_semaphore, #tpu.memory_space<semaphore_mem>>)
        %add3A_123 = arith.constant 0 : i32
        %add3A_124 = arith.constant 1 : i32
        %add3A_125 = arith.addi %add3A_123, %add3A_124 : i32
        %select_n3A_126 = arith.constant true
        %select_n3A_127 = arith.constant 0 : i32
        %select_n3A_128 = arith.select %select_n3A_126, %add3A_125, %select_n3A_127 : i32
        %while3A = arith.constant 0 : i32
        %while3A_129 = arith.constant 0 : i32
        %while3A_130 = arith.constant 0 : i32
        %while3A_131 = arith.constant 0 : i32
        %while3A_132 = arith.constant 0 : i32
        "tpu.trace_stop"() : () -> ()
        %while3A_133 = arith.subi %mul3A_16, %while3A : i32
        %while3A_134 = arith.addi %while3A, %while3A_133 : i32
        %while3A_135 = arith.constant 1 : i32
        %while3A_136 = arith.divsi %while3A_133, %while3A_135 : i32
        %while3A_137 = arith.muli %while3A_136, %while3A_135 : i32
        %while3A_138 = arith.addi %while3A, %while3A_137 : i32
        %while3A_139 = arith.constant 1 : i32
        %while3A_140:7 = scf.for %while3A_197 = %while3A to %while3A_138 step %while3A_139 iter_args(%while3A_198 = %select_n3A_78, %while3A_199 = %while3A_129, %while3A_200 = %select_n3A_103, %while3A_201 = %while3A_130, %while3A_202 = %select_n3A_128, %while3A_203 = %while3A_131, %while3A_204 = %while3A_132) -> (i32, i32, i32, i32, i32, i32, i32)  : i32 {
          %mul3A_205 = arith.constant 1 : i32
          %mul3A_206 = arith.muli %mul3A_205, %select_n3A : i32
          %eq3A_207 = arith.constant 0 : i32
          %eq3A_208 = arith.cmpi eq, %while3A_197, %eq3A_207 : i32
          %sub3A_209 = arith.constant 1 : i32
          %sub3A_210 = arith.subi %mul3A_206, %sub3A_209 : i32
          %eq3A_211 = arith.cmpi eq, %while3A_197, %sub3A_210 : i32
          %add3A_212 = arith.addi %while3A_204, %select_n3A_14 : i32
          %sub3A_213 = arith.constant 1 : i32
          %sub3A_214 = arith.subi %while3A_204, %sub3A_213 : i32
          %select_n3A_215 = arith.constant true
          %select_n3A_216 = arith.select %select_n3A_215, %sub3A_214, %while3A_204 : i32
          %eq3A_217 = arith.constant -1 : i32
          %eq3A_218 = arith.cmpi eq, %select_n3A_216, %eq3A_217 : i32
          %sub3A_219 = arith.constant 1 : i32
          %sub3A_220 = arith.subi %select_n3A, %sub3A_219 : i32
          %select_n3A_221 = arith.select %eq3A_218, %sub3A_220, %select_n3A_216 : i32
          %add3A_222 = arith.addi %select_n3A_221, %select_n3A_14 : i32
          %add3A_223 = arith.constant 1 : i32
          %add3A_224 = arith.addi %while3A_204, %add3A_223 : i32
          %select_n3A_225 = arith.constant true
          %select_n3A_226 = arith.select %select_n3A_225, %add3A_224, %while3A_204 : i32
          %eq3A_227 = arith.cmpi eq, %select_n3A_226, %select_n3A : i32
          %select_n3A_228 = arith.constant 0 : i32
          %select_n3A_229 = arith.select %eq3A_227, %select_n3A_228, %select_n3A_226 : i32
          %add3A_230 = arith.addi %select_n3A_229, %select_n3A_14 : i32
          %add3A_231 = arith.constant 1 : i32
          %add3A_232 = arith.addi %select_n3A_229, %add3A_231 : i32
          %select_n3A_233 = arith.constant true
          %select_n3A_234 = arith.select %select_n3A_233, %add3A_232, %select_n3A_229 : i32
          %eq3A_235 = arith.cmpi eq, %select_n3A_234, %select_n3A : i32
          %select_n3A_236 = arith.constant 0 : i32
          %select_n3A_237 = arith.select %eq3A_235, %select_n3A_236, %select_n3A_234 : i32
          %add3A_238 = arith.addi %select_n3A_237, %select_n3A_14 : i32
          %ne3A = arith.cmpi ne, %add3A_212, %add3A_230 : i32
          %or3A = arith.constant false
          %or3A_239 = arith.ori %or3A, %ne3A : i1
          %or3A_240 = arith.constant false
          %or3A_241 = arith.ori %or3A_239, %or3A_240 : i1
          %sub3A_242 = arith.constant 2 : i32
          %sub3A_243 = arith.subi %mul3A_206, %sub3A_242 : i32
          %add3A_244 = arith.constant 1 : i32
          %add3A_245 = arith.addi %sub3A_243, %add3A_244 : i32
          %ge3A = arith.cmpi sge, %while3A_197, %add3A_245 : i32
          %not3A = arith.constant true
          %not3A_246 = arith.xori %ge3A, %not3A : i1
          %and3A = arith.andi %or3A_241, %not3A_246 : i1
          %convert_element_type3A_247 = arith.extui %and3A : i1 to i32
          %cond3A_248 = arith.constant 0 : i32
          %cond3A_249 = arith.cmpi ne, %convert_element_type3A_247, %cond3A_248 : i32
          scf.if %cond3A_249 {
            "tpu.trace_start"() <{level = 10 : i32, message = "ep_copy_in"}> : () -> ()
            %rem3A_418 = arith.constant 2 : i32
            %rem3A_419 = arith.remui %while3A_198, %rem3A_418 : i32
            %mul3A_420 = arith.constant 128 : i32
            %mul3A_421 = arith.muli %mul3A_420, %add3A_230 : i32
            %dma_start3A_422 = arith.constant 0 : i32
            %dma_start3A_423 = arith.constant 0 : i32
            %dma_start3A_424 = tpu.memref_slice %run_scoped3A[%rem3A_419, %dma_start3A_422, %dma_start3A_423] : memref<2x128x384xi32, #tpu.memory_space<vmem>> -> memref<1x128x384xi32, #tpu.memory_space<vmem>>
            %dma_start3A_425 = tpu.memref_squeeze %dma_start3A_424 : memref<1x128x384xi32, #tpu.memory_space<vmem>> -> memref<128x384xi32, #tpu.memory_space<vmem>>
            %dma_start3A_426 = arith.constant 0 : i32
            %dma_start3A_427 = tpu.memref_slice %arg2[%mul3A_421, %dma_start3A_426] : memref<2048x384xi32, #tpu.memory_space<hbm>> -> memref<128x384xi32, #tpu.memory_space<hbm>>
            %dma_start3A_428 = tpu.memref_slice %run_scoped3A_17[%rem3A_419] : memref<2x!tpu.dma_semaphore, #tpu.memory_space<semaphore_mem>> -> memref<1x!tpu.dma_semaphore, #tpu.memory_space<semaphore_mem>>
            %dma_start3A_429 = tpu.memref_squeeze %dma_start3A_428 : memref<1x!tpu.dma_semaphore, #tpu.memory_space<semaphore_mem>> -> memref<!tpu.dma_semaphore, #tpu.memory_space<semaphore_mem>>
            %dma_start3A_430 = arith.constant 0 : i32
            %dma_start3A_431 = arith.constant 0 : i32
            %dma_start3A_432 = tpu.memref_slice %run_scoped3A[%rem3A_419, %dma_start3A_430, %dma_start3A_431] : memref<2x128x384xi32, #tpu.memory_space<vmem>> -> memref<1x128x384xi32, #tpu.memory_space<vmem>>
            %dma_start3A_433 = tpu.memref_squeeze %dma_start3A_432 : memref<1x128x384xi32, #tpu.memory_space<vmem>> -> memref<128x384xi32, #tpu.memory_space<vmem>>
            %dma_start3A_434 = arith.constant 0 : i32
            %dma_start3A_435 = tpu.memref_slice %arg2[%mul3A_421, %dma_start3A_434] : memref<2048x384xi32, #tpu.memory_space<hbm>> -> memref<128x384xi32, #tpu.memory_space<hbm>>
            tpu.enqueue_dma source(%dma_start3A_435 : memref<128x384xi32, #tpu.memory_space<hbm>>) target(%dma_start3A_433 : memref<128x384xi32, #tpu.memory_space<vmem>>) target_semaphore(%dma_start3A_429 : memref<!tpu.dma_semaphore, #tpu.memory_space<semaphore_mem>>)
            "tpu.trace_stop"() : () -> ()
          } else {
          }
          %and3A_250 = arith.constant true
          %and3A_251 = arith.andi %and3A, %and3A_250 : i1
          %add3A_252 = arith.constant 1 : i32
          %add3A_253 = arith.addi %while3A_198, %add3A_252 : i32
          %select_n3A_254 = arith.select %and3A_251, %add3A_253, %while3A_198 : i32
          %ne3A_255 = arith.cmpi ne, %add3A_212, %add3A_230 : i32
          %or3A_256 = arith.constant false
          %or3A_257 = arith.ori %or3A_256, %ne3A_255 : i1
          %sub3A_258 = arith.constant 2 : i32
          %sub3A_259 = arith.subi %mul3A_206, %sub3A_258 : i32
          %add3A_260 = arith.constant 1 : i32
          %add3A_261 = arith.addi %sub3A_259, %add3A_260 : i32
          %ge3A_262 = arith.cmpi sge, %while3A_197, %add3A_261 : i32
          %not3A_263 = arith.constant true
          %not3A_264 = arith.xori %ge3A_262, %not3A_263 : i1
          %and3A_265 = arith.andi %or3A_257, %not3A_264 : i1
          %convert_element_type3A_266 = arith.extui %and3A_265 : i1 to i32
          %cond3A_267 = arith.constant 0 : i32
          %cond3A_268 = arith.cmpi ne, %convert_element_type3A_266, %cond3A_267 : i32
          scf.if %cond3A_268 {
            "tpu.trace_start"() <{level = 10 : i32, message = "ep_copy_in"}> : () -> ()
            %rem3A_418 = arith.constant 2 : i32
            %rem3A_419 = arith.remui %while3A_200, %rem3A_418 : i32
            %mul3A_420 = arith.constant 128 : i32
            %mul3A_421 = arith.muli %mul3A_420, %add3A_230 : i32
            %dma_start3A_422 = arith.constant 0 : i32
            %dma_start3A_423 = arith.constant 0 : i32
            %dma_start3A_424 = tpu.memref_slice %run_scoped3A_18[%rem3A_419, %dma_start3A_422, %dma_start3A_423] : memref<2x1x128xi32, #tpu.memory_space<vmem>> -> memref<1x1x128xi32, #tpu.memory_space<vmem>>
            %dma_start3A_425 = tpu.memref_squeeze %dma_start3A_424 : memref<1x1x128xi32, #tpu.memory_space<vmem>> -> memref<1x128xi32, #tpu.memory_space<vmem>>
            %dma_start3A_426 = arith.constant 0 : i32
            %dma_start3A_427 = tpu.memref_slice %arg3[%dma_start3A_426, %mul3A_421] : memref<1x2048xi32, #tpu.memory_space<hbm>> -> memref<1x128xi32, #tpu.memory_space<hbm>>
            %dma_start3A_428 = tpu.memref_slice %run_scoped3A_19[%rem3A_419] : memref<2x!tpu.dma_semaphore, #tpu.memory_space<semaphore_mem>> -> memref<1x!tpu.dma_semaphore, #tpu.memory_space<semaphore_mem>>
            %dma_start3A_429 = tpu.memref_squeeze %dma_start3A_428 : memref<1x!tpu.dma_semaphore, #tpu.memory_space<semaphore_mem>> -> memref<!tpu.dma_semaphore, #tpu.memory_space<semaphore_mem>>
            %dma_start3A_430 = arith.constant 0 : i32
            %dma_start3A_431 = arith.constant 0 : i32
            %dma_start3A_432 = tpu.memref_slice %run_scoped3A_18[%rem3A_419, %dma_start3A_430, %dma_start3A_431] : memref<2x1x128xi32, #tpu.memory_space<vmem>> -> memref<1x1x128xi32, #tpu.memory_space<vmem>>
            %dma_start3A_433 = tpu.memref_squeeze %dma_start3A_432 : memref<1x1x128xi32, #tpu.memory_space<vmem>> -> memref<1x128xi32, #tpu.memory_space<vmem>>
            %dma_start3A_434 = arith.constant 0 : i32
            %dma_start3A_435 = tpu.memref_slice %arg3[%dma_start3A_434, %mul3A_421] : memref<1x2048xi32, #tpu.memory_space<hbm>> -> memref<1x128xi32, #tpu.memory_space<hbm>>
            tpu.enqueue_dma source(%dma_start3A_435 : memref<1x128xi32, #tpu.memory_space<hbm>>) target(%dma_start3A_433 : memref<1x128xi32, #tpu.memory_space<vmem>>) target_semaphore(%dma_start3A_429 : memref<!tpu.dma_semaphore, #tpu.memory_space<semaphore_mem>>)
            "tpu.trace_stop"() : () -> ()
          } else {
          }
          %and3A_269 = arith.constant true
          %and3A_270 = arith.andi %and3A_265, %and3A_269 : i1
          %add3A_271 = arith.constant 1 : i32
          %add3A_272 = arith.addi %while3A_200, %add3A_271 : i32
          %select_n3A_273 = arith.select %and3A_270, %add3A_272, %while3A_200 : i32
          %ne3A_274 = arith.cmpi ne, %add3A_212, %add3A_230 : i32
          %or3A_275 = arith.constant false
          %or3A_276 = arith.ori %or3A_275, %ne3A_274 : i1
          %sub3A_277 = arith.constant 2 : i32
          %sub3A_278 = arith.subi %mul3A_206, %sub3A_277 : i32
          %add3A_279 = arith.constant 1 : i32
          %add3A_280 = arith.addi %sub3A_278, %add3A_279 : i32
          %ge3A_281 = arith.cmpi sge, %while3A_197, %add3A_280 : i32
          %not3A_282 = arith.constant true
          %not3A_283 = arith.xori %ge3A_281, %not3A_282 : i1
          %and3A_284 = arith.andi %or3A_276, %not3A_283 : i1
          %convert_element_type3A_285 = arith.extui %and3A_284 : i1 to i32
          %cond3A_286 = arith.constant 0 : i32
          %cond3A_287 = arith.cmpi ne, %convert_element_type3A_285, %cond3A_286 : i32
          scf.if %cond3A_287 {
            "tpu.trace_start"() <{level = 10 : i32, message = "ep_copy_in"}> : () -> ()
            %rem3A_418 = arith.constant 2 : i32
            %rem3A_419 = arith.remui %while3A_202, %rem3A_418 : i32
            %mul3A_420 = arith.constant 128 : i32
            %mul3A_421 = arith.muli %mul3A_420, %add3A_230 : i32
            %dma_start3A_422 = arith.constant 0 : i32
            %dma_start3A_423 = arith.constant 0 : i32
            %dma_start3A_424 = tpu.memref_slice %run_scoped3A_20[%rem3A_419, %dma_start3A_422, %dma_start3A_423] : memref<2x1x128xi32, #tpu.memory_space<vmem>> -> memref<1x1x128xi32, #tpu.memory_space<vmem>>
            %dma_start3A_425 = tpu.memref_squeeze %dma_start3A_424 : memref<1x1x128xi32, #tpu.memory_space<vmem>> -> memref<1x128xi32, #tpu.memory_space<vmem>>
            %dma_start3A_426 = arith.constant 0 : i32
            %dma_start3A_427 = tpu.memref_slice %arg4[%dma_start3A_426, %mul3A_421] : memref<1x2048xi32, #tpu.memory_space<hbm>> -> memref<1x128xi32, #tpu.memory_space<hbm>>
            %dma_start3A_428 = tpu.memref_slice %run_scoped3A_21[%rem3A_419] : memref<2x!tpu.dma_semaphore, #tpu.memory_space<semaphore_mem>> -> memref<1x!tpu.dma_semaphore, #tpu.memory_space<semaphore_mem>>
            %dma_start3A_429 = tpu.memref_squeeze %dma_start3A_428 : memref<1x!tpu.dma_semaphore, #tpu.memory_space<semaphore_mem>> -> memref<!tpu.dma_semaphore, #tpu.memory_space<semaphore_mem>>
            %dma_start3A_430 = arith.constant 0 : i32
            %dma_start3A_431 = arith.constant 0 : i32
            %dma_start3A_432 = tpu.memref_slice %run_scoped3A_20[%rem3A_419, %dma_start3A_430, %dma_start3A_431] : memref<2x1x128xi32, #tpu.memory_space<vmem>> -> memref<1x1x128xi32, #tpu.memory_space<vmem>>
            %dma_start3A_433 = tpu.memref_squeeze %dma_start3A_432 : memref<1x1x128xi32, #tpu.memory_space<vmem>> -> memref<1x128xi32, #tpu.memory_space<vmem>>
            %dma_start3A_434 = arith.constant 0 : i32
            %dma_start3A_435 = tpu.memref_slice %arg4[%dma_start3A_434, %mul3A_421] : memref<1x2048xi32, #tpu.memory_space<hbm>> -> memref<1x128xi32, #tpu.memory_space<hbm>>
            tpu.enqueue_dma source(%dma_start3A_435 : memref<1x128xi32, #tpu.memory_space<hbm>>) target(%dma_start3A_433 : memref<1x128xi32, #tpu.memory_space<vmem>>) target_semaphore(%dma_start3A_429 : memref<!tpu.dma_semaphore, #tpu.memory_space<semaphore_mem>>)
            "tpu.trace_stop"() : () -> ()
          } else {
          }
          %and3A_288 = arith.constant true
          %and3A_289 = arith.andi %and3A_284, %and3A_288 : i1
          %add3A_290 = arith.constant 1 : i32
          %add3A_291 = arith.addi %while3A_202, %add3A_290 : i32
          %select_n3A_292 = arith.select %and3A_289, %add3A_291, %while3A_202 : i32
          %ne3A_293 = arith.cmpi ne, %add3A_212, %add3A_222 : i32
          %or3A_294 = arith.constant false
          %or3A_295 = arith.ori %or3A_294, %ne3A_293 : i1
          %or3A_296 = arith.constant false
          %or3A_297 = arith.ori %or3A_295, %or3A_296 : i1
          %or3A_298 = arith.ori %or3A_297, %eq3A_208 : i1
          %convert_element_type3A_299 = arith.extui %or3A_298 : i1 to i32
          %cond3A_300 = arith.constant 0 : i32
          %cond3A_301 = arith.cmpi ne, %convert_element_type3A_299, %cond3A_300 : i32
          scf.if %cond3A_301 {
            "tpu.trace_start"() <{level = 10 : i32, message = "ep_wait_in"}> : () -> ()
            %mul3A_418 = arith.constant 128 : i32
            %mul3A_419 = arith.muli %mul3A_418, %add3A_212 : i32
            %rem3A_420 = arith.constant 2 : i32
            %rem3A_421 = arith.remui %while3A_199, %rem3A_420 : i32
            %dma_wait3A = arith.constant 0 : i32
            %dma_wait3A_422 = arith.constant 0 : i32
            %dma_wait3A_423 = tpu.memref_slice %run_scoped3A[%rem3A_421, %dma_wait3A, %dma_wait3A_422] : memref<2x128x384xi32, #tpu.memory_space<vmem>> -> memref<1x128x384xi32, #tpu.memory_space<vmem>>
            %dma_wait3A_424 = tpu.memref_squeeze %dma_wait3A_423 : memref<1x128x384xi32, #tpu.memory_space<vmem>> -> memref<128x384xi32, #tpu.memory_space<vmem>>
            %dma_wait3A_425 = arith.constant 0 : i32
            %dma_wait3A_426 = tpu.memref_slice %arg2[%mul3A_419, %dma_wait3A_425] : memref<2048x384xi32, #tpu.memory_space<hbm>> -> memref<128x384xi32, #tpu.memory_space<hbm>>
            %dma_wait3A_427 = tpu.memref_slice %run_scoped3A_17[%rem3A_421] : memref<2x!tpu.dma_semaphore, #tpu.memory_space<semaphore_mem>> -> memref<1x!tpu.dma_semaphore, #tpu.memory_space<semaphore_mem>>
            %dma_wait3A_428 = tpu.memref_squeeze %dma_wait3A_427 : memref<1x!tpu.dma_semaphore, #tpu.memory_space<semaphore_mem>> -> memref<!tpu.dma_semaphore, #tpu.memory_space<semaphore_mem>>
            %dma_wait3A_429 = arith.constant 0 : i32
            %dma_wait3A_430 = arith.constant 0 : i32
            %dma_wait3A_431 = tpu.memref_slice %run_scoped3A[%rem3A_421, %dma_wait3A_429, %dma_wait3A_430] : memref<2x128x384xi32, #tpu.memory_space<vmem>> -> memref<1x128x384xi32, #tpu.memory_space<vmem>>
            %dma_wait3A_432 = tpu.memref_squeeze %dma_wait3A_431 : memref<1x128x384xi32, #tpu.memory_space<vmem>> -> memref<128x384xi32, #tpu.memory_space<vmem>>
            %dma_wait3A_433 = arith.constant 0 : i32
            %dma_wait3A_434 = tpu.memref_slice %arg2[%mul3A_419, %dma_wait3A_433] : memref<2048x384xi32, #tpu.memory_space<hbm>> -> memref<128x384xi32, #tpu.memory_space<hbm>>
            tpu.wait_dma2 semaphore(%dma_wait3A_428 : memref<!tpu.dma_semaphore, #tpu.memory_space<semaphore_mem>>) src(%dma_wait3A_434 : memref<128x384xi32, #tpu.memory_space<hbm>>) dst(%dma_wait3A_432 : memref<128x384xi32, #tpu.memory_space<vmem>>)
            "tpu.trace_stop"() : () -> ()
          } else {
          }
          %ne3A_302 = arith.cmpi ne, %add3A_212, %add3A_222 : i32
          %or3A_303 = arith.constant false
          %or3A_304 = arith.ori %or3A_303, %ne3A_302 : i1
          %or3A_305 = arith.ori %or3A_304, %eq3A_208 : i1
          %convert_element_type3A_306 = arith.extui %or3A_305 : i1 to i32
          %cond3A_307 = arith.constant 0 : i32
          %cond3A_308 = arith.cmpi ne, %convert_element_type3A_306, %cond3A_307 : i32
          scf.if %cond3A_308 {
            "tpu.trace_start"() <{level = 10 : i32, message = "ep_wait_in"}> : () -> ()
            %mul3A_418 = arith.constant 128 : i32
            %mul3A_419 = arith.muli %mul3A_418, %add3A_212 : i32
            %rem3A_420 = arith.constant 2 : i32
            %rem3A_421 = arith.remui %while3A_201, %rem3A_420 : i32
            %dma_wait3A = arith.constant 0 : i32
            %dma_wait3A_422 = arith.constant 0 : i32
            %dma_wait3A_423 = tpu.memref_slice %run_scoped3A_18[%rem3A_421, %dma_wait3A, %dma_wait3A_422] : memref<2x1x128xi32, #tpu.memory_space<vmem>> -> memref<1x1x128xi32, #tpu.memory_space<vmem>>
            %dma_wait3A_424 = tpu.memref_squeeze %dma_wait3A_423 : memref<1x1x128xi32, #tpu.memory_space<vmem>> -> memref<1x128xi32, #tpu.memory_space<vmem>>
            %dma_wait3A_425 = arith.constant 0 : i32
            %dma_wait3A_426 = tpu.memref_slice %arg3[%dma_wait3A_425, %mul3A_419] : memref<1x2048xi32, #tpu.memory_space<hbm>> -> memref<1x128xi32, #tpu.memory_space<hbm>>
            %dma_wait3A_427 = tpu.memref_slice %run_scoped3A_19[%rem3A_421] : memref<2x!tpu.dma_semaphore, #tpu.memory_space<semaphore_mem>> -> memref<1x!tpu.dma_semaphore, #tpu.memory_space<semaphore_mem>>
            %dma_wait3A_428 = tpu.memref_squeeze %dma_wait3A_427 : memref<1x!tpu.dma_semaphore, #tpu.memory_space<semaphore_mem>> -> memref<!tpu.dma_semaphore, #tpu.memory_space<semaphore_mem>>
            %dma_wait3A_429 = arith.constant 0 : i32
            %dma_wait3A_430 = arith.constant 0 : i32
            %dma_wait3A_431 = tpu.memref_slice %run_scoped3A_18[%rem3A_421, %dma_wait3A_429, %dma_wait3A_430] : memref<2x1x128xi32, #tpu.memory_space<vmem>> -> memref<1x1x128xi32, #tpu.memory_space<vmem>>
            %dma_wait3A_432 = tpu.memref_squeeze %dma_wait3A_431 : memref<1x1x128xi32, #tpu.memory_space<vmem>> -> memref<1x128xi32, #tpu.memory_space<vmem>>
            %dma_wait3A_433 = arith.constant 0 : i32
            %dma_wait3A_434 = tpu.memref_slice %arg3[%dma_wait3A_433, %mul3A_419] : memref<1x2048xi32, #tpu.memory_space<hbm>> -> memref<1x128xi32, #tpu.memory_space<hbm>>
            tpu.wait_dma2 semaphore(%dma_wait3A_428 : memref<!tpu.dma_semaphore, #tpu.memory_space<semaphore_mem>>) src(%dma_wait3A_434 : memref<1x128xi32, #tpu.memory_space<hbm>>) dst(%dma_wait3A_432 : memref<1x128xi32, #tpu.memory_space<vmem>>)
            "tpu.trace_stop"() : () -> ()
          } else {
          }
          %ne3A_309 = arith.cmpi ne, %add3A_212, %add3A_222 : i32
          %or3A_310 = arith.constant false
          %or3A_311 = arith.ori %or3A_310, %ne3A_309 : i1
          %or3A_312 = arith.ori %or3A_311, %eq3A_208 : i1
          %convert_element_type3A_313 = arith.extui %or3A_312 : i1 to i32
          %cond3A_314 = arith.constant 0 : i32
          %cond3A_315 = arith.cmpi ne, %convert_element_type3A_313, %cond3A_314 : i32
          scf.if %cond3A_315 {
            "tpu.trace_start"() <{level = 10 : i32, message = "ep_wait_in"}> : () -> ()
            %mul3A_418 = arith.constant 128 : i32
            %mul3A_419 = arith.muli %mul3A_418, %add3A_212 : i32
            %rem3A_420 = arith.constant 2 : i32
            %rem3A_421 = arith.remui %while3A_203, %rem3A_420 : i32
            %dma_wait3A = arith.constant 0 : i32
            %dma_wait3A_422 = arith.constant 0 : i32
            %dma_wait3A_423 = tpu.memref_slice %run_scoped3A_20[%rem3A_421, %dma_wait3A, %dma_wait3A_422] : memref<2x1x128xi32, #tpu.memory_space<vmem>> -> memref<1x1x128xi32, #tpu.memory_space<vmem>>
            %dma_wait3A_424 = tpu.memref_squeeze %dma_wait3A_423 : memref<1x1x128xi32, #tpu.memory_space<vmem>> -> memref<1x128xi32, #tpu.memory_space<vmem>>
            %dma_wait3A_425 = arith.constant 0 : i32
            %dma_wait3A_426 = tpu.memref_slice %arg4[%dma_wait3A_425, %mul3A_419] : memref<1x2048xi32, #tpu.memory_space<hbm>> -> memref<1x128xi32, #tpu.memory_space<hbm>>
            %dma_wait3A_427 = tpu.memref_slice %run_scoped3A_21[%rem3A_421] : memref<2x!tpu.dma_semaphore, #tpu.memory_space<semaphore_mem>> -> memref<1x!tpu.dma_semaphore, #tpu.memory_space<semaphore_mem>>
            %dma_wait3A_428 = tpu.memref_squeeze %dma_wait3A_427 : memref<1x!tpu.dma_semaphore, #tpu.memory_space<semaphore_mem>> -> memref<!tpu.dma_semaphore, #tpu.memory_space<semaphore_mem>>
            %dma_wait3A_429 = arith.constant 0 : i32
            %dma_wait3A_430 = arith.constant 0 : i32
            %dma_wait3A_431 = tpu.memref_slice %run_scoped3A_20[%rem3A_421, %dma_wait3A_429, %dma_wait3A_430] : memref<2x1x128xi32, #tpu.memory_space<vmem>> -> memref<1x1x128xi32, #tpu.memory_space<vmem>>
            %dma_wait3A_432 = tpu.memref_squeeze %dma_wait3A_431 : memref<1x1x128xi32, #tpu.memory_space<vmem>> -> memref<1x128xi32, #tpu.memory_space<vmem>>
            %dma_wait3A_433 = arith.constant 0 : i32
            %dma_wait3A_434 = tpu.memref_slice %arg4[%dma_wait3A_433, %mul3A_419] : memref<1x2048xi32, #tpu.memory_space<hbm>> -> memref<1x128xi32, #tpu.memory_space<hbm>>
            tpu.wait_dma2 semaphore(%dma_wait3A_428 : memref<!tpu.dma_semaphore, #tpu.memory_space<semaphore_mem>>) src(%dma_wait3A_434 : memref<1x128xi32, #tpu.memory_space<hbm>>) dst(%dma_wait3A_432 : memref<1x128xi32, #tpu.memory_space<vmem>>)
            "tpu.trace_stop"() : () -> ()
          } else {
          }
          %rem3A_316 = arith.constant 2 : i32
          %rem3A_317 = arith.remui %while3A_199, %rem3A_316 : i32
          %rem3A_318 = arith.constant 2 : i32
          %rem3A_319 = arith.remui %while3A_201, %rem3A_318 : i32
          %rem3A_320 = arith.constant 2 : i32
          %rem3A_321 = arith.remui %while3A_203, %rem3A_320 : i32
          %run_scoped3A_322 = arith.constant 0 : i32
          "tpu.trace_start"() <{level = 10 : i32, message = "ep_run_kernel"}> : () -> ()
          "tpu.region"() ({
            %run_scoped3A_418 = tpu.sem_alloc : memref<!tpu.dma_semaphore, #tpu.memory_space<semaphore_mem>>
            %dma_start3A_419 = arith.constant 0 : i32
            %dma_start3A_420 = arith.constant 0 : i32
            %dma_start3A_421 = tpu.memref_slice %run_scoped3A[%rem3A_317, %dma_start3A_419, %dma_start3A_420] : memref<2x128x384xi32, #tpu.memory_space<vmem>> -> memref<1x128x384xi32, #tpu.memory_space<vmem>>
            %dma_start3A_422 = tpu.memref_squeeze %dma_start3A_421 : memref<1x128x384xi32, #tpu.memory_space<vmem>> -> memref<128x384xi32, #tpu.memory_space<vmem>>
            %dma_start3A_423 = arith.constant 0 : i32
            %dma_start3A_424 = arith.constant 0 : i32
            %dma_start3A_425 = tpu.memref_slice %run_scoped3A_18[%rem3A_319, %dma_start3A_423, %dma_start3A_424] : memref<2x1x128xi32, #tpu.memory_space<vmem>> -> memref<1x1x128xi32, #tpu.memory_space<vmem>>
            %dma_start3A_426 = tpu.memref_squeeze %dma_start3A_425 : memref<1x1x128xi32, #tpu.memory_space<vmem>> -> memref<1x128xi32, #tpu.memory_space<vmem>>
            %dma_start3A_427 = arith.constant 0 : i32
            %dma_start3A_428 = tpu.memref_slice %dma_start3A_426[%run_scoped3A_322, %dma_start3A_427] : memref<1x128xi32, #tpu.memory_space<vmem>> -> memref<1x128xi32, #tpu.memory_space<vmem>>
            %dma_start3A_429 = tpu.memref_squeeze %dma_start3A_428 : memref<1x128xi32, #tpu.memory_space<vmem>> -> memref<128xi32, #tpu.memory_space<vmem>>
            %dma_start3A_430 = arith.constant 0 : i32
            %dma_start3A_431 = arith.constant 0 : i32
            %dma_start3A_432 = tpu.memref_slice %arg5[%dma_start3A_430, %dma_start3A_431] : memref<8192x384xi32, #tpu.memory_space<hbm>> -> memref<8192x384xi32, #tpu.memory_space<hbm>>
            tpu.enqueue_indirect_dma source(%dma_start3A_422 : memref<128x384xi32, #tpu.memory_space<vmem>>) target(%dma_start3A_432 : memref<8192x384xi32, #tpu.memory_space<hbm>>) offsets(%dma_start3A_429 : memref<128xi32, #tpu.memory_space<vmem>>) semaphore(%run_scoped3A_418 : memref<!tpu.dma_semaphore, #tpu.memory_space<semaphore_mem>>)
            %dma_wait3A = arith.constant 0 : i32
            %dma_wait3A_433 = arith.constant 0 : i32
            %dma_wait3A_434 = tpu.memref_slice %run_scoped3A[%rem3A_317, %dma_wait3A, %dma_wait3A_433] : memref<2x128x384xi32, #tpu.memory_space<vmem>> -> memref<1x128x384xi32, #tpu.memory_space<vmem>>
            %dma_wait3A_435 = tpu.memref_squeeze %dma_wait3A_434 : memref<1x128x384xi32, #tpu.memory_space<vmem>> -> memref<128x384xi32, #tpu.memory_space<vmem>>
            %dma_wait3A_436 = arith.constant 0 : i32
            %dma_wait3A_437 = arith.constant 0 : i32
            %dma_wait3A_438 = tpu.memref_slice %run_scoped3A_18[%rem3A_319, %dma_wait3A_436, %dma_wait3A_437] : memref<2x1x128xi32, #tpu.memory_space<vmem>> -> memref<1x1x128xi32, #tpu.memory_space<vmem>>
            %dma_wait3A_439 = tpu.memref_squeeze %dma_wait3A_438 : memref<1x1x128xi32, #tpu.memory_space<vmem>> -> memref<1x128xi32, #tpu.memory_space<vmem>>
            %dma_wait3A_440 = arith.constant 0 : i32
            %dma_wait3A_441 = tpu.memref_slice %dma_wait3A_439[%run_scoped3A_322, %dma_wait3A_440] : memref<1x128xi32, #tpu.memory_space<vmem>> -> memref<1x128xi32, #tpu.memory_space<vmem>>
            %dma_wait3A_442 = tpu.memref_squeeze %dma_wait3A_441 : memref<1x128xi32, #tpu.memory_space<vmem>> -> memref<128xi32, #tpu.memory_space<vmem>>
            %dma_wait3A_443 = arith.constant 0 : i32
            %dma_wait3A_444 = arith.constant 0 : i32
            %dma_wait3A_445 = tpu.memref_slice %arg5[%dma_wait3A_443, %dma_wait3A_444] : memref<8192x384xi32, #tpu.memory_space<hbm>> -> memref<8192x384xi32, #tpu.memory_space<hbm>>
            tpu.wait_indirect_dma semaphore(%run_scoped3A_418 : memref<!tpu.dma_semaphore, #tpu.memory_space<semaphore_mem>>) src(%dma_wait3A_435 : memref<128x384xi32, #tpu.memory_space<vmem>>) dst(%dma_wait3A_445 : memref<8192x384xi32, #tpu.memory_space<hbm>>)
            tpu.yield
          }) : () -> ()
          %run_scoped3A_323 = arith.constant 0 : i32
          "tpu.region"() ({
            %run_scoped3A_418 = tpu.sem_alloc : memref<!tpu.dma_semaphore, #tpu.memory_space<semaphore_mem>>
            %dma_start3A_419 = arith.constant 0 : i32
            %dma_start3A_420 = arith.constant 0 : i32
            %dma_start3A_421 = tpu.memref_slice %run_scoped3A[%rem3A_317, %dma_start3A_419, %dma_start3A_420] : memref<2x128x384xi32, #tpu.memory_space<vmem>> -> memref<1x128x384xi32, #tpu.memory_space<vmem>>
            %dma_start3A_422 = tpu.memref_squeeze %dma_start3A_421 : memref<1x128x384xi32, #tpu.memory_space<vmem>> -> memref<128x384xi32, #tpu.memory_space<vmem>>
            %dma_start3A_423 = arith.constant 0 : i32
            %dma_start3A_424 = arith.constant 0 : i32
            %dma_start3A_425 = tpu.memref_slice %run_scoped3A_20[%rem3A_321, %dma_start3A_423, %dma_start3A_424] : memref<2x1x128xi32, #tpu.memory_space<vmem>> -> memref<1x1x128xi32, #tpu.memory_space<vmem>>
            %dma_start3A_426 = tpu.memref_squeeze %dma_start3A_425 : memref<1x1x128xi32, #tpu.memory_space<vmem>> -> memref<1x128xi32, #tpu.memory_space<vmem>>
            %dma_start3A_427 = arith.constant 0 : i32
            %dma_start3A_428 = tpu.memref_slice %dma_start3A_426[%run_scoped3A_323, %dma_start3A_427] : memref<1x128xi32, #tpu.memory_space<vmem>> -> memref<1x128xi32, #tpu.memory_space<vmem>>
            %dma_start3A_429 = tpu.memref_squeeze %dma_start3A_428 : memref<1x128xi32, #tpu.memory_space<vmem>> -> memref<128xi32, #tpu.memory_space<vmem>>
            %dma_start3A_430 = arith.constant 0 : i32
            %dma_start3A_431 = arith.constant 0 : i32
            %dma_start3A_432 = tpu.memref_slice %arg5[%dma_start3A_430, %dma_start3A_431] : memref<8192x384xi32, #tpu.memory_space<hbm>> -> memref<8192x384xi32, #tpu.memory_space<hbm>>
            tpu.enqueue_indirect_dma source(%dma_start3A_422 : memref<128x384xi32, #tpu.memory_space<vmem>>) target(%dma_start3A_432 : memref<8192x384xi32, #tpu.memory_space<hbm>>) offsets(%dma_start3A_429 : memref<128xi32, #tpu.memory_space<vmem>>) semaphore(%run_scoped3A_418 : memref<!tpu.dma_semaphore, #tpu.memory_space<semaphore_mem>>)
            %dma_wait3A = arith.constant 0 : i32
            %dma_wait3A_433 = arith.constant 0 : i32
            %dma_wait3A_434 = tpu.memref_slice %run_scoped3A[%rem3A_317, %dma_wait3A, %dma_wait3A_433] : memref<2x128x384xi32, #tpu.memory_space<vmem>> -> memref<1x128x384xi32, #tpu.memory_space<vmem>>
            %dma_wait3A_435 = tpu.memref_squeeze %dma_wait3A_434 : memref<1x128x384xi32, #tpu.memory_space<vmem>> -> memref<128x384xi32, #tpu.memory_space<vmem>>
            %dma_wait3A_436 = arith.constant 0 : i32
            %dma_wait3A_437 = arith.constant 0 : i32
            %dma_wait3A_438 = tpu.memref_slice %run_scoped3A_20[%rem3A_321, %dma_wait3A_436, %dma_wait3A_437] : memref<2x1x128xi32, #tpu.memory_space<vmem>> -> memref<1x1x128xi32, #tpu.memory_space<vmem>>
            %dma_wait3A_439 = tpu.memref_squeeze %dma_wait3A_438 : memref<1x1x128xi32, #tpu.memory_space<vmem>> -> memref<1x128xi32, #tpu.memory_space<vmem>>
            %dma_wait3A_440 = arith.constant 0 : i32
            %dma_wait3A_441 = tpu.memref_slice %dma_wait3A_439[%run_scoped3A_323, %dma_wait3A_440] : memref<1x128xi32, #tpu.memory_space<vmem>> -> memref<1x128xi32, #tpu.memory_space<vmem>>
            %dma_wait3A_442 = tpu.memref_squeeze %dma_wait3A_441 : memref<1x128xi32, #tpu.memory_space<vmem>> -> memref<128xi32, #tpu.memory_space<vmem>>
            %dma_wait3A_443 = arith.constant 0 : i32
            %dma_wait3A_444 = arith.constant 0 : i32
            %dma_wait3A_445 = tpu.memref_slice %arg5[%dma_wait3A_443, %dma_wait3A_444] : memref<8192x384xi32, #tpu.memory_space<hbm>> -> memref<8192x384xi32, #tpu.memory_space<hbm>>
            tpu.wait_indirect_dma semaphore(%run_scoped3A_418 : memref<!tpu.dma_semaphore, #tpu.memory_space<semaphore_mem>>) src(%dma_wait3A_435 : memref<128x384xi32, #tpu.memory_space<vmem>>) dst(%dma_wait3A_445 : memref<8192x384xi32, #tpu.memory_space<hbm>>)
            tpu.yield
          }) : () -> ()
          "tpu.trace_stop"() : () -> ()
          %ne3A_324 = arith.cmpi ne, %add3A_212, %add3A_230 : i32
          %or3A_325 = arith.constant false
          %or3A_326 = arith.ori %or3A_325, %ne3A_324 : i1
          %or3A_327 = arith.constant false
          %or3A_328 = arith.ori %or3A_326, %or3A_327 : i1
          %or3A_329 = arith.ori %or3A_328, %eq3A_211 : i1
          %convert_element_type3A_330 = arith.extui %or3A_329 : i1 to i32
          %cond3A_331 = arith.constant 0 : i32
          %cond3A_332 = arith.cmpi ne, %convert_element_type3A_330, %cond3A_331 : i32
          scf.if %cond3A_332 {
          } else {
          }
          %and3A_333 = arith.constant false
          %and3A_334 = arith.andi %or3A_329, %and3A_333 : i1
          %ne3A_335 = arith.cmpi ne, %add3A_212, %add3A_230 : i32
          %or3A_336 = arith.constant false
          %or3A_337 = arith.ori %or3A_336, %ne3A_335 : i1
          %or3A_338 = arith.ori %or3A_337, %eq3A_211 : i1
          %convert_element_type3A_339 = arith.extui %or3A_338 : i1 to i32
          %cond3A_340 = arith.constant 0 : i32
          %cond3A_341 = arith.cmpi ne, %convert_element_type3A_339, %cond3A_340 : i32
          scf.if %cond3A_341 {
          } else {
          }
          %and3A_342 = arith.constant false
          %and3A_343 = arith.andi %or3A_338, %and3A_342 : i1
          %ne3A_344 = arith.cmpi ne, %add3A_212, %add3A_230 : i32
          %or3A_345 = arith.constant false
          %or3A_346 = arith.ori %or3A_345, %ne3A_344 : i1
          %or3A_347 = arith.ori %or3A_346, %eq3A_211 : i1
          %convert_element_type3A_348 = arith.extui %or3A_347 : i1 to i32
          %cond3A_349 = arith.constant 0 : i32
          %cond3A_350 = arith.cmpi ne, %convert_element_type3A_348, %cond3A_349 : i32
          scf.if %cond3A_350 {
          } else {
          }
          %and3A_351 = arith.constant false
          %and3A_352 = arith.andi %or3A_347, %and3A_351 : i1
          %ne3A_353 = arith.cmpi ne, %add3A_212, %add3A_222 : i32
          %or3A_354 = arith.constant false
          %or3A_355 = arith.ori %or3A_354, %ne3A_353 : i1
          %or3A_356 = arith.constant false
          %or3A_357 = arith.ori %or3A_355, %or3A_356 : i1
          %not3A_358 = arith.constant true
          %not3A_359 = arith.xori %eq3A_208, %not3A_358 : i1
          %and3A_360 = arith.andi %or3A_357, %not3A_359 : i1
          %convert_element_type3A_361 = arith.extui %and3A_360 : i1 to i32
          %cond3A_362 = arith.constant 0 : i32
          %cond3A_363 = arith.cmpi ne, %convert_element_type3A_361, %cond3A_362 : i32
          scf.if %cond3A_363 {
          } else {
          }
          %and3A_364 = arith.constant false
          %and3A_365 = arith.andi %and3A_360, %and3A_364 : i1
          %ne3A_366 = arith.cmpi ne, %add3A_212, %add3A_222 : i32
          %or3A_367 = arith.constant false
          %or3A_368 = arith.ori %or3A_367, %ne3A_366 : i1
          %not3A_369 = arith.constant true
          %not3A_370 = arith.xori %eq3A_208, %not3A_369 : i1
          %and3A_371 = arith.andi %or3A_368, %not3A_370 : i1
          %convert_element_type3A_372 = arith.extui %and3A_371 : i1 to i32
          %cond3A_373 = arith.constant 0 : i32
          %cond3A_374 = arith.cmpi ne, %convert_element_type3A_372, %cond3A_373 : i32
          scf.if %cond3A_374 {
          } else {
          }
          %and3A_375 = arith.constant false
          %and3A_376 = arith.andi %and3A_371, %and3A_375 : i1
          %ne3A_377 = arith.cmpi ne, %add3A_212, %add3A_222 : i32
          %or3A_378 = arith.constant false
          %or3A_379 = arith.ori %or3A_378, %ne3A_377 : i1
          %not3A_380 = arith.constant true
          %not3A_381 = arith.xori %eq3A_208, %not3A_380 : i1
          %and3A_382 = arith.andi %or3A_379, %not3A_381 : i1
          %convert_element_type3A_383 = arith.extui %and3A_382 : i1 to i32
          %cond3A_384 = arith.constant 0 : i32
          %cond3A_385 = arith.cmpi ne, %convert_element_type3A_383, %cond3A_384 : i32
          scf.if %cond3A_385 {
          } else {
          }
          %and3A_386 = arith.constant false
          %and3A_387 = arith.andi %and3A_382, %and3A_386 : i1
          %ne3A_388 = arith.cmpi ne, %add3A_212, %add3A_230 : i32
          %or3A_389 = arith.constant false
          %or3A_390 = arith.ori %or3A_389, %ne3A_388 : i1
          %or3A_391 = arith.constant false
          %or3A_392 = arith.ori %or3A_390, %or3A_391 : i1
          %or3A_393 = arith.ori %or3A_392, %eq3A_211 : i1
          %add3A_394 = arith.constant 1 : i32
          %add3A_395 = arith.addi %while3A_199, %add3A_394 : i32
          %select_n3A_396 = arith.select %or3A_393, %add3A_395, %while3A_199 : i32
          %ne3A_397 = arith.cmpi ne, %add3A_212, %add3A_230 : i32
          %or3A_398 = arith.constant false
          %or3A_399 = arith.ori %or3A_398, %ne3A_397 : i1
          %or3A_400 = arith.ori %or3A_399, %eq3A_211 : i1
          %add3A_401 = arith.constant 1 : i32
          %add3A_402 = arith.addi %while3A_201, %add3A_401 : i32
          %select_n3A_403 = arith.select %or3A_400, %add3A_402, %while3A_201 : i32
          %ne3A_404 = arith.cmpi ne, %add3A_212, %add3A_230 : i32
          %or3A_405 = arith.constant false
          %or3A_406 = arith.ori %or3A_405, %ne3A_404 : i1
          %or3A_407 = arith.ori %or3A_406, %eq3A_211 : i1
          %add3A_408 = arith.constant 1 : i32
          %add3A_409 = arith.addi %while3A_203, %add3A_408 : i32
          %select_n3A_410 = arith.select %or3A_407, %add3A_409, %while3A_203 : i32
          %add3A_411 = arith.constant 1 : i32
          %add3A_412 = arith.addi %while3A_204, %add3A_411 : i32
          %select_n3A_413 = arith.constant true
          %select_n3A_414 = arith.select %select_n3A_413, %add3A_412, %while3A_204 : i32
          %eq3A_415 = arith.cmpi eq, %select_n3A_414, %select_n3A : i32
          %select_n3A_416 = arith.constant 0 : i32
          %select_n3A_417 = arith.select %eq3A_415, %select_n3A_416, %select_n3A_414 : i32
          scf.yield %select_n3A_254, %select_n3A_396, %select_n3A_273, %select_n3A_403, %select_n3A_292, %select_n3A_410, %select_n3A_417 : i32, i32, i32, i32, i32, i32, i32
        }
        %while3A_141 = arith.constant 1 : i32
        %while3A_142:7 = scf.for %while3A_197 = %while3A_138 to %while3A_134 step %while3A_141 iter_args(%while3A_198 = %while3A_140#0, %while3A_199 = %while3A_140#1, %while3A_200 = %while3A_140#2, %while3A_201 = %while3A_140#3, %while3A_202 = %while3A_140#4, %while3A_203 = %while3A_140#5, %while3A_204 = %while3A_140#6) -> (i32, i32, i32, i32, i32, i32, i32)  : i32 {
          %mul3A_205 = arith.constant 1 : i32
          %mul3A_206 = arith.muli %mul3A_205, %select_n3A : i32
          %eq3A_207 = arith.constant 0 : i32
          %eq3A_208 = arith.cmpi eq, %while3A_197, %eq3A_207 : i32
          %sub3A_209 = arith.constant 1 : i32
          %sub3A_210 = arith.subi %mul3A_206, %sub3A_209 : i32
          %eq3A_211 = arith.cmpi eq, %while3A_197, %sub3A_210 : i32
          %add3A_212 = arith.addi %while3A_204, %select_n3A_14 : i32
          %sub3A_213 = arith.constant 1 : i32
          %sub3A_214 = arith.subi %while3A_204, %sub3A_213 : i32
          %select_n3A_215 = arith.constant true
          %select_n3A_216 = arith.select %select_n3A_215, %sub3A_214, %while3A_204 : i32
          %eq3A_217 = arith.constant -1 : i32
          %eq3A_218 = arith.cmpi eq, %select_n3A_216, %eq3A_217 : i32
          %sub3A_219 = arith.constant 1 : i32
          %sub3A_220 = arith.subi %select_n3A, %sub3A_219 : i32
          %select_n3A_221 = arith.select %eq3A_218, %sub3A_220, %select_n3A_216 : i32
          %add3A_222 = arith.addi %select_n3A_221, %select_n3A_14 : i32
          %add3A_223 = arith.constant 1 : i32
          %add3A_224 = arith.addi %while3A_204, %add3A_223 : i32
          %select_n3A_225 = arith.constant true
          %select_n3A_226 = arith.select %select_n3A_225, %add3A_224, %while3A_204 : i32
          %eq3A_227 = arith.cmpi eq, %select_n3A_226, %select_n3A : i32
          %select_n3A_228 = arith.constant 0 : i32
          %select_n3A_229 = arith.select %eq3A_227, %select_n3A_228, %select_n3A_226 : i32
          %add3A_230 = arith.addi %select_n3A_229, %select_n3A_14 : i32
          %add3A_231 = arith.constant 1 : i32
          %add3A_232 = arith.addi %select_n3A_229, %add3A_231 : i32
          %select_n3A_233 = arith.constant true
          %select_n3A_234 = arith.select %select_n3A_233, %add3A_232, %select_n3A_229 : i32
          %eq3A_235 = arith.cmpi eq, %select_n3A_234, %select_n3A : i32
          %select_n3A_236 = arith.constant 0 : i32
          %select_n3A_237 = arith.select %eq3A_235, %select_n3A_236, %select_n3A_234 : i32
          %add3A_238 = arith.addi %select_n3A_237, %select_n3A_14 : i32
          %ne3A = arith.cmpi ne, %add3A_212, %add3A_230 : i32
          %or3A = arith.constant false
          %or3A_239 = arith.ori %or3A, %ne3A : i1
          %or3A_240 = arith.constant false
          %or3A_241 = arith.ori %or3A_239, %or3A_240 : i1
          %sub3A_242 = arith.constant 2 : i32
          %sub3A_243 = arith.subi %mul3A_206, %sub3A_242 : i32
          %add3A_244 = arith.constant 1 : i32
          %add3A_245 = arith.addi %sub3A_243, %add3A_244 : i32
          %ge3A = arith.cmpi sge, %while3A_197, %add3A_245 : i32
          %not3A = arith.constant true
          %not3A_246 = arith.xori %ge3A, %not3A : i1
          %and3A = arith.andi %or3A_241, %not3A_246 : i1
          %convert_element_type3A_247 = arith.extui %and3A : i1 to i32
          %cond3A_248 = arith.constant 0 : i32
          %cond3A_249 = arith.cmpi ne, %convert_element_type3A_247, %cond3A_248 : i32
          scf.if %cond3A_249 {
            "tpu.trace_start"() <{level = 10 : i32, message = "ep_copy_in"}> : () -> ()
            %rem3A_418 = arith.constant 2 : i32
            %rem3A_419 = arith.remui %while3A_198, %rem3A_418 : i32
            %mul3A_420 = arith.constant 128 : i32
            %mul3A_421 = arith.muli %mul3A_420, %add3A_230 : i32
            %dma_start3A_422 = arith.constant 0 : i32
            %dma_start3A_423 = arith.constant 0 : i32
            %dma_start3A_424 = tpu.memref_slice %run_scoped3A[%rem3A_419, %dma_start3A_422, %dma_start3A_423] : memref<2x128x384xi32, #tpu.memory_space<vmem>> -> memref<1x128x384xi32, #tpu.memory_space<vmem>>
            %dma_start3A_425 = tpu.memref_squeeze %dma_start3A_424 : memref<1x128x384xi32, #tpu.memory_space<vmem>> -> memref<128x384xi32, #tpu.memory_space<vmem>>
            %dma_start3A_426 = arith.constant 0 : i32
            %dma_start3A_427 = tpu.memref_slice %arg2[%mul3A_421, %dma_start3A_426] : memref<2048x384xi32, #tpu.memory_space<hbm>> -> memref<128x384xi32, #tpu.memory_space<hbm>>
            %dma_start3A_428 = tpu.memref_slice %run_scoped3A_17[%rem3A_419] : memref<2x!tpu.dma_semaphore, #tpu.memory_space<semaphore_mem>> -> memref<1x!tpu.dma_semaphore, #tpu.memory_space<semaphore_mem>>
            %dma_start3A_429 = tpu.memref_squeeze %dma_start3A_428 : memref<1x!tpu.dma_semaphore, #tpu.memory_space<semaphore_mem>> -> memref<!tpu.dma_semaphore, #tpu.memory_space<semaphore_mem>>
            %dma_start3A_430 = arith.constant 0 : i32
            %dma_start3A_431 = arith.constant 0 : i32
            %dma_start3A_432 = tpu.memref_slice %run_scoped3A[%rem3A_419, %dma_start3A_430, %dma_start3A_431] : memref<2x128x384xi32, #tpu.memory_space<vmem>> -> memref<1x128x384xi32, #tpu.memory_space<vmem>>
            %dma_start3A_433 = tpu.memref_squeeze %dma_start3A_432 : memref<1x128x384xi32, #tpu.memory_space<vmem>> -> memref<128x384xi32, #tpu.memory_space<vmem>>
            %dma_start3A_434 = arith.constant 0 : i32
            %dma_start3A_435 = tpu.memref_slice %arg2[%mul3A_421, %dma_start3A_434] : memref<2048x384xi32, #tpu.memory_space<hbm>> -> memref<128x384xi32, #tpu.memory_space<hbm>>
            tpu.enqueue_dma source(%dma_start3A_435 : memref<128x384xi32, #tpu.memory_space<hbm>>) target(%dma_start3A_433 : memref<128x384xi32, #tpu.memory_space<vmem>>) target_semaphore(%dma_start3A_429 : memref<!tpu.dma_semaphore, #tpu.memory_space<semaphore_mem>>)
            "tpu.trace_stop"() : () -> ()
          } else {
          }
          %and3A_250 = arith.constant true
          %and3A_251 = arith.andi %and3A, %and3A_250 : i1
          %add3A_252 = arith.constant 1 : i32
          %add3A_253 = arith.addi %while3A_198, %add3A_252 : i32
          %select_n3A_254 = arith.select %and3A_251, %add3A_253, %while3A_198 : i32
          %ne3A_255 = arith.cmpi ne, %add3A_212, %add3A_230 : i32
          %or3A_256 = arith.constant false
          %or3A_257 = arith.ori %or3A_256, %ne3A_255 : i1
          %sub3A_258 = arith.constant 2 : i32
          %sub3A_259 = arith.subi %mul3A_206, %sub3A_258 : i32
          %add3A_260 = arith.constant 1 : i32
          %add3A_261 = arith.addi %sub3A_259, %add3A_260 : i32
          %ge3A_262 = arith.cmpi sge, %while3A_197, %add3A_261 : i32
          %not3A_263 = arith.constant true
          %not3A_264 = arith.xori %ge3A_262, %not3A_263 : i1
          %and3A_265 = arith.andi %or3A_257, %not3A_264 : i1
          %convert_element_type3A_266 = arith.extui %and3A_265 : i1 to i32
          %cond3A_267 = arith.constant 0 : i32
          %cond3A_268 = arith.cmpi ne, %convert_element_type3A_266, %cond3A_267 : i32
          scf.if %cond3A_268 {
            "tpu.trace_start"() <{level = 10 : i32, message = "ep_copy_in"}> : () -> ()
            %rem3A_418 = arith.constant 2 : i32
            %rem3A_419 = arith.remui %while3A_200, %rem3A_418 : i32
            %mul3A_420 = arith.constant 128 : i32
            %mul3A_421 = arith.muli %mul3A_420, %add3A_230 : i32
            %dma_start3A_422 = arith.constant 0 : i32
            %dma_start3A_423 = arith.constant 0 : i32
            %dma_start3A_424 = tpu.memref_slice %run_scoped3A_18[%rem3A_419, %dma_start3A_422, %dma_start3A_423] : memref<2x1x128xi32, #tpu.memory_space<vmem>> -> memref<1x1x128xi32, #tpu.memory_space<vmem>>
            %dma_start3A_425 = tpu.memref_squeeze %dma_start3A_424 : memref<1x1x128xi32, #tpu.memory_space<vmem>> -> memref<1x128xi32, #tpu.memory_space<vmem>>
            %dma_start3A_426 = arith.constant 0 : i32
            %dma_start3A_427 = tpu.memref_slice %arg3[%dma_start3A_426, %mul3A_421] : memref<1x2048xi32, #tpu.memory_space<hbm>> -> memref<1x128xi32, #tpu.memory_space<hbm>>
            %dma_start3A_428 = tpu.memref_slice %run_scoped3A_19[%rem3A_419] : memref<2x!tpu.dma_semaphore, #tpu.memory_space<semaphore_mem>> -> memref<1x!tpu.dma_semaphore, #tpu.memory_space<semaphore_mem>>
            %dma_start3A_429 = tpu.memref_squeeze %dma_start3A_428 : memref<1x!tpu.dma_semaphore, #tpu.memory_space<semaphore_mem>> -> memref<!tpu.dma_semaphore, #tpu.memory_space<semaphore_mem>>
            %dma_start3A_430 = arith.constant 0 : i32
            %dma_start3A_431 = arith.constant 0 : i32
            %dma_start3A_432 = tpu.memref_slice %run_scoped3A_18[%rem3A_419, %dma_start3A_430, %dma_start3A_431] : memref<2x1x128xi32, #tpu.memory_space<vmem>> -> memref<1x1x128xi32, #tpu.memory_space<vmem>>
            %dma_start3A_433 = tpu.memref_squeeze %dma_start3A_432 : memref<1x1x128xi32, #tpu.memory_space<vmem>> -> memref<1x128xi32, #tpu.memory_space<vmem>>
            %dma_start3A_434 = arith.constant 0 : i32
            %dma_start3A_435 = tpu.memref_slice %arg3[%dma_start3A_434, %mul3A_421] : memref<1x2048xi32, #tpu.memory_space<hbm>> -> memref<1x128xi32, #tpu.memory_space<hbm>>
            tpu.enqueue_dma source(%dma_start3A_435 : memref<1x128xi32, #tpu.memory_space<hbm>>) target(%dma_start3A_433 : memref<1x128xi32, #tpu.memory_space<vmem>>) target_semaphore(%dma_start3A_429 : memref<!tpu.dma_semaphore, #tpu.memory_space<semaphore_mem>>)
            "tpu.trace_stop"() : () -> ()
          } else {
          }
          %and3A_269 = arith.constant true
          %and3A_270 = arith.andi %and3A_265, %and3A_269 : i1
          %add3A_271 = arith.constant 1 : i32
          %add3A_272 = arith.addi %while3A_200, %add3A_271 : i32
          %select_n3A_273 = arith.select %and3A_270, %add3A_272, %while3A_200 : i32
          %ne3A_274 = arith.cmpi ne, %add3A_212, %add3A_230 : i32
          %or3A_275 = arith.constant false
          %or3A_276 = arith.ori %or3A_275, %ne3A_274 : i1
          %sub3A_277 = arith.constant 2 : i32
          %sub3A_278 = arith.subi %mul3A_206, %sub3A_277 : i32
          %add3A_279 = arith.constant 1 : i32
          %add3A_280 = arith.addi %sub3A_278, %add3A_279 : i32
          %ge3A_281 = arith.cmpi sge, %while3A_197, %add3A_280 : i32
          %not3A_282 = arith.constant true
          %not3A_283 = arith.xori %ge3A_281, %not3A_282 : i1
          %and3A_284 = arith.andi %or3A_276, %not3A_283 : i1
          %convert_element_type3A_285 = arith.extui %and3A_284 : i1 to i32
          %cond3A_286 = arith.constant 0 : i32
          %cond3A_287 = arith.cmpi ne, %convert_element_type3A_285, %cond3A_286 : i32
          scf.if %cond3A_287 {
            "tpu.trace_start"() <{level = 10 : i32, message = "ep_copy_in"}> : () -> ()
            %rem3A_418 = arith.constant 2 : i32
            %rem3A_419 = arith.remui %while3A_202, %rem3A_418 : i32
            %mul3A_420 = arith.constant 128 : i32
            %mul3A_421 = arith.muli %mul3A_420, %add3A_230 : i32
            %dma_start3A_422 = arith.constant 0 : i32
            %dma_start3A_423 = arith.constant 0 : i32
            %dma_start3A_424 = tpu.memref_slice %run_scoped3A_20[%rem3A_419, %dma_start3A_422, %dma_start3A_423] : memref<2x1x128xi32, #tpu.memory_space<vmem>> -> memref<1x1x128xi32, #tpu.memory_space<vmem>>
            %dma_start3A_425 = tpu.memref_squeeze %dma_start3A_424 : memref<1x1x128xi32, #tpu.memory_space<vmem>> -> memref<1x128xi32, #tpu.memory_space<vmem>>
            %dma_start3A_426 = arith.constant 0 : i32
            %dma_start3A_427 = tpu.memref_slice %arg4[%dma_start3A_426, %mul3A_421] : memref<1x2048xi32, #tpu.memory_space<hbm>> -> memref<1x128xi32, #tpu.memory_space<hbm>>
            %dma_start3A_428 = tpu.memref_slice %run_scoped3A_21[%rem3A_419] : memref<2x!tpu.dma_semaphore, #tpu.memory_space<semaphore_mem>> -> memref<1x!tpu.dma_semaphore, #tpu.memory_space<semaphore_mem>>
            %dma_start3A_429 = tpu.memref_squeeze %dma_start3A_428 : memref<1x!tpu.dma_semaphore, #tpu.memory_space<semaphore_mem>> -> memref<!tpu.dma_semaphore, #tpu.memory_space<semaphore_mem>>
            %dma_start3A_430 = arith.constant 0 : i32
            %dma_start3A_431 = arith.constant 0 : i32
            %dma_start3A_432 = tpu.memref_slice %run_scoped3A_20[%rem3A_419, %dma_start3A_430, %dma_start3A_431] : memref<2x1x128xi32, #tpu.memory_space<vmem>> -> memref<1x1x128xi32, #tpu.memory_space<vmem>>
            %dma_start3A_433 = tpu.memref_squeeze %dma_start3A_432 : memref<1x1x128xi32, #tpu.memory_space<vmem>> -> memref<1x128xi32, #tpu.memory_space<vmem>>
            %dma_start3A_434 = arith.constant 0 : i32
            %dma_start3A_435 = tpu.memref_slice %arg4[%dma_start3A_434, %mul3A_421] : memref<1x2048xi32, #tpu.memory_space<hbm>> -> memref<1x128xi32, #tpu.memory_space<hbm>>
            tpu.enqueue_dma source(%dma_start3A_435 : memref<1x128xi32, #tpu.memory_space<hbm>>) target(%dma_start3A_433 : memref<1x128xi32, #tpu.memory_space<vmem>>) target_semaphore(%dma_start3A_429 : memref<!tpu.dma_semaphore, #tpu.memory_space<semaphore_mem>>)
            "tpu.trace_stop"() : () -> ()
          } else {
          }
          %and3A_288 = arith.constant true
          %and3A_289 = arith.andi %and3A_284, %and3A_288 : i1
          %add3A_290 = arith.constant 1 : i32
          %add3A_291 = arith.addi %while3A_202, %add3A_290 : i32
          %select_n3A_292 = arith.select %and3A_289, %add3A_291, %while3A_202 : i32
          %ne3A_293 = arith.cmpi ne, %add3A_212, %add3A_222 : i32
          %or3A_294 = arith.constant false
          %or3A_295 = arith.ori %or3A_294, %ne3A_293 : i1
          %or3A_296 = arith.constant false
          %or3A_297 = arith.ori %or3A_295, %or3A_296 : i1
          %or3A_298 = arith.ori %or3A_297, %eq3A_208 : i1
          %convert_element_type3A_299 = arith.extui %or3A_298 : i1 to i32
          %cond3A_300 = arith.constant 0 : i32
          %cond3A_301 = arith.cmpi ne, %convert_element_type3A_299, %cond3A_300 : i32
          scf.if %cond3A_301 {
            "tpu.trace_start"() <{level = 10 : i32, message = "ep_wait_in"}> : () -> ()
            %mul3A_418 = arith.constant 128 : i32
            %mul3A_419 = arith.muli %mul3A_418, %add3A_212 : i32
            %rem3A_420 = arith.constant 2 : i32
            %rem3A_421 = arith.remui %while3A_199, %rem3A_420 : i32
            %dma_wait3A = arith.constant 0 : i32
            %dma_wait3A_422 = arith.constant 0 : i32
            %dma_wait3A_423 = tpu.memref_slice %run_scoped3A[%rem3A_421, %dma_wait3A, %dma_wait3A_422] : memref<2x128x384xi32, #tpu.memory_space<vmem>> -> memref<1x128x384xi32, #tpu.memory_space<vmem>>
            %dma_wait3A_424 = tpu.memref_squeeze %dma_wait3A_423 : memref<1x128x384xi32, #tpu.memory_space<vmem>> -> memref<128x384xi32, #tpu.memory_space<vmem>>
            %dma_wait3A_425 = arith.constant 0 : i32
            %dma_wait3A_426 = tpu.memref_slice %arg2[%mul3A_419, %dma_wait3A_425] : memref<2048x384xi32, #tpu.memory_space<hbm>> -> memref<128x384xi32, #tpu.memory_space<hbm>>
            %dma_wait3A_427 = tpu.memref_slice %run_scoped3A_17[%rem3A_421] : memref<2x!tpu.dma_semaphore, #tpu.memory_space<semaphore_mem>> -> memref<1x!tpu.dma_semaphore, #tpu.memory_space<semaphore_mem>>
            %dma_wait3A_428 = tpu.memref_squeeze %dma_wait3A_427 : memref<1x!tpu.dma_semaphore, #tpu.memory_space<semaphore_mem>> -> memref<!tpu.dma_semaphore, #tpu.memory_space<semaphore_mem>>
            %dma_wait3A_429 = arith.constant 0 : i32
            %dma_wait3A_430 = arith.constant 0 : i32
            %dma_wait3A_431 = tpu.memref_slice %run_scoped3A[%rem3A_421, %dma_wait3A_429, %dma_wait3A_430] : memref<2x128x384xi32, #tpu.memory_space<vmem>> -> memref<1x128x384xi32, #tpu.memory_space<vmem>>
            %dma_wait3A_432 = tpu.memref_squeeze %dma_wait3A_431 : memref<1x128x384xi32, #tpu.memory_space<vmem>> -> memref<128x384xi32, #tpu.memory_space<vmem>>
            %dma_wait3A_433 = arith.constant 0 : i32
            %dma_wait3A_434 = tpu.memref_slice %arg2[%mul3A_419, %dma_wait3A_433] : memref<2048x384xi32, #tpu.memory_space<hbm>> -> memref<128x384xi32, #tpu.memory_space<hbm>>
            tpu.wait_dma2 semaphore(%dma_wait3A_428 : memref<!tpu.dma_semaphore, #tpu.memory_space<semaphore_mem>>) src(%dma_wait3A_434 : memref<128x384xi32, #tpu.memory_space<hbm>>) dst(%dma_wait3A_432 : memref<128x384xi32, #tpu.memory_space<vmem>>)
            "tpu.trace_stop"() : () -> ()
          } else {
          }
          %ne3A_302 = arith.cmpi ne, %add3A_212, %add3A_222 : i32
          %or3A_303 = arith.constant false
          %or3A_304 = arith.ori %or3A_303, %ne3A_302 : i1
          %or3A_305 = arith.ori %or3A_304, %eq3A_208 : i1
          %convert_element_type3A_306 = arith.extui %or3A_305 : i1 to i32
          %cond3A_307 = arith.constant 0 : i32
          %cond3A_308 = arith.cmpi ne, %convert_element_type3A_306, %cond3A_307 : i32
          scf.if %cond3A_308 {
            "tpu.trace_start"() <{level = 10 : i32, message = "ep_wait_in"}> : () -> ()
            %mul3A_418 = arith.constant 128 : i32
            %mul3A_419 = arith.muli %mul3A_418, %add3A_212 : i32
            %rem3A_420 = arith.constant 2 : i32
            %rem3A_421 = arith.remui %while3A_201, %rem3A_420 : i32
            %dma_wait3A = arith.constant 0 : i32
            %dma_wait3A_422 = arith.constant 0 : i32
            %dma_wait3A_423 = tpu.memref_slice %run_scoped3A_18[%rem3A_421, %dma_wait3A, %dma_wait3A_422] : memref<2x1x128xi32, #tpu.memory_space<vmem>> -> memref<1x1x128xi32, #tpu.memory_space<vmem>>
            %dma_wait3A_424 = tpu.memref_squeeze %dma_wait3A_423 : memref<1x1x128xi32, #tpu.memory_space<vmem>> -> memref<1x128xi32, #tpu.memory_space<vmem>>
            %dma_wait3A_425 = arith.constant 0 : i32
            %dma_wait3A_426 = tpu.memref_slice %arg3[%dma_wait3A_425, %mul3A_419] : memref<1x2048xi32, #tpu.memory_space<hbm>> -> memref<1x128xi32, #tpu.memory_space<hbm>>
            %dma_wait3A_427 = tpu.memref_slice %run_scoped3A_19[%rem3A_421] : memref<2x!tpu.dma_semaphore, #tpu.memory_space<semaphore_mem>> -> memref<1x!tpu.dma_semaphore, #tpu.memory_space<semaphore_mem>>
            %dma_wait3A_428 = tpu.memref_squeeze %dma_wait3A_427 : memref<1x!tpu.dma_semaphore, #tpu.memory_space<semaphore_mem>> -> memref<!tpu.dma_semaphore, #tpu.memory_space<semaphore_mem>>
            %dma_wait3A_429 = arith.constant 0 : i32
            %dma_wait3A_430 = arith.constant 0 : i32
            %dma_wait3A_431 = tpu.memref_slice %run_scoped3A_18[%rem3A_421, %dma_wait3A_429, %dma_wait3A_430] : memref<2x1x128xi32, #tpu.memory_space<vmem>> -> memref<1x1x128xi32, #tpu.memory_space<vmem>>
            %dma_wait3A_432 = tpu.memref_squeeze %dma_wait3A_431 : memref<1x1x128xi32, #tpu.memory_space<vmem>> -> memref<1x128xi32, #tpu.memory_space<vmem>>
            %dma_wait3A_433 = arith.constant 0 : i32
            %dma_wait3A_434 = tpu.memref_slice %arg3[%dma_wait3A_433, %mul3A_419] : memref<1x2048xi32, #tpu.memory_space<hbm>> -> memref<1x128xi32, #tpu.memory_space<hbm>>
            tpu.wait_dma2 semaphore(%dma_wait3A_428 : memref<!tpu.dma_semaphore, #tpu.memory_space<semaphore_mem>>) src(%dma_wait3A_434 : memref<1x128xi32, #tpu.memory_space<hbm>>) dst(%dma_wait3A_432 : memref<1x128xi32, #tpu.memory_space<vmem>>)
            "tpu.trace_stop"() : () -> ()
          } else {
          }
          %ne3A_309 = arith.cmpi ne, %add3A_212, %add3A_222 : i32
          %or3A_310 = arith.constant false
          %or3A_311 = arith.ori %or3A_310, %ne3A_309 : i1
          %or3A_312 = arith.ori %or3A_311, %eq3A_208 : i1
          %convert_element_type3A_313 = arith.extui %or3A_312 : i1 to i32
          %cond3A_314 = arith.constant 0 : i32
          %cond3A_315 = arith.cmpi ne, %convert_element_type3A_313, %cond3A_314 : i32
          scf.if %cond3A_315 {
            "tpu.trace_start"() <{level = 10 : i32, message = "ep_wait_in"}> : () -> ()
            %mul3A_418 = arith.constant 128 : i32
            %mul3A_419 = arith.muli %mul3A_418, %add3A_212 : i32
            %rem3A_420 = arith.constant 2 : i32
            %rem3A_421 = arith.remui %while3A_203, %rem3A_420 : i32
            %dma_wait3A = arith.constant 0 : i32
            %dma_wait3A_422 = arith.constant 0 : i32
            %dma_wait3A_423 = tpu.memref_slice %run_scoped3A_20[%rem3A_421, %dma_wait3A, %dma_wait3A_422] : memref<2x1x128xi32, #tpu.memory_space<vmem>> -> memref<1x1x128xi32, #tpu.memory_space<vmem>>
            %dma_wait3A_424 = tpu.memref_squeeze %dma_wait3A_423 : memref<1x1x128xi32, #tpu.memory_space<vmem>> -> memref<1x128xi32, #tpu.memory_space<vmem>>
            %dma_wait3A_425 = arith.constant 0 : i32
            %dma_wait3A_426 = tpu.memref_slice %arg4[%dma_wait3A_425, %mul3A_419] : memref<1x2048xi32, #tpu.memory_space<hbm>> -> memref<1x128xi32, #tpu.memory_space<hbm>>
            %dma_wait3A_427 = tpu.memref_slice %run_scoped3A_21[%rem3A_421] : memref<2x!tpu.dma_semaphore, #tpu.memory_space<semaphore_mem>> -> memref<1x!tpu.dma_semaphore, #tpu.memory_space<semaphore_mem>>
            %dma_wait3A_428 = tpu.memref_squeeze %dma_wait3A_427 : memref<1x!tpu.dma_semaphore, #tpu.memory_space<semaphore_mem>> -> memref<!tpu.dma_semaphore, #tpu.memory_space<semaphore_mem>>
            %dma_wait3A_429 = arith.constant 0 : i32
            %dma_wait3A_430 = arith.constant 0 : i32
            %dma_wait3A_431 = tpu.memref_slice %run_scoped3A_20[%rem3A_421, %dma_wait3A_429, %dma_wait3A_430] : memref<2x1x128xi32, #tpu.memory_space<vmem>> -> memref<1x1x128xi32, #tpu.memory_space<vmem>>
            %dma_wait3A_432 = tpu.memref_squeeze %dma_wait3A_431 : memref<1x1x128xi32, #tpu.memory_space<vmem>> -> memref<1x128xi32, #tpu.memory_space<vmem>>
            %dma_wait3A_433 = arith.constant 0 : i32
            %dma_wait3A_434 = tpu.memref_slice %arg4[%dma_wait3A_433, %mul3A_419] : memref<1x2048xi32, #tpu.memory_space<hbm>> -> memref<1x128xi32, #tpu.memory_space<hbm>>
            tpu.wait_dma2 semaphore(%dma_wait3A_428 : memref<!tpu.dma_semaphore, #tpu.memory_space<semaphore_mem>>) src(%dma_wait3A_434 : memref<1x128xi32, #tpu.memory_space<hbm>>) dst(%dma_wait3A_432 : memref<1x128xi32, #tpu.memory_space<vmem>>)
            "tpu.trace_stop"() : () -> ()
          } else {
          }
          %rem3A_316 = arith.constant 2 : i32
          %rem3A_317 = arith.remui %while3A_199, %rem3A_316 : i32
          %rem3A_318 = arith.constant 2 : i32
          %rem3A_319 = arith.remui %while3A_201, %rem3A_318 : i32
          %rem3A_320 = arith.constant 2 : i32
          %rem3A_321 = arith.remui %while3A_203, %rem3A_320 : i32
          %run_scoped3A_322 = arith.constant 0 : i32
          "tpu.trace_start"() <{level = 10 : i32, message = "ep_run_kernel"}> : () -> ()
          "tpu.region"() ({
            %run_scoped3A_418 = tpu.sem_alloc : memref<!tpu.dma_semaphore, #tpu.memory_space<semaphore_mem>>
            %dma_start3A_419 = arith.constant 0 : i32
            %dma_start3A_420 = arith.constant 0 : i32
            %dma_start3A_421 = tpu.memref_slice %run_scoped3A[%rem3A_317, %dma_start3A_419, %dma_start3A_420] : memref<2x128x384xi32, #tpu.memory_space<vmem>> -> memref<1x128x384xi32, #tpu.memory_space<vmem>>
            %dma_start3A_422 = tpu.memref_squeeze %dma_start3A_421 : memref<1x128x384xi32, #tpu.memory_space<vmem>> -> memref<128x384xi32, #tpu.memory_space<vmem>>
            %dma_start3A_423 = arith.constant 0 : i32
            %dma_start3A_424 = arith.constant 0 : i32
            %dma_start3A_425 = tpu.memref_slice %run_scoped3A_18[%rem3A_319, %dma_start3A_423, %dma_start3A_424] : memref<2x1x128xi32, #tpu.memory_space<vmem>> -> memref<1x1x128xi32, #tpu.memory_space<vmem>>
            %dma_start3A_426 = tpu.memref_squeeze %dma_start3A_425 : memref<1x1x128xi32, #tpu.memory_space<vmem>> -> memref<1x128xi32, #tpu.memory_space<vmem>>
            %dma_start3A_427 = arith.constant 0 : i32
            %dma_start3A_428 = tpu.memref_slice %dma_start3A_426[%run_scoped3A_322, %dma_start3A_427] : memref<1x128xi32, #tpu.memory_space<vmem>> -> memref<1x128xi32, #tpu.memory_space<vmem>>
            %dma_start3A_429 = tpu.memref_squeeze %dma_start3A_428 : memref<1x128xi32, #tpu.memory_space<vmem>> -> memref<128xi32, #tpu.memory_space<vmem>>
            %dma_start3A_430 = arith.constant 0 : i32
            %dma_start3A_431 = arith.constant 0 : i32
            %dma_start3A_432 = tpu.memref_slice %arg5[%dma_start3A_430, %dma_start3A_431] : memref<8192x384xi32, #tpu.memory_space<hbm>> -> memref<8192x384xi32, #tpu.memory_space<hbm>>
            tpu.enqueue_indirect_dma source(%dma_start3A_422 : memref<128x384xi32, #tpu.memory_space<vmem>>) target(%dma_start3A_432 : memref<8192x384xi32, #tpu.memory_space<hbm>>) offsets(%dma_start3A_429 : memref<128xi32, #tpu.memory_space<vmem>>) semaphore(%run_scoped3A_418 : memref<!tpu.dma_semaphore, #tpu.memory_space<semaphore_mem>>)
            %dma_wait3A = arith.constant 0 : i32
            %dma_wait3A_433 = arith.constant 0 : i32
            %dma_wait3A_434 = tpu.memref_slice %run_scoped3A[%rem3A_317, %dma_wait3A, %dma_wait3A_433] : memref<2x128x384xi32, #tpu.memory_space<vmem>> -> memref<1x128x384xi32, #tpu.memory_space<vmem>>
            %dma_wait3A_435 = tpu.memref_squeeze %dma_wait3A_434 : memref<1x128x384xi32, #tpu.memory_space<vmem>> -> memref<128x384xi32, #tpu.memory_space<vmem>>
            %dma_wait3A_436 = arith.constant 0 : i32
            %dma_wait3A_437 = arith.constant 0 : i32
            %dma_wait3A_438 = tpu.memref_slice %run_scoped3A_18[%rem3A_319, %dma_wait3A_436, %dma_wait3A_437] : memref<2x1x128xi32, #tpu.memory_space<vmem>> -> memref<1x1x128xi32, #tpu.memory_space<vmem>>
            %dma_wait3A_439 = tpu.memref_squeeze %dma_wait3A_438 : memref<1x1x128xi32, #tpu.memory_space<vmem>> -> memref<1x128xi32, #tpu.memory_space<vmem>>
            %dma_wait3A_440 = arith.constant 0 : i32
            %dma_wait3A_441 = tpu.memref_slice %dma_wait3A_439[%run_scoped3A_322, %dma_wait3A_440] : memref<1x128xi32, #tpu.memory_space<vmem>> -> memref<1x128xi32, #tpu.memory_space<vmem>>
            %dma_wait3A_442 = tpu.memref_squeeze %dma_wait3A_441 : memref<1x128xi32, #tpu.memory_space<vmem>> -> memref<128xi32, #tpu.memory_space<vmem>>
            %dma_wait3A_443 = arith.constant 0 : i32
            %dma_wait3A_444 = arith.constant 0 : i32
            %dma_wait3A_445 = tpu.memref_slice %arg5[%dma_wait3A_443, %dma_wait3A_444] : memref<8192x384xi32, #tpu.memory_space<hbm>> -> memref<8192x384xi32, #tpu.memory_space<hbm>>
            tpu.wait_indirect_dma semaphore(%run_scoped3A_418 : memref<!tpu.dma_semaphore, #tpu.memory_space<semaphore_mem>>) src(%dma_wait3A_435 : memref<128x384xi32, #tpu.memory_space<vmem>>) dst(%dma_wait3A_445 : memref<8192x384xi32, #tpu.memory_space<hbm>>)
            tpu.yield
          }) : () -> ()
          %run_scoped3A_323 = arith.constant 0 : i32
          "tpu.region"() ({
            %run_scoped3A_418 = tpu.sem_alloc : memref<!tpu.dma_semaphore, #tpu.memory_space<semaphore_mem>>
            %dma_start3A_419 = arith.constant 0 : i32
            %dma_start3A_420 = arith.constant 0 : i32
            %dma_start3A_421 = tpu.memref_slice %run_scoped3A[%rem3A_317, %dma_start3A_419, %dma_start3A_420] : memref<2x128x384xi32, #tpu.memory_space<vmem>> -> memref<1x128x384xi32, #tpu.memory_space<vmem>>
            %dma_start3A_422 = tpu.memref_squeeze %dma_start3A_421 : memref<1x128x384xi32, #tpu.memory_space<vmem>> -> memref<128x384xi32, #tpu.memory_space<vmem>>
            %dma_start3A_423 = arith.constant 0 : i32
            %dma_start3A_424 = arith.constant 0 : i32
            %dma_start3A_425 = tpu.memref_slice %run_scoped3A_20[%rem3A_321, %dma_start3A_423, %dma_start3A_424] : memref<2x1x128xi32, #tpu.memory_space<vmem>> -> memref<1x1x128xi32, #tpu.memory_space<vmem>>
            %dma_start3A_426 = tpu.memref_squeeze %dma_start3A_425 : memref<1x1x128xi32, #tpu.memory_space<vmem>> -> memref<1x128xi32, #tpu.memory_space<vmem>>
            %dma_start3A_427 = arith.constant 0 : i32
            %dma_start3A_428 = tpu.memref_slice %dma_start3A_426[%run_scoped3A_323, %dma_start3A_427] : memref<1x128xi32, #tpu.memory_space<vmem>> -> memref<1x128xi32, #tpu.memory_space<vmem>>
            %dma_start3A_429 = tpu.memref_squeeze %dma_start3A_428 : memref<1x128xi32, #tpu.memory_space<vmem>> -> memref<128xi32, #tpu.memory_space<vmem>>
            %dma_start3A_430 = arith.constant 0 : i32
            %dma_start3A_431 = arith.constant 0 : i32
            %dma_start3A_432 = tpu.memref_slice %arg5[%dma_start3A_430, %dma_start3A_431] : memref<8192x384xi32, #tpu.memory_space<hbm>> -> memref<8192x384xi32, #tpu.memory_space<hbm>>
            tpu.enqueue_indirect_dma source(%dma_start3A_422 : memref<128x384xi32, #tpu.memory_space<vmem>>) target(%dma_start3A_432 : memref<8192x384xi32, #tpu.memory_space<hbm>>) offsets(%dma_start3A_429 : memref<128xi32, #tpu.memory_space<vmem>>) semaphore(%run_scoped3A_418 : memref<!tpu.dma_semaphore, #tpu.memory_space<semaphore_mem>>)
            %dma_wait3A = arith.constant 0 : i32
            %dma_wait3A_433 = arith.constant 0 : i32
            %dma_wait3A_434 = tpu.memref_slice %run_scoped3A[%rem3A_317, %dma_wait3A, %dma_wait3A_433] : memref<2x128x384xi32, #tpu.memory_space<vmem>> -> memref<1x128x384xi32, #tpu.memory_space<vmem>>
            %dma_wait3A_435 = tpu.memref_squeeze %dma_wait3A_434 : memref<1x128x384xi32, #tpu.memory_space<vmem>> -> memref<128x384xi32, #tpu.memory_space<vmem>>
            %dma_wait3A_436 = arith.constant 0 : i32
            %dma_wait3A_437 = arith.constant 0 : i32
            %dma_wait3A_438 = tpu.memref_slice %run_scoped3A_20[%rem3A_321, %dma_wait3A_436, %dma_wait3A_437] : memref<2x1x128xi32, #tpu.memory_space<vmem>> -> memref<1x1x128xi32, #tpu.memory_space<vmem>>
            %dma_wait3A_439 = tpu.memref_squeeze %dma_wait3A_438 : memref<1x1x128xi32, #tpu.memory_space<vmem>> -> memref<1x128xi32, #tpu.memory_space<vmem>>
            %dma_wait3A_440 = arith.constant 0 : i32
            %dma_wait3A_441 = tpu.memref_slice %dma_wait3A_439[%run_scoped3A_323, %dma_wait3A_440] : memref<1x128xi32, #tpu.memory_space<vmem>> -> memref<1x128xi32, #tpu.memory_space<vmem>>
            %dma_wait3A_442 = tpu.memref_squeeze %dma_wait3A_441 : memref<1x128xi32, #tpu.memory_space<vmem>> -> memref<128xi32, #tpu.memory_space<vmem>>
            %dma_wait3A_443 = arith.constant 0 : i32
            %dma_wait3A_444 = arith.constant 0 : i32
            %dma_wait3A_445 = tpu.memref_slice %arg5[%dma_wait3A_443, %dma_wait3A_444] : memref<8192x384xi32, #tpu.memory_space<hbm>> -> memref<8192x384xi32, #tpu.memory_space<hbm>>
            tpu.wait_indirect_dma semaphore(%run_scoped3A_418 : memref<!tpu.dma_semaphore, #tpu.memory_space<semaphore_mem>>) src(%dma_wait3A_435 : memref<128x384xi32, #tpu.memory_space<vmem>>) dst(%dma_wait3A_445 : memref<8192x384xi32, #tpu.memory_space<hbm>>)
            tpu.yield
          }) : () -> ()
          "tpu.trace_stop"() : () -> ()
          %ne3A_324 = arith.cmpi ne, %add3A_212, %add3A_230 : i32
          %or3A_325 = arith.constant false
          %or3A_326 = arith.ori %or3A_325, %ne3A_324 : i1
          %or3A_327 = arith.constant false
          %or3A_328 = arith.ori %or3A_326, %or3A_327 : i1
          %or3A_329 = arith.ori %or3A_328, %eq3A_211 : i1
          %convert_element_type3A_330 = arith.extui %or3A_329 : i1 to i32
          %cond3A_331 = arith.constant 0 : i32
          %cond3A_332 = arith.cmpi ne, %convert_element_type3A_330, %cond3A_331 : i32
          scf.if %cond3A_332 {
          } else {
          }
          %and3A_333 = arith.constant false
          %and3A_334 = arith.andi %or3A_329, %and3A_333 : i1
          %ne3A_335 = arith.cmpi ne, %add3A_212, %add3A_230 : i32
          %or3A_336 = arith.constant false
          %or3A_337 = arith.ori %or3A_336, %ne3A_335 : i1
          %or3A_338 = arith.ori %or3A_337, %eq3A_211 : i1
          %convert_element_type3A_339 = arith.extui %or3A_338 : i1 to i32
          %cond3A_340 = arith.constant 0 : i32
          %cond3A_341 = arith.cmpi ne, %convert_element_type3A_339, %cond3A_340 : i32
          scf.if %cond3A_341 {
          } else {
          }
          %and3A_342 = arith.constant false
          %and3A_343 = arith.andi %or3A_338, %and3A_342 : i1
          %ne3A_344 = arith.cmpi ne, %add3A_212, %add3A_230 : i32
          %or3A_345 = arith.constant false
          %or3A_346 = arith.ori %or3A_345, %ne3A_344 : i1
          %or3A_347 = arith.ori %or3A_346, %eq3A_211 : i1
          %convert_element_type3A_348 = arith.extui %or3A_347 : i1 to i32
          %cond3A_349 = arith.constant 0 : i32
          %cond3A_350 = arith.cmpi ne, %convert_element_type3A_348, %cond3A_349 : i32
          scf.if %cond3A_350 {
          } else {
          }
          %and3A_351 = arith.constant false
          %and3A_352 = arith.andi %or3A_347, %and3A_351 : i1
          %ne3A_353 = arith.cmpi ne, %add3A_212, %add3A_222 : i32
          %or3A_354 = arith.constant false
          %or3A_355 = arith.ori %or3A_354, %ne3A_353 : i1
          %or3A_356 = arith.constant false
          %or3A_357 = arith.ori %or3A_355, %or3A_356 : i1
          %not3A_358 = arith.constant true
          %not3A_359 = arith.xori %eq3A_208, %not3A_358 : i1
          %and3A_360 = arith.andi %or3A_357, %not3A_359 : i1
          %convert_element_type3A_361 = arith.extui %and3A_360 : i1 to i32
          %cond3A_362 = arith.constant 0 : i32
          %cond3A_363 = arith.cmpi ne, %convert_element_type3A_361, %cond3A_362 : i32
          scf.if %cond3A_363 {
          } else {
          }
          %and3A_364 = arith.constant false
          %and3A_365 = arith.andi %and3A_360, %and3A_364 : i1
          %ne3A_366 = arith.cmpi ne, %add3A_212, %add3A_222 : i32
          %or3A_367 = arith.constant false
          %or3A_368 = arith.ori %or3A_367, %ne3A_366 : i1
          %not3A_369 = arith.constant true
          %not3A_370 = arith.xori %eq3A_208, %not3A_369 : i1
          %and3A_371 = arith.andi %or3A_368, %not3A_370 : i1
          %convert_element_type3A_372 = arith.extui %and3A_371 : i1 to i32
          %cond3A_373 = arith.constant 0 : i32
          %cond3A_374 = arith.cmpi ne, %convert_element_type3A_372, %cond3A_373 : i32
          scf.if %cond3A_374 {
          } else {
          }
          %and3A_375 = arith.constant false
          %and3A_376 = arith.andi %and3A_371, %and3A_375 : i1
          %ne3A_377 = arith.cmpi ne, %add3A_212, %add3A_222 : i32
          %or3A_378 = arith.constant false
          %or3A_379 = arith.ori %or3A_378, %ne3A_377 : i1
          %not3A_380 = arith.constant true
          %not3A_381 = arith.xori %eq3A_208, %not3A_380 : i1
          %and3A_382 = arith.andi %or3A_379, %not3A_381 : i1
          %convert_element_type3A_383 = arith.extui %and3A_382 : i1 to i32
          %cond3A_384 = arith.constant 0 : i32
          %cond3A_385 = arith.cmpi ne, %convert_element_type3A_383, %cond3A_384 : i32
          scf.if %cond3A_385 {
          } else {
          }
          %and3A_386 = arith.constant false
          %and3A_387 = arith.andi %and3A_382, %and3A_386 : i1
          %ne3A_388 = arith.cmpi ne, %add3A_212, %add3A_230 : i32
          %or3A_389 = arith.constant false
          %or3A_390 = arith.ori %or3A_389, %ne3A_388 : i1
          %or3A_391 = arith.constant false
          %or3A_392 = arith.ori %or3A_390, %or3A_391 : i1
          %or3A_393 = arith.ori %or3A_392, %eq3A_211 : i1
          %add3A_394 = arith.constant 1 : i32
          %add3A_395 = arith.addi %while3A_199, %add3A_394 : i32
          %select_n3A_396 = arith.select %or3A_393, %add3A_395, %while3A_199 : i32
          %ne3A_397 = arith.cmpi ne, %add3A_212, %add3A_230 : i32
          %or3A_398 = arith.constant false
          %or3A_399 = arith.ori %or3A_398, %ne3A_397 : i1
          %or3A_400 = arith.ori %or3A_399, %eq3A_211 : i1
          %add3A_401 = arith.constant 1 : i32
          %add3A_402 = arith.addi %while3A_201, %add3A_401 : i32
          %select_n3A_403 = arith.select %or3A_400, %add3A_402, %while3A_201 : i32
          %ne3A_404 = arith.cmpi ne, %add3A_212, %add3A_230 : i32
          %or3A_405 = arith.constant false
          %or3A_406 = arith.ori %or3A_405, %ne3A_404 : i1
          %or3A_407 = arith.ori %or3A_406, %eq3A_211 : i1
          %add3A_408 = arith.constant 1 : i32
          %add3A_409 = arith.addi %while3A_203, %add3A_408 : i32
          %select_n3A_410 = arith.select %or3A_407, %add3A_409, %while3A_203 : i32
          %add3A_411 = arith.constant 1 : i32
          %add3A_412 = arith.addi %while3A_204, %add3A_411 : i32
          %select_n3A_413 = arith.constant true
          %select_n3A_414 = arith.select %select_n3A_413, %add3A_412, %while3A_204 : i32
          %eq3A_415 = arith.cmpi eq, %select_n3A_414, %select_n3A : i32
          %select_n3A_416 = arith.constant 0 : i32
          %select_n3A_417 = arith.select %eq3A_415, %select_n3A_416, %select_n3A_414 : i32
          scf.yield %select_n3A_254, %select_n3A_396, %select_n3A_273, %select_n3A_403, %select_n3A_292, %select_n3A_410, %select_n3A_417 : i32, i32, i32, i32, i32, i32, i32
        }
        %sub3A_143 = arith.constant 1 : i32
        %sub3A_144 = arith.subi %while3A_142#6, %sub3A_143 : i32
        %select_n3A_145 = arith.constant true
        %select_n3A_146 = arith.select %select_n3A_145, %sub3A_144, %while3A_142#6 : i32
        %eq3A_147 = arith.constant -1 : i32
        %eq3A_148 = arith.cmpi eq, %select_n3A_146, %eq3A_147 : i32
        %sub3A_149 = arith.constant 1 : i32
        %sub3A_150 = arith.subi %select_n3A, %sub3A_149 : i32
        %select_n3A_151 = arith.select %eq3A_148, %sub3A_150, %select_n3A_146 : i32
        %sub3A_152 = arith.constant 1 : i32
        %sub3A_153 = arith.subi %mul3A_16, %sub3A_152 : i32
        %mul3A_154 = arith.constant 1 : i32
        %mul3A_155 = arith.muli %mul3A_154, %select_n3A : i32
        %eq3A_156 = arith.constant 0 : i32
        %eq3A_157 = arith.cmpi eq, %sub3A_153, %eq3A_156 : i32
        %sub3A_158 = arith.constant 1 : i32
        %sub3A_159 = arith.subi %mul3A_155, %sub3A_158 : i32
        %eq3A_160 = arith.cmpi eq, %sub3A_153, %sub3A_159 : i32
        %add3A_161 = arith.addi %select_n3A_151, %select_n3A_14 : i32
        %sub3A_162 = arith.constant 1 : i32
        %sub3A_163 = arith.subi %select_n3A_151, %sub3A_162 : i32
        %select_n3A_164 = arith.constant true
        %select_n3A_165 = arith.select %select_n3A_164, %sub3A_163, %select_n3A_151 : i32
        %eq3A_166 = arith.constant -1 : i32
        %eq3A_167 = arith.cmpi eq, %select_n3A_165, %eq3A_166 : i32
        %sub3A_168 = arith.constant 1 : i32
        %sub3A_169 = arith.subi %select_n3A, %sub3A_168 : i32
        %select_n3A_170 = arith.select %eq3A_167, %sub3A_169, %select_n3A_165 : i32
        %add3A_171 = arith.addi %select_n3A_170, %select_n3A_14 : i32
        %add3A_172 = arith.constant 1 : i32
        %add3A_173 = arith.addi %select_n3A_151, %add3A_172 : i32
        %select_n3A_174 = arith.constant true
        %select_n3A_175 = arith.select %select_n3A_174, %add3A_173, %select_n3A_151 : i32
        %eq3A_176 = arith.cmpi eq, %select_n3A_175, %select_n3A : i32
        %select_n3A_177 = arith.constant 0 : i32
        %select_n3A_178 = arith.select %eq3A_176, %select_n3A_177, %select_n3A_175 : i32
        %add3A_179 = arith.addi %select_n3A_178, %select_n3A_14 : i32
        %add3A_180 = arith.constant 1 : i32
        %add3A_181 = arith.addi %select_n3A_178, %add3A_180 : i32
        %select_n3A_182 = arith.constant true
        %select_n3A_183 = arith.select %select_n3A_182, %add3A_181, %select_n3A_178 : i32
        %eq3A_184 = arith.cmpi eq, %select_n3A_183, %select_n3A : i32
        %select_n3A_185 = arith.constant 0 : i32
        %select_n3A_186 = arith.select %eq3A_184, %select_n3A_185, %select_n3A_183 : i32
        %add3A_187 = arith.addi %select_n3A_186, %select_n3A_14 : i32
        %convert_element_type3A_188 = arith.extui %eq3A_160 : i1 to i32
        %cond3A_189 = arith.constant 0 : i32
        %cond3A_190 = arith.cmpi ne, %convert_element_type3A_188, %cond3A_189 : i32
        scf.if %cond3A_190 {
        } else {
        }
        %convert_element_type3A_191 = arith.extui %eq3A_160 : i1 to i32
        %cond3A_192 = arith.constant 0 : i32
        %cond3A_193 = arith.cmpi ne, %convert_element_type3A_191, %cond3A_192 : i32
        scf.if %cond3A_193 {
        } else {
        }
        %convert_element_type3A_194 = arith.extui %eq3A_160 : i1 to i32
        %cond3A_195 = arith.constant 0 : i32
        %cond3A_196 = arith.cmpi ne, %convert_element_type3A_194, %cond3A_195 : i32
        scf.if %cond3A_196 {
        } else {
        }
      } else {
      }
      tpu.yield
    }) : () -> ()
    return
  }
}

#map = affine_map<(d0, d1) -> (0, 0)>
module attributes {stable_mosaic.version = 14 : i64} {
  func.func @gath(%arg0: i32, %arg1: i32, %arg2: memref<8192x384xi32, #tpu.memory_space<hbm>>, %arg3: memref<1x4096xi32, #tpu.memory_space<hbm>>, %arg4: memref<4096x384xi32, #tpu.memory_space<hbm>>) attributes {dimension_semantics = [#tpu.dimension_semantics<core_parallel>, #tpu.dimension_semantics<subcore_parallel>], iteration_bounds = array<i64: 2, 16>, scalar_prefetch = 0 : i64, scratch_operands = 0 : i64, tpu.core_type = #tpu.core_type<sc_vector_subcore>, window_params = [{transform_indices = #map}, {transform_indices = #map}, {transform_indices = #map}]} {
    %mul3A = arith.constant 1 : i32
    %mul3A_0 = arith.muli %arg1, %mul3A : i32
    %add3A = arith.constant 0 : i32
    %add3A_1 = arith.addi %add3A, %mul3A_0 : i32
    %mul3A_2 = arith.constant 16 : i32
    %mul3A_3 = arith.muli %arg0, %mul3A_2 : i32
    %add3A_4 = arith.addi %add3A_1, %mul3A_3 : i32
    %mul3A_5 = arith.constant 1 : i32
    %mul3A_6 = arith.muli %add3A_4, %mul3A_5 : i32
    "tpu.region"() ({
      %run_scoped3A = memref.alloca() : memref<2x1x128xi32, #tpu.memory_space<vmem>>
      %run_scoped3A_7 = tpu.sem_alloc : memref<2x!tpu.dma_semaphore, #tpu.memory_space<semaphore_mem>>
      %run_scoped3A_8 = memref.alloca() : memref<2x128x384xi32, #tpu.memory_space<vmem>>
      %run_scoped3A_9 = tpu.sem_alloc : memref<2x!tpu.dma_semaphore, #tpu.memory_space<semaphore_mem>>
      %add3A_10 = arith.constant 0 : i32
      %add3A_11 = arith.addi %add3A_10, %mul3A_6 : i32
      %select_n3A = arith.constant true
      %select_n3A_12 = arith.constant 0 : i32
      %select_n3A_13 = arith.constant -1 : i32
      %select_n3A_14 = arith.select %select_n3A, %select_n3A_13, %select_n3A_12 : i32
      %eq3A = arith.constant -1 : i32
      %eq3A_15 = arith.cmpi eq, %select_n3A_14, %eq3A : i32
      %select_n3A_16 = arith.constant 0 : i32
      %select_n3A_17 = arith.select %eq3A_15, %select_n3A_16, %select_n3A_14 : i32
      %add3A_18 = arith.constant 0 : i32
      %add3A_19 = arith.addi %add3A_18, %mul3A_6 : i32
      %select_n3A_20 = arith.constant true
      %select_n3A_21 = arith.constant 0 : i32
      %select_n3A_22 = arith.constant 1 : i32
      %select_n3A_23 = arith.select %select_n3A_20, %select_n3A_22, %select_n3A_21 : i32
      %eq3A_24 = arith.constant 1 : i32
      %eq3A_25 = arith.cmpi eq, %select_n3A_23, %eq3A_24 : i32
      %select_n3A_26 = arith.constant 0 : i32
      %select_n3A_27 = arith.select %eq3A_25, %select_n3A_26, %select_n3A_23 : i32
      %add3A_28 = arith.constant 0 : i32
      %add3A_29 = arith.addi %add3A_28, %mul3A_6 : i32
      %select_n3A_30 = arith.constant true
      %select_n3A_31 = arith.constant 0 : i32
      %select_n3A_32 = arith.constant 1 : i32
      %select_n3A_33 = arith.select %select_n3A_30, %select_n3A_32, %select_n3A_31 : i32
      %eq3A_34 = arith.constant 1 : i32
      %eq3A_35 = arith.cmpi eq, %select_n3A_33, %eq3A_34 : i32
      %select_n3A_36 = arith.constant 0 : i32
      %select_n3A_37 = arith.select %eq3A_35, %select_n3A_36, %select_n3A_33 : i32
      %add3A_38 = arith.constant 0 : i32
      %add3A_39 = arith.addi %add3A_38, %mul3A_6 : i32
      "tpu.trace_start"() <{level = 10 : i32, message = "ep_initialize_0"}> : () -> ()
      %rem3A = arith.constant 0 : i32
      %rem3A_40 = arith.constant 2 : i32
      %rem3A_41 = arith.remui %rem3A, %rem3A_40 : i32
      %mul3A_42 = arith.constant 128 : i32
      %mul3A_43 = arith.muli %mul3A_42, %add3A_11 : i32
      %dma_start3A = arith.constant 0 : i32
      %dma_start3A_44 = arith.constant 0 : i32
      %dma_start3A_45 = tpu.memref_slice %run_scoped3A[%rem3A_41, %dma_start3A, %dma_start3A_44] : memref<2x1x128xi32, #tpu.memory_space<vmem>> -> memref<1x1x128xi32, #tpu.memory_space<vmem>>
      %dma_start3A_46 = tpu.memref_squeeze %dma_start3A_45 : memref<1x1x128xi32, #tpu.memory_space<vmem>> -> memref<1x128xi32, #tpu.memory_space<vmem>>
      %dma_start3A_47 = arith.constant 0 : i32
      %dma_start3A_48 = tpu.memref_slice %arg3[%dma_start3A_47, %mul3A_43] : memref<1x4096xi32, #tpu.memory_space<hbm>> -> memref<1x128xi32, #tpu.memory_space<hbm>>
      %dma_start3A_49 = tpu.memref_slice %run_scoped3A_7[%rem3A_41] : memref<2x!tpu.dma_semaphore, #tpu.memory_space<semaphore_mem>> -> memref<1x!tpu.dma_semaphore, #tpu.memory_space<semaphore_mem>>
      %dma_start3A_50 = tpu.memref_squeeze %dma_start3A_49 : memref<1x!tpu.dma_semaphore, #tpu.memory_space<semaphore_mem>> -> memref<!tpu.dma_semaphore, #tpu.memory_space<semaphore_mem>>
      %dma_start3A_51 = arith.constant 0 : i32
      %dma_start3A_52 = arith.constant 0 : i32
      %dma_start3A_53 = tpu.memref_slice %run_scoped3A[%rem3A_41, %dma_start3A_51, %dma_start3A_52] : memref<2x1x128xi32, #tpu.memory_space<vmem>> -> memref<1x1x128xi32, #tpu.memory_space<vmem>>
      %dma_start3A_54 = tpu.memref_squeeze %dma_start3A_53 : memref<1x1x128xi32, #tpu.memory_space<vmem>> -> memref<1x128xi32, #tpu.memory_space<vmem>>
      %dma_start3A_55 = arith.constant 0 : i32
      %dma_start3A_56 = tpu.memref_slice %arg3[%dma_start3A_55, %mul3A_43] : memref<1x4096xi32, #tpu.memory_space<hbm>> -> memref<1x128xi32, #tpu.memory_space<hbm>>
      tpu.enqueue_dma source(%dma_start3A_56 : memref<1x128xi32, #tpu.memory_space<hbm>>) target(%dma_start3A_54 : memref<1x128xi32, #tpu.memory_space<vmem>>) target_semaphore(%dma_start3A_50 : memref<!tpu.dma_semaphore, #tpu.memory_space<semaphore_mem>>)
      %add3A_57 = arith.constant 0 : i32
      %add3A_58 = arith.constant 1 : i32
      %add3A_59 = arith.addi %add3A_57, %add3A_58 : i32
      %select_n3A_60 = arith.constant true
      %select_n3A_61 = arith.constant 0 : i32
      %select_n3A_62 = arith.select %select_n3A_60, %add3A_59, %select_n3A_61 : i32
      "tpu.trace_stop"() : () -> ()
      %scan3A = arith.constant 0 : i32
      %scan3A_63 = arith.constant 0 : i32
      %scan3A_64 = arith.constant 0 : i32
      %scan3A_65 = arith.constant 0 : i32
      %scan3A_66 = arith.constant 0 : i32
      %eq3A_67 = arith.constant 0 : i32
      %eq3A_68 = arith.cmpi eq, %scan3A_66, %eq3A_67 : i32
      %eq3A_69 = arith.constant 0 : i32
      %eq3A_70 = arith.cmpi eq, %scan3A_66, %eq3A_69 : i32
      %add3A_71 = arith.constant 0 : i32
      %add3A_72 = arith.addi %add3A_71, %mul3A_6 : i32
      %select_n3A_73 = arith.constant true
      %select_n3A_74 = arith.constant 0 : i32
      %select_n3A_75 = arith.constant -1 : i32
      %select_n3A_76 = arith.select %select_n3A_73, %select_n3A_75, %select_n3A_74 : i32
      %eq3A_77 = arith.constant -1 : i32
      %eq3A_78 = arith.cmpi eq, %select_n3A_76, %eq3A_77 : i32
      %select_n3A_79 = arith.constant 0 : i32
      %select_n3A_80 = arith.select %eq3A_78, %select_n3A_79, %select_n3A_76 : i32
      %add3A_81 = arith.constant 0 : i32
      %add3A_82 = arith.addi %add3A_81, %mul3A_6 : i32
      %select_n3A_83 = arith.constant true
      %select_n3A_84 = arith.constant 0 : i32
      %select_n3A_85 = arith.constant 1 : i32
      %select_n3A_86 = arith.select %select_n3A_83, %select_n3A_85, %select_n3A_84 : i32
      %eq3A_87 = arith.constant 1 : i32
      %eq3A_88 = arith.cmpi eq, %select_n3A_86, %eq3A_87 : i32
      %select_n3A_89 = arith.constant 0 : i32
      %select_n3A_90 = arith.select %eq3A_88, %select_n3A_89, %select_n3A_86 : i32
      %add3A_91 = arith.constant 0 : i32
      %add3A_92 = arith.addi %add3A_91, %mul3A_6 : i32
      %select_n3A_93 = arith.constant true
      %select_n3A_94 = arith.constant 0 : i32
      %select_n3A_95 = arith.constant 1 : i32
      %select_n3A_96 = arith.select %select_n3A_93, %select_n3A_95, %select_n3A_94 : i32
      %eq3A_97 = arith.constant 1 : i32
      %eq3A_98 = arith.cmpi eq, %select_n3A_96, %eq3A_97 : i32
      %select_n3A_99 = arith.constant 0 : i32
      %select_n3A_100 = arith.select %eq3A_98, %select_n3A_99, %select_n3A_96 : i32
      %add3A_101 = arith.constant 0 : i32
      %add3A_102 = arith.addi %add3A_101, %mul3A_6 : i32
      %ne3A = arith.cmpi ne, %add3A_72, %add3A_92 : i32
      %or3A = arith.constant false
      %or3A_103 = arith.ori %or3A, %ne3A : i1
      %ge3A = arith.constant 0 : i32
      %ge3A_104 = arith.cmpi sge, %scan3A_66, %ge3A : i32
      %not3A = arith.constant true
      %not3A_105 = arith.xori %ge3A_104, %not3A : i1
      %and3A = arith.andi %or3A_103, %not3A_105 : i1
      %convert_element_type3A = arith.extui %and3A : i1 to i32
      %cond3A = arith.constant 0 : i32
      %cond3A_106 = arith.cmpi ne, %convert_element_type3A, %cond3A : i32
      scf.if %cond3A_106 {
        "tpu.trace_start"() <{level = 10 : i32, message = "ep_copy_in"}> : () -> ()
        %rem3A_266 = arith.constant 2 : i32
        %rem3A_267 = arith.remui %select_n3A_62, %rem3A_266 : i32
        %mul3A_268 = arith.constant 128 : i32
        %mul3A_269 = arith.muli %mul3A_268, %add3A_92 : i32
        %dma_start3A_270 = arith.constant 0 : i32
        %dma_start3A_271 = arith.constant 0 : i32
        %dma_start3A_272 = tpu.memref_slice %run_scoped3A[%rem3A_267, %dma_start3A_270, %dma_start3A_271] : memref<2x1x128xi32, #tpu.memory_space<vmem>> -> memref<1x1x128xi32, #tpu.memory_space<vmem>>
        %dma_start3A_273 = tpu.memref_squeeze %dma_start3A_272 : memref<1x1x128xi32, #tpu.memory_space<vmem>> -> memref<1x128xi32, #tpu.memory_space<vmem>>
        %dma_start3A_274 = arith.constant 0 : i32
        %dma_start3A_275 = tpu.memref_slice %arg3[%dma_start3A_274, %mul3A_269] : memref<1x4096xi32, #tpu.memory_space<hbm>> -> memref<1x128xi32, #tpu.memory_space<hbm>>
        %dma_start3A_276 = tpu.memref_slice %run_scoped3A_7[%rem3A_267] : memref<2x!tpu.dma_semaphore, #tpu.memory_space<semaphore_mem>> -> memref<1x!tpu.dma_semaphore, #tpu.memory_space<semaphore_mem>>
        %dma_start3A_277 = tpu.memref_squeeze %dma_start3A_276 : memref<1x!tpu.dma_semaphore, #tpu.memory_space<semaphore_mem>> -> memref<!tpu.dma_semaphore, #tpu.memory_space<semaphore_mem>>
        %dma_start3A_278 = arith.constant 0 : i32
        %dma_start3A_279 = arith.constant 0 : i32
        %dma_start3A_280 = tpu.memref_slice %run_scoped3A[%rem3A_267, %dma_start3A_278, %dma_start3A_279] : memref<2x1x128xi32, #tpu.memory_space<vmem>> -> memref<1x1x128xi32, #tpu.memory_space<vmem>>
        %dma_start3A_281 = tpu.memref_squeeze %dma_start3A_280 : memref<1x1x128xi32, #tpu.memory_space<vmem>> -> memref<1x128xi32, #tpu.memory_space<vmem>>
        %dma_start3A_282 = arith.constant 0 : i32
        %dma_start3A_283 = tpu.memref_slice %arg3[%dma_start3A_282, %mul3A_269] : memref<1x4096xi32, #tpu.memory_space<hbm>> -> memref<1x128xi32, #tpu.memory_space<hbm>>
        tpu.enqueue_dma source(%dma_start3A_283 : memref<1x128xi32, #tpu.memory_space<hbm>>) target(%dma_start3A_281 : memref<1x128xi32, #tpu.memory_space<vmem>>) target_semaphore(%dma_start3A_277 : memref<!tpu.dma_semaphore, #tpu.memory_space<semaphore_mem>>)
        "tpu.trace_stop"() : () -> ()
      } else {
      }
      %and3A_107 = arith.constant true
      %and3A_108 = arith.andi %and3A, %and3A_107 : i1
      %add3A_109 = arith.constant 1 : i32
      %add3A_110 = arith.addi %select_n3A_62, %add3A_109 : i32
      %select_n3A_111 = arith.select %and3A_108, %add3A_110, %select_n3A_62 : i32
      %ne3A_112 = arith.cmpi ne, %add3A_72, %add3A_92 : i32
      %or3A_113 = arith.constant false
      %or3A_114 = arith.ori %or3A_113, %ne3A_112 : i1
      %or3A_115 = arith.constant false
      %or3A_116 = arith.ori %or3A_114, %or3A_115 : i1
      %ge3A_117 = arith.constant 0 : i32
      %ge3A_118 = arith.cmpi sge, %scan3A_66, %ge3A_117 : i32
      %not3A_119 = arith.constant true
      %not3A_120 = arith.xori %ge3A_118, %not3A_119 : i1
      %and3A_121 = arith.andi %or3A_116, %not3A_120 : i1
      %ne3A_122 = arith.cmpi ne, %add3A_72, %add3A_82 : i32
      %or3A_123 = arith.constant false
      %or3A_124 = arith.ori %or3A_123, %ne3A_122 : i1
      %or3A_125 = arith.ori %or3A_124, %eq3A_68 : i1
      %convert_element_type3A_126 = arith.extui %or3A_125 : i1 to i32
      %cond3A_127 = arith.constant 0 : i32
      %cond3A_128 = arith.cmpi ne, %convert_element_type3A_126, %cond3A_127 : i32
      scf.if %cond3A_128 {
        "tpu.trace_start"() <{level = 10 : i32, message = "ep_wait_in"}> : () -> ()
        %mul3A_266 = arith.constant 128 : i32
        %mul3A_267 = arith.muli %mul3A_266, %add3A_72 : i32
        %rem3A_268 = arith.constant 2 : i32
        %rem3A_269 = arith.remui %scan3A, %rem3A_268 : i32
        %dma_wait3A_270 = arith.constant 0 : i32
        %dma_wait3A_271 = arith.constant 0 : i32
        %dma_wait3A_272 = tpu.memref_slice %run_scoped3A[%rem3A_269, %dma_wait3A_270, %dma_wait3A_271] : memref<2x1x128xi32, #tpu.memory_space<vmem>> -> memref<1x1x128xi32, #tpu.memory_space<vmem>>
        %dma_wait3A_273 = tpu.memref_squeeze %dma_wait3A_272 : memref<1x1x128xi32, #tpu.memory_space<vmem>> -> memref<1x128xi32, #tpu.memory_space<vmem>>
        %dma_wait3A_274 = arith.constant 0 : i32
        %dma_wait3A_275 = tpu.memref_slice %arg3[%dma_wait3A_274, %mul3A_267] : memref<1x4096xi32, #tpu.memory_space<hbm>> -> memref<1x128xi32, #tpu.memory_space<hbm>>
        %dma_wait3A_276 = tpu.memref_slice %run_scoped3A_7[%rem3A_269] : memref<2x!tpu.dma_semaphore, #tpu.memory_space<semaphore_mem>> -> memref<1x!tpu.dma_semaphore, #tpu.memory_space<semaphore_mem>>
        %dma_wait3A_277 = tpu.memref_squeeze %dma_wait3A_276 : memref<1x!tpu.dma_semaphore, #tpu.memory_space<semaphore_mem>> -> memref<!tpu.dma_semaphore, #tpu.memory_space<semaphore_mem>>
        %dma_wait3A_278 = arith.constant 0 : i32
        %dma_wait3A_279 = arith.constant 0 : i32
        %dma_wait3A_280 = tpu.memref_slice %run_scoped3A[%rem3A_269, %dma_wait3A_278, %dma_wait3A_279] : memref<2x1x128xi32, #tpu.memory_space<vmem>> -> memref<1x1x128xi32, #tpu.memory_space<vmem>>
        %dma_wait3A_281 = tpu.memref_squeeze %dma_wait3A_280 : memref<1x1x128xi32, #tpu.memory_space<vmem>> -> memref<1x128xi32, #tpu.memory_space<vmem>>
        %dma_wait3A_282 = arith.constant 0 : i32
        %dma_wait3A_283 = tpu.memref_slice %arg3[%dma_wait3A_282, %mul3A_267] : memref<1x4096xi32, #tpu.memory_space<hbm>> -> memref<1x128xi32, #tpu.memory_space<hbm>>
        tpu.wait_dma2 semaphore(%dma_wait3A_277 : memref<!tpu.dma_semaphore, #tpu.memory_space<semaphore_mem>>) src(%dma_wait3A_283 : memref<1x128xi32, #tpu.memory_space<hbm>>) dst(%dma_wait3A_281 : memref<1x128xi32, #tpu.memory_space<vmem>>)
        "tpu.trace_stop"() : () -> ()
      } else {
      }
      %ne3A_129 = arith.cmpi ne, %add3A_72, %add3A_82 : i32
      %or3A_130 = arith.constant false
      %or3A_131 = arith.ori %or3A_130, %ne3A_129 : i1
      %or3A_132 = arith.constant false
      %or3A_133 = arith.ori %or3A_131, %or3A_132 : i1
      %or3A_134 = arith.ori %or3A_133, %eq3A_68 : i1
      %convert_element_type3A_135 = arith.extui %or3A_134 : i1 to i32
      %cond3A_136 = arith.constant 0 : i32
      %cond3A_137 = arith.cmpi ne, %convert_element_type3A_135, %cond3A_136 : i32
      scf.if %cond3A_137 {
      } else {
      }
      %rem3A_138 = arith.constant 2 : i32
      %rem3A_139 = arith.remui %scan3A, %rem3A_138 : i32
      %rem3A_140 = arith.constant 2 : i32
      %rem3A_141 = arith.remui %scan3A_63, %rem3A_140 : i32
      %run_scoped3A_142 = arith.constant 0 : i32
      "tpu.trace_start"() <{level = 10 : i32, message = "ep_run_kernel"}> : () -> ()
      "tpu.region"() ({
        %run_scoped3A_266 = tpu.sem_alloc : memref<!tpu.dma_semaphore, #tpu.memory_space<semaphore_mem>>
        %dma_start3A_267 = arith.constant 0 : i32
        %dma_start3A_268 = arith.constant 0 : i32
        %dma_start3A_269 = tpu.memref_slice %run_scoped3A_8[%rem3A_141, %dma_start3A_267, %dma_start3A_268] : memref<2x128x384xi32, #tpu.memory_space<vmem>> -> memref<1x128x384xi32, #tpu.memory_space<vmem>>
        %dma_start3A_270 = tpu.memref_squeeze %dma_start3A_269 : memref<1x128x384xi32, #tpu.memory_space<vmem>> -> memref<128x384xi32, #tpu.memory_space<vmem>>
        %dma_start3A_271 = arith.constant 0 : i32
        %dma_start3A_272 = arith.constant 0 : i32
        %dma_start3A_273 = tpu.memref_slice %run_scoped3A[%rem3A_139, %dma_start3A_271, %dma_start3A_272] : memref<2x1x128xi32, #tpu.memory_space<vmem>> -> memref<1x1x128xi32, #tpu.memory_space<vmem>>
        %dma_start3A_274 = tpu.memref_squeeze %dma_start3A_273 : memref<1x1x128xi32, #tpu.memory_space<vmem>> -> memref<1x128xi32, #tpu.memory_space<vmem>>
        %dma_start3A_275 = arith.constant 0 : i32
        %dma_start3A_276 = tpu.memref_slice %dma_start3A_274[%run_scoped3A_142, %dma_start3A_275] : memref<1x128xi32, #tpu.memory_space<vmem>> -> memref<1x128xi32, #tpu.memory_space<vmem>>
        %dma_start3A_277 = tpu.memref_squeeze %dma_start3A_276 : memref<1x128xi32, #tpu.memory_space<vmem>> -> memref<128xi32, #tpu.memory_space<vmem>>
        %dma_start3A_278 = arith.constant 0 : i32
        %dma_start3A_279 = arith.constant 0 : i32
        %dma_start3A_280 = tpu.memref_slice %arg2[%dma_start3A_278, %dma_start3A_279] : memref<8192x384xi32, #tpu.memory_space<hbm>> -> memref<8192x384xi32, #tpu.memory_space<hbm>>
        tpu.enqueue_indirect_dma source(%dma_start3A_280 : memref<8192x384xi32, #tpu.memory_space<hbm>>) target(%dma_start3A_270 : memref<128x384xi32, #tpu.memory_space<vmem>>) offsets(%dma_start3A_277 : memref<128xi32, #tpu.memory_space<vmem>>) semaphore(%run_scoped3A_266 : memref<!tpu.dma_semaphore, #tpu.memory_space<semaphore_mem>>)
        %dma_wait3A_281 = arith.constant 0 : i32
        %dma_wait3A_282 = arith.constant 0 : i32
        %dma_wait3A_283 = tpu.memref_slice %run_scoped3A_8[%rem3A_141, %dma_wait3A_281, %dma_wait3A_282] : memref<2x128x384xi32, #tpu.memory_space<vmem>> -> memref<1x128x384xi32, #tpu.memory_space<vmem>>
        %dma_wait3A_284 = tpu.memref_squeeze %dma_wait3A_283 : memref<1x128x384xi32, #tpu.memory_space<vmem>> -> memref<128x384xi32, #tpu.memory_space<vmem>>
        %dma_wait3A_285 = arith.constant 0 : i32
        %dma_wait3A_286 = arith.constant 0 : i32
        %dma_wait3A_287 = tpu.memref_slice %run_scoped3A[%rem3A_139, %dma_wait3A_285, %dma_wait3A_286] : memref<2x1x128xi32, #tpu.memory_space<vmem>> -> memref<1x1x128xi32, #tpu.memory_space<vmem>>
        %dma_wait3A_288 = tpu.memref_squeeze %dma_wait3A_287 : memref<1x1x128xi32, #tpu.memory_space<vmem>> -> memref<1x128xi32, #tpu.memory_space<vmem>>
        %dma_wait3A_289 = arith.constant 0 : i32
        %dma_wait3A_290 = tpu.memref_slice %dma_wait3A_288[%run_scoped3A_142, %dma_wait3A_289] : memref<1x128xi32, #tpu.memory_space<vmem>> -> memref<1x128xi32, #tpu.memory_space<vmem>>
        %dma_wait3A_291 = tpu.memref_squeeze %dma_wait3A_290 : memref<1x128xi32, #tpu.memory_space<vmem>> -> memref<128xi32, #tpu.memory_space<vmem>>
        %dma_wait3A_292 = arith.constant 0 : i32
        %dma_wait3A_293 = arith.constant 0 : i32
        %dma_wait3A_294 = tpu.memref_slice %arg2[%dma_wait3A_292, %dma_wait3A_293] : memref<8192x384xi32, #tpu.memory_space<hbm>> -> memref<8192x384xi32, #tpu.memory_space<hbm>>
        tpu.wait_indirect_dma semaphore(%run_scoped3A_266 : memref<!tpu.dma_semaphore, #tpu.memory_space<semaphore_mem>>) src(%dma_wait3A_294 : memref<8192x384xi32, #tpu.memory_space<hbm>>) dst(%dma_wait3A_284 : memref<128x384xi32, #tpu.memory_space<vmem>>)
        tpu.yield
      }) : () -> ()
      "tpu.trace_stop"() : () -> ()
      %ne3A_143 = arith.cmpi ne, %add3A_72, %add3A_92 : i32
      %or3A_144 = arith.constant false
      %or3A_145 = arith.ori %or3A_144, %ne3A_143 : i1
      %or3A_146 = arith.ori %or3A_145, %eq3A_70 : i1
      %convert_element_type3A_147 = arith.extui %or3A_146 : i1 to i32
      %cond3A_148 = arith.constant 0 : i32
      %cond3A_149 = arith.cmpi ne, %convert_element_type3A_147, %cond3A_148 : i32
      scf.if %cond3A_149 {
      } else {
      }
      %and3A_150 = arith.constant false
      %and3A_151 = arith.andi %or3A_146, %and3A_150 : i1
      %ne3A_152 = arith.cmpi ne, %add3A_72, %add3A_92 : i32
      %or3A_153 = arith.constant false
      %or3A_154 = arith.ori %or3A_153, %ne3A_152 : i1
      %or3A_155 = arith.constant false
      %or3A_156 = arith.ori %or3A_154, %or3A_155 : i1
      %or3A_157 = arith.ori %or3A_156, %eq3A_70 : i1
      %convert_element_type3A_158 = arith.extui %or3A_157 : i1 to i32
      %cond3A_159 = arith.constant 0 : i32
      %cond3A_160 = arith.cmpi ne, %convert_element_type3A_158, %cond3A_159 : i32
      scf.if %cond3A_160 {
        "tpu.trace_start"() <{level = 10 : i32, message = "ep_copy_out"}> : () -> ()
        %rem3A_266 = arith.constant 2 : i32
        %rem3A_267 = arith.remui %scan3A_63, %rem3A_266 : i32
        %mul3A_268 = arith.constant 128 : i32
        %mul3A_269 = arith.muli %mul3A_268, %add3A_72 : i32
        %dma_start3A_270 = arith.constant 0 : i32
        %dma_start3A_271 = arith.constant 0 : i32
        %dma_start3A_272 = tpu.memref_slice %run_scoped3A_8[%rem3A_267, %dma_start3A_270, %dma_start3A_271] : memref<2x128x384xi32, #tpu.memory_space<vmem>> -> memref<1x128x384xi32, #tpu.memory_space<vmem>>
        %dma_start3A_273 = tpu.memref_squeeze %dma_start3A_272 : memref<1x128x384xi32, #tpu.memory_space<vmem>> -> memref<128x384xi32, #tpu.memory_space<vmem>>
        %dma_start3A_274 = arith.constant 0 : i32
        %dma_start3A_275 = tpu.memref_slice %arg4[%mul3A_269, %dma_start3A_274] : memref<4096x384xi32, #tpu.memory_space<hbm>> -> memref<128x384xi32, #tpu.memory_space<hbm>>
        %dma_start3A_276 = tpu.memref_slice %run_scoped3A_9[%rem3A_267] : memref<2x!tpu.dma_semaphore, #tpu.memory_space<semaphore_mem>> -> memref<1x!tpu.dma_semaphore, #tpu.memory_space<semaphore_mem>>
        %dma_start3A_277 = tpu.memref_squeeze %dma_start3A_276 : memref<1x!tpu.dma_semaphore, #tpu.memory_space<semaphore_mem>> -> memref<!tpu.dma_semaphore, #tpu.memory_space<semaphore_mem>>
        %dma_start3A_278 = arith.constant 0 : i32
        %dma_start3A_279 = tpu.memref_slice %arg4[%mul3A_269, %dma_start3A_278] : memref<4096x384xi32, #tpu.memory_space<hbm>> -> memref<128x384xi32, #tpu.memory_space<hbm>>
        %dma_start3A_280 = arith.constant 0 : i32
        %dma_start3A_281 = arith.constant 0 : i32
        %dma_start3A_282 = tpu.memref_slice %run_scoped3A_8[%rem3A_267, %dma_start3A_280, %dma_start3A_281] : memref<2x128x384xi32, #tpu.memory_space<vmem>> -> memref<1x128x384xi32, #tpu.memory_space<vmem>>
        %dma_start3A_283 = tpu.memref_squeeze %dma_start3A_282 : memref<1x128x384xi32, #tpu.memory_space<vmem>> -> memref<128x384xi32, #tpu.memory_space<vmem>>
        tpu.enqueue_dma source(%dma_start3A_283 : memref<128x384xi32, #tpu.memory_space<vmem>>) target(%dma_start3A_279 : memref<128x384xi32, #tpu.memory_space<hbm>>) target_semaphore(%dma_start3A_277 : memref<!tpu.dma_semaphore, #tpu.memory_space<semaphore_mem>>)
        "tpu.trace_stop"() : () -> ()
      } else {
      }
      %and3A_161 = arith.constant true
      %and3A_162 = arith.andi %or3A_157, %and3A_161 : i1
      %add3A_163 = arith.constant 1 : i32
      %add3A_164 = arith.addi %scan3A_63, %add3A_163 : i32
      %select_n3A_165 = arith.select %and3A_162, %add3A_164, %scan3A_63 : i32
      %ne3A_166 = arith.cmpi ne, %add3A_72, %add3A_82 : i32
      %or3A_167 = arith.constant false
      %or3A_168 = arith.ori %or3A_167, %ne3A_166 : i1
      %not3A_169 = arith.constant true
      %not3A_170 = arith.xori %eq3A_68, %not3A_169 : i1
      %and3A_171 = arith.andi %or3A_168, %not3A_170 : i1
      %convert_element_type3A_172 = arith.extui %and3A_171 : i1 to i32
      %cond3A_173 = arith.constant 0 : i32
      %cond3A_174 = arith.cmpi ne, %convert_element_type3A_172, %cond3A_173 : i32
      scf.if %cond3A_174 {
      } else {
      }
      %and3A_175 = arith.constant false
      %and3A_176 = arith.andi %and3A_171, %and3A_175 : i1
      %ne3A_177 = arith.cmpi ne, %add3A_72, %add3A_82 : i32
      %or3A_178 = arith.constant false
      %or3A_179 = arith.ori %or3A_178, %ne3A_177 : i1
      %or3A_180 = arith.constant false
      %or3A_181 = arith.ori %or3A_179, %or3A_180 : i1
      %not3A_182 = arith.constant true
      %not3A_183 = arith.xori %eq3A_68, %not3A_182 : i1
      %and3A_184 = arith.andi %or3A_181, %not3A_183 : i1
      %convert_element_type3A_185 = arith.extui %and3A_184 : i1 to i32
      %cond3A_186 = arith.constant 0 : i32
      %cond3A_187 = arith.cmpi ne, %convert_element_type3A_185, %cond3A_186 : i32
      scf.if %cond3A_187 {
        "tpu.trace_start"() <{level = 10 : i32, message = "ep_wait_out"}> : () -> ()
        %rem3A_266 = arith.constant 2 : i32
        %rem3A_267 = arith.remui %scan3A_64, %rem3A_266 : i32
        %mul3A_268 = arith.constant 128 : i32
        %mul3A_269 = arith.muli %mul3A_268, %add3A_82 : i32
        %dma_wait3A_270 = arith.constant 0 : i32
        %dma_wait3A_271 = arith.constant 0 : i32
        %dma_wait3A_272 = tpu.memref_slice %run_scoped3A_8[%rem3A_267, %dma_wait3A_270, %dma_wait3A_271] : memref<2x128x384xi32, #tpu.memory_space<vmem>> -> memref<1x128x384xi32, #tpu.memory_space<vmem>>
        %dma_wait3A_273 = tpu.memref_squeeze %dma_wait3A_272 : memref<1x128x384xi32, #tpu.memory_space<vmem>> -> memref<128x384xi32, #tpu.memory_space<vmem>>
        %dma_wait3A_274 = arith.constant 0 : i32
        %dma_wait3A_275 = tpu.memref_slice %arg4[%mul3A_269, %dma_wait3A_274] : memref<4096x384xi32, #tpu.memory_space<hbm>> -> memref<128x384xi32, #tpu.memory_space<hbm>>
        %dma_wait3A_276 = tpu.memref_slice %run_scoped3A_9[%rem3A_267] : memref<2x!tpu.dma_semaphore, #tpu.memory_space<semaphore_mem>> -> memref<1x!tpu.dma_semaphore, #tpu.memory_space<semaphore_mem>>
        %dma_wait3A_277 = tpu.memref_squeeze %dma_wait3A_276 : memref<1x!tpu.dma_semaphore, #tpu.memory_space<semaphore_mem>> -> memref<!tpu.dma_semaphore, #tpu.memory_space<semaphore_mem>>
        %dma_wait3A_278 = arith.constant 0 : i32
        %dma_wait3A_279 = tpu.memref_slice %arg4[%mul3A_269, %dma_wait3A_278] : memref<4096x384xi32, #tpu.memory_space<hbm>> -> memref<128x384xi32, #tpu.memory_space<hbm>>
        %dma_wait3A_280 = arith.constant 0 : i32
        %dma_wait3A_281 = arith.constant 0 : i32
        %dma_wait3A_282 = tpu.memref_slice %run_scoped3A_8[%rem3A_267, %dma_wait3A_280, %dma_wait3A_281] : memref<2x128x384xi32, #tpu.memory_space<vmem>> -> memref<1x128x384xi32, #tpu.memory_space<vmem>>
        %dma_wait3A_283 = tpu.memref_squeeze %dma_wait3A_282 : memref<1x128x384xi32, #tpu.memory_space<vmem>> -> memref<128x384xi32, #tpu.memory_space<vmem>>
        tpu.wait_dma2 semaphore(%dma_wait3A_277 : memref<!tpu.dma_semaphore, #tpu.memory_space<semaphore_mem>>) src(%dma_wait3A_283 : memref<128x384xi32, #tpu.memory_space<vmem>>) dst(%dma_wait3A_279 : memref<128x384xi32, #tpu.memory_space<hbm>>)
        "tpu.trace_stop"() : () -> ()
      } else {
      }
      %and3A_188 = arith.constant true
      %and3A_189 = arith.andi %and3A_184, %and3A_188 : i1
      %add3A_190 = arith.constant 1 : i32
      %add3A_191 = arith.addi %scan3A_64, %add3A_190 : i32
      %select_n3A_192 = arith.select %and3A_189, %add3A_191, %scan3A_64 : i32
      %ne3A_193 = arith.cmpi ne, %add3A_72, %add3A_92 : i32
      %or3A_194 = arith.constant false
      %or3A_195 = arith.ori %or3A_194, %ne3A_193 : i1
      %or3A_196 = arith.ori %or3A_195, %eq3A_70 : i1
      %add3A_197 = arith.constant 1 : i32
      %add3A_198 = arith.addi %scan3A, %add3A_197 : i32
      %select_n3A_199 = arith.select %or3A_196, %add3A_198, %scan3A : i32
      %select_n3A_200 = arith.constant true
      %select_n3A_201 = arith.constant 0 : i32
      %select_n3A_202 = arith.constant 1 : i32
      %select_n3A_203 = arith.select %select_n3A_200, %select_n3A_202, %select_n3A_201 : i32
      %eq3A_204 = arith.constant 1 : i32
      %eq3A_205 = arith.cmpi eq, %select_n3A_203, %eq3A_204 : i32
      %select_n3A_206 = arith.constant 0 : i32
      %select_n3A_207 = arith.select %eq3A_205, %select_n3A_206, %select_n3A_203 : i32
      %scan3A_208 = arith.constant 0 : i32
      %scan3A_209 = arith.constant 1 : i32
      %sub3A = arith.constant 1 : i32
      %sub3A_210 = arith.subi %scan3A_208, %sub3A : i32
      %select_n3A_211 = arith.constant true
      %select_n3A_212 = arith.select %select_n3A_211, %sub3A_210, %scan3A_208 : i32
      %eq3A_213 = arith.constant -1 : i32
      %eq3A_214 = arith.cmpi eq, %select_n3A_212, %eq3A_213 : i32
      %select_n3A_215 = arith.constant 0 : i32
      %select_n3A_216 = arith.select %eq3A_214, %select_n3A_215, %select_n3A_212 : i32
      %add3A_217 = arith.constant 0 : i32
      %add3A_218 = arith.addi %add3A_217, %mul3A_6 : i32
      %select_n3A_219 = arith.constant true
      %select_n3A_220 = arith.constant 0 : i32
      %select_n3A_221 = arith.constant -1 : i32
      %select_n3A_222 = arith.select %select_n3A_219, %select_n3A_221, %select_n3A_220 : i32
      %eq3A_223 = arith.constant -1 : i32
      %eq3A_224 = arith.cmpi eq, %select_n3A_222, %eq3A_223 : i32
      %select_n3A_225 = arith.constant 0 : i32
      %select_n3A_226 = arith.select %eq3A_224, %select_n3A_225, %select_n3A_222 : i32
      %add3A_227 = arith.constant 0 : i32
      %add3A_228 = arith.addi %add3A_227, %mul3A_6 : i32
      %select_n3A_229 = arith.constant true
      %select_n3A_230 = arith.constant 0 : i32
      %select_n3A_231 = arith.constant 1 : i32
      %select_n3A_232 = arith.select %select_n3A_229, %select_n3A_231, %select_n3A_230 : i32
      %eq3A_233 = arith.constant 1 : i32
      %eq3A_234 = arith.cmpi eq, %select_n3A_232, %eq3A_233 : i32
      %select_n3A_235 = arith.constant 0 : i32
      %select_n3A_236 = arith.select %eq3A_234, %select_n3A_235, %select_n3A_232 : i32
      %add3A_237 = arith.constant 0 : i32
      %add3A_238 = arith.addi %add3A_237, %mul3A_6 : i32
      %select_n3A_239 = arith.constant true
      %select_n3A_240 = arith.constant 0 : i32
      %select_n3A_241 = arith.constant 1 : i32
      %select_n3A_242 = arith.select %select_n3A_239, %select_n3A_241, %select_n3A_240 : i32
      %eq3A_243 = arith.constant 1 : i32
      %eq3A_244 = arith.cmpi eq, %select_n3A_242, %eq3A_243 : i32
      %select_n3A_245 = arith.constant 0 : i32
      %select_n3A_246 = arith.select %eq3A_244, %select_n3A_245, %select_n3A_242 : i32
      %add3A_247 = arith.constant 0 : i32
      %add3A_248 = arith.addi %add3A_247, %mul3A_6 : i32
      "tpu.trace_start"() <{level = 10 : i32, message = "ep_finalize"}> : () -> ()
      %rem3A_249 = arith.constant 2 : i32
      %rem3A_250 = arith.remui %select_n3A_192, %rem3A_249 : i32
      %mul3A_251 = arith.constant 128 : i32
      %mul3A_252 = arith.muli %mul3A_251, %add3A_218 : i32
      %dma_wait3A = arith.constant 0 : i32
      %dma_wait3A_253 = arith.constant 0 : i32
      %dma_wait3A_254 = tpu.memref_slice %run_scoped3A_8[%rem3A_250, %dma_wait3A, %dma_wait3A_253] : memref<2x128x384xi32, #tpu.memory_space<vmem>> -> memref<1x128x384xi32, #tpu.memory_space<vmem>>
      %dma_wait3A_255 = tpu.memref_squeeze %dma_wait3A_254 : memref<1x128x384xi32, #tpu.memory_space<vmem>> -> memref<128x384xi32, #tpu.memory_space<vmem>>
      %dma_wait3A_256 = arith.constant 0 : i32
      %dma_wait3A_257 = tpu.memref_slice %arg4[%mul3A_252, %dma_wait3A_256] : memref<4096x384xi32, #tpu.memory_space<hbm>> -> memref<128x384xi32, #tpu.memory_space<hbm>>
      %dma_wait3A_258 = tpu.memref_slice %run_scoped3A_9[%rem3A_250] : memref<2x!tpu.dma_semaphore, #tpu.memory_space<semaphore_mem>> -> memref<1x!tpu.dma_semaphore, #tpu.memory_space<semaphore_mem>>
      %dma_wait3A_259 = tpu.memref_squeeze %dma_wait3A_258 : memref<1x!tpu.dma_semaphore, #tpu.memory_space<semaphore_mem>> -> memref<!tpu.dma_semaphore, #tpu.memory_space<semaphore_mem>>
      %dma_wait3A_260 = arith.constant 0 : i32
      %dma_wait3A_261 = tpu.memref_slice %arg4[%mul3A_252, %dma_wait3A_260] : memref<4096x384xi32, #tpu.memory_space<hbm>> -> memref<128x384xi32, #tpu.memory_space<hbm>>
      %dma_wait3A_262 = arith.constant 0 : i32
      %dma_wait3A_263 = arith.constant 0 : i32
      %dma_wait3A_264 = tpu.memref_slice %run_scoped3A_8[%rem3A_250, %dma_wait3A_262, %dma_wait3A_263] : memref<2x128x384xi32, #tpu.memory_space<vmem>> -> memref<1x128x384xi32, #tpu.memory_space<vmem>>
      %dma_wait3A_265 = tpu.memref_squeeze %dma_wait3A_264 : memref<1x128x384xi32, #tpu.memory_space<vmem>> -> memref<128x384xi32, #tpu.memory_space<vmem>>
      tpu.wait_dma2 semaphore(%dma_wait3A_259 : memref<!tpu.dma_semaphore, #tpu.memory_space<semaphore_mem>>) src(%dma_wait3A_265 : memref<128x384xi32, #tpu.memory_space<vmem>>) dst(%dma_wait3A_261 : memref<128x384xi32, #tpu.memory_space<hbm>>)
      "tpu.trace_stop"() : () -> ()
      tpu.yield
    }) : () -> ()
    return
  }
}

module attributes {stable_mosaic.version = 14 : i64} {
  func.func @_qkv_kernel(%arg0: i32, %arg1: memref<256x768xf32, #tpu.memory_space<vmem>>, %arg2: memref<1x768xf32, #tpu.memory_space<vmem>>, %arg3: memref<768x768xbf16, #tpu.memory_space<vmem>>, %arg4: memref<768x768xbf16, #tpu.memory_space<vmem>>, %arg5: memref<768x768xbf16, #tpu.memory_space<vmem>>, %arg6: memref<256x768xf32, #tpu.memory_space<vmem>>, %arg7: memref<256x768xf32, #tpu.memory_space<vmem>>, %arg8: memref<256x768xbf16, #tpu.memory_space<vmem>>, %arg9: memref<256x768xbf16, #tpu.memory_space<vmem>>, %arg10: memref<256x768xbf16, #tpu.memory_space<vmem>>) attributes {dimension_semantics = [#tpu.dimension_semantics<parallel>], iteration_bounds = array<i64: 8>, scalar_prefetch = 0 : i64, scratch_operands = 0 : i64, tpu.core_type = #tpu.core_type<tc>, window_params = [{transform_indices = @transform_0, window_bounds = array<i64: 256, 768>}, {pipeline_mode = #tpu.pipeline_mode<synchronous>, transform_indices = @transform_1, window_bounds = array<i64: 1, 768>}, {pipeline_mode = #tpu.pipeline_mode<synchronous>, transform_indices = @transform_2, window_bounds = array<i64: 768, 768>}, {pipeline_mode = #tpu.pipeline_mode<synchronous>, transform_indices = @transform_3, window_bounds = array<i64: 768, 768>}, {pipeline_mode = #tpu.pipeline_mode<synchronous>, transform_indices = @transform_4, window_bounds = array<i64: 768, 768>}, {transform_indices = @transform_5, window_bounds = array<i64: 256, 768>}, {transform_indices = @transform_6, window_bounds = array<i64: 256, 768>}, {transform_indices = @transform_7, window_bounds = array<i64: 256, 768>}, {transform_indices = @transform_8, window_bounds = array<i64: 256, 768>}, {transform_indices = @transform_9, window_bounds = array<i64: 256, 768>}]} {
    %get3A = arith.constant 0 : index
    %get3A_0 = arith.constant 0 : index
    %get3A_1 = vector.load %arg1[%get3A, %get3A_0] : memref<256x768xf32, #tpu.memory_space<vmem>>, vector<256x768xf32>
    %square3A = arith.mulf %get3A_1, %get3A_1 : vector<256x768xf32>
    %reduce_sum3A = arith.constant dense<0.000000e+00> : vector<256xf32>
    %reduce_sum3A_2 = vector.multi_reduction <add>, %square3A, %reduce_sum3A [1] : vector<256x768xf32> to vector<256xf32>
    %broadcast_in_dim3A = vector.shape_cast %reduce_sum3A_2 : vector<256xf32> to vector<256x1xf32>
    %div3A = arith.constant 7.680000e+02 : f32
    %div3A_3 = vector.broadcast %div3A : f32 to vector<256x1xf32>
    %div3A_4 = arith.divf %broadcast_in_dim3A, %div3A_3 : vector<256x1xf32>
    %add3A = arith.constant 9.99999997E-7 : f32
    %add3A_5 = vector.broadcast %add3A : f32 to vector<256x1xf32>
    %add3A_6 = arith.addf %div3A_4, %add3A_5 : vector<256x1xf32>
    %rsqrt3A = math.rsqrt %add3A_6 : vector<256x1xf32>
    %mul3A = vector.broadcast %rsqrt3A : vector<256x1xf32> to vector<256x768xf32>
    %mul3A_7 = arith.mulf %get3A_1, %mul3A : vector<256x768xf32>
    %get3A_8 = arith.constant 0 : index
    %get3A_9 = arith.constant 0 : index
    %get3A_10 = vector.load %arg2[%get3A_8, %get3A_9] : memref<1x768xf32, #tpu.memory_space<vmem>>, vector<1x768xf32>
    %mul3A_11 = vector.broadcast %get3A_10 : vector<1x768xf32> to vector<256x768xf32>
    %mul3A_12 = arith.mulf %mul3A_7, %mul3A_11 : vector<256x768xf32>
    %convert_element_type3A = arith.truncf %mul3A_12 : vector<256x768xf32> to vector<256x768xbf16>
    %get3A_13 = arith.constant 0 : index
    %get3A_14 = arith.constant 0 : index
    %get3A_15 = vector.load %arg3[%get3A_13, %get3A_14] : memref<768x768xbf16, #tpu.memory_space<vmem>>, vector<768x768xbf16>
    %dot_general3A = arith.constant dense<0.000000e+00> : vector<256x768xf32>
    %dot_general3A_16 = tpu.matmul %convert_element_type3A, %get3A_15, %dot_general3A {dimension_numbers = #tpu.dot_dimension_numbers<[1], [0], [0], [1], [0, 0, 1, 1], [], []>, transpose_lhs_hint = false} : vector<256x768xbf16>, vector<768x768xbf16>, vector<256x768xf32> -> vector<256x768xf32>
    %get3A_17 = arith.constant 0 : index
    %get3A_18 = arith.constant 0 : index
    %get3A_19 = vector.load %arg4[%get3A_17, %get3A_18] : memref<768x768xbf16, #tpu.memory_space<vmem>>, vector<768x768xbf16>
    %dot_general3A_20 = arith.constant dense<0.000000e+00> : vector<256x768xf32>
    %dot_general3A_21 = tpu.matmul %convert_element_type3A, %get3A_19, %dot_general3A_20 {dimension_numbers = #tpu.dot_dimension_numbers<[1], [0], [0], [1], [0, 0, 1, 1], [], []>, transpose_lhs_hint = false} : vector<256x768xbf16>, vector<768x768xbf16>, vector<256x768xf32> -> vector<256x768xf32>
    %get3A_22 = arith.constant 0 : index
    %get3A_23 = arith.constant 0 : index
    %get3A_24 = vector.load %arg5[%get3A_22, %get3A_23] : memref<768x768xbf16, #tpu.memory_space<vmem>>, vector<768x768xbf16>
    %dot_general3A_25 = arith.constant dense<0.000000e+00> : vector<256x768xf32>
    %dot_general3A_26 = tpu.matmul %convert_element_type3A, %get3A_24, %dot_general3A_25 {dimension_numbers = #tpu.dot_dimension_numbers<[1], [0], [0], [1], [0, 0, 1, 1], [], []>, transpose_lhs_hint = false} : vector<256x768xbf16>, vector<768x768xbf16>, vector<256x768xf32> -> vector<256x768xf32>
    %get3A_27 = arith.constant 0 : index
    %get3A_28 = arith.constant 0 : index
    %get3A_29 = vector.load %arg6[%get3A_27, %get3A_28] : memref<256x768xf32, #tpu.memory_space<vmem>>, vector<256x768xf32>
    %get3A_30 = arith.constant 0 : index
    %get3A_31 = arith.constant 0 : index
    %get3A_32 = vector.load %arg7[%get3A_30, %get3A_31] : memref<256x768xf32, #tpu.memory_space<vmem>>, vector<256x768xf32>
    %iota3A = tpu.iota {dimensions = array<i32: 1>} : vector<256x768xi32>
    %jit3A = arith.constant 64 : i32
    %eq3A = arith.constant 0 : i32
    %eq3A_33 = arith.cmpi eq, %jit3A, %eq3A : i32
    %jit3A_34 = arith.constant 1 : i32
    %select_n3A = arith.select %eq3A_33, %jit3A_34, %jit3A : i32
    %rem3A = vector.broadcast %select_n3A : i32 to vector<256x768xi32>
    %rem3A_35 = arith.remsi %iota3A, %rem3A : vector<256x768xi32>
    %ne3A = arith.constant 0 : i32
    %ne3A_36 = vector.broadcast %ne3A : i32 to vector<256x768xi32>
    %ne3A_37 = arith.cmpi ne, %rem3A_35, %ne3A_36 : vector<256x768xi32>
    %lt3A = arith.constant 0 : i32
    %lt3A_38 = vector.broadcast %lt3A : i32 to vector<256x768xi32>
    %lt3A_39 = arith.cmpi slt, %rem3A_35, %lt3A_38 : vector<256x768xi32>
    %lt3A_40 = arith.constant 0 : i32
    %lt3A_41 = arith.cmpi slt, %select_n3A, %lt3A_40 : i32
    %ne3A_42 = vector.broadcast %lt3A_41 : i1 to vector<256x768xi1>
    %ne3A_43 = vector.broadcast %ne3A_42 : vector<256x768xi1> to vector<256x768xi1>
    %ne3A_44 = arith.xori %lt3A_39, %ne3A_43 : vector<256x768xi1>
    %and3A = arith.andi %ne3A_44, %ne3A_37 : vector<256x768xi1>
    %add3A_45 = vector.broadcast %select_n3A : i32 to vector<256x768xi32>
    %add3A_46 = arith.addi %rem3A_35, %add3A_45 : vector<256x768xi32>
    %select_n3A_47 = arith.select %and3A, %add3A_46, %rem3A_35 : vector<256x768xi1>, vector<256x768xi32>
    %lt3A_48 = arith.constant 32 : i32
    %lt3A_49 = vector.broadcast %lt3A_48 : i32 to vector<256x768xi32>
    %lt3A_50 = arith.cmpi slt, %select_n3A_47, %lt3A_49 : vector<256x768xi32>
    %roll3A = arith.constant 736 : i32
    %roll3A_51 = tpu.dynamic_rotate %dot_general3A_16 by %roll3A dim 1 : vector<256x768xf32>, i32 -> vector<256x768xf32>
    %neg3A = arith.constant 0.000000e+00 : f32
    %neg3A_52 = vector.broadcast %neg3A : f32 to vector<256x768xf32>
    %neg3A_53 = arith.subf %neg3A_52, %roll3A_51 : vector<256x768xf32>
    %roll3A_54 = arith.constant 32 : i32
    %roll3A_55 = tpu.dynamic_rotate %dot_general3A_16 by %roll3A_54 dim 1 : vector<256x768xf32>, i32 -> vector<256x768xf32>
    %select_n3A_56 = arith.select %lt3A_50, %neg3A_53, %roll3A_55 : vector<256x768xi1>, vector<256x768xf32>
    %mul3A_57 = arith.mulf %dot_general3A_16, %get3A_29 : vector<256x768xf32>
    %mul3A_58 = arith.mulf %select_n3A_56, %get3A_32 : vector<256x768xf32>
    %add3A_59 = arith.addf %mul3A_57, %mul3A_58 : vector<256x768xf32>
    %mul3A_60 = arith.constant 1.250000e-01 : f32
    %mul3A_61 = vector.broadcast %mul3A_60 : f32 to vector<256x768xf32>
    %mul3A_62 = arith.mulf %add3A_59, %mul3A_61 : vector<256x768xf32>
    %convert_element_type3A_63 = arith.truncf %mul3A_62 : vector<256x768xf32> to vector<256x768xbf16>
    %swap3A = arith.constant 0 : index
    %swap3A_64 = arith.constant 0 : index
    %swap3A_65 = vector.load %arg8[%swap3A, %swap3A_64] : memref<256x768xbf16, #tpu.memory_space<vmem>>, vector<256x768xbf16>
    tpu.vector_store %arg8[%swap3A, %swap3A_64], %convert_element_type3A_63 {strides = array<i32>} : memref<256x768xbf16, #tpu.memory_space<vmem>>, vector<256x768xbf16>,
    %roll3A_66 = arith.constant 736 : i32
    %roll3A_67 = tpu.dynamic_rotate %dot_general3A_21 by %roll3A_66 dim 1 : vector<256x768xf32>, i32 -> vector<256x768xf32>
    %neg3A_68 = arith.constant 0.000000e+00 : f32
    %neg3A_69 = vector.broadcast %neg3A_68 : f32 to vector<256x768xf32>
    %neg3A_70 = arith.subf %neg3A_69, %roll3A_67 : vector<256x768xf32>
    %roll3A_71 = arith.constant 32 : i32
    %roll3A_72 = tpu.dynamic_rotate %dot_general3A_21 by %roll3A_71 dim 1 : vector<256x768xf32>, i32 -> vector<256x768xf32>
    %select_n3A_73 = arith.select %lt3A_50, %neg3A_70, %roll3A_72 : vector<256x768xi1>, vector<256x768xf32>
    %mul3A_74 = arith.mulf %dot_general3A_21, %get3A_29 : vector<256x768xf32>
    %mul3A_75 = arith.mulf %select_n3A_73, %get3A_32 : vector<256x768xf32>
    %add3A_76 = arith.addf %mul3A_74, %mul3A_75 : vector<256x768xf32>
    %convert_element_type3A_77 = arith.truncf %add3A_76 : vector<256x768xf32> to vector<256x768xbf16>
    %swap3A_78 = arith.constant 0 : index
    %swap3A_79 = arith.constant 0 : index
    %swap3A_80 = vector.load %arg9[%swap3A_78, %swap3A_79] : memref<256x768xbf16, #tpu.memory_space<vmem>>, vector<256x768xbf16>
    tpu.vector_store %arg9[%swap3A_78, %swap3A_79], %convert_element_type3A_77 {strides = array<i32>} : memref<256x768xbf16, #tpu.memory_space<vmem>>, vector<256x768xbf16>,
    %convert_element_type3A_81 = arith.truncf %dot_general3A_26 : vector<256x768xf32> to vector<256x768xbf16>
    %swap3A_82 = arith.constant 0 : index
    %swap3A_83 = arith.constant 0 : index
    %swap3A_84 = vector.load %arg10[%swap3A_82, %swap3A_83] : memref<256x768xbf16, #tpu.memory_space<vmem>>, vector<256x768xbf16>
    tpu.vector_store %arg10[%swap3A_82, %swap3A_83], %convert_element_type3A_81 {strides = array<i32>} : memref<256x768xbf16, #tpu.memory_space<vmem>>, vector<256x768xbf16>,
    return
  }
  func.func @transform_0(%arg0: i32) -> (i32, i32) {
    %c0_i32 = arith.constant 0 : i32
    %c0_i32_0 = arith.constant 0 : i32
    return %arg0, %c0_i32 : i32, i32
  }
  func.func @transform_1(%arg0: i32) -> (i32, i32) {
    %c0_i32 = arith.constant 0 : i32
    %c0_i32_0 = arith.constant 0 : i32
    %c0_i32_1 = arith.constant 0 : i32
    return %c0_i32, %c0_i32_0 : i32, i32
  }
  func.func @transform_2(%arg0: i32) -> (i32, i32) {
    %c0_i32 = arith.constant 0 : i32
    %c0_i32_0 = arith.constant 0 : i32
    %c0_i32_1 = arith.constant 0 : i32
    return %c0_i32, %c0_i32_0 : i32, i32
  }
  func.func @transform_3(%arg0: i32) -> (i32, i32) {
    %c0_i32 = arith.constant 0 : i32
    %c0_i32_0 = arith.constant 0 : i32
    %c0_i32_1 = arith.constant 0 : i32
    return %c0_i32, %c0_i32_0 : i32, i32
  }
  func.func @transform_4(%arg0: i32) -> (i32, i32) {
    %c0_i32 = arith.constant 0 : i32
    %c0_i32_0 = arith.constant 0 : i32
    %c0_i32_1 = arith.constant 0 : i32
    return %c0_i32, %c0_i32_0 : i32, i32
  }
  func.func @transform_5(%arg0: i32) -> (i32, i32) {
    %c0_i32 = arith.constant 0 : i32
    %c0_i32_0 = arith.constant 0 : i32
    return %arg0, %c0_i32 : i32, i32
  }
  func.func @transform_6(%arg0: i32) -> (i32, i32) {
    %c0_i32 = arith.constant 0 : i32
    %c0_i32_0 = arith.constant 0 : i32
    return %arg0, %c0_i32 : i32, i32
  }
  func.func @transform_7(%arg0: i32) -> (i32, i32) {
    %c0_i32 = arith.constant 0 : i32
    %c0_i32_0 = arith.constant 0 : i32
    return %arg0, %c0_i32 : i32, i32
  }
  func.func @transform_8(%arg0: i32) -> (i32, i32) {
    %c0_i32 = arith.constant 0 : i32
    %c0_i32_0 = arith.constant 0 : i32
    return %arg0, %c0_i32 : i32, i32
  }
  func.func @transform_9(%arg0: i32) -> (i32, i32) {
    %c0_i32 = arith.constant 0 : i32
    %c0_i32_0 = arith.constant 0 : i32
    return %arg0, %c0_i32 : i32, i32
  }
}

module attributes {stable_mosaic.version = 14 : i64} {
  func.func @_attn_kernel(%arg0: i32, %arg1: i32, %arg2: memref<1024x128xbf16, #tpu.memory_space<vmem>>, %arg3: memref<2048x128xbf16, #tpu.memory_space<vmem>>, %arg4: memref<2048x128xbf16, #tpu.memory_space<vmem>>, %arg5: memref<1024x128xbf16, #tpu.memory_space<vmem>>) attributes {dimension_semantics = [#tpu.dimension_semantics<parallel>, #tpu.dimension_semantics<arbitrary>], iteration_bounds = array<i64: 6, 2>, scalar_prefetch = 0 : i64, scratch_operands = 0 : i64, tpu.core_type = #tpu.core_type<tc>, window_params = [{transform_indices = @transform_0, window_bounds = array<i64: 1024, 128>}, {transform_indices = @transform_1, window_bounds = array<i64: 2048, 128>}, {transform_indices = @transform_2, window_bounds = array<i64: 2048, 128>}, {transform_indices = @transform_3, window_bounds = array<i64: 1024, 128>}]} {
    %get3A = arith.constant 0 : index
    %get3A_0 = arith.constant 0 : index
    %get3A_1 = vector.load %arg2[%get3A, %get3A_0] : memref<1024x128xbf16, #tpu.memory_space<vmem>>, vector<1024x64xbf16>
    %get3A_2 = arith.constant 0 : index
    %get3A_3 = arith.constant 64 : index
    %get3A_4 = vector.load %arg2[%get3A_2, %get3A_3] : memref<1024x128xbf16, #tpu.memory_space<vmem>>, vector<1024x64xbf16>
    %broadcast_in_dim3A = arith.constant -1.000000e+30 : f32
    %broadcast_in_dim3A_5 = vector.broadcast %broadcast_in_dim3A : f32 to vector<1024x1xf32>
    %broadcast_in_dim3A_6 = arith.constant 0.000000e+00 : f32
    %broadcast_in_dim3A_7 = vector.broadcast %broadcast_in_dim3A_6 : f32 to vector<1024x1xf32>
    %broadcast_in_dim3A_8 = arith.constant 0.000000e+00 : f32
    %broadcast_in_dim3A_9 = vector.broadcast %broadcast_in_dim3A_8 : f32 to vector<1024x64xf32>
    %broadcast_in_dim3A_10 = arith.constant -1.000000e+30 : f32
    %broadcast_in_dim3A_11 = vector.broadcast %broadcast_in_dim3A_10 : f32 to vector<1024x1xf32>
    %broadcast_in_dim3A_12 = arith.constant 0.000000e+00 : f32
    %broadcast_in_dim3A_13 = vector.broadcast %broadcast_in_dim3A_12 : f32 to vector<1024x1xf32>
    %broadcast_in_dim3A_14 = arith.constant 0.000000e+00 : f32
    %broadcast_in_dim3A_15 = vector.broadcast %broadcast_in_dim3A_14 : f32 to vector<1024x64xf32>
    %while3A = arith.constant 0 : i32
    %while3A_16 = arith.subi %arg1, %while3A : i32
    %while3A_17 = arith.addi %while3A, %while3A_16 : i32
    %while3A_18 = arith.constant 1 : i32
    %while3A_19 = arith.divsi %while3A_16, %while3A_18 : i32
    %while3A_20 = arith.muli %while3A_19, %while3A_18 : i32
    %while3A_21 = arith.addi %while3A, %while3A_20 : i32
    %while3A_22 = arith.constant 1 : i32
    %while3A_23:6 = scf.for %while3A_86 = %while3A to %while3A_21 step %while3A_22 iter_args(%while3A_87 = %broadcast_in_dim3A_5, %while3A_88 = %broadcast_in_dim3A_7, %while3A_89 = %broadcast_in_dim3A_9, %while3A_90 = %broadcast_in_dim3A_11, %while3A_91 = %broadcast_in_dim3A_13, %while3A_92 = %broadcast_in_dim3A_15) -> (vector<1024x1xf32>, vector<1024x1xf32>, vector<1024x64xf32>, vector<1024x1xf32>, vector<1024x1xf32>, vector<1024x64xf32>)  : i32 {
      %mul3A_93 = arith.constant 1024 : i32
      %mul3A_94 = arith.muli %while3A_86, %mul3A_93 : i32
      %get3A_95 = arith.index_cast %mul3A_94 : i32 to index
      %get3A_96 = arith.constant 0 : index
      %get3A_97 = vector.load %arg3[%get3A_95, %get3A_96] : memref<2048x128xbf16, #tpu.memory_space<vmem>>, vector<1024x128xbf16>
      %mul3A_98 = arith.constant 1024 : i32
      %mul3A_99 = arith.muli %while3A_86, %mul3A_98 : i32
      %get3A_100 = arith.index_cast %mul3A_99 : i32 to index
      %get3A_101 = arith.constant 0 : index
      %get3A_102 = vector.load %arg4[%get3A_100, %get3A_101] : memref<2048x128xbf16, #tpu.memory_space<vmem>>, vector<1024x128xbf16>
      %slice3A_103 = vector.extract_strided_slice %get3A_97 {offsets = [0, 0], sizes = [1024, 64], strides = [1, 1]} : vector<1024x128xbf16> to vector<1024x64xbf16>
      %dot_general3A_104 = arith.constant dense<0.000000e+00> : vector<1024x1024xf32>
      %dot_general3A_105 = tpu.matmul %get3A_1, %slice3A_103, %dot_general3A_104 {dimension_numbers = #tpu.dot_dimension_numbers<[1], [1], [0], [0], [0, 0, 1, 0], [], []>, transpose_lhs_hint = false} : vector<1024x64xbf16>, vector<1024x64xbf16>, vector<1024x1024xf32> -> vector<1024x1024xf32>
      %reduce_max3A_106 = arith.constant dense<0xFF800000> : vector<1024xf32>
      %reduce_max3A_107 = vector.multi_reduction <maximumf>, %dot_general3A_105, %reduce_max3A_106 [1] : vector<1024x1024xf32> to vector<1024xf32>
      %broadcast_in_dim3A_108 = vector.shape_cast %reduce_max3A_107 : vector<1024xf32> to vector<1024x1xf32>
      %max3A_109 = arith.maximumf %while3A_87, %broadcast_in_dim3A_108 : vector<1024x1xf32>
      %sub3A_110 = arith.subf %while3A_87, %max3A_109 : vector<1024x1xf32>
      %exp3A_111 = math.exp %sub3A_110 : vector<1024x1xf32>
      %sub3A_112 = vector.broadcast %max3A_109 : vector<1024x1xf32> to vector<1024x1024xf32>
      %sub3A_113 = arith.subf %dot_general3A_105, %sub3A_112 : vector<1024x1024xf32>
      %exp3A_114 = math.exp %sub3A_113 : vector<1024x1024xf32>
      %mul3A_115 = arith.mulf %while3A_88, %exp3A_111 : vector<1024x1xf32>
      %reduce_sum3A_116 = arith.constant dense<0.000000e+00> : vector<1024xf32>
      %reduce_sum3A_117 = vector.multi_reduction <add>, %exp3A_114, %reduce_sum3A_116 [1] : vector<1024x1024xf32> to vector<1024xf32>
      %broadcast_in_dim3A_118 = vector.shape_cast %reduce_sum3A_117 : vector<1024xf32> to vector<1024x1xf32>
      %add3A_119 = arith.addf %mul3A_115, %broadcast_in_dim3A_118 : vector<1024x1xf32>
      %slice3A_120 = vector.extract_strided_slice %get3A_102 {offsets = [0, 0], sizes = [1024, 64], strides = [1, 1]} : vector<1024x128xbf16> to vector<1024x64xbf16>
      %convert_element_type3A_121 = arith.truncf %exp3A_114 : vector<1024x1024xf32> to vector<1024x1024xbf16>
      %dot_general3A_122 = arith.constant dense<0.000000e+00> : vector<1024x64xf32>
      %dot_general3A_123 = tpu.matmul %convert_element_type3A_121, %slice3A_120, %dot_general3A_122 {dimension_numbers = #tpu.dot_dimension_numbers<[1], [0], [0], [1], [0, 0, 1, 1], [], []>, transpose_lhs_hint = false} : vector<1024x1024xbf16>, vector<1024x64xbf16>, vector<1024x64xf32> -> vector<1024x64xf32>
      %mul3A_124 = vector.broadcast %exp3A_111 : vector<1024x1xf32> to vector<1024x64xf32>
      %mul3A_125 = arith.mulf %while3A_89, %mul3A_124 : vector<1024x64xf32>
      %add3A_126 = arith.addf %mul3A_125, %dot_general3A_123 : vector<1024x64xf32>
      %slice3A_127 = vector.extract_strided_slice %get3A_97 {offsets = [0, 64], sizes = [1024, 64], strides = [1, 1]} : vector<1024x128xbf16> to vector<1024x64xbf16>
      %dot_general3A_128 = arith.constant dense<0.000000e+00> : vector<1024x1024xf32>
      %dot_general3A_129 = tpu.matmul %get3A_4, %slice3A_127, %dot_general3A_128 {dimension_numbers = #tpu.dot_dimension_numbers<[1], [1], [0], [0], [0, 0, 1, 0], [], []>, transpose_lhs_hint = false} : vector<1024x64xbf16>, vector<1024x64xbf16>, vector<1024x1024xf32> -> vector<1024x1024xf32>
      %reduce_max3A_130 = arith.constant dense<0xFF800000> : vector<1024xf32>
      %reduce_max3A_131 = vector.multi_reduction <maximumf>, %dot_general3A_129, %reduce_max3A_130 [1] : vector<1024x1024xf32> to vector<1024xf32>
      %broadcast_in_dim3A_132 = vector.shape_cast %reduce_max3A_131 : vector<1024xf32> to vector<1024x1xf32>
      %max3A_133 = arith.maximumf %while3A_90, %broadcast_in_dim3A_132 : vector<1024x1xf32>
      %sub3A_134 = arith.subf %while3A_90, %max3A_133 : vector<1024x1xf32>
      %exp3A_135 = math.exp %sub3A_134 : vector<1024x1xf32>
      %sub3A_136 = vector.broadcast %max3A_133 : vector<1024x1xf32> to vector<1024x1024xf32>
      %sub3A_137 = arith.subf %dot_general3A_129, %sub3A_136 : vector<1024x1024xf32>
      %exp3A_138 = math.exp %sub3A_137 : vector<1024x1024xf32>
      %mul3A_139 = arith.mulf %while3A_91, %exp3A_135 : vector<1024x1xf32>
      %reduce_sum3A_140 = arith.constant dense<0.000000e+00> : vector<1024xf32>
      %reduce_sum3A_141 = vector.multi_reduction <add>, %exp3A_138, %reduce_sum3A_140 [1] : vector<1024x1024xf32> to vector<1024xf32>
      %broadcast_in_dim3A_142 = vector.shape_cast %reduce_sum3A_141 : vector<1024xf32> to vector<1024x1xf32>
      %add3A_143 = arith.addf %mul3A_139, %broadcast_in_dim3A_142 : vector<1024x1xf32>
      %slice3A_144 = vector.extract_strided_slice %get3A_102 {offsets = [0, 64], sizes = [1024, 64], strides = [1, 1]} : vector<1024x128xbf16> to vector<1024x64xbf16>
      %convert_element_type3A_145 = arith.truncf %exp3A_138 : vector<1024x1024xf32> to vector<1024x1024xbf16>
      %dot_general3A_146 = arith.constant dense<0.000000e+00> : vector<1024x64xf32>
      %dot_general3A_147 = tpu.matmul %convert_element_type3A_145, %slice3A_144, %dot_general3A_146 {dimension_numbers = #tpu.dot_dimension_numbers<[1], [0], [0], [1], [0, 0, 1, 1], [], []>, transpose_lhs_hint = false} : vector<1024x1024xbf16>, vector<1024x64xbf16>, vector<1024x64xf32> -> vector<1024x64xf32>
      %mul3A_148 = vector.broadcast %exp3A_135 : vector<1024x1xf32> to vector<1024x64xf32>
      %mul3A_149 = arith.mulf %while3A_92, %mul3A_148 : vector<1024x64xf32>
      %add3A_150 = arith.addf %mul3A_149, %dot_general3A_147 : vector<1024x64xf32>
      scf.yield %max3A_109, %add3A_119, %add3A_126, %max3A_133, %add3A_143, %add3A_150 : vector<1024x1xf32>, vector<1024x1xf32>, vector<1024x64xf32>, vector<1024x1xf32>, vector<1024x1xf32>, vector<1024x64xf32>
    }
    %while3A_24 = arith.constant 1 : i32
    %while3A_25:6 = scf.for %while3A_86 = %while3A_21 to %while3A_17 step %while3A_24 iter_args(%while3A_87 = %while3A_23#0, %while3A_88 = %while3A_23#1, %while3A_89 = %while3A_23#2, %while3A_90 = %while3A_23#3, %while3A_91 = %while3A_23#4, %while3A_92 = %while3A_23#5) -> (vector<1024x1xf32>, vector<1024x1xf32>, vector<1024x64xf32>, vector<1024x1xf32>, vector<1024x1xf32>, vector<1024x64xf32>)  : i32 {
      %mul3A_93 = arith.constant 1024 : i32
      %mul3A_94 = arith.muli %while3A_86, %mul3A_93 : i32
      %get3A_95 = arith.index_cast %mul3A_94 : i32 to index
      %get3A_96 = arith.constant 0 : index
      %get3A_97 = vector.load %arg3[%get3A_95, %get3A_96] : memref<2048x128xbf16, #tpu.memory_space<vmem>>, vector<1024x128xbf16>
      %mul3A_98 = arith.constant 1024 : i32
      %mul3A_99 = arith.muli %while3A_86, %mul3A_98 : i32
      %get3A_100 = arith.index_cast %mul3A_99 : i32 to index
      %get3A_101 = arith.constant 0 : index
      %get3A_102 = vector.load %arg4[%get3A_100, %get3A_101] : memref<2048x128xbf16, #tpu.memory_space<vmem>>, vector<1024x128xbf16>
      %slice3A_103 = vector.extract_strided_slice %get3A_97 {offsets = [0, 0], sizes = [1024, 64], strides = [1, 1]} : vector<1024x128xbf16> to vector<1024x64xbf16>
      %dot_general3A_104 = arith.constant dense<0.000000e+00> : vector<1024x1024xf32>
      %dot_general3A_105 = tpu.matmul %get3A_1, %slice3A_103, %dot_general3A_104 {dimension_numbers = #tpu.dot_dimension_numbers<[1], [1], [0], [0], [0, 0, 1, 0], [], []>, transpose_lhs_hint = false} : vector<1024x64xbf16>, vector<1024x64xbf16>, vector<1024x1024xf32> -> vector<1024x1024xf32>
      %reduce_max3A_106 = arith.constant dense<0xFF800000> : vector<1024xf32>
      %reduce_max3A_107 = vector.multi_reduction <maximumf>, %dot_general3A_105, %reduce_max3A_106 [1] : vector<1024x1024xf32> to vector<1024xf32>
      %broadcast_in_dim3A_108 = vector.shape_cast %reduce_max3A_107 : vector<1024xf32> to vector<1024x1xf32>
      %max3A_109 = arith.maximumf %while3A_87, %broadcast_in_dim3A_108 : vector<1024x1xf32>
      %sub3A_110 = arith.subf %while3A_87, %max3A_109 : vector<1024x1xf32>
      %exp3A_111 = math.exp %sub3A_110 : vector<1024x1xf32>
      %sub3A_112 = vector.broadcast %max3A_109 : vector<1024x1xf32> to vector<1024x1024xf32>
      %sub3A_113 = arith.subf %dot_general3A_105, %sub3A_112 : vector<1024x1024xf32>
      %exp3A_114 = math.exp %sub3A_113 : vector<1024x1024xf32>
      %mul3A_115 = arith.mulf %while3A_88, %exp3A_111 : vector<1024x1xf32>
      %reduce_sum3A_116 = arith.constant dense<0.000000e+00> : vector<1024xf32>
      %reduce_sum3A_117 = vector.multi_reduction <add>, %exp3A_114, %reduce_sum3A_116 [1] : vector<1024x1024xf32> to vector<1024xf32>
      %broadcast_in_dim3A_118 = vector.shape_cast %reduce_sum3A_117 : vector<1024xf32> to vector<1024x1xf32>
      %add3A_119 = arith.addf %mul3A_115, %broadcast_in_dim3A_118 : vector<1024x1xf32>
      %slice3A_120 = vector.extract_strided_slice %get3A_102 {offsets = [0, 0], sizes = [1024, 64], strides = [1, 1]} : vector<1024x128xbf16> to vector<1024x64xbf16>
      %convert_element_type3A_121 = arith.truncf %exp3A_114 : vector<1024x1024xf32> to vector<1024x1024xbf16>
      %dot_general3A_122 = arith.constant dense<0.000000e+00> : vector<1024x64xf32>
      %dot_general3A_123 = tpu.matmul %convert_element_type3A_121, %slice3A_120, %dot_general3A_122 {dimension_numbers = #tpu.dot_dimension_numbers<[1], [0], [0], [1], [0, 0, 1, 1], [], []>, transpose_lhs_hint = false} : vector<1024x1024xbf16>, vector<1024x64xbf16>, vector<1024x64xf32> -> vector<1024x64xf32>
      %mul3A_124 = vector.broadcast %exp3A_111 : vector<1024x1xf32> to vector<1024x64xf32>
      %mul3A_125 = arith.mulf %while3A_89, %mul3A_124 : vector<1024x64xf32>
      %add3A_126 = arith.addf %mul3A_125, %dot_general3A_123 : vector<1024x64xf32>
      %slice3A_127 = vector.extract_strided_slice %get3A_97 {offsets = [0, 64], sizes = [1024, 64], strides = [1, 1]} : vector<1024x128xbf16> to vector<1024x64xbf16>
      %dot_general3A_128 = arith.constant dense<0.000000e+00> : vector<1024x1024xf32>
      %dot_general3A_129 = tpu.matmul %get3A_4, %slice3A_127, %dot_general3A_128 {dimension_numbers = #tpu.dot_dimension_numbers<[1], [1], [0], [0], [0, 0, 1, 0], [], []>, transpose_lhs_hint = false} : vector<1024x64xbf16>, vector<1024x64xbf16>, vector<1024x1024xf32> -> vector<1024x1024xf32>
      %reduce_max3A_130 = arith.constant dense<0xFF800000> : vector<1024xf32>
      %reduce_max3A_131 = vector.multi_reduction <maximumf>, %dot_general3A_129, %reduce_max3A_130 [1] : vector<1024x1024xf32> to vector<1024xf32>
      %broadcast_in_dim3A_132 = vector.shape_cast %reduce_max3A_131 : vector<1024xf32> to vector<1024x1xf32>
      %max3A_133 = arith.maximumf %while3A_90, %broadcast_in_dim3A_132 : vector<1024x1xf32>
      %sub3A_134 = arith.subf %while3A_90, %max3A_133 : vector<1024x1xf32>
      %exp3A_135 = math.exp %sub3A_134 : vector<1024x1xf32>
      %sub3A_136 = vector.broadcast %max3A_133 : vector<1024x1xf32> to vector<1024x1024xf32>
      %sub3A_137 = arith.subf %dot_general3A_129, %sub3A_136 : vector<1024x1024xf32>
      %exp3A_138 = math.exp %sub3A_137 : vector<1024x1024xf32>
      %mul3A_139 = arith.mulf %while3A_91, %exp3A_135 : vector<1024x1xf32>
      %reduce_sum3A_140 = arith.constant dense<0.000000e+00> : vector<1024xf32>
      %reduce_sum3A_141 = vector.multi_reduction <add>, %exp3A_138, %reduce_sum3A_140 [1] : vector<1024x1024xf32> to vector<1024xf32>
      %broadcast_in_dim3A_142 = vector.shape_cast %reduce_sum3A_141 : vector<1024xf32> to vector<1024x1xf32>
      %add3A_143 = arith.addf %mul3A_139, %broadcast_in_dim3A_142 : vector<1024x1xf32>
      %slice3A_144 = vector.extract_strided_slice %get3A_102 {offsets = [0, 64], sizes = [1024, 64], strides = [1, 1]} : vector<1024x128xbf16> to vector<1024x64xbf16>
      %convert_element_type3A_145 = arith.truncf %exp3A_138 : vector<1024x1024xf32> to vector<1024x1024xbf16>
      %dot_general3A_146 = arith.constant dense<0.000000e+00> : vector<1024x64xf32>
      %dot_general3A_147 = tpu.matmul %convert_element_type3A_145, %slice3A_144, %dot_general3A_146 {dimension_numbers = #tpu.dot_dimension_numbers<[1], [0], [0], [1], [0, 0, 1, 1], [], []>, transpose_lhs_hint = false} : vector<1024x1024xbf16>, vector<1024x64xbf16>, vector<1024x64xf32> -> vector<1024x64xf32>
      %mul3A_148 = vector.broadcast %exp3A_135 : vector<1024x1xf32> to vector<1024x64xf32>
      %mul3A_149 = arith.mulf %while3A_92, %mul3A_148 : vector<1024x64xf32>
      %add3A_150 = arith.addf %mul3A_149, %dot_general3A_147 : vector<1024x64xf32>
      scf.yield %max3A_109, %add3A_119, %add3A_126, %max3A_133, %add3A_143, %add3A_150 : vector<1024x1xf32>, vector<1024x1xf32>, vector<1024x64xf32>, vector<1024x1xf32>, vector<1024x1xf32>, vector<1024x64xf32>
    }
    %mul3A = arith.constant 1024 : i32
    %mul3A_26 = arith.muli %arg1, %mul3A : i32
    %get3A_27 = arith.index_cast %mul3A_26 : i32 to index
    %get3A_28 = arith.constant 0 : index
    %get3A_29 = vector.load %arg3[%get3A_27, %get3A_28] : memref<2048x128xbf16, #tpu.memory_space<vmem>>, vector<1024x128xbf16>
    %mul3A_30 = arith.constant 1024 : i32
    %mul3A_31 = arith.muli %arg1, %mul3A_30 : i32
    %get3A_32 = arith.index_cast %mul3A_31 : i32 to index
    %get3A_33 = arith.constant 0 : index
    %get3A_34 = vector.load %arg4[%get3A_32, %get3A_33] : memref<2048x128xbf16, #tpu.memory_space<vmem>>, vector<1024x128xbf16>
    %iota3A = tpu.iota {dimensions = array<i32: 0>} : vector<1024x1024xi32>
    %iota3A_35 = tpu.iota {dimensions = array<i32: 1>} : vector<1024x1024xi32>
    %ge3A = arith.cmpi sge, %iota3A, %iota3A_35 : vector<1024x1024xi32>
    %slice3A = vector.extract_strided_slice %get3A_29 {offsets = [0, 0], sizes = [1024, 64], strides = [1, 1]} : vector<1024x128xbf16> to vector<1024x64xbf16>
    %dot_general3A = arith.constant dense<0.000000e+00> : vector<1024x1024xf32>
    %dot_general3A_36 = tpu.matmul %get3A_1, %slice3A, %dot_general3A {dimension_numbers = #tpu.dot_dimension_numbers<[1], [1], [0], [0], [0, 0, 1, 0], [], []>, transpose_lhs_hint = false} : vector<1024x64xbf16>, vector<1024x64xbf16>, vector<1024x1024xf32> -> vector<1024x1024xf32>
    %jit3A = arith.constant -1.000000e+30 : f32
    %broadcast_in_dim3A_37 = vector.broadcast %jit3A : f32 to vector<1024x1024xf32>
    %select_n3A = arith.select %ge3A, %dot_general3A_36, %broadcast_in_dim3A_37 : vector<1024x1024xi1>, vector<1024x1024xf32>
    %reduce_max3A = arith.constant dense<0xFF800000> : vector<1024xf32>
    %reduce_max3A_38 = vector.multi_reduction <maximumf>, %select_n3A, %reduce_max3A [1] : vector<1024x1024xf32> to vector<1024xf32>
    %broadcast_in_dim3A_39 = vector.shape_cast %reduce_max3A_38 : vector<1024xf32> to vector<1024x1xf32>
    %max3A = arith.maximumf %while3A_25#0, %broadcast_in_dim3A_39 : vector<1024x1xf32>
    %sub3A = arith.subf %while3A_25#0, %max3A : vector<1024x1xf32>
    %exp3A = math.exp %sub3A : vector<1024x1xf32>
    %sub3A_40 = vector.broadcast %max3A : vector<1024x1xf32> to vector<1024x1024xf32>
    %sub3A_41 = arith.subf %select_n3A, %sub3A_40 : vector<1024x1024xf32>
    %exp3A_42 = math.exp %sub3A_41 : vector<1024x1024xf32>
    %mul3A_43 = arith.mulf %while3A_25#1, %exp3A : vector<1024x1xf32>
    %reduce_sum3A = arith.constant dense<0.000000e+00> : vector<1024xf32>
    %reduce_sum3A_44 = vector.multi_reduction <add>, %exp3A_42, %reduce_sum3A [1] : vector<1024x1024xf32> to vector<1024xf32>
    %broadcast_in_dim3A_45 = vector.shape_cast %reduce_sum3A_44 : vector<1024xf32> to vector<1024x1xf32>
    %add3A = arith.addf %mul3A_43, %broadcast_in_dim3A_45 : vector<1024x1xf32>
    %slice3A_46 = vector.extract_strided_slice %get3A_34 {offsets = [0, 0], sizes = [1024, 64], strides = [1, 1]} : vector<1024x128xbf16> to vector<1024x64xbf16>
    %convert_element_type3A = arith.truncf %exp3A_42 : vector<1024x1024xf32> to vector<1024x1024xbf16>
    %dot_general3A_47 = arith.constant dense<0.000000e+00> : vector<1024x64xf32>
    %dot_general3A_48 = tpu.matmul %convert_element_type3A, %slice3A_46, %dot_general3A_47 {dimension_numbers = #tpu.dot_dimension_numbers<[1], [0], [0], [1], [0, 0, 1, 1], [], []>, transpose_lhs_hint = false} : vector<1024x1024xbf16>, vector<1024x64xbf16>, vector<1024x64xf32> -> vector<1024x64xf32>
    %mul3A_49 = vector.broadcast %exp3A : vector<1024x1xf32> to vector<1024x64xf32>
    %mul3A_50 = arith.mulf %while3A_25#2, %mul3A_49 : vector<1024x64xf32>
    %add3A_51 = arith.addf %mul3A_50, %dot_general3A_48 : vector<1024x64xf32>
    %slice3A_52 = vector.extract_strided_slice %get3A_29 {offsets = [0, 64], sizes = [1024, 64], strides = [1, 1]} : vector<1024x128xbf16> to vector<1024x64xbf16>
    %dot_general3A_53 = arith.constant dense<0.000000e+00> : vector<1024x1024xf32>
    %dot_general3A_54 = tpu.matmul %get3A_4, %slice3A_52, %dot_general3A_53 {dimension_numbers = #tpu.dot_dimension_numbers<[1], [1], [0], [0], [0, 0, 1, 0], [], []>, transpose_lhs_hint = false} : vector<1024x64xbf16>, vector<1024x64xbf16>, vector<1024x1024xf32> -> vector<1024x1024xf32>
    %jit3A_55 = arith.constant -1.000000e+30 : f32
    %broadcast_in_dim3A_56 = vector.broadcast %jit3A_55 : f32 to vector<1024x1024xf32>
    %select_n3A_57 = arith.select %ge3A, %dot_general3A_54, %broadcast_in_dim3A_56 : vector<1024x1024xi1>, vector<1024x1024xf32>
    %reduce_max3A_58 = arith.constant dense<0xFF800000> : vector<1024xf32>
    %reduce_max3A_59 = vector.multi_reduction <maximumf>, %select_n3A_57, %reduce_max3A_58 [1] : vector<1024x1024xf32> to vector<1024xf32>
    %broadcast_in_dim3A_60 = vector.shape_cast %reduce_max3A_59 : vector<1024xf32> to vector<1024x1xf32>
    %max3A_61 = arith.maximumf %while3A_25#3, %broadcast_in_dim3A_60 : vector<1024x1xf32>
    %sub3A_62 = arith.subf %while3A_25#3, %max3A_61 : vector<1024x1xf32>
    %exp3A_63 = math.exp %sub3A_62 : vector<1024x1xf32>
    %sub3A_64 = vector.broadcast %max3A_61 : vector<1024x1xf32> to vector<1024x1024xf32>
    %sub3A_65 = arith.subf %select_n3A_57, %sub3A_64 : vector<1024x1024xf32>
    %exp3A_66 = math.exp %sub3A_65 : vector<1024x1024xf32>
    %mul3A_67 = arith.mulf %while3A_25#4, %exp3A_63 : vector<1024x1xf32>
    %reduce_sum3A_68 = arith.constant dense<0.000000e+00> : vector<1024xf32>
    %reduce_sum3A_69 = vector.multi_reduction <add>, %exp3A_66, %reduce_sum3A_68 [1] : vector<1024x1024xf32> to vector<1024xf32>
    %broadcast_in_dim3A_70 = vector.shape_cast %reduce_sum3A_69 : vector<1024xf32> to vector<1024x1xf32>
    %add3A_71 = arith.addf %mul3A_67, %broadcast_in_dim3A_70 : vector<1024x1xf32>
    %slice3A_72 = vector.extract_strided_slice %get3A_34 {offsets = [0, 64], sizes = [1024, 64], strides = [1, 1]} : vector<1024x128xbf16> to vector<1024x64xbf16>
    %convert_element_type3A_73 = arith.truncf %exp3A_66 : vector<1024x1024xf32> to vector<1024x1024xbf16>
    %dot_general3A_74 = arith.constant dense<0.000000e+00> : vector<1024x64xf32>
    %dot_general3A_75 = tpu.matmul %convert_element_type3A_73, %slice3A_72, %dot_general3A_74 {dimension_numbers = #tpu.dot_dimension_numbers<[1], [0], [0], [1], [0, 0, 1, 1], [], []>, transpose_lhs_hint = false} : vector<1024x1024xbf16>, vector<1024x64xbf16>, vector<1024x64xf32> -> vector<1024x64xf32>
    %mul3A_76 = vector.broadcast %exp3A_63 : vector<1024x1xf32> to vector<1024x64xf32>
    %mul3A_77 = arith.mulf %while3A_25#5, %mul3A_76 : vector<1024x64xf32>
    %add3A_78 = arith.addf %mul3A_77, %dot_general3A_75 : vector<1024x64xf32>
    %div3A = vector.broadcast %add3A : vector<1024x1xf32> to vector<1024x64xf32>
    %div3A_79 = arith.divf %add3A_51, %div3A : vector<1024x64xf32>
    %convert_element_type3A_80 = arith.truncf %div3A_79 : vector<1024x64xf32> to vector<1024x64xbf16>
    %div3A_81 = vector.broadcast %add3A_71 : vector<1024x1xf32> to vector<1024x64xf32>
    %div3A_82 = arith.divf %add3A_78, %div3A_81 : vector<1024x64xf32>
    %convert_element_type3A_83 = arith.truncf %div3A_82 : vector<1024x64xf32> to vector<1024x64xbf16>
    %concatenate3A = tpu.concatenate %convert_element_type3A_80, %convert_element_type3A_83 in 1 : vector<1024x64xbf16>, vector<1024x64xbf16> -> vector<1024x128xbf16>
    %swap3A = arith.constant 0 : index
    %swap3A_84 = arith.constant 0 : index
    %swap3A_85 = vector.load %arg5[%swap3A, %swap3A_84] : memref<1024x128xbf16, #tpu.memory_space<vmem>>, vector<1024x128xbf16>
    tpu.vector_store %arg5[%swap3A, %swap3A_84], %concatenate3A {strides = array<i32>} : memref<1024x128xbf16, #tpu.memory_space<vmem>>, vector<1024x128xbf16>,
    return
  }
  func.func @transform_0(%arg0: i32, %arg1: i32) -> (i32, i32) {
    %c0_i32 = arith.constant 0 : i32
    return %arg1, %arg0 : i32, i32
  }
  func.func @transform_1(%arg0: i32, %arg1: i32) -> (i32, i32) {
    %c0_i32 = arith.constant 0 : i32
    %c0_i32_0 = arith.constant 0 : i32
    return %c0_i32, %arg0 : i32, i32
  }
  func.func @transform_2(%arg0: i32, %arg1: i32) -> (i32, i32) {
    %c0_i32 = arith.constant 0 : i32
    %c0_i32_0 = arith.constant 0 : i32
    return %c0_i32, %arg0 : i32, i32
  }
  func.func @transform_3(%arg0: i32, %arg1: i32) -> (i32, i32) {
    %c0_i32 = arith.constant 0 : i32
    return %arg1, %arg0 : i32, i32
  }
}

module attributes {stable_mosaic.version = 14 : i64} {
  func.func @_post_attn_kernel(%arg0: i32, %arg1: memref<256x768xbf16, #tpu.memory_space<vmem>>, %arg2: memref<768x768xbf16, #tpu.memory_space<vmem>>, %arg3: memref<256x768xf32, #tpu.memory_space<vmem>>, %arg4: memref<1x768xf32, #tpu.memory_space<vmem>>, %arg5: memref<768x8xf32, #tpu.memory_space<vmem>>, %arg6: memref<256x768xf32, #tpu.memory_space<vmem>>, %arg7: memref<256x384xi32, #tpu.memory_space<vmem>>, %arg8: memref<256x2xi32, #tpu.memory_space<vmem>>, %arg9: memref<256x2xf32, #tpu.memory_space<vmem>>) attributes {dimension_semantics = [#tpu.dimension_semantics<parallel>], iteration_bounds = array<i64: 8>, scalar_prefetch = 0 : i64, scratch_operands = 0 : i64, tpu.core_type = #tpu.core_type<tc>, window_params = [{transform_indices = @transform_0, window_bounds = array<i64: 256, 768>}, {pipeline_mode = #tpu.pipeline_mode<synchronous>, transform_indices = @transform_1, window_bounds = array<i64: 768, 768>}, {transform_indices = @transform_2, window_bounds = array<i64: 256, 768>}, {pipeline_mode = #tpu.pipeline_mode<synchronous>, transform_indices = @transform_3, window_bounds = array<i64: 1, 768>}, {pipeline_mode = #tpu.pipeline_mode<synchronous>, transform_indices = @transform_4, window_bounds = array<i64: 768, 8>}, {transform_indices = @transform_5, window_bounds = array<i64: 256, 768>}, {transform_indices = @transform_6, window_bounds = array<i64: 256, 384>}, {transform_indices = @transform_7, window_bounds = array<i64: 256, 2>}, {transform_indices = @transform_8, window_bounds = array<i64: 256, 2>}]} {
    %get3A = arith.constant 0 : index
    %get3A_0 = arith.constant 0 : index
    %get3A_1 = vector.load %arg1[%get3A, %get3A_0] : memref<256x768xbf16, #tpu.memory_space<vmem>>, vector<256x768xbf16>
    %get3A_2 = arith.constant 0 : index
    %get3A_3 = arith.constant 0 : index
    %get3A_4 = vector.load %arg3[%get3A_2, %get3A_3] : memref<256x768xf32, #tpu.memory_space<vmem>>, vector<256x768xf32>
    %get3A_5 = arith.constant 0 : index
    %get3A_6 = arith.constant 0 : index
    %get3A_7 = vector.load %arg2[%get3A_5, %get3A_6] : memref<768x768xbf16, #tpu.memory_space<vmem>>, vector<768x768xbf16>
    %dot_general3A = arith.constant dense<0.000000e+00> : vector<256x768xf32>
    %dot_general3A_8 = tpu.matmul %get3A_1, %get3A_7, %dot_general3A {dimension_numbers = #tpu.dot_dimension_numbers<[1], [0], [0], [1], [0, 0, 1, 1], [], []>, transpose_lhs_hint = false} : vector<256x768xbf16>, vector<768x768xbf16>, vector<256x768xf32> -> vector<256x768xf32>
    %add3A = arith.addf %get3A_4, %dot_general3A_8 : vector<256x768xf32>
    %swap3A = arith.constant 0 : index
    %swap3A_9 = arith.constant 0 : index
    %swap3A_10 = vector.load %arg6[%swap3A, %swap3A_9] : memref<256x768xf32, #tpu.memory_space<vmem>>, vector<256x768xf32>
    tpu.vector_store %arg6[%swap3A, %swap3A_9], %add3A {strides = array<i32>} : memref<256x768xf32, #tpu.memory_space<vmem>>, vector<256x768xf32>,
    %square3A = arith.mulf %add3A, %add3A : vector<256x768xf32>
    %reduce_sum3A = arith.constant dense<0.000000e+00> : vector<256xf32>
    %reduce_sum3A_11 = vector.multi_reduction <add>, %square3A, %reduce_sum3A [1] : vector<256x768xf32> to vector<256xf32>
    %broadcast_in_dim3A = vector.shape_cast %reduce_sum3A_11 : vector<256xf32> to vector<256x1xf32>
    %div3A = arith.constant 7.680000e+02 : f32
    %div3A_12 = vector.broadcast %div3A : f32 to vector<256x1xf32>
    %div3A_13 = arith.divf %broadcast_in_dim3A, %div3A_12 : vector<256x1xf32>
    %add3A_14 = arith.constant 9.99999997E-7 : f32
    %add3A_15 = vector.broadcast %add3A_14 : f32 to vector<256x1xf32>
    %add3A_16 = arith.addf %div3A_13, %add3A_15 : vector<256x1xf32>
    %rsqrt3A = math.rsqrt %add3A_16 : vector<256x1xf32>
    %mul3A = vector.broadcast %rsqrt3A : vector<256x1xf32> to vector<256x768xf32>
    %mul3A_17 = arith.mulf %add3A, %mul3A : vector<256x768xf32>
    %get3A_18 = arith.constant 0 : index
    %get3A_19 = arith.constant 0 : index
    %get3A_20 = vector.load %arg4[%get3A_18, %get3A_19] : memref<1x768xf32, #tpu.memory_space<vmem>>, vector<1x768xf32>
    %mul3A_21 = vector.broadcast %get3A_20 : vector<1x768xf32> to vector<256x768xf32>
    %mul3A_22 = arith.mulf %mul3A_17, %mul3A_21 : vector<256x768xf32>
    %convert_element_type3A = arith.truncf %mul3A_22 : vector<256x768xf32> to vector<256x768xbf16>
    %slice3A = vector.extract_strided_slice %convert_element_type3A {offsets = [0, 0], sizes = [256, 384], strides = [1, 1]} : vector<256x768xbf16> to vector<256x384xbf16>
    %bitcast_convert_type3A = tpu.bitcast %slice3A : vector<256x384xbf16> -> vector<256x384xi16>
    %slice3A_23 = vector.extract_strided_slice %convert_element_type3A {offsets = [0, 384], sizes = [256, 384], strides = [1, 1]} : vector<256x768xbf16> to vector<256x384xbf16>
    %bitcast_convert_type3A_24 = tpu.bitcast %slice3A_23 : vector<256x384xbf16> -> vector<256x384xi16>
    %convert_element_type3A_25 = arith.extui %bitcast_convert_type3A_24 : vector<256x384xi16> to vector<256x384xi32>
    %shift_left3A = arith.constant 16 : i32
    %shift_left3A_26 = vector.broadcast %shift_left3A : i32 to vector<256x384xi32>
    %shift_left3A_27 = arith.shli %convert_element_type3A_25, %shift_left3A_26 : vector<256x384xi32>
    %convert_element_type3A_28 = arith.extui %bitcast_convert_type3A : vector<256x384xi16> to vector<256x384xi32>
    %or3A = arith.ori %shift_left3A_27, %convert_element_type3A_28 : vector<256x384xi32>
    %bitcast_convert_type3A_29 = tpu.bitcast %or3A : vector<256x384xi32> -> vector<256x384xi32>
    %swap3A_30 = arith.constant 0 : index
    %swap3A_31 = arith.constant 0 : index
    %swap3A_32 = vector.load %arg7[%swap3A_30, %swap3A_31] : memref<256x384xi32, #tpu.memory_space<vmem>>, vector<256x384xi32>
    tpu.vector_store %arg7[%swap3A_30, %swap3A_31], %bitcast_convert_type3A_29 {strides = array<i32>} : memref<256x384xi32, #tpu.memory_space<vmem>>, vector<256x384xi32>,
    %get3A_33 = arith.constant 0 : index
    %get3A_34 = arith.constant 0 : index
    %get3A_35 = vector.load %arg5[%get3A_33, %get3A_34] : memref<768x8xf32, #tpu.memory_space<vmem>>, vector<768x8xf32>
    %dot_general3A_36 = arith.constant dense<0.000000e+00> : vector<256x8xf32>
    %dot_general3A_37 = tpu.matmul %mul3A_22, %get3A_35, %dot_general3A_36 {dimension_numbers = #tpu.dot_dimension_numbers<[1], [0], [0], [1], [0, 0, 1, 1], [], []>, precision = #tpu.contract_precision<fp32>, transpose_lhs_hint = false} : vector<256x768xf32>, vector<768x8xf32>, vector<256x8xf32> -> vector<256x8xf32>
    %iota3A = tpu.iota {dimensions = array<i32: 1>} : vector<256x8xi32>
    %reduce_max3A = arith.constant dense<0xFF800000> : vector<256xf32>
    %reduce_max3A_38 = vector.multi_reduction <maximumf>, %dot_general3A_37, %reduce_max3A [1] : vector<256x8xf32> to vector<256xf32>
    %broadcast_in_dim3A_39 = vector.shape_cast %reduce_max3A_38 : vector<256xf32> to vector<256x1xf32>
    %eq3A = vector.broadcast %broadcast_in_dim3A_39 : vector<256x1xf32> to vector<256x8xf32>
    %eq3A_40 = arith.cmpf oeq, %dot_general3A_37, %eq3A : vector<256x8xf32>
    %jit3A = arith.constant 8 : i32
    %broadcast_in_dim3A_41 = vector.broadcast %jit3A : i32 to vector<256x8xi32>
    %select_n3A = arith.select %eq3A_40, %iota3A, %broadcast_in_dim3A_41 : vector<256x8xi1>, vector<256x8xi32>
    %reduce_min3A = arith.constant dense<2147483647> : vector<256xi32>
    %reduce_min3A_42 = vector.multi_reduction <minsi>, %select_n3A, %reduce_min3A [1] : vector<256x8xi32> to vector<256xi32>
    %broadcast_in_dim3A_43 = vector.shape_cast %reduce_min3A_42 : vector<256xi32> to vector<256x1xi32>
    %eq3A_44 = vector.broadcast %broadcast_in_dim3A_43 : vector<256x1xi32> to vector<256x8xi32>
    %eq3A_45 = arith.cmpi eq, %iota3A, %eq3A_44 : vector<256x8xi32>
    %jit3A_46 = arith.constant -1.000000e+30 : f32
    %broadcast_in_dim3A_47 = vector.broadcast %jit3A_46 : f32 to vector<256x8xf32>
    %select_n3A_48 = arith.select %eq3A_45, %broadcast_in_dim3A_47, %dot_general3A_37 : vector<256x8xi1>, vector<256x8xf32>
    %reduce_max3A_49 = arith.constant dense<0xFF800000> : vector<256xf32>
    %reduce_max3A_50 = vector.multi_reduction <maximumf>, %select_n3A_48, %reduce_max3A_49 [1] : vector<256x8xf32> to vector<256xf32>
    %broadcast_in_dim3A_51 = vector.shape_cast %reduce_max3A_50 : vector<256xf32> to vector<256x1xf32>
    %eq3A_52 = vector.broadcast %broadcast_in_dim3A_51 : vector<256x1xf32> to vector<256x8xf32>
    %eq3A_53 = arith.cmpf oeq, %select_n3A_48, %eq3A_52 : vector<256x8xf32>
    %jit3A_54 = arith.constant 8 : i32
    %broadcast_in_dim3A_55 = vector.broadcast %jit3A_54 : i32 to vector<256x8xi32>
    %select_n3A_56 = arith.select %eq3A_53, %iota3A, %broadcast_in_dim3A_55 : vector<256x8xi1>, vector<256x8xi32>
    %reduce_min3A_57 = arith.constant dense<2147483647> : vector<256xi32>
    %reduce_min3A_58 = vector.multi_reduction <minsi>, %select_n3A_56, %reduce_min3A_57 [1] : vector<256x8xi32> to vector<256xi32>
    %broadcast_in_dim3A_59 = vector.shape_cast %reduce_min3A_58 : vector<256xi32> to vector<256x1xi32>
    %sub3A = arith.subf %broadcast_in_dim3A_51, %broadcast_in_dim3A_39 : vector<256x1xf32>
    %exp3A = math.exp %sub3A : vector<256x1xf32>
    %add3A_60 = arith.constant 1.000000e+00 : f32
    %add3A_61 = vector.broadcast %add3A_60 : f32 to vector<256x1xf32>
    %add3A_62 = arith.addf %add3A_61, %exp3A : vector<256x1xf32>
    %div3A_63 = arith.constant 1.000000e+00 : f32
    %div3A_64 = vector.broadcast %div3A_63 : f32 to vector<256x1xf32>
    %div3A_65 = arith.divf %div3A_64, %add3A_62 : vector<256x1xf32>
    %sub3A_66 = arith.constant 1.000000e+00 : f32
    %sub3A_67 = vector.broadcast %sub3A_66 : f32 to vector<256x1xf32>
    %sub3A_68 = arith.subf %sub3A_67, %div3A_65 : vector<256x1xf32>
    %iota3A_69 = tpu.iota {dimensions = array<i32: 1>} : vector<256x2xi32>
    %eq3A_70 = arith.constant 0 : i32
    %eq3A_71 = vector.broadcast %eq3A_70 : i32 to vector<256x2xi32>
    %eq3A_72 = arith.cmpi eq, %iota3A_69, %eq3A_71 : vector<256x2xi32>
    %broadcast_in_dim3A_73 = vector.shape_cast %broadcast_in_dim3A_43 : vector<256x1xi32> to vector<256x1xi32>
    %broadcast_in_dim3A_74 = vector.broadcast %broadcast_in_dim3A_73 : vector<256x1xi32> to vector<256x2xi32>
    %broadcast_in_dim3A_75 = vector.shape_cast %broadcast_in_dim3A_59 : vector<256x1xi32> to vector<256x1xi32>
    %broadcast_in_dim3A_76 = vector.broadcast %broadcast_in_dim3A_75 : vector<256x1xi32> to vector<256x2xi32>
    %select_n3A_77 = arith.select %eq3A_72, %broadcast_in_dim3A_74, %broadcast_in_dim3A_76 : vector<256x2xi1>, vector<256x2xi32>
    %swap3A_78 = arith.constant 0 : index
    %swap3A_79 = arith.constant 0 : index
    %swap3A_80 = vector.load %arg8[%swap3A_78, %swap3A_79] : memref<256x2xi32, #tpu.memory_space<vmem>>, vector<256x2xi32>
    tpu.vector_store %arg8[%swap3A_78, %swap3A_79], %select_n3A_77 {strides = array<i32>} : memref<256x2xi32, #tpu.memory_space<vmem>>, vector<256x2xi32>,
    %eq3A_81 = arith.constant 0 : i32
    %eq3A_82 = vector.broadcast %eq3A_81 : i32 to vector<256x2xi32>
    %eq3A_83 = arith.cmpi eq, %iota3A_69, %eq3A_82 : vector<256x2xi32>
    %broadcast_in_dim3A_84 = vector.shape_cast %div3A_65 : vector<256x1xf32> to vector<256x1xf32>
    %broadcast_in_dim3A_85 = vector.broadcast %broadcast_in_dim3A_84 : vector<256x1xf32> to vector<256x2xf32>
    %broadcast_in_dim3A_86 = vector.shape_cast %sub3A_68 : vector<256x1xf32> to vector<256x1xf32>
    %broadcast_in_dim3A_87 = vector.broadcast %broadcast_in_dim3A_86 : vector<256x1xf32> to vector<256x2xf32>
    %select_n3A_88 = arith.select %eq3A_83, %broadcast_in_dim3A_85, %broadcast_in_dim3A_87 : vector<256x2xi1>, vector<256x2xf32>
    %swap3A_89 = arith.constant 0 : index
    %swap3A_90 = arith.constant 0 : index
    %swap3A_91 = vector.load %arg9[%swap3A_89, %swap3A_90] : memref<256x2xf32, #tpu.memory_space<vmem>>, vector<256x2xf32>
    tpu.vector_store %arg9[%swap3A_89, %swap3A_90], %select_n3A_88 {strides = array<i32>} : memref<256x2xf32, #tpu.memory_space<vmem>>, vector<256x2xf32>,
    return
  }
  func.func @transform_0(%arg0: i32) -> (i32, i32) {
    %c0_i32 = arith.constant 0 : i32
    %c0_i32_0 = arith.constant 0 : i32
    return %arg0, %c0_i32 : i32, i32
  }
  func.func @transform_1(%arg0: i32) -> (i32, i32) {
    %c0_i32 = arith.constant 0 : i32
    %c0_i32_0 = arith.constant 0 : i32
    %c0_i32_1 = arith.constant 0 : i32
    return %c0_i32, %c0_i32_0 : i32, i32
  }
  func.func @transform_2(%arg0: i32) -> (i32, i32) {
    %c0_i32 = arith.constant 0 : i32
    %c0_i32_0 = arith.constant 0 : i32
    return %arg0, %c0_i32 : i32, i32
  }
  func.func @transform_3(%arg0: i32) -> (i32, i32) {
    %c0_i32 = arith.constant 0 : i32
    %c0_i32_0 = arith.constant 0 : i32
    %c0_i32_1 = arith.constant 0 : i32
    return %c0_i32, %c0_i32_0 : i32, i32
  }
  func.func @transform_4(%arg0: i32) -> (i32, i32) {
    %c0_i32 = arith.constant 0 : i32
    %c0_i32_0 = arith.constant 0 : i32
    %c0_i32_1 = arith.constant 0 : i32
    return %c0_i32, %c0_i32_0 : i32, i32
  }
  func.func @transform_5(%arg0: i32) -> (i32, i32) {
    %c0_i32 = arith.constant 0 : i32
    %c0_i32_0 = arith.constant 0 : i32
    return %arg0, %c0_i32 : i32, i32
  }
  func.func @transform_6(%arg0: i32) -> (i32, i32) {
    %c0_i32 = arith.constant 0 : i32
    %c0_i32_0 = arith.constant 0 : i32
    return %arg0, %c0_i32 : i32, i32
  }
  func.func @transform_7(%arg0: i32) -> (i32, i32) {
    %c0_i32 = arith.constant 0 : i32
    %c0_i32_0 = arith.constant 0 : i32
    return %arg0, %c0_i32 : i32, i32
  }
  func.func @transform_8(%arg0: i32) -> (i32, i32) {
    %c0_i32 = arith.constant 0 : i32
    %c0_i32_0 = arith.constant 0 : i32
    return %arg0, %c0_i32 : i32, i32
  }
}

module attributes {stable_mosaic.version = 14 : i64} {
  func.func @_dispatch_kernel(%arg0: i32, %arg1: memref<32x128xi32, #tpu.memory_space<vmem>>, %arg2: memref<32x128xi32, #tpu.memory_space<vmem>>, %arg3: memref<1x16xi32, #tpu.memory_space<vmem>>, %arg4: memref<1x16xi32, #tpu.memory_space<vmem>>) attributes {dimension_semantics = [#tpu.dimension_semantics<arbitrary>], iteration_bounds = array<i64: 1>, scalar_prefetch = 0 : i64, scratch_operands = 0 : i64, tpu.core_type = #tpu.core_type<tc>, window_params = [{pipeline_mode = #tpu.pipeline_mode<synchronous>, transform_indices = @transform_0, window_bounds = array<i64: 32, 128>}, {pipeline_mode = #tpu.pipeline_mode<synchronous>, transform_indices = @transform_1, window_bounds = array<i64: 32, 128>}, {pipeline_mode = #tpu.pipeline_mode<synchronous>, transform_indices = @transform_2, window_bounds = array<i64: 1, 16>}, {pipeline_mode = #tpu.pipeline_mode<synchronous>, transform_indices = @transform_3, window_bounds = array<i64: 1, 16>}]} {
    %get3A = arith.constant 0 : index
    %get3A_0 = arith.constant 0 : index
    %get3A_1 = vector.load %arg1[%get3A, %get3A_0] : memref<32x128xi32, #tpu.memory_space<vmem>>, vector<32x128xi32>
    %iota3A = tpu.iota {dimensions = array<i32: 1>} : vector<32x128xi32>
    %iota3A_2 = tpu.iota {dimensions = array<i32: 0>} : vector<32x1xi32>
    %iota3A_3 = tpu.iota {dimensions = array<i32: 1>} : vector<1x16xi32>
    %broadcast_in_dim3A = arith.constant 0 : i32
    %broadcast_in_dim3A_4 = vector.broadcast %broadcast_in_dim3A : i32 to vector<32x128xi32>
    %broadcast_in_dim3A_5 = arith.constant 0 : i32
    %broadcast_in_dim3A_6 = vector.broadcast %broadcast_in_dim3A_5 : i32 to vector<1x16xi32>
    %eq3A = arith.constant 0 : i32
    %eq3A_7 = vector.broadcast %eq3A : i32 to vector<32x128xi32>
    %eq3A_8 = arith.cmpi eq, %get3A_1, %eq3A_7 : vector<32x128xi32>
    %convert_element_type3A = arith.extui %eq3A_8 : vector<32x128xi1> to vector<32x128xi32>
    %ge3A = arith.constant 1 : i32
    %ge3A_9 = vector.broadcast %ge3A : i32 to vector<32x128xi32>
    %ge3A_10 = arith.cmpi sge, %iota3A, %ge3A_9 : vector<32x128xi32>
    %roll3A = arith.constant 1 : i32
    %roll3A_11 = tpu.dynamic_rotate %convert_element_type3A by %roll3A dim 1 : vector<32x128xi32>, i32 -> vector<32x128xi32>
    %jit3A = arith.constant 0 : i32
    %broadcast_in_dim3A_12 = vector.broadcast %jit3A : i32 to vector<32x128xi32>
    %select_n3A = arith.select %ge3A_10, %roll3A_11, %broadcast_in_dim3A_12 : vector<32x128xi1>, vector<32x128xi32>
    %add3A = arith.addi %convert_element_type3A, %select_n3A : vector<32x128xi32>
    %ge3A_13 = arith.constant 2 : i32
    %ge3A_14 = vector.broadcast %ge3A_13 : i32 to vector<32x128xi32>
    %ge3A_15 = arith.cmpi sge, %iota3A, %ge3A_14 : vector<32x128xi32>
    %roll3A_16 = arith.constant 2 : i32
    %roll3A_17 = tpu.dynamic_rotate %add3A by %roll3A_16 dim 1 : vector<32x128xi32>, i32 -> vector<32x128xi32>
    %jit3A_18 = arith.constant 0 : i32
    %broadcast_in_dim3A_19 = vector.broadcast %jit3A_18 : i32 to vector<32x128xi32>
    %select_n3A_20 = arith.select %ge3A_15, %roll3A_17, %broadcast_in_dim3A_19 : vector<32x128xi1>, vector<32x128xi32>
    %add3A_21 = arith.addi %add3A, %select_n3A_20 : vector<32x128xi32>
    %ge3A_22 = arith.constant 4 : i32
    %ge3A_23 = vector.broadcast %ge3A_22 : i32 to vector<32x128xi32>
    %ge3A_24 = arith.cmpi sge, %iota3A, %ge3A_23 : vector<32x128xi32>
    %roll3A_25 = arith.constant 4 : i32
    %roll3A_26 = tpu.dynamic_rotate %add3A_21 by %roll3A_25 dim 1 : vector<32x128xi32>, i32 -> vector<32x128xi32>
    %jit3A_27 = arith.constant 0 : i32
    %broadcast_in_dim3A_28 = vector.broadcast %jit3A_27 : i32 to vector<32x128xi32>
    %select_n3A_29 = arith.select %ge3A_24, %roll3A_26, %broadcast_in_dim3A_28 : vector<32x128xi1>, vector<32x128xi32>
    %add3A_30 = arith.addi %add3A_21, %select_n3A_29 : vector<32x128xi32>
    %ge3A_31 = arith.constant 8 : i32
    %ge3A_32 = vector.broadcast %ge3A_31 : i32 to vector<32x128xi32>
    %ge3A_33 = arith.cmpi sge, %iota3A, %ge3A_32 : vector<32x128xi32>
    %roll3A_34 = arith.constant 8 : i32
    %roll3A_35 = tpu.dynamic_rotate %add3A_30 by %roll3A_34 dim 1 : vector<32x128xi32>, i32 -> vector<32x128xi32>
    %jit3A_36 = arith.constant 0 : i32
    %broadcast_in_dim3A_37 = vector.broadcast %jit3A_36 : i32 to vector<32x128xi32>
    %select_n3A_38 = arith.select %ge3A_33, %roll3A_35, %broadcast_in_dim3A_37 : vector<32x128xi1>, vector<32x128xi32>
    %add3A_39 = arith.addi %add3A_30, %select_n3A_38 : vector<32x128xi32>
    %ge3A_40 = arith.constant 16 : i32
    %ge3A_41 = vector.broadcast %ge3A_40 : i32 to vector<32x128xi32>
    %ge3A_42 = arith.cmpi sge, %iota3A, %ge3A_41 : vector<32x128xi32>
    %roll3A_43 = arith.constant 16 : i32
    %roll3A_44 = tpu.dynamic_rotate %add3A_39 by %roll3A_43 dim 1 : vector<32x128xi32>, i32 -> vector<32x128xi32>
    %jit3A_45 = arith.constant 0 : i32
    %broadcast_in_dim3A_46 = vector.broadcast %jit3A_45 : i32 to vector<32x128xi32>
    %select_n3A_47 = arith.select %ge3A_42, %roll3A_44, %broadcast_in_dim3A_46 : vector<32x128xi1>, vector<32x128xi32>
    %add3A_48 = arith.addi %add3A_39, %select_n3A_47 : vector<32x128xi32>
    %ge3A_49 = arith.constant 32 : i32
    %ge3A_50 = vector.broadcast %ge3A_49 : i32 to vector<32x128xi32>
    %ge3A_51 = arith.cmpi sge, %iota3A, %ge3A_50 : vector<32x128xi32>
    %roll3A_52 = arith.constant 32 : i32
    %roll3A_53 = tpu.dynamic_rotate %add3A_48 by %roll3A_52 dim 1 : vector<32x128xi32>, i32 -> vector<32x128xi32>
    %jit3A_54 = arith.constant 0 : i32
    %broadcast_in_dim3A_55 = vector.broadcast %jit3A_54 : i32 to vector<32x128xi32>
    %select_n3A_56 = arith.select %ge3A_51, %roll3A_53, %broadcast_in_dim3A_55 : vector<32x128xi1>, vector<32x128xi32>
    %add3A_57 = arith.addi %add3A_48, %select_n3A_56 : vector<32x128xi32>
    %ge3A_58 = arith.constant 64 : i32
    %ge3A_59 = vector.broadcast %ge3A_58 : i32 to vector<32x128xi32>
    %ge3A_60 = arith.cmpi sge, %iota3A, %ge3A_59 : vector<32x128xi32>
    %roll3A_61 = arith.constant 64 : i32
    %roll3A_62 = tpu.dynamic_rotate %add3A_57 by %roll3A_61 dim 1 : vector<32x128xi32>, i32 -> vector<32x128xi32>
    %jit3A_63 = arith.constant 0 : i32
    %broadcast_in_dim3A_64 = vector.broadcast %jit3A_63 : i32 to vector<32x128xi32>
    %select_n3A_65 = arith.select %ge3A_60, %roll3A_62, %broadcast_in_dim3A_64 : vector<32x128xi1>, vector<32x128xi32>
    %add3A_66 = arith.addi %add3A_57, %select_n3A_65 : vector<32x128xi32>
    %reduce_sum3A = arith.constant dense<0> : vector<32xi32>
    %reduce_sum3A_67 = vector.multi_reduction <add>, %convert_element_type3A, %reduce_sum3A [1] : vector<32x128xi32> to vector<32xi32>
    %broadcast_in_dim3A_68 = vector.shape_cast %reduce_sum3A_67 : vector<32xi32> to vector<32x1xi32>
    %ge3A_69 = arith.constant 1 : i32
    %ge3A_70 = vector.broadcast %ge3A_69 : i32 to vector<32x1xi32>
    %ge3A_71 = arith.cmpi sge, %iota3A_2, %ge3A_70 : vector<32x1xi32>
    %roll3A_72 = arith.constant 1 : i32
    %roll3A_73 = tpu.dynamic_rotate %broadcast_in_dim3A_68 by %roll3A_72 dim 0 : vector<32x1xi32>, i32 -> vector<32x1xi32>
    %jit3A_74 = arith.constant 0 : i32
    %broadcast_in_dim3A_75 = vector.broadcast %jit3A_74 : i32 to vector<32x1xi32>
    %select_n3A_76 = arith.select %ge3A_71, %roll3A_73, %broadcast_in_dim3A_75 : vector<32x1xi1>, vector<32x1xi32>
    %add3A_77 = arith.addi %broadcast_in_dim3A_68, %select_n3A_76 : vector<32x1xi32>
    %ge3A_78 = arith.constant 2 : i32
    %ge3A_79 = vector.broadcast %ge3A_78 : i32 to vector<32x1xi32>
    %ge3A_80 = arith.cmpi sge, %iota3A_2, %ge3A_79 : vector<32x1xi32>
    %roll3A_81 = arith.constant 2 : i32
    %roll3A_82 = tpu.dynamic_rotate %add3A_77 by %roll3A_81 dim 0 : vector<32x1xi32>, i32 -> vector<32x1xi32>
    %jit3A_83 = arith.constant 0 : i32
    %broadcast_in_dim3A_84 = vector.broadcast %jit3A_83 : i32 to vector<32x1xi32>
    %select_n3A_85 = arith.select %ge3A_80, %roll3A_82, %broadcast_in_dim3A_84 : vector<32x1xi1>, vector<32x1xi32>
    %add3A_86 = arith.addi %add3A_77, %select_n3A_85 : vector<32x1xi32>
    %ge3A_87 = arith.constant 4 : i32
    %ge3A_88 = vector.broadcast %ge3A_87 : i32 to vector<32x1xi32>
    %ge3A_89 = arith.cmpi sge, %iota3A_2, %ge3A_88 : vector<32x1xi32>
    %roll3A_90 = arith.constant 4 : i32
    %roll3A_91 = tpu.dynamic_rotate %add3A_86 by %roll3A_90 dim 0 : vector<32x1xi32>, i32 -> vector<32x1xi32>
    %jit3A_92 = arith.constant 0 : i32
    %broadcast_in_dim3A_93 = vector.broadcast %jit3A_92 : i32 to vector<32x1xi32>
    %select_n3A_94 = arith.select %ge3A_89, %roll3A_91, %broadcast_in_dim3A_93 : vector<32x1xi1>, vector<32x1xi32>
    %add3A_95 = arith.addi %add3A_86, %select_n3A_94 : vector<32x1xi32>
    %ge3A_96 = arith.constant 8 : i32
    %ge3A_97 = vector.broadcast %ge3A_96 : i32 to vector<32x1xi32>
    %ge3A_98 = arith.cmpi sge, %iota3A_2, %ge3A_97 : vector<32x1xi32>
    %roll3A_99 = arith.constant 8 : i32
    %roll3A_100 = tpu.dynamic_rotate %add3A_95 by %roll3A_99 dim 0 : vector<32x1xi32>, i32 -> vector<32x1xi32>
    %jit3A_101 = arith.constant 0 : i32
    %broadcast_in_dim3A_102 = vector.broadcast %jit3A_101 : i32 to vector<32x1xi32>
    %select_n3A_103 = arith.select %ge3A_98, %roll3A_100, %broadcast_in_dim3A_102 : vector<32x1xi1>, vector<32x1xi32>
    %add3A_104 = arith.addi %add3A_95, %select_n3A_103 : vector<32x1xi32>
    %ge3A_105 = arith.constant 16 : i32
    %ge3A_106 = vector.broadcast %ge3A_105 : i32 to vector<32x1xi32>
    %ge3A_107 = arith.cmpi sge, %iota3A_2, %ge3A_106 : vector<32x1xi32>
    %roll3A_108 = arith.constant 16 : i32
    %roll3A_109 = tpu.dynamic_rotate %add3A_104 by %roll3A_108 dim 0 : vector<32x1xi32>, i32 -> vector<32x1xi32>
    %jit3A_110 = arith.constant 0 : i32
    %broadcast_in_dim3A_111 = vector.broadcast %jit3A_110 : i32 to vector<32x1xi32>
    %select_n3A_112 = arith.select %ge3A_107, %roll3A_109, %broadcast_in_dim3A_111 : vector<32x1xi1>, vector<32x1xi32>
    %add3A_113 = arith.addi %add3A_104, %select_n3A_112 : vector<32x1xi32>
    %sub3A = arith.subi %add3A_66, %convert_element_type3A : vector<32x128xi32>
    %sub3A_114 = arith.subi %add3A_113, %broadcast_in_dim3A_68 : vector<32x1xi32>
    %add3A_115 = vector.broadcast %sub3A_114 : vector<32x1xi32> to vector<32x128xi32>
    %add3A_116 = arith.addi %sub3A, %add3A_115 : vector<32x128xi32>
    %reduce_sum3A_117 = vector.shape_cast %convert_element_type3A : vector<32x128xi32> to vector<1x32x128xi32>
    %reduce_sum3A_118 = arith.constant dense<0> : vector<1xi32>
    %reduce_sum3A_119 = vector.multi_reduction <add>, %reduce_sum3A_117, %reduce_sum3A_118 [1, 2] : vector<1x32x128xi32> to vector<1xi32>
    %reduce_sum3A_120 = vector.shape_cast %reduce_sum3A_119 : vector<1xi32> to vector<1x1x1xi32>
    %reduce_sum3A_121 = vector.extract %reduce_sum3A_120[0, 0, 0] : i32 from vector<1x1x1xi32>
    %add3A_122 = arith.constant 512 : i32
    %add3A_123 = arith.addi %reduce_sum3A_121, %add3A_122 : i32
    %sub3A_124 = arith.constant 1 : i32
    %sub3A_125 = arith.subi %add3A_123, %sub3A_124 : i32
    %jit3A_126 = arith.constant 512 : i32
    %div3A = arith.divsi %sub3A_125, %jit3A_126 : i32
    %sign3A = arith.constant 0 : i32
    %sign3A_127 = arith.cmpi sgt, %sub3A_125, %sign3A : i32
    %sign3A_128 = arith.extui %sign3A_127 : i1 to i32
    %sign3A_129 = arith.constant 0 : i32
    %sign3A_130 = arith.cmpi slt, %sub3A_125, %sign3A_129 : i32
    %sign3A_131 = arith.extui %sign3A_130 : i1 to i32
    %sign3A_132 = arith.subi %sign3A_128, %sign3A_131 : i32
    %sign3A_133 = arith.constant 0 : i32
    %sign3A_134 = arith.cmpi sgt, %jit3A_126, %sign3A_133 : i32
    %sign3A_135 = arith.extui %sign3A_134 : i1 to i32
    %sign3A_136 = arith.constant 0 : i32
    %sign3A_137 = arith.cmpi slt, %jit3A_126, %sign3A_136 : i32
    %sign3A_138 = arith.extui %sign3A_137 : i1 to i32
    %sign3A_139 = arith.subi %sign3A_135, %sign3A_138 : i32
    %ne3A = arith.cmpi ne, %sign3A_132, %sign3A_139 : i32
    %rem3A = arith.remsi %sub3A_125, %jit3A_126 : i32
    %ne3A_140 = arith.constant 0 : i32
    %ne3A_141 = arith.cmpi ne, %rem3A, %ne3A_140 : i32
    %and3A = arith.andi %ne3A, %ne3A_141 : i1
    %sub3A_142 = arith.constant 1 : i32
    %sub3A_143 = arith.subi %div3A, %sub3A_142 : i32
    %select_n3A_144 = arith.select %and3A, %sub3A_143, %div3A : i32
    %mul3A = arith.constant 512 : i32
    %mul3A_145 = arith.muli %select_n3A_144, %mul3A : i32
    %eq3A_146 = arith.constant 0 : i32
    %eq3A_147 = vector.broadcast %eq3A_146 : i32 to vector<32x128xi32>
    %eq3A_148 = arith.cmpi eq, %get3A_1, %eq3A_147 : vector<32x128xi32>
    %add3A_149 = arith.constant 0 : i32
    %add3A_150 = vector.broadcast %add3A_149 : i32 to vector<32x128xi32>
    %add3A_151 = arith.addi %add3A_150, %add3A_116 : vector<32x128xi32>
    %select_n3A_152 = arith.select %eq3A_148, %add3A_151, %broadcast_in_dim3A_4 : vector<32x128xi1>, vector<32x128xi32>
    %jit3A_153 = arith.constant 0 : i32
    %jit3A_154 = arith.constant 512 : i32
    %div3A_155 = arith.divsi %jit3A_153, %jit3A_154 : i32
    %sign3A_156 = arith.constant 0 : i32
    %sign3A_157 = arith.cmpi sgt, %jit3A_153, %sign3A_156 : i32
    %sign3A_158 = arith.extui %sign3A_157 : i1 to i32
    %sign3A_159 = arith.constant 0 : i32
    %sign3A_160 = arith.cmpi slt, %jit3A_153, %sign3A_159 : i32
    %sign3A_161 = arith.extui %sign3A_160 : i1 to i32
    %sign3A_162 = arith.subi %sign3A_158, %sign3A_161 : i32
    %sign3A_163 = arith.constant 0 : i32
    %sign3A_164 = arith.cmpi sgt, %jit3A_154, %sign3A_163 : i32
    %sign3A_165 = arith.extui %sign3A_164 : i1 to i32
    %sign3A_166 = arith.constant 0 : i32
    %sign3A_167 = arith.cmpi slt, %jit3A_154, %sign3A_166 : i32
    %sign3A_168 = arith.extui %sign3A_167 : i1 to i32
    %sign3A_169 = arith.subi %sign3A_165, %sign3A_168 : i32
    %ne3A_170 = arith.cmpi ne, %sign3A_162, %sign3A_169 : i32
    %rem3A_171 = arith.remsi %jit3A_153, %jit3A_154 : i32
    %ne3A_172 = arith.constant 0 : i32
    %ne3A_173 = arith.cmpi ne, %rem3A_171, %ne3A_172 : i32
    %and3A_174 = arith.andi %ne3A_170, %ne3A_173 : i1
    %sub3A_175 = arith.constant 1 : i32
    %sub3A_176 = arith.subi %div3A_155, %sub3A_175 : i32
    %select_n3A_177 = arith.select %and3A_174, %sub3A_176, %div3A_155 : i32
    %jit3A_178 = arith.constant 512 : i32
    %div3A_179 = arith.divsi %mul3A_145, %jit3A_178 : i32
    %sign3A_180 = arith.constant 0 : i32
    %sign3A_181 = arith.cmpi sgt, %mul3A_145, %sign3A_180 : i32
    %sign3A_182 = arith.extui %sign3A_181 : i1 to i32
    %sign3A_183 = arith.constant 0 : i32
    %sign3A_184 = arith.cmpi slt, %mul3A_145, %sign3A_183 : i32
    %sign3A_185 = arith.extui %sign3A_184 : i1 to i32
    %sign3A_186 = arith.subi %sign3A_182, %sign3A_185 : i32
    %sign3A_187 = arith.constant 0 : i32
    %sign3A_188 = arith.cmpi sgt, %jit3A_178, %sign3A_187 : i32
    %sign3A_189 = arith.extui %sign3A_188 : i1 to i32
    %sign3A_190 = arith.constant 0 : i32
    %sign3A_191 = arith.cmpi slt, %jit3A_178, %sign3A_190 : i32
    %sign3A_192 = arith.extui %sign3A_191 : i1 to i32
    %sign3A_193 = arith.subi %sign3A_189, %sign3A_192 : i32
    %ne3A_194 = arith.cmpi ne, %sign3A_186, %sign3A_193 : i32
    %rem3A_195 = arith.remsi %mul3A_145, %jit3A_178 : i32
    %ne3A_196 = arith.constant 0 : i32
    %ne3A_197 = arith.cmpi ne, %rem3A_195, %ne3A_196 : i32
    %and3A_198 = arith.andi %ne3A_194, %ne3A_197 : i1
    %sub3A_199 = arith.constant 1 : i32
    %sub3A_200 = arith.subi %div3A_179, %sub3A_199 : i32
    %select_n3A_201 = arith.select %and3A_198, %sub3A_200, %div3A_179 : i32
    %ge3A_202 = vector.broadcast %select_n3A_177 : i32 to vector<1x16xi32>
    %ge3A_203 = arith.cmpi sge, %iota3A_3, %ge3A_202 : vector<1x16xi32>
    %add3A_204 = arith.addi %select_n3A_177, %select_n3A_201 : i32
    %lt3A = vector.broadcast %add3A_204 : i32 to vector<1x16xi32>
    %lt3A_205 = arith.cmpi slt, %iota3A_3, %lt3A : vector<1x16xi32>
    %and3A_206 = arith.andi %ge3A_203, %lt3A_205 : vector<1x16xi1>
    %jit3A_207 = arith.constant 0 : i32
    %broadcast_in_dim3A_208 = vector.broadcast %jit3A_207 : i32 to vector<1x16xi32>
    %select_n3A_209 = arith.select %and3A_206, %broadcast_in_dim3A_208, %broadcast_in_dim3A_6 : vector<1x16xi1>, vector<1x16xi32>
    %add3A_210 = arith.constant 0 : i32
    %add3A_211 = arith.addi %add3A_210, %mul3A_145 : i32
    %eq3A_212 = arith.constant 1 : i32
    %eq3A_213 = vector.broadcast %eq3A_212 : i32 to vector<32x128xi32>
    %eq3A_214 = arith.cmpi eq, %get3A_1, %eq3A_213 : vector<32x128xi32>
    %convert_element_type3A_215 = arith.extui %eq3A_214 : vector<32x128xi1> to vector<32x128xi32>
    %ge3A_216 = arith.constant 1 : i32
    %ge3A_217 = vector.broadcast %ge3A_216 : i32 to vector<32x128xi32>
    %ge3A_218 = arith.cmpi sge, %iota3A, %ge3A_217 : vector<32x128xi32>
    %roll3A_219 = arith.constant 1 : i32
    %roll3A_220 = tpu.dynamic_rotate %convert_element_type3A_215 by %roll3A_219 dim 1 : vector<32x128xi32>, i32 -> vector<32x128xi32>
    %jit3A_221 = arith.constant 0 : i32
    %broadcast_in_dim3A_222 = vector.broadcast %jit3A_221 : i32 to vector<32x128xi32>
    %select_n3A_223 = arith.select %ge3A_218, %roll3A_220, %broadcast_in_dim3A_222 : vector<32x128xi1>, vector<32x128xi32>
    %add3A_224 = arith.addi %convert_element_type3A_215, %select_n3A_223 : vector<32x128xi32>
    %ge3A_225 = arith.constant 2 : i32
    %ge3A_226 = vector.broadcast %ge3A_225 : i32 to vector<32x128xi32>
    %ge3A_227 = arith.cmpi sge, %iota3A, %ge3A_226 : vector<32x128xi32>
    %roll3A_228 = arith.constant 2 : i32
    %roll3A_229 = tpu.dynamic_rotate %add3A_224 by %roll3A_228 dim 1 : vector<32x128xi32>, i32 -> vector<32x128xi32>
    %jit3A_230 = arith.constant 0 : i32
    %broadcast_in_dim3A_231 = vector.broadcast %jit3A_230 : i32 to vector<32x128xi32>
    %select_n3A_232 = arith.select %ge3A_227, %roll3A_229, %broadcast_in_dim3A_231 : vector<32x128xi1>, vector<32x128xi32>
    %add3A_233 = arith.addi %add3A_224, %select_n3A_232 : vector<32x128xi32>
    %ge3A_234 = arith.constant 4 : i32
    %ge3A_235 = vector.broadcast %ge3A_234 : i32 to vector<32x128xi32>
    %ge3A_236 = arith.cmpi sge, %iota3A, %ge3A_235 : vector<32x128xi32>
    %roll3A_237 = arith.constant 4 : i32
    %roll3A_238 = tpu.dynamic_rotate %add3A_233 by %roll3A_237 dim 1 : vector<32x128xi32>, i32 -> vector<32x128xi32>
    %jit3A_239 = arith.constant 0 : i32
    %broadcast_in_dim3A_240 = vector.broadcast %jit3A_239 : i32 to vector<32x128xi32>
    %select_n3A_241 = arith.select %ge3A_236, %roll3A_238, %broadcast_in_dim3A_240 : vector<32x128xi1>, vector<32x128xi32>
    %add3A_242 = arith.addi %add3A_233, %select_n3A_241 : vector<32x128xi32>
    %ge3A_243 = arith.constant 8 : i32
    %ge3A_244 = vector.broadcast %ge3A_243 : i32 to vector<32x128xi32>
    %ge3A_245 = arith.cmpi sge, %iota3A, %ge3A_244 : vector<32x128xi32>
    %roll3A_246 = arith.constant 8 : i32
    %roll3A_247 = tpu.dynamic_rotate %add3A_242 by %roll3A_246 dim 1 : vector<32x128xi32>, i32 -> vector<32x128xi32>
    %jit3A_248 = arith.constant 0 : i32
    %broadcast_in_dim3A_249 = vector.broadcast %jit3A_248 : i32 to vector<32x128xi32>
    %select_n3A_250 = arith.select %ge3A_245, %roll3A_247, %broadcast_in_dim3A_249 : vector<32x128xi1>, vector<32x128xi32>
    %add3A_251 = arith.addi %add3A_242, %select_n3A_250 : vector<32x128xi32>
    %ge3A_252 = arith.constant 16 : i32
    %ge3A_253 = vector.broadcast %ge3A_252 : i32 to vector<32x128xi32>
    %ge3A_254 = arith.cmpi sge, %iota3A, %ge3A_253 : vector<32x128xi32>
    %roll3A_255 = arith.constant 16 : i32
    %roll3A_256 = tpu.dynamic_rotate %add3A_251 by %roll3A_255 dim 1 : vector<32x128xi32>, i32 -> vector<32x128xi32>
    %jit3A_257 = arith.constant 0 : i32
    %broadcast_in_dim3A_258 = vector.broadcast %jit3A_257 : i32 to vector<32x128xi32>
    %select_n3A_259 = arith.select %ge3A_254, %roll3A_256, %broadcast_in_dim3A_258 : vector<32x128xi1>, vector<32x128xi32>
    %add3A_260 = arith.addi %add3A_251, %select_n3A_259 : vector<32x128xi32>
    %ge3A_261 = arith.constant 32 : i32
    %ge3A_262 = vector.broadcast %ge3A_261 : i32 to vector<32x128xi32>
    %ge3A_263 = arith.cmpi sge, %iota3A, %ge3A_262 : vector<32x128xi32>
    %roll3A_264 = arith.constant 32 : i32
    %roll3A_265 = tpu.dynamic_rotate %add3A_260 by %roll3A_264 dim 1 : vector<32x128xi32>, i32 -> vector<32x128xi32>
    %jit3A_266 = arith.constant 0 : i32
    %broadcast_in_dim3A_267 = vector.broadcast %jit3A_266 : i32 to vector<32x128xi32>
    %select_n3A_268 = arith.select %ge3A_263, %roll3A_265, %broadcast_in_dim3A_267 : vector<32x128xi1>, vector<32x128xi32>
    %add3A_269 = arith.addi %add3A_260, %select_n3A_268 : vector<32x128xi32>
    %ge3A_270 = arith.constant 64 : i32
    %ge3A_271 = vector.broadcast %ge3A_270 : i32 to vector<32x128xi32>
    %ge3A_272 = arith.cmpi sge, %iota3A, %ge3A_271 : vector<32x128xi32>
    %roll3A_273 = arith.constant 64 : i32
    %roll3A_274 = tpu.dynamic_rotate %add3A_269 by %roll3A_273 dim 1 : vector<32x128xi32>, i32 -> vector<32x128xi32>
    %jit3A_275 = arith.constant 0 : i32
    %broadcast_in_dim3A_276 = vector.broadcast %jit3A_275 : i32 to vector<32x128xi32>
    %select_n3A_277 = arith.select %ge3A_272, %roll3A_274, %broadcast_in_dim3A_276 : vector<32x128xi1>, vector<32x128xi32>
    %add3A_278 = arith.addi %add3A_269, %select_n3A_277 : vector<32x128xi32>
    %reduce_sum3A_279 = arith.constant dense<0> : vector<32xi32>
    %reduce_sum3A_280 = vector.multi_reduction <add>, %convert_element_type3A_215, %reduce_sum3A_279 [1] : vector<32x128xi32> to vector<32xi32>
    %broadcast_in_dim3A_281 = vector.shape_cast %reduce_sum3A_280 : vector<32xi32> to vector<32x1xi32>
    %ge3A_282 = arith.constant 1 : i32
    %ge3A_283 = vector.broadcast %ge3A_282 : i32 to vector<32x1xi32>
    %ge3A_284 = arith.cmpi sge, %iota3A_2, %ge3A_283 : vector<32x1xi32>
    %roll3A_285 = arith.constant 1 : i32
    %roll3A_286 = tpu.dynamic_rotate %broadcast_in_dim3A_281 by %roll3A_285 dim 0 : vector<32x1xi32>, i32 -> vector<32x1xi32>
    %jit3A_287 = arith.constant 0 : i32
    %broadcast_in_dim3A_288 = vector.broadcast %jit3A_287 : i32 to vector<32x1xi32>
    %select_n3A_289 = arith.select %ge3A_284, %roll3A_286, %broadcast_in_dim3A_288 : vector<32x1xi1>, vector<32x1xi32>
    %add3A_290 = arith.addi %broadcast_in_dim3A_281, %select_n3A_289 : vector<32x1xi32>
    %ge3A_291 = arith.constant 2 : i32
    %ge3A_292 = vector.broadcast %ge3A_291 : i32 to vector<32x1xi32>
    %ge3A_293 = arith.cmpi sge, %iota3A_2, %ge3A_292 : vector<32x1xi32>
    %roll3A_294 = arith.constant 2 : i32
    %roll3A_295 = tpu.dynamic_rotate %add3A_290 by %roll3A_294 dim 0 : vector<32x1xi32>, i32 -> vector<32x1xi32>
    %jit3A_296 = arith.constant 0 : i32
    %broadcast_in_dim3A_297 = vector.broadcast %jit3A_296 : i32 to vector<32x1xi32>
    %select_n3A_298 = arith.select %ge3A_293, %roll3A_295, %broadcast_in_dim3A_297 : vector<32x1xi1>, vector<32x1xi32>
    %add3A_299 = arith.addi %add3A_290, %select_n3A_298 : vector<32x1xi32>
    %ge3A_300 = arith.constant 4 : i32
    %ge3A_301 = vector.broadcast %ge3A_300 : i32 to vector<32x1xi32>
    %ge3A_302 = arith.cmpi sge, %iota3A_2, %ge3A_301 : vector<32x1xi32>
    %roll3A_303 = arith.constant 4 : i32
    %roll3A_304 = tpu.dynamic_rotate %add3A_299 by %roll3A_303 dim 0 : vector<32x1xi32>, i32 -> vector<32x1xi32>
    %jit3A_305 = arith.constant 0 : i32
    %broadcast_in_dim3A_306 = vector.broadcast %jit3A_305 : i32 to vector<32x1xi32>
    %select_n3A_307 = arith.select %ge3A_302, %roll3A_304, %broadcast_in_dim3A_306 : vector<32x1xi1>, vector<32x1xi32>
    %add3A_308 = arith.addi %add3A_299, %select_n3A_307 : vector<32x1xi32>
    %ge3A_309 = arith.constant 8 : i32
    %ge3A_310 = vector.broadcast %ge3A_309 : i32 to vector<32x1xi32>
    %ge3A_311 = arith.cmpi sge, %iota3A_2, %ge3A_310 : vector<32x1xi32>
    %roll3A_312 = arith.constant 8 : i32
    %roll3A_313 = tpu.dynamic_rotate %add3A_308 by %roll3A_312 dim 0 : vector<32x1xi32>, i32 -> vector<32x1xi32>
    %jit3A_314 = arith.constant 0 : i32
    %broadcast_in_dim3A_315 = vector.broadcast %jit3A_314 : i32 to vector<32x1xi32>
    %select_n3A_316 = arith.select %ge3A_311, %roll3A_313, %broadcast_in_dim3A_315 : vector<32x1xi1>, vector<32x1xi32>
    %add3A_317 = arith.addi %add3A_308, %select_n3A_316 : vector<32x1xi32>
    %ge3A_318 = arith.constant 16 : i32
    %ge3A_319 = vector.broadcast %ge3A_318 : i32 to vector<32x1xi32>
    %ge3A_320 = arith.cmpi sge, %iota3A_2, %ge3A_319 : vector<32x1xi32>
    %roll3A_321 = arith.constant 16 : i32
    %roll3A_322 = tpu.dynamic_rotate %add3A_317 by %roll3A_321 dim 0 : vector<32x1xi32>, i32 -> vector<32x1xi32>
    %jit3A_323 = arith.constant 0 : i32
    %broadcast_in_dim3A_324 = vector.broadcast %jit3A_323 : i32 to vector<32x1xi32>
    %select_n3A_325 = arith.select %ge3A_320, %roll3A_322, %broadcast_in_dim3A_324 : vector<32x1xi1>, vector<32x1xi32>
    %add3A_326 = arith.addi %add3A_317, %select_n3A_325 : vector<32x1xi32>
    %sub3A_327 = arith.subi %add3A_278, %convert_element_type3A_215 : vector<32x128xi32>
    %sub3A_328 = arith.subi %add3A_326, %broadcast_in_dim3A_281 : vector<32x1xi32>
    %add3A_329 = vector.broadcast %sub3A_328 : vector<32x1xi32> to vector<32x128xi32>
    %add3A_330 = arith.addi %sub3A_327, %add3A_329 : vector<32x128xi32>
    %reduce_sum3A_331 = vector.shape_cast %convert_element_type3A_215 : vector<32x128xi32> to vector<1x32x128xi32>
    %reduce_sum3A_332 = arith.constant dense<0> : vector<1xi32>
    %reduce_sum3A_333 = vector.multi_reduction <add>, %reduce_sum3A_331, %reduce_sum3A_332 [1, 2] : vector<1x32x128xi32> to vector<1xi32>
    %reduce_sum3A_334 = vector.shape_cast %reduce_sum3A_333 : vector<1xi32> to vector<1x1x1xi32>
    %reduce_sum3A_335 = vector.extract %reduce_sum3A_334[0, 0, 0] : i32 from vector<1x1x1xi32>
    %add3A_336 = arith.constant 512 : i32
    %add3A_337 = arith.addi %reduce_sum3A_335, %add3A_336 : i32
    %sub3A_338 = arith.constant 1 : i32
    %sub3A_339 = arith.subi %add3A_337, %sub3A_338 : i32
    %jit3A_340 = arith.constant 512 : i32
    %div3A_341 = arith.divsi %sub3A_339, %jit3A_340 : i32
    %sign3A_342 = arith.constant 0 : i32
    %sign3A_343 = arith.cmpi sgt, %sub3A_339, %sign3A_342 : i32
    %sign3A_344 = arith.extui %sign3A_343 : i1 to i32
    %sign3A_345 = arith.constant 0 : i32
    %sign3A_346 = arith.cmpi slt, %sub3A_339, %sign3A_345 : i32
    %sign3A_347 = arith.extui %sign3A_346 : i1 to i32
    %sign3A_348 = arith.subi %sign3A_344, %sign3A_347 : i32
    %sign3A_349 = arith.constant 0 : i32
    %sign3A_350 = arith.cmpi sgt, %jit3A_340, %sign3A_349 : i32
    %sign3A_351 = arith.extui %sign3A_350 : i1 to i32
    %sign3A_352 = arith.constant 0 : i32
    %sign3A_353 = arith.cmpi slt, %jit3A_340, %sign3A_352 : i32
    %sign3A_354 = arith.extui %sign3A_353 : i1 to i32
    %sign3A_355 = arith.subi %sign3A_351, %sign3A_354 : i32
    %ne3A_356 = arith.cmpi ne, %sign3A_348, %sign3A_355 : i32
    %rem3A_357 = arith.remsi %sub3A_339, %jit3A_340 : i32
    %ne3A_358 = arith.constant 0 : i32
    %ne3A_359 = arith.cmpi ne, %rem3A_357, %ne3A_358 : i32
    %and3A_360 = arith.andi %ne3A_356, %ne3A_359 : i1
    %sub3A_361 = arith.constant 1 : i32
    %sub3A_362 = arith.subi %div3A_341, %sub3A_361 : i32
    %select_n3A_363 = arith.select %and3A_360, %sub3A_362, %div3A_341 : i32
    %mul3A_364 = arith.constant 512 : i32
    %mul3A_365 = arith.muli %select_n3A_363, %mul3A_364 : i32
    %eq3A_366 = arith.constant 1 : i32
    %eq3A_367 = vector.broadcast %eq3A_366 : i32 to vector<32x128xi32>
    %eq3A_368 = arith.cmpi eq, %get3A_1, %eq3A_367 : vector<32x128xi32>
    %add3A_369 = vector.broadcast %add3A_211 : i32 to vector<32x128xi32>
    %add3A_370 = arith.addi %add3A_369, %add3A_330 : vector<32x128xi32>
    %select_n3A_371 = arith.select %eq3A_368, %add3A_370, %select_n3A_152 : vector<32x128xi1>, vector<32x128xi32>
    %jit3A_372 = arith.constant 512 : i32
    %div3A_373 = arith.divsi %add3A_211, %jit3A_372 : i32
    %sign3A_374 = arith.constant 0 : i32
    %sign3A_375 = arith.cmpi sgt, %add3A_211, %sign3A_374 : i32
    %sign3A_376 = arith.extui %sign3A_375 : i1 to i32
    %sign3A_377 = arith.constant 0 : i32
    %sign3A_378 = arith.cmpi slt, %add3A_211, %sign3A_377 : i32
    %sign3A_379 = arith.extui %sign3A_378 : i1 to i32
    %sign3A_380 = arith.subi %sign3A_376, %sign3A_379 : i32
    %sign3A_381 = arith.constant 0 : i32
    %sign3A_382 = arith.cmpi sgt, %jit3A_372, %sign3A_381 : i32
    %sign3A_383 = arith.extui %sign3A_382 : i1 to i32
    %sign3A_384 = arith.constant 0 : i32
    %sign3A_385 = arith.cmpi slt, %jit3A_372, %sign3A_384 : i32
    %sign3A_386 = arith.extui %sign3A_385 : i1 to i32
    %sign3A_387 = arith.subi %sign3A_383, %sign3A_386 : i32
    %ne3A_388 = arith.cmpi ne, %sign3A_380, %sign3A_387 : i32
    %rem3A_389 = arith.remsi %add3A_211, %jit3A_372 : i32
    %ne3A_390 = arith.constant 0 : i32
    %ne3A_391 = arith.cmpi ne, %rem3A_389, %ne3A_390 : i32
    %and3A_392 = arith.andi %ne3A_388, %ne3A_391 : i1
    %sub3A_393 = arith.constant 1 : i32
    %sub3A_394 = arith.subi %div3A_373, %sub3A_393 : i32
    %select_n3A_395 = arith.select %and3A_392, %sub3A_394, %div3A_373 : i32
    %jit3A_396 = arith.constant 512 : i32
    %div3A_397 = arith.divsi %mul3A_365, %jit3A_396 : i32
    %sign3A_398 = arith.constant 0 : i32
    %sign3A_399 = arith.cmpi sgt, %mul3A_365, %sign3A_398 : i32
    %sign3A_400 = arith.extui %sign3A_399 : i1 to i32
    %sign3A_401 = arith.constant 0 : i32
    %sign3A_402 = arith.cmpi slt, %mul3A_365, %sign3A_401 : i32
    %sign3A_403 = arith.extui %sign3A_402 : i1 to i32
    %sign3A_404 = arith.subi %sign3A_400, %sign3A_403 : i32
    %sign3A_405 = arith.constant 0 : i32
    %sign3A_406 = arith.cmpi sgt, %jit3A_396, %sign3A_405 : i32
    %sign3A_407 = arith.extui %sign3A_406 : i1 to i32
    %sign3A_408 = arith.constant 0 : i32
    %sign3A_409 = arith.cmpi slt, %jit3A_396, %sign3A_408 : i32
    %sign3A_410 = arith.extui %sign3A_409 : i1 to i32
    %sign3A_411 = arith.subi %sign3A_407, %sign3A_410 : i32
    %ne3A_412 = arith.cmpi ne, %sign3A_404, %sign3A_411 : i32
    %rem3A_413 = arith.remsi %mul3A_365, %jit3A_396 : i32
    %ne3A_414 = arith.constant 0 : i32
    %ne3A_415 = arith.cmpi ne, %rem3A_413, %ne3A_414 : i32
    %and3A_416 = arith.andi %ne3A_412, %ne3A_415 : i1
    %sub3A_417 = arith.constant 1 : i32
    %sub3A_418 = arith.subi %div3A_397, %sub3A_417 : i32
    %select_n3A_419 = arith.select %and3A_416, %sub3A_418, %div3A_397 : i32
    %ge3A_420 = vector.broadcast %select_n3A_395 : i32 to vector<1x16xi32>
    %ge3A_421 = arith.cmpi sge, %iota3A_3, %ge3A_420 : vector<1x16xi32>
    %add3A_422 = arith.addi %select_n3A_395, %select_n3A_419 : i32
    %lt3A_423 = vector.broadcast %add3A_422 : i32 to vector<1x16xi32>
    %lt3A_424 = arith.cmpi slt, %iota3A_3, %lt3A_423 : vector<1x16xi32>
    %and3A_425 = arith.andi %ge3A_421, %lt3A_424 : vector<1x16xi1>
    %jit3A_426 = arith.constant 1 : i32
    %broadcast_in_dim3A_427 = vector.broadcast %jit3A_426 : i32 to vector<1x16xi32>
    %select_n3A_428 = arith.select %and3A_425, %broadcast_in_dim3A_427, %select_n3A_209 : vector<1x16xi1>, vector<1x16xi32>
    %add3A_429 = arith.addi %add3A_211, %mul3A_365 : i32
    %eq3A_430 = arith.constant 2 : i32
    %eq3A_431 = vector.broadcast %eq3A_430 : i32 to vector<32x128xi32>
    %eq3A_432 = arith.cmpi eq, %get3A_1, %eq3A_431 : vector<32x128xi32>
    %convert_element_type3A_433 = arith.extui %eq3A_432 : vector<32x128xi1> to vector<32x128xi32>
    %ge3A_434 = arith.constant 1 : i32
    %ge3A_435 = vector.broadcast %ge3A_434 : i32 to vector<32x128xi32>
    %ge3A_436 = arith.cmpi sge, %iota3A, %ge3A_435 : vector<32x128xi32>
    %roll3A_437 = arith.constant 1 : i32
    %roll3A_438 = tpu.dynamic_rotate %convert_element_type3A_433 by %roll3A_437 dim 1 : vector<32x128xi32>, i32 -> vector<32x128xi32>
    %jit3A_439 = arith.constant 0 : i32
    %broadcast_in_dim3A_440 = vector.broadcast %jit3A_439 : i32 to vector<32x128xi32>
    %select_n3A_441 = arith.select %ge3A_436, %roll3A_438, %broadcast_in_dim3A_440 : vector<32x128xi1>, vector<32x128xi32>
    %add3A_442 = arith.addi %convert_element_type3A_433, %select_n3A_441 : vector<32x128xi32>
    %ge3A_443 = arith.constant 2 : i32
    %ge3A_444 = vector.broadcast %ge3A_443 : i32 to vector<32x128xi32>
    %ge3A_445 = arith.cmpi sge, %iota3A, %ge3A_444 : vector<32x128xi32>
    %roll3A_446 = arith.constant 2 : i32
    %roll3A_447 = tpu.dynamic_rotate %add3A_442 by %roll3A_446 dim 1 : vector<32x128xi32>, i32 -> vector<32x128xi32>
    %jit3A_448 = arith.constant 0 : i32
    %broadcast_in_dim3A_449 = vector.broadcast %jit3A_448 : i32 to vector<32x128xi32>
    %select_n3A_450 = arith.select %ge3A_445, %roll3A_447, %broadcast_in_dim3A_449 : vector<32x128xi1>, vector<32x128xi32>
    %add3A_451 = arith.addi %add3A_442, %select_n3A_450 : vector<32x128xi32>
    %ge3A_452 = arith.constant 4 : i32
    %ge3A_453 = vector.broadcast %ge3A_452 : i32 to vector<32x128xi32>
    %ge3A_454 = arith.cmpi sge, %iota3A, %ge3A_453 : vector<32x128xi32>
    %roll3A_455 = arith.constant 4 : i32
    %roll3A_456 = tpu.dynamic_rotate %add3A_451 by %roll3A_455 dim 1 : vector<32x128xi32>, i32 -> vector<32x128xi32>
    %jit3A_457 = arith.constant 0 : i32
    %broadcast_in_dim3A_458 = vector.broadcast %jit3A_457 : i32 to vector<32x128xi32>
    %select_n3A_459 = arith.select %ge3A_454, %roll3A_456, %broadcast_in_dim3A_458 : vector<32x128xi1>, vector<32x128xi32>
    %add3A_460 = arith.addi %add3A_451, %select_n3A_459 : vector<32x128xi32>
    %ge3A_461 = arith.constant 8 : i32
    %ge3A_462 = vector.broadcast %ge3A_461 : i32 to vector<32x128xi32>
    %ge3A_463 = arith.cmpi sge, %iota3A, %ge3A_462 : vector<32x128xi32>
    %roll3A_464 = arith.constant 8 : i32
    %roll3A_465 = tpu.dynamic_rotate %add3A_460 by %roll3A_464 dim 1 : vector<32x128xi32>, i32 -> vector<32x128xi32>
    %jit3A_466 = arith.constant 0 : i32
    %broadcast_in_dim3A_467 = vector.broadcast %jit3A_466 : i32 to vector<32x128xi32>
    %select_n3A_468 = arith.select %ge3A_463, %roll3A_465, %broadcast_in_dim3A_467 : vector<32x128xi1>, vector<32x128xi32>
    %add3A_469 = arith.addi %add3A_460, %select_n3A_468 : vector<32x128xi32>
    %ge3A_470 = arith.constant 16 : i32
    %ge3A_471 = vector.broadcast %ge3A_470 : i32 to vector<32x128xi32>
    %ge3A_472 = arith.cmpi sge, %iota3A, %ge3A_471 : vector<32x128xi32>
    %roll3A_473 = arith.constant 16 : i32
    %roll3A_474 = tpu.dynamic_rotate %add3A_469 by %roll3A_473 dim 1 : vector<32x128xi32>, i32 -> vector<32x128xi32>
    %jit3A_475 = arith.constant 0 : i32
    %broadcast_in_dim3A_476 = vector.broadcast %jit3A_475 : i32 to vector<32x128xi32>
    %select_n3A_477 = arith.select %ge3A_472, %roll3A_474, %broadcast_in_dim3A_476 : vector<32x128xi1>, vector<32x128xi32>
    %add3A_478 = arith.addi %add3A_469, %select_n3A_477 : vector<32x128xi32>
    %ge3A_479 = arith.constant 32 : i32
    %ge3A_480 = vector.broadcast %ge3A_479 : i32 to vector<32x128xi32>
    %ge3A_481 = arith.cmpi sge, %iota3A, %ge3A_480 : vector<32x128xi32>
    %roll3A_482 = arith.constant 32 : i32
    %roll3A_483 = tpu.dynamic_rotate %add3A_478 by %roll3A_482 dim 1 : vector<32x128xi32>, i32 -> vector<32x128xi32>
    %jit3A_484 = arith.constant 0 : i32
    %broadcast_in_dim3A_485 = vector.broadcast %jit3A_484 : i32 to vector<32x128xi32>
    %select_n3A_486 = arith.select %ge3A_481, %roll3A_483, %broadcast_in_dim3A_485 : vector<32x128xi1>, vector<32x128xi32>
    %add3A_487 = arith.addi %add3A_478, %select_n3A_486 : vector<32x128xi32>
    %ge3A_488 = arith.constant 64 : i32
    %ge3A_489 = vector.broadcast %ge3A_488 : i32 to vector<32x128xi32>
    %ge3A_490 = arith.cmpi sge, %iota3A, %ge3A_489 : vector<32x128xi32>
    %roll3A_491 = arith.constant 64 : i32
    %roll3A_492 = tpu.dynamic_rotate %add3A_487 by %roll3A_491 dim 1 : vector<32x128xi32>, i32 -> vector<32x128xi32>
    %jit3A_493 = arith.constant 0 : i32
    %broadcast_in_dim3A_494 = vector.broadcast %jit3A_493 : i32 to vector<32x128xi32>
    %select_n3A_495 = arith.select %ge3A_490, %roll3A_492, %broadcast_in_dim3A_494 : vector<32x128xi1>, vector<32x128xi32>
    %add3A_496 = arith.addi %add3A_487, %select_n3A_495 : vector<32x128xi32>
    %reduce_sum3A_497 = arith.constant dense<0> : vector<32xi32>
    %reduce_sum3A_498 = vector.multi_reduction <add>, %convert_element_type3A_433, %reduce_sum3A_497 [1] : vector<32x128xi32> to vector<32xi32>
    %broadcast_in_dim3A_499 = vector.shape_cast %reduce_sum3A_498 : vector<32xi32> to vector<32x1xi32>
    %ge3A_500 = arith.constant 1 : i32
    %ge3A_501 = vector.broadcast %ge3A_500 : i32 to vector<32x1xi32>
    %ge3A_502 = arith.cmpi sge, %iota3A_2, %ge3A_501 : vector<32x1xi32>
    %roll3A_503 = arith.constant 1 : i32
    %roll3A_504 = tpu.dynamic_rotate %broadcast_in_dim3A_499 by %roll3A_503 dim 0 : vector<32x1xi32>, i32 -> vector<32x1xi32>
    %jit3A_505 = arith.constant 0 : i32
    %broadcast_in_dim3A_506 = vector.broadcast %jit3A_505 : i32 to vector<32x1xi32>
    %select_n3A_507 = arith.select %ge3A_502, %roll3A_504, %broadcast_in_dim3A_506 : vector<32x1xi1>, vector<32x1xi32>
    %add3A_508 = arith.addi %broadcast_in_dim3A_499, %select_n3A_507 : vector<32x1xi32>
    %ge3A_509 = arith.constant 2 : i32
    %ge3A_510 = vector.broadcast %ge3A_509 : i32 to vector<32x1xi32>
    %ge3A_511 = arith.cmpi sge, %iota3A_2, %ge3A_510 : vector<32x1xi32>
    %roll3A_512 = arith.constant 2 : i32
    %roll3A_513 = tpu.dynamic_rotate %add3A_508 by %roll3A_512 dim 0 : vector<32x1xi32>, i32 -> vector<32x1xi32>
    %jit3A_514 = arith.constant 0 : i32
    %broadcast_in_dim3A_515 = vector.broadcast %jit3A_514 : i32 to vector<32x1xi32>
    %select_n3A_516 = arith.select %ge3A_511, %roll3A_513, %broadcast_in_dim3A_515 : vector<32x1xi1>, vector<32x1xi32>
    %add3A_517 = arith.addi %add3A_508, %select_n3A_516 : vector<32x1xi32>
    %ge3A_518 = arith.constant 4 : i32
    %ge3A_519 = vector.broadcast %ge3A_518 : i32 to vector<32x1xi32>
    %ge3A_520 = arith.cmpi sge, %iota3A_2, %ge3A_519 : vector<32x1xi32>
    %roll3A_521 = arith.constant 4 : i32
    %roll3A_522 = tpu.dynamic_rotate %add3A_517 by %roll3A_521 dim 0 : vector<32x1xi32>, i32 -> vector<32x1xi32>
    %jit3A_523 = arith.constant 0 : i32
    %broadcast_in_dim3A_524 = vector.broadcast %jit3A_523 : i32 to vector<32x1xi32>
    %select_n3A_525 = arith.select %ge3A_520, %roll3A_522, %broadcast_in_dim3A_524 : vector<32x1xi1>, vector<32x1xi32>
    %add3A_526 = arith.addi %add3A_517, %select_n3A_525 : vector<32x1xi32>
    %ge3A_527 = arith.constant 8 : i32
    %ge3A_528 = vector.broadcast %ge3A_527 : i32 to vector<32x1xi32>
    %ge3A_529 = arith.cmpi sge, %iota3A_2, %ge3A_528 : vector<32x1xi32>
    %roll3A_530 = arith.constant 8 : i32
    %roll3A_531 = tpu.dynamic_rotate %add3A_526 by %roll3A_530 dim 0 : vector<32x1xi32>, i32 -> vector<32x1xi32>
    %jit3A_532 = arith.constant 0 : i32
    %broadcast_in_dim3A_533 = vector.broadcast %jit3A_532 : i32 to vector<32x1xi32>
    %select_n3A_534 = arith.select %ge3A_529, %roll3A_531, %broadcast_in_dim3A_533 : vector<32x1xi1>, vector<32x1xi32>
    %add3A_535 = arith.addi %add3A_526, %select_n3A_534 : vector<32x1xi32>
    %ge3A_536 = arith.constant 16 : i32
    %ge3A_537 = vector.broadcast %ge3A_536 : i32 to vector<32x1xi32>
    %ge3A_538 = arith.cmpi sge, %iota3A_2, %ge3A_537 : vector<32x1xi32>
    %roll3A_539 = arith.constant 16 : i32
    %roll3A_540 = tpu.dynamic_rotate %add3A_535 by %roll3A_539 dim 0 : vector<32x1xi32>, i32 -> vector<32x1xi32>
    %jit3A_541 = arith.constant 0 : i32
    %broadcast_in_dim3A_542 = vector.broadcast %jit3A_541 : i32 to vector<32x1xi32>
    %select_n3A_543 = arith.select %ge3A_538, %roll3A_540, %broadcast_in_dim3A_542 : vector<32x1xi1>, vector<32x1xi32>
    %add3A_544 = arith.addi %add3A_535, %select_n3A_543 : vector<32x1xi32>
    %sub3A_545 = arith.subi %add3A_496, %convert_element_type3A_433 : vector<32x128xi32>
    %sub3A_546 = arith.subi %add3A_544, %broadcast_in_dim3A_499 : vector<32x1xi32>
    %add3A_547 = vector.broadcast %sub3A_546 : vector<32x1xi32> to vector<32x128xi32>
    %add3A_548 = arith.addi %sub3A_545, %add3A_547 : vector<32x128xi32>
    %reduce_sum3A_549 = vector.shape_cast %convert_element_type3A_433 : vector<32x128xi32> to vector<1x32x128xi32>
    %reduce_sum3A_550 = arith.constant dense<0> : vector<1xi32>
    %reduce_sum3A_551 = vector.multi_reduction <add>, %reduce_sum3A_549, %reduce_sum3A_550 [1, 2] : vector<1x32x128xi32> to vector<1xi32>
    %reduce_sum3A_552 = vector.shape_cast %reduce_sum3A_551 : vector<1xi32> to vector<1x1x1xi32>
    %reduce_sum3A_553 = vector.extract %reduce_sum3A_552[0, 0, 0] : i32 from vector<1x1x1xi32>
    %add3A_554 = arith.constant 512 : i32
    %add3A_555 = arith.addi %reduce_sum3A_553, %add3A_554 : i32
    %sub3A_556 = arith.constant 1 : i32
    %sub3A_557 = arith.subi %add3A_555, %sub3A_556 : i32
    %jit3A_558 = arith.constant 512 : i32
    %div3A_559 = arith.divsi %sub3A_557, %jit3A_558 : i32
    %sign3A_560 = arith.constant 0 : i32
    %sign3A_561 = arith.cmpi sgt, %sub3A_557, %sign3A_560 : i32
    %sign3A_562 = arith.extui %sign3A_561 : i1 to i32
    %sign3A_563 = arith.constant 0 : i32
    %sign3A_564 = arith.cmpi slt, %sub3A_557, %sign3A_563 : i32
    %sign3A_565 = arith.extui %sign3A_564 : i1 to i32
    %sign3A_566 = arith.subi %sign3A_562, %sign3A_565 : i32
    %sign3A_567 = arith.constant 0 : i32
    %sign3A_568 = arith.cmpi sgt, %jit3A_558, %sign3A_567 : i32
    %sign3A_569 = arith.extui %sign3A_568 : i1 to i32
    %sign3A_570 = arith.constant 0 : i32
    %sign3A_571 = arith.cmpi slt, %jit3A_558, %sign3A_570 : i32
    %sign3A_572 = arith.extui %sign3A_571 : i1 to i32
    %sign3A_573 = arith.subi %sign3A_569, %sign3A_572 : i32
    %ne3A_574 = arith.cmpi ne, %sign3A_566, %sign3A_573 : i32
    %rem3A_575 = arith.remsi %sub3A_557, %jit3A_558 : i32
    %ne3A_576 = arith.constant 0 : i32
    %ne3A_577 = arith.cmpi ne, %rem3A_575, %ne3A_576 : i32
    %and3A_578 = arith.andi %ne3A_574, %ne3A_577 : i1
    %sub3A_579 = arith.constant 1 : i32
    %sub3A_580 = arith.subi %div3A_559, %sub3A_579 : i32
    %select_n3A_581 = arith.select %and3A_578, %sub3A_580, %div3A_559 : i32
    %mul3A_582 = arith.constant 512 : i32
    %mul3A_583 = arith.muli %select_n3A_581, %mul3A_582 : i32
    %eq3A_584 = arith.constant 2 : i32
    %eq3A_585 = vector.broadcast %eq3A_584 : i32 to vector<32x128xi32>
    %eq3A_586 = arith.cmpi eq, %get3A_1, %eq3A_585 : vector<32x128xi32>
    %add3A_587 = vector.broadcast %add3A_429 : i32 to vector<32x128xi32>
    %add3A_588 = arith.addi %add3A_587, %add3A_548 : vector<32x128xi32>
    %select_n3A_589 = arith.select %eq3A_586, %add3A_588, %select_n3A_371 : vector<32x128xi1>, vector<32x128xi32>
    %jit3A_590 = arith.constant 512 : i32
    %div3A_591 = arith.divsi %add3A_429, %jit3A_590 : i32
    %sign3A_592 = arith.constant 0 : i32
    %sign3A_593 = arith.cmpi sgt, %add3A_429, %sign3A_592 : i32
    %sign3A_594 = arith.extui %sign3A_593 : i1 to i32
    %sign3A_595 = arith.constant 0 : i32
    %sign3A_596 = arith.cmpi slt, %add3A_429, %sign3A_595 : i32
    %sign3A_597 = arith.extui %sign3A_596 : i1 to i32
    %sign3A_598 = arith.subi %sign3A_594, %sign3A_597 : i32
    %sign3A_599 = arith.constant 0 : i32
    %sign3A_600 = arith.cmpi sgt, %jit3A_590, %sign3A_599 : i32
    %sign3A_601 = arith.extui %sign3A_600 : i1 to i32
    %sign3A_602 = arith.constant 0 : i32
    %sign3A_603 = arith.cmpi slt, %jit3A_590, %sign3A_602 : i32
    %sign3A_604 = arith.extui %sign3A_603 : i1 to i32
    %sign3A_605 = arith.subi %sign3A_601, %sign3A_604 : i32
    %ne3A_606 = arith.cmpi ne, %sign3A_598, %sign3A_605 : i32
    %rem3A_607 = arith.remsi %add3A_429, %jit3A_590 : i32
    %ne3A_608 = arith.constant 0 : i32
    %ne3A_609 = arith.cmpi ne, %rem3A_607, %ne3A_608 : i32
    %and3A_610 = arith.andi %ne3A_606, %ne3A_609 : i1
    %sub3A_611 = arith.constant 1 : i32
    %sub3A_612 = arith.subi %div3A_591, %sub3A_611 : i32
    %select_n3A_613 = arith.select %and3A_610, %sub3A_612, %div3A_591 : i32
    %jit3A_614 = arith.constant 512 : i32
    %div3A_615 = arith.divsi %mul3A_583, %jit3A_614 : i32
    %sign3A_616 = arith.constant 0 : i32
    %sign3A_617 = arith.cmpi sgt, %mul3A_583, %sign3A_616 : i32
    %sign3A_618 = arith.extui %sign3A_617 : i1 to i32
    %sign3A_619 = arith.constant 0 : i32
    %sign3A_620 = arith.cmpi slt, %mul3A_583, %sign3A_619 : i32
    %sign3A_621 = arith.extui %sign3A_620 : i1 to i32
    %sign3A_622 = arith.subi %sign3A_618, %sign3A_621 : i32
    %sign3A_623 = arith.constant 0 : i32
    %sign3A_624 = arith.cmpi sgt, %jit3A_614, %sign3A_623 : i32
    %sign3A_625 = arith.extui %sign3A_624 : i1 to i32
    %sign3A_626 = arith.constant 0 : i32
    %sign3A_627 = arith.cmpi slt, %jit3A_614, %sign3A_626 : i32
    %sign3A_628 = arith.extui %sign3A_627 : i1 to i32
    %sign3A_629 = arith.subi %sign3A_625, %sign3A_628 : i32
    %ne3A_630 = arith.cmpi ne, %sign3A_622, %sign3A_629 : i32
    %rem3A_631 = arith.remsi %mul3A_583, %jit3A_614 : i32
    %ne3A_632 = arith.constant 0 : i32
    %ne3A_633 = arith.cmpi ne, %rem3A_631, %ne3A_632 : i32
    %and3A_634 = arith.andi %ne3A_630, %ne3A_633 : i1
    %sub3A_635 = arith.constant 1 : i32
    %sub3A_636 = arith.subi %div3A_615, %sub3A_635 : i32
    %select_n3A_637 = arith.select %and3A_634, %sub3A_636, %div3A_615 : i32
    %ge3A_638 = vector.broadcast %select_n3A_613 : i32 to vector<1x16xi32>
    %ge3A_639 = arith.cmpi sge, %iota3A_3, %ge3A_638 : vector<1x16xi32>
    %add3A_640 = arith.addi %select_n3A_613, %select_n3A_637 : i32
    %lt3A_641 = vector.broadcast %add3A_640 : i32 to vector<1x16xi32>
    %lt3A_642 = arith.cmpi slt, %iota3A_3, %lt3A_641 : vector<1x16xi32>
    %and3A_643 = arith.andi %ge3A_639, %lt3A_642 : vector<1x16xi1>
    %jit3A_644 = arith.constant 2 : i32
    %broadcast_in_dim3A_645 = vector.broadcast %jit3A_644 : i32 to vector<1x16xi32>
    %select_n3A_646 = arith.select %and3A_643, %broadcast_in_dim3A_645, %select_n3A_428 : vector<1x16xi1>, vector<1x16xi32>
    %add3A_647 = arith.addi %add3A_429, %mul3A_583 : i32
    %eq3A_648 = arith.constant 3 : i32
    %eq3A_649 = vector.broadcast %eq3A_648 : i32 to vector<32x128xi32>
    %eq3A_650 = arith.cmpi eq, %get3A_1, %eq3A_649 : vector<32x128xi32>
    %convert_element_type3A_651 = arith.extui %eq3A_650 : vector<32x128xi1> to vector<32x128xi32>
    %ge3A_652 = arith.constant 1 : i32
    %ge3A_653 = vector.broadcast %ge3A_652 : i32 to vector<32x128xi32>
    %ge3A_654 = arith.cmpi sge, %iota3A, %ge3A_653 : vector<32x128xi32>
    %roll3A_655 = arith.constant 1 : i32
    %roll3A_656 = tpu.dynamic_rotate %convert_element_type3A_651 by %roll3A_655 dim 1 : vector<32x128xi32>, i32 -> vector<32x128xi32>
    %jit3A_657 = arith.constant 0 : i32
    %broadcast_in_dim3A_658 = vector.broadcast %jit3A_657 : i32 to vector<32x128xi32>
    %select_n3A_659 = arith.select %ge3A_654, %roll3A_656, %broadcast_in_dim3A_658 : vector<32x128xi1>, vector<32x128xi32>
    %add3A_660 = arith.addi %convert_element_type3A_651, %select_n3A_659 : vector<32x128xi32>
    %ge3A_661 = arith.constant 2 : i32
    %ge3A_662 = vector.broadcast %ge3A_661 : i32 to vector<32x128xi32>
    %ge3A_663 = arith.cmpi sge, %iota3A, %ge3A_662 : vector<32x128xi32>
    %roll3A_664 = arith.constant 2 : i32
    %roll3A_665 = tpu.dynamic_rotate %add3A_660 by %roll3A_664 dim 1 : vector<32x128xi32>, i32 -> vector<32x128xi32>
    %jit3A_666 = arith.constant 0 : i32
    %broadcast_in_dim3A_667 = vector.broadcast %jit3A_666 : i32 to vector<32x128xi32>
    %select_n3A_668 = arith.select %ge3A_663, %roll3A_665, %broadcast_in_dim3A_667 : vector<32x128xi1>, vector<32x128xi32>
    %add3A_669 = arith.addi %add3A_660, %select_n3A_668 : vector<32x128xi32>
    %ge3A_670 = arith.constant 4 : i32
    %ge3A_671 = vector.broadcast %ge3A_670 : i32 to vector<32x128xi32>
    %ge3A_672 = arith.cmpi sge, %iota3A, %ge3A_671 : vector<32x128xi32>
    %roll3A_673 = arith.constant 4 : i32
    %roll3A_674 = tpu.dynamic_rotate %add3A_669 by %roll3A_673 dim 1 : vector<32x128xi32>, i32 -> vector<32x128xi32>
    %jit3A_675 = arith.constant 0 : i32
    %broadcast_in_dim3A_676 = vector.broadcast %jit3A_675 : i32 to vector<32x128xi32>
    %select_n3A_677 = arith.select %ge3A_672, %roll3A_674, %broadcast_in_dim3A_676 : vector<32x128xi1>, vector<32x128xi32>
    %add3A_678 = arith.addi %add3A_669, %select_n3A_677 : vector<32x128xi32>
    %ge3A_679 = arith.constant 8 : i32
    %ge3A_680 = vector.broadcast %ge3A_679 : i32 to vector<32x128xi32>
    %ge3A_681 = arith.cmpi sge, %iota3A, %ge3A_680 : vector<32x128xi32>
    %roll3A_682 = arith.constant 8 : i32
    %roll3A_683 = tpu.dynamic_rotate %add3A_678 by %roll3A_682 dim 1 : vector<32x128xi32>, i32 -> vector<32x128xi32>
    %jit3A_684 = arith.constant 0 : i32
    %broadcast_in_dim3A_685 = vector.broadcast %jit3A_684 : i32 to vector<32x128xi32>
    %select_n3A_686 = arith.select %ge3A_681, %roll3A_683, %broadcast_in_dim3A_685 : vector<32x128xi1>, vector<32x128xi32>
    %add3A_687 = arith.addi %add3A_678, %select_n3A_686 : vector<32x128xi32>
    %ge3A_688 = arith.constant 16 : i32
    %ge3A_689 = vector.broadcast %ge3A_688 : i32 to vector<32x128xi32>
    %ge3A_690 = arith.cmpi sge, %iota3A, %ge3A_689 : vector<32x128xi32>
    %roll3A_691 = arith.constant 16 : i32
    %roll3A_692 = tpu.dynamic_rotate %add3A_687 by %roll3A_691 dim 1 : vector<32x128xi32>, i32 -> vector<32x128xi32>
    %jit3A_693 = arith.constant 0 : i32
    %broadcast_in_dim3A_694 = vector.broadcast %jit3A_693 : i32 to vector<32x128xi32>
    %select_n3A_695 = arith.select %ge3A_690, %roll3A_692, %broadcast_in_dim3A_694 : vector<32x128xi1>, vector<32x128xi32>
    %add3A_696 = arith.addi %add3A_687, %select_n3A_695 : vector<32x128xi32>
    %ge3A_697 = arith.constant 32 : i32
    %ge3A_698 = vector.broadcast %ge3A_697 : i32 to vector<32x128xi32>
    %ge3A_699 = arith.cmpi sge, %iota3A, %ge3A_698 : vector<32x128xi32>
    %roll3A_700 = arith.constant 32 : i32
    %roll3A_701 = tpu.dynamic_rotate %add3A_696 by %roll3A_700 dim 1 : vector<32x128xi32>, i32 -> vector<32x128xi32>
    %jit3A_702 = arith.constant 0 : i32
    %broadcast_in_dim3A_703 = vector.broadcast %jit3A_702 : i32 to vector<32x128xi32>
    %select_n3A_704 = arith.select %ge3A_699, %roll3A_701, %broadcast_in_dim3A_703 : vector<32x128xi1>, vector<32x128xi32>
    %add3A_705 = arith.addi %add3A_696, %select_n3A_704 : vector<32x128xi32>
    %ge3A_706 = arith.constant 64 : i32
    %ge3A_707 = vector.broadcast %ge3A_706 : i32 to vector<32x128xi32>
    %ge3A_708 = arith.cmpi sge, %iota3A, %ge3A_707 : vector<32x128xi32>
    %roll3A_709 = arith.constant 64 : i32
    %roll3A_710 = tpu.dynamic_rotate %add3A_705 by %roll3A_709 dim 1 : vector<32x128xi32>, i32 -> vector<32x128xi32>
    %jit3A_711 = arith.constant 0 : i32
    %broadcast_in_dim3A_712 = vector.broadcast %jit3A_711 : i32 to vector<32x128xi32>
    %select_n3A_713 = arith.select %ge3A_708, %roll3A_710, %broadcast_in_dim3A_712 : vector<32x128xi1>, vector<32x128xi32>
    %add3A_714 = arith.addi %add3A_705, %select_n3A_713 : vector<32x128xi32>
    %reduce_sum3A_715 = arith.constant dense<0> : vector<32xi32>
    %reduce_sum3A_716 = vector.multi_reduction <add>, %convert_element_type3A_651, %reduce_sum3A_715 [1] : vector<32x128xi32> to vector<32xi32>
    %broadcast_in_dim3A_717 = vector.shape_cast %reduce_sum3A_716 : vector<32xi32> to vector<32x1xi32>
    %ge3A_718 = arith.constant 1 : i32
    %ge3A_719 = vector.broadcast %ge3A_718 : i32 to vector<32x1xi32>
    %ge3A_720 = arith.cmpi sge, %iota3A_2, %ge3A_719 : vector<32x1xi32>
    %roll3A_721 = arith.constant 1 : i32
    %roll3A_722 = tpu.dynamic_rotate %broadcast_in_dim3A_717 by %roll3A_721 dim 0 : vector<32x1xi32>, i32 -> vector<32x1xi32>
    %jit3A_723 = arith.constant 0 : i32
    %broadcast_in_dim3A_724 = vector.broadcast %jit3A_723 : i32 to vector<32x1xi32>
    %select_n3A_725 = arith.select %ge3A_720, %roll3A_722, %broadcast_in_dim3A_724 : vector<32x1xi1>, vector<32x1xi32>
    %add3A_726 = arith.addi %broadcast_in_dim3A_717, %select_n3A_725 : vector<32x1xi32>
    %ge3A_727 = arith.constant 2 : i32
    %ge3A_728 = vector.broadcast %ge3A_727 : i32 to vector<32x1xi32>
    %ge3A_729 = arith.cmpi sge, %iota3A_2, %ge3A_728 : vector<32x1xi32>
    %roll3A_730 = arith.constant 2 : i32
    %roll3A_731 = tpu.dynamic_rotate %add3A_726 by %roll3A_730 dim 0 : vector<32x1xi32>, i32 -> vector<32x1xi32>
    %jit3A_732 = arith.constant 0 : i32
    %broadcast_in_dim3A_733 = vector.broadcast %jit3A_732 : i32 to vector<32x1xi32>
    %select_n3A_734 = arith.select %ge3A_729, %roll3A_731, %broadcast_in_dim3A_733 : vector<32x1xi1>, vector<32x1xi32>
    %add3A_735 = arith.addi %add3A_726, %select_n3A_734 : vector<32x1xi32>
    %ge3A_736 = arith.constant 4 : i32
    %ge3A_737 = vector.broadcast %ge3A_736 : i32 to vector<32x1xi32>
    %ge3A_738 = arith.cmpi sge, %iota3A_2, %ge3A_737 : vector<32x1xi32>
    %roll3A_739 = arith.constant 4 : i32
    %roll3A_740 = tpu.dynamic_rotate %add3A_735 by %roll3A_739 dim 0 : vector<32x1xi32>, i32 -> vector<32x1xi32>
    %jit3A_741 = arith.constant 0 : i32
    %broadcast_in_dim3A_742 = vector.broadcast %jit3A_741 : i32 to vector<32x1xi32>
    %select_n3A_743 = arith.select %ge3A_738, %roll3A_740, %broadcast_in_dim3A_742 : vector<32x1xi1>, vector<32x1xi32>
    %add3A_744 = arith.addi %add3A_735, %select_n3A_743 : vector<32x1xi32>
    %ge3A_745 = arith.constant 8 : i32
    %ge3A_746 = vector.broadcast %ge3A_745 : i32 to vector<32x1xi32>
    %ge3A_747 = arith.cmpi sge, %iota3A_2, %ge3A_746 : vector<32x1xi32>
    %roll3A_748 = arith.constant 8 : i32
    %roll3A_749 = tpu.dynamic_rotate %add3A_744 by %roll3A_748 dim 0 : vector<32x1xi32>, i32 -> vector<32x1xi32>
    %jit3A_750 = arith.constant 0 : i32
    %broadcast_in_dim3A_751 = vector.broadcast %jit3A_750 : i32 to vector<32x1xi32>
    %select_n3A_752 = arith.select %ge3A_747, %roll3A_749, %broadcast_in_dim3A_751 : vector<32x1xi1>, vector<32x1xi32>
    %add3A_753 = arith.addi %add3A_744, %select_n3A_752 : vector<32x1xi32>
    %ge3A_754 = arith.constant 16 : i32
    %ge3A_755 = vector.broadcast %ge3A_754 : i32 to vector<32x1xi32>
    %ge3A_756 = arith.cmpi sge, %iota3A_2, %ge3A_755 : vector<32x1xi32>
    %roll3A_757 = arith.constant 16 : i32
    %roll3A_758 = tpu.dynamic_rotate %add3A_753 by %roll3A_757 dim 0 : vector<32x1xi32>, i32 -> vector<32x1xi32>
    %jit3A_759 = arith.constant 0 : i32
    %broadcast_in_dim3A_760 = vector.broadcast %jit3A_759 : i32 to vector<32x1xi32>
    %select_n3A_761 = arith.select %ge3A_756, %roll3A_758, %broadcast_in_dim3A_760 : vector<32x1xi1>, vector<32x1xi32>
    %add3A_762 = arith.addi %add3A_753, %select_n3A_761 : vector<32x1xi32>
    %sub3A_763 = arith.subi %add3A_714, %convert_element_type3A_651 : vector<32x128xi32>
    %sub3A_764 = arith.subi %add3A_762, %broadcast_in_dim3A_717 : vector<32x1xi32>
    %add3A_765 = vector.broadcast %sub3A_764 : vector<32x1xi32> to vector<32x128xi32>
    %add3A_766 = arith.addi %sub3A_763, %add3A_765 : vector<32x128xi32>
    %reduce_sum3A_767 = vector.shape_cast %convert_element_type3A_651 : vector<32x128xi32> to vector<1x32x128xi32>
    %reduce_sum3A_768 = arith.constant dense<0> : vector<1xi32>
    %reduce_sum3A_769 = vector.multi_reduction <add>, %reduce_sum3A_767, %reduce_sum3A_768 [1, 2] : vector<1x32x128xi32> to vector<1xi32>
    %reduce_sum3A_770 = vector.shape_cast %reduce_sum3A_769 : vector<1xi32> to vector<1x1x1xi32>
    %reduce_sum3A_771 = vector.extract %reduce_sum3A_770[0, 0, 0] : i32 from vector<1x1x1xi32>
    %add3A_772 = arith.constant 512 : i32
    %add3A_773 = arith.addi %reduce_sum3A_771, %add3A_772 : i32
    %sub3A_774 = arith.constant 1 : i32
    %sub3A_775 = arith.subi %add3A_773, %sub3A_774 : i32
    %jit3A_776 = arith.constant 512 : i32
    %div3A_777 = arith.divsi %sub3A_775, %jit3A_776 : i32
    %sign3A_778 = arith.constant 0 : i32
    %sign3A_779 = arith.cmpi sgt, %sub3A_775, %sign3A_778 : i32
    %sign3A_780 = arith.extui %sign3A_779 : i1 to i32
    %sign3A_781 = arith.constant 0 : i32
    %sign3A_782 = arith.cmpi slt, %sub3A_775, %sign3A_781 : i32
    %sign3A_783 = arith.extui %sign3A_782 : i1 to i32
    %sign3A_784 = arith.subi %sign3A_780, %sign3A_783 : i32
    %sign3A_785 = arith.constant 0 : i32
    %sign3A_786 = arith.cmpi sgt, %jit3A_776, %sign3A_785 : i32
    %sign3A_787 = arith.extui %sign3A_786 : i1 to i32
    %sign3A_788 = arith.constant 0 : i32
    %sign3A_789 = arith.cmpi slt, %jit3A_776, %sign3A_788 : i32
    %sign3A_790 = arith.extui %sign3A_789 : i1 to i32
    %sign3A_791 = arith.subi %sign3A_787, %sign3A_790 : i32
    %ne3A_792 = arith.cmpi ne, %sign3A_784, %sign3A_791 : i32
    %rem3A_793 = arith.remsi %sub3A_775, %jit3A_776 : i32
    %ne3A_794 = arith.constant 0 : i32
    %ne3A_795 = arith.cmpi ne, %rem3A_793, %ne3A_794 : i32
    %and3A_796 = arith.andi %ne3A_792, %ne3A_795 : i1
    %sub3A_797 = arith.constant 1 : i32
    %sub3A_798 = arith.subi %div3A_777, %sub3A_797 : i32
    %select_n3A_799 = arith.select %and3A_796, %sub3A_798, %div3A_777 : i32
    %mul3A_800 = arith.constant 512 : i32
    %mul3A_801 = arith.muli %select_n3A_799, %mul3A_800 : i32
    %eq3A_802 = arith.constant 3 : i32
    %eq3A_803 = vector.broadcast %eq3A_802 : i32 to vector<32x128xi32>
    %eq3A_804 = arith.cmpi eq, %get3A_1, %eq3A_803 : vector<32x128xi32>
    %add3A_805 = vector.broadcast %add3A_647 : i32 to vector<32x128xi32>
    %add3A_806 = arith.addi %add3A_805, %add3A_766 : vector<32x128xi32>
    %select_n3A_807 = arith.select %eq3A_804, %add3A_806, %select_n3A_589 : vector<32x128xi1>, vector<32x128xi32>
    %jit3A_808 = arith.constant 512 : i32
    %div3A_809 = arith.divsi %add3A_647, %jit3A_808 : i32
    %sign3A_810 = arith.constant 0 : i32
    %sign3A_811 = arith.cmpi sgt, %add3A_647, %sign3A_810 : i32
    %sign3A_812 = arith.extui %sign3A_811 : i1 to i32
    %sign3A_813 = arith.constant 0 : i32
    %sign3A_814 = arith.cmpi slt, %add3A_647, %sign3A_813 : i32
    %sign3A_815 = arith.extui %sign3A_814 : i1 to i32
    %sign3A_816 = arith.subi %sign3A_812, %sign3A_815 : i32
    %sign3A_817 = arith.constant 0 : i32
    %sign3A_818 = arith.cmpi sgt, %jit3A_808, %sign3A_817 : i32
    %sign3A_819 = arith.extui %sign3A_818 : i1 to i32
    %sign3A_820 = arith.constant 0 : i32
    %sign3A_821 = arith.cmpi slt, %jit3A_808, %sign3A_820 : i32
    %sign3A_822 = arith.extui %sign3A_821 : i1 to i32
    %sign3A_823 = arith.subi %sign3A_819, %sign3A_822 : i32
    %ne3A_824 = arith.cmpi ne, %sign3A_816, %sign3A_823 : i32
    %rem3A_825 = arith.remsi %add3A_647, %jit3A_808 : i32
    %ne3A_826 = arith.constant 0 : i32
    %ne3A_827 = arith.cmpi ne, %rem3A_825, %ne3A_826 : i32
    %and3A_828 = arith.andi %ne3A_824, %ne3A_827 : i1
    %sub3A_829 = arith.constant 1 : i32
    %sub3A_830 = arith.subi %div3A_809, %sub3A_829 : i32
    %select_n3A_831 = arith.select %and3A_828, %sub3A_830, %div3A_809 : i32
    %jit3A_832 = arith.constant 512 : i32
    %div3A_833 = arith.divsi %mul3A_801, %jit3A_832 : i32
    %sign3A_834 = arith.constant 0 : i32
    %sign3A_835 = arith.cmpi sgt, %mul3A_801, %sign3A_834 : i32
    %sign3A_836 = arith.extui %sign3A_835 : i1 to i32
    %sign3A_837 = arith.constant 0 : i32
    %sign3A_838 = arith.cmpi slt, %mul3A_801, %sign3A_837 : i32
    %sign3A_839 = arith.extui %sign3A_838 : i1 to i32
    %sign3A_840 = arith.subi %sign3A_836, %sign3A_839 : i32
    %sign3A_841 = arith.constant 0 : i32
    %sign3A_842 = arith.cmpi sgt, %jit3A_832, %sign3A_841 : i32
    %sign3A_843 = arith.extui %sign3A_842 : i1 to i32
    %sign3A_844 = arith.constant 0 : i32
    %sign3A_845 = arith.cmpi slt, %jit3A_832, %sign3A_844 : i32
    %sign3A_846 = arith.extui %sign3A_845 : i1 to i32
    %sign3A_847 = arith.subi %sign3A_843, %sign3A_846 : i32
    %ne3A_848 = arith.cmpi ne, %sign3A_840, %sign3A_847 : i32
    %rem3A_849 = arith.remsi %mul3A_801, %jit3A_832 : i32
    %ne3A_850 = arith.constant 0 : i32
    %ne3A_851 = arith.cmpi ne, %rem3A_849, %ne3A_850 : i32
    %and3A_852 = arith.andi %ne3A_848, %ne3A_851 : i1
    %sub3A_853 = arith.constant 1 : i32
    %sub3A_854 = arith.subi %div3A_833, %sub3A_853 : i32
    %select_n3A_855 = arith.select %and3A_852, %sub3A_854, %div3A_833 : i32
    %ge3A_856 = vector.broadcast %select_n3A_831 : i32 to vector<1x16xi32>
    %ge3A_857 = arith.cmpi sge, %iota3A_3, %ge3A_856 : vector<1x16xi32>
    %add3A_858 = arith.addi %select_n3A_831, %select_n3A_855 : i32
    %lt3A_859 = vector.broadcast %add3A_858 : i32 to vector<1x16xi32>
    %lt3A_860 = arith.cmpi slt, %iota3A_3, %lt3A_859 : vector<1x16xi32>
    %and3A_861 = arith.andi %ge3A_857, %lt3A_860 : vector<1x16xi1>
    %jit3A_862 = arith.constant 3 : i32
    %broadcast_in_dim3A_863 = vector.broadcast %jit3A_862 : i32 to vector<1x16xi32>
    %select_n3A_864 = arith.select %and3A_861, %broadcast_in_dim3A_863, %select_n3A_646 : vector<1x16xi1>, vector<1x16xi32>
    %add3A_865 = arith.addi %add3A_647, %mul3A_801 : i32
    %eq3A_866 = arith.constant 4 : i32
    %eq3A_867 = vector.broadcast %eq3A_866 : i32 to vector<32x128xi32>
    %eq3A_868 = arith.cmpi eq, %get3A_1, %eq3A_867 : vector<32x128xi32>
    %convert_element_type3A_869 = arith.extui %eq3A_868 : vector<32x128xi1> to vector<32x128xi32>
    %ge3A_870 = arith.constant 1 : i32
    %ge3A_871 = vector.broadcast %ge3A_870 : i32 to vector<32x128xi32>
    %ge3A_872 = arith.cmpi sge, %iota3A, %ge3A_871 : vector<32x128xi32>
    %roll3A_873 = arith.constant 1 : i32
    %roll3A_874 = tpu.dynamic_rotate %convert_element_type3A_869 by %roll3A_873 dim 1 : vector<32x128xi32>, i32 -> vector<32x128xi32>
    %jit3A_875 = arith.constant 0 : i32
    %broadcast_in_dim3A_876 = vector.broadcast %jit3A_875 : i32 to vector<32x128xi32>
    %select_n3A_877 = arith.select %ge3A_872, %roll3A_874, %broadcast_in_dim3A_876 : vector<32x128xi1>, vector<32x128xi32>
    %add3A_878 = arith.addi %convert_element_type3A_869, %select_n3A_877 : vector<32x128xi32>
    %ge3A_879 = arith.constant 2 : i32
    %ge3A_880 = vector.broadcast %ge3A_879 : i32 to vector<32x128xi32>
    %ge3A_881 = arith.cmpi sge, %iota3A, %ge3A_880 : vector<32x128xi32>
    %roll3A_882 = arith.constant 2 : i32
    %roll3A_883 = tpu.dynamic_rotate %add3A_878 by %roll3A_882 dim 1 : vector<32x128xi32>, i32 -> vector<32x128xi32>
    %jit3A_884 = arith.constant 0 : i32
    %broadcast_in_dim3A_885 = vector.broadcast %jit3A_884 : i32 to vector<32x128xi32>
    %select_n3A_886 = arith.select %ge3A_881, %roll3A_883, %broadcast_in_dim3A_885 : vector<32x128xi1>, vector<32x128xi32>
    %add3A_887 = arith.addi %add3A_878, %select_n3A_886 : vector<32x128xi32>
    %ge3A_888 = arith.constant 4 : i32
    %ge3A_889 = vector.broadcast %ge3A_888 : i32 to vector<32x128xi32>
    %ge3A_890 = arith.cmpi sge, %iota3A, %ge3A_889 : vector<32x128xi32>
    %roll3A_891 = arith.constant 4 : i32
    %roll3A_892 = tpu.dynamic_rotate %add3A_887 by %roll3A_891 dim 1 : vector<32x128xi32>, i32 -> vector<32x128xi32>
    %jit3A_893 = arith.constant 0 : i32
    %broadcast_in_dim3A_894 = vector.broadcast %jit3A_893 : i32 to vector<32x128xi32>
    %select_n3A_895 = arith.select %ge3A_890, %roll3A_892, %broadcast_in_dim3A_894 : vector<32x128xi1>, vector<32x128xi32>
    %add3A_896 = arith.addi %add3A_887, %select_n3A_895 : vector<32x128xi32>
    %ge3A_897 = arith.constant 8 : i32
    %ge3A_898 = vector.broadcast %ge3A_897 : i32 to vector<32x128xi32>
    %ge3A_899 = arith.cmpi sge, %iota3A, %ge3A_898 : vector<32x128xi32>
    %roll3A_900 = arith.constant 8 : i32
    %roll3A_901 = tpu.dynamic_rotate %add3A_896 by %roll3A_900 dim 1 : vector<32x128xi32>, i32 -> vector<32x128xi32>
    %jit3A_902 = arith.constant 0 : i32
    %broadcast_in_dim3A_903 = vector.broadcast %jit3A_902 : i32 to vector<32x128xi32>
    %select_n3A_904 = arith.select %ge3A_899, %roll3A_901, %broadcast_in_dim3A_903 : vector<32x128xi1>, vector<32x128xi32>
    %add3A_905 = arith.addi %add3A_896, %select_n3A_904 : vector<32x128xi32>
    %ge3A_906 = arith.constant 16 : i32
    %ge3A_907 = vector.broadcast %ge3A_906 : i32 to vector<32x128xi32>
    %ge3A_908 = arith.cmpi sge, %iota3A, %ge3A_907 : vector<32x128xi32>
    %roll3A_909 = arith.constant 16 : i32
    %roll3A_910 = tpu.dynamic_rotate %add3A_905 by %roll3A_909 dim 1 : vector<32x128xi32>, i32 -> vector<32x128xi32>
    %jit3A_911 = arith.constant 0 : i32
    %broadcast_in_dim3A_912 = vector.broadcast %jit3A_911 : i32 to vector<32x128xi32>
    %select_n3A_913 = arith.select %ge3A_908, %roll3A_910, %broadcast_in_dim3A_912 : vector<32x128xi1>, vector<32x128xi32>
    %add3A_914 = arith.addi %add3A_905, %select_n3A_913 : vector<32x128xi32>
    %ge3A_915 = arith.constant 32 : i32
    %ge3A_916 = vector.broadcast %ge3A_915 : i32 to vector<32x128xi32>
    %ge3A_917 = arith.cmpi sge, %iota3A, %ge3A_916 : vector<32x128xi32>
    %roll3A_918 = arith.constant 32 : i32
    %roll3A_919 = tpu.dynamic_rotate %add3A_914 by %roll3A_918 dim 1 : vector<32x128xi32>, i32 -> vector<32x128xi32>
    %jit3A_920 = arith.constant 0 : i32
    %broadcast_in_dim3A_921 = vector.broadcast %jit3A_920 : i32 to vector<32x128xi32>
    %select_n3A_922 = arith.select %ge3A_917, %roll3A_919, %broadcast_in_dim3A_921 : vector<32x128xi1>, vector<32x128xi32>
    %add3A_923 = arith.addi %add3A_914, %select_n3A_922 : vector<32x128xi32>
    %ge3A_924 = arith.constant 64 : i32
    %ge3A_925 = vector.broadcast %ge3A_924 : i32 to vector<32x128xi32>
    %ge3A_926 = arith.cmpi sge, %iota3A, %ge3A_925 : vector<32x128xi32>
    %roll3A_927 = arith.constant 64 : i32
    %roll3A_928 = tpu.dynamic_rotate %add3A_923 by %roll3A_927 dim 1 : vector<32x128xi32>, i32 -> vector<32x128xi32>
    %jit3A_929 = arith.constant 0 : i32
    %broadcast_in_dim3A_930 = vector.broadcast %jit3A_929 : i32 to vector<32x128xi32>
    %select_n3A_931 = arith.select %ge3A_926, %roll3A_928, %broadcast_in_dim3A_930 : vector<32x128xi1>, vector<32x128xi32>
    %add3A_932 = arith.addi %add3A_923, %select_n3A_931 : vector<32x128xi32>
    %reduce_sum3A_933 = arith.constant dense<0> : vector<32xi32>
    %reduce_sum3A_934 = vector.multi_reduction <add>, %convert_element_type3A_869, %reduce_sum3A_933 [1] : vector<32x128xi32> to vector<32xi32>
    %broadcast_in_dim3A_935 = vector.shape_cast %reduce_sum3A_934 : vector<32xi32> to vector<32x1xi32>
    %ge3A_936 = arith.constant 1 : i32
    %ge3A_937 = vector.broadcast %ge3A_936 : i32 to vector<32x1xi32>
    %ge3A_938 = arith.cmpi sge, %iota3A_2, %ge3A_937 : vector<32x1xi32>
    %roll3A_939 = arith.constant 1 : i32
    %roll3A_940 = tpu.dynamic_rotate %broadcast_in_dim3A_935 by %roll3A_939 dim 0 : vector<32x1xi32>, i32 -> vector<32x1xi32>
    %jit3A_941 = arith.constant 0 : i32
    %broadcast_in_dim3A_942 = vector.broadcast %jit3A_941 : i32 to vector<32x1xi32>
    %select_n3A_943 = arith.select %ge3A_938, %roll3A_940, %broadcast_in_dim3A_942 : vector<32x1xi1>, vector<32x1xi32>
    %add3A_944 = arith.addi %broadcast_in_dim3A_935, %select_n3A_943 : vector<32x1xi32>
    %ge3A_945 = arith.constant 2 : i32
    %ge3A_946 = vector.broadcast %ge3A_945 : i32 to vector<32x1xi32>
    %ge3A_947 = arith.cmpi sge, %iota3A_2, %ge3A_946 : vector<32x1xi32>
    %roll3A_948 = arith.constant 2 : i32
    %roll3A_949 = tpu.dynamic_rotate %add3A_944 by %roll3A_948 dim 0 : vector<32x1xi32>, i32 -> vector<32x1xi32>
    %jit3A_950 = arith.constant 0 : i32
    %broadcast_in_dim3A_951 = vector.broadcast %jit3A_950 : i32 to vector<32x1xi32>
    %select_n3A_952 = arith.select %ge3A_947, %roll3A_949, %broadcast_in_dim3A_951 : vector<32x1xi1>, vector<32x1xi32>
    %add3A_953 = arith.addi %add3A_944, %select_n3A_952 : vector<32x1xi32>
    %ge3A_954 = arith.constant 4 : i32
    %ge3A_955 = vector.broadcast %ge3A_954 : i32 to vector<32x1xi32>
    %ge3A_956 = arith.cmpi sge, %iota3A_2, %ge3A_955 : vector<32x1xi32>
    %roll3A_957 = arith.constant 4 : i32
    %roll3A_958 = tpu.dynamic_rotate %add3A_953 by %roll3A_957 dim 0 : vector<32x1xi32>, i32 -> vector<32x1xi32>
    %jit3A_959 = arith.constant 0 : i32
    %broadcast_in_dim3A_960 = vector.broadcast %jit3A_959 : i32 to vector<32x1xi32>
    %select_n3A_961 = arith.select %ge3A_956, %roll3A_958, %broadcast_in_dim3A_960 : vector<32x1xi1>, vector<32x1xi32>
    %add3A_962 = arith.addi %add3A_953, %select_n3A_961 : vector<32x1xi32>
    %ge3A_963 = arith.constant 8 : i32
    %ge3A_964 = vector.broadcast %ge3A_963 : i32 to vector<32x1xi32>
    %ge3A_965 = arith.cmpi sge, %iota3A_2, %ge3A_964 : vector<32x1xi32>
    %roll3A_966 = arith.constant 8 : i32
    %roll3A_967 = tpu.dynamic_rotate %add3A_962 by %roll3A_966 dim 0 : vector<32x1xi32>, i32 -> vector<32x1xi32>
    %jit3A_968 = arith.constant 0 : i32
    %broadcast_in_dim3A_969 = vector.broadcast %jit3A_968 : i32 to vector<32x1xi32>
    %select_n3A_970 = arith.select %ge3A_965, %roll3A_967, %broadcast_in_dim3A_969 : vector<32x1xi1>, vector<32x1xi32>
    %add3A_971 = arith.addi %add3A_962, %select_n3A_970 : vector<32x1xi32>
    %ge3A_972 = arith.constant 16 : i32
    %ge3A_973 = vector.broadcast %ge3A_972 : i32 to vector<32x1xi32>
    %ge3A_974 = arith.cmpi sge, %iota3A_2, %ge3A_973 : vector<32x1xi32>
    %roll3A_975 = arith.constant 16 : i32
    %roll3A_976 = tpu.dynamic_rotate %add3A_971 by %roll3A_975 dim 0 : vector<32x1xi32>, i32 -> vector<32x1xi32>
    %jit3A_977 = arith.constant 0 : i32
    %broadcast_in_dim3A_978 = vector.broadcast %jit3A_977 : i32 to vector<32x1xi32>
    %select_n3A_979 = arith.select %ge3A_974, %roll3A_976, %broadcast_in_dim3A_978 : vector<32x1xi1>, vector<32x1xi32>
    %add3A_980 = arith.addi %add3A_971, %select_n3A_979 : vector<32x1xi32>
    %sub3A_981 = arith.subi %add3A_932, %convert_element_type3A_869 : vector<32x128xi32>
    %sub3A_982 = arith.subi %add3A_980, %broadcast_in_dim3A_935 : vector<32x1xi32>
    %add3A_983 = vector.broadcast %sub3A_982 : vector<32x1xi32> to vector<32x128xi32>
    %add3A_984 = arith.addi %sub3A_981, %add3A_983 : vector<32x128xi32>
    %reduce_sum3A_985 = vector.shape_cast %convert_element_type3A_869 : vector<32x128xi32> to vector<1x32x128xi32>
    %reduce_sum3A_986 = arith.constant dense<0> : vector<1xi32>
    %reduce_sum3A_987 = vector.multi_reduction <add>, %reduce_sum3A_985, %reduce_sum3A_986 [1, 2] : vector<1x32x128xi32> to vector<1xi32>
    %reduce_sum3A_988 = vector.shape_cast %reduce_sum3A_987 : vector<1xi32> to vector<1x1x1xi32>
    %reduce_sum3A_989 = vector.extract %reduce_sum3A_988[0, 0, 0] : i32 from vector<1x1x1xi32>
    %add3A_990 = arith.constant 512 : i32
    %add3A_991 = arith.addi %reduce_sum3A_989, %add3A_990 : i32
    %sub3A_992 = arith.constant 1 : i32
    %sub3A_993 = arith.subi %add3A_991, %sub3A_992 : i32
    %jit3A_994 = arith.constant 512 : i32
    %div3A_995 = arith.divsi %sub3A_993, %jit3A_994 : i32
    %sign3A_996 = arith.constant 0 : i32
    %sign3A_997 = arith.cmpi sgt, %sub3A_993, %sign3A_996 : i32
    %sign3A_998 = arith.extui %sign3A_997 : i1 to i32
    %sign3A_999 = arith.constant 0 : i32
    %sign3A_1000 = arith.cmpi slt, %sub3A_993, %sign3A_999 : i32
    %sign3A_1001 = arith.extui %sign3A_1000 : i1 to i32
    %sign3A_1002 = arith.subi %sign3A_998, %sign3A_1001 : i32
    %sign3A_1003 = arith.constant 0 : i32
    %sign3A_1004 = arith.cmpi sgt, %jit3A_994, %sign3A_1003 : i32
    %sign3A_1005 = arith.extui %sign3A_1004 : i1 to i32
    %sign3A_1006 = arith.constant 0 : i32
    %sign3A_1007 = arith.cmpi slt, %jit3A_994, %sign3A_1006 : i32
    %sign3A_1008 = arith.extui %sign3A_1007 : i1 to i32
    %sign3A_1009 = arith.subi %sign3A_1005, %sign3A_1008 : i32
    %ne3A_1010 = arith.cmpi ne, %sign3A_1002, %sign3A_1009 : i32
    %rem3A_1011 = arith.remsi %sub3A_993, %jit3A_994 : i32
    %ne3A_1012 = arith.constant 0 : i32
    %ne3A_1013 = arith.cmpi ne, %rem3A_1011, %ne3A_1012 : i32
    %and3A_1014 = arith.andi %ne3A_1010, %ne3A_1013 : i1
    %sub3A_1015 = arith.constant 1 : i32
    %sub3A_1016 = arith.subi %div3A_995, %sub3A_1015 : i32
    %select_n3A_1017 = arith.select %and3A_1014, %sub3A_1016, %div3A_995 : i32
    %mul3A_1018 = arith.constant 512 : i32
    %mul3A_1019 = arith.muli %select_n3A_1017, %mul3A_1018 : i32
    %eq3A_1020 = arith.constant 4 : i32
    %eq3A_1021 = vector.broadcast %eq3A_1020 : i32 to vector<32x128xi32>
    %eq3A_1022 = arith.cmpi eq, %get3A_1, %eq3A_1021 : vector<32x128xi32>
    %add3A_1023 = vector.broadcast %add3A_865 : i32 to vector<32x128xi32>
    %add3A_1024 = arith.addi %add3A_1023, %add3A_984 : vector<32x128xi32>
    %select_n3A_1025 = arith.select %eq3A_1022, %add3A_1024, %select_n3A_807 : vector<32x128xi1>, vector<32x128xi32>
    %jit3A_1026 = arith.constant 512 : i32
    %div3A_1027 = arith.divsi %add3A_865, %jit3A_1026 : i32
    %sign3A_1028 = arith.constant 0 : i32
    %sign3A_1029 = arith.cmpi sgt, %add3A_865, %sign3A_1028 : i32
    %sign3A_1030 = arith.extui %sign3A_1029 : i1 to i32
    %sign3A_1031 = arith.constant 0 : i32
    %sign3A_1032 = arith.cmpi slt, %add3A_865, %sign3A_1031 : i32
    %sign3A_1033 = arith.extui %sign3A_1032 : i1 to i32
    %sign3A_1034 = arith.subi %sign3A_1030, %sign3A_1033 : i32
    %sign3A_1035 = arith.constant 0 : i32
    %sign3A_1036 = arith.cmpi sgt, %jit3A_1026, %sign3A_1035 : i32
    %sign3A_1037 = arith.extui %sign3A_1036 : i1 to i32
    %sign3A_1038 = arith.constant 0 : i32
    %sign3A_1039 = arith.cmpi slt, %jit3A_1026, %sign3A_1038 : i32
    %sign3A_1040 = arith.extui %sign3A_1039 : i1 to i32
    %sign3A_1041 = arith.subi %sign3A_1037, %sign3A_1040 : i32
    %ne3A_1042 = arith.cmpi ne, %sign3A_1034, %sign3A_1041 : i32
    %rem3A_1043 = arith.remsi %add3A_865, %jit3A_1026 : i32
    %ne3A_1044 = arith.constant 0 : i32
    %ne3A_1045 = arith.cmpi ne, %rem3A_1043, %ne3A_1044 : i32
    %and3A_1046 = arith.andi %ne3A_1042, %ne3A_1045 : i1
    %sub3A_1047 = arith.constant 1 : i32
    %sub3A_1048 = arith.subi %div3A_1027, %sub3A_1047 : i32
    %select_n3A_1049 = arith.select %and3A_1046, %sub3A_1048, %div3A_1027 : i32
    %jit3A_1050 = arith.constant 512 : i32
    %div3A_1051 = arith.divsi %mul3A_1019, %jit3A_1050 : i32
    %sign3A_1052 = arith.constant 0 : i32
    %sign3A_1053 = arith.cmpi sgt, %mul3A_1019, %sign3A_1052 : i32
    %sign3A_1054 = arith.extui %sign3A_1053 : i1 to i32
    %sign3A_1055 = arith.constant 0 : i32
    %sign3A_1056 = arith.cmpi slt, %mul3A_1019, %sign3A_1055 : i32
    %sign3A_1057 = arith.extui %sign3A_1056 : i1 to i32
    %sign3A_1058 = arith.subi %sign3A_1054, %sign3A_1057 : i32
    %sign3A_1059 = arith.constant 0 : i32
    %sign3A_1060 = arith.cmpi sgt, %jit3A_1050, %sign3A_1059 : i32
    %sign3A_1061 = arith.extui %sign3A_1060 : i1 to i32
    %sign3A_1062 = arith.constant 0 : i32
    %sign3A_1063 = arith.cmpi slt, %jit3A_1050, %sign3A_1062 : i32
    %sign3A_1064 = arith.extui %sign3A_1063 : i1 to i32
    %sign3A_1065 = arith.subi %sign3A_1061, %sign3A_1064 : i32
    %ne3A_1066 = arith.cmpi ne, %sign3A_1058, %sign3A_1065 : i32
    %rem3A_1067 = arith.remsi %mul3A_1019, %jit3A_1050 : i32
    %ne3A_1068 = arith.constant 0 : i32
    %ne3A_1069 = arith.cmpi ne, %rem3A_1067, %ne3A_1068 : i32
    %and3A_1070 = arith.andi %ne3A_1066, %ne3A_1069 : i1
    %sub3A_1071 = arith.constant 1 : i32
    %sub3A_1072 = arith.subi %div3A_1051, %sub3A_1071 : i32
    %select_n3A_1073 = arith.select %and3A_1070, %sub3A_1072, %div3A_1051 : i32
    %ge3A_1074 = vector.broadcast %select_n3A_1049 : i32 to vector<1x16xi32>
    %ge3A_1075 = arith.cmpi sge, %iota3A_3, %ge3A_1074 : vector<1x16xi32>
    %add3A_1076 = arith.addi %select_n3A_1049, %select_n3A_1073 : i32
    %lt3A_1077 = vector.broadcast %add3A_1076 : i32 to vector<1x16xi32>
    %lt3A_1078 = arith.cmpi slt, %iota3A_3, %lt3A_1077 : vector<1x16xi32>
    %and3A_1079 = arith.andi %ge3A_1075, %lt3A_1078 : vector<1x16xi1>
    %jit3A_1080 = arith.constant 4 : i32
    %broadcast_in_dim3A_1081 = vector.broadcast %jit3A_1080 : i32 to vector<1x16xi32>
    %select_n3A_1082 = arith.select %and3A_1079, %broadcast_in_dim3A_1081, %select_n3A_864 : vector<1x16xi1>, vector<1x16xi32>
    %add3A_1083 = arith.addi %add3A_865, %mul3A_1019 : i32
    %eq3A_1084 = arith.constant 5 : i32
    %eq3A_1085 = vector.broadcast %eq3A_1084 : i32 to vector<32x128xi32>
    %eq3A_1086 = arith.cmpi eq, %get3A_1, %eq3A_1085 : vector<32x128xi32>
    %convert_element_type3A_1087 = arith.extui %eq3A_1086 : vector<32x128xi1> to vector<32x128xi32>
    %ge3A_1088 = arith.constant 1 : i32
    %ge3A_1089 = vector.broadcast %ge3A_1088 : i32 to vector<32x128xi32>
    %ge3A_1090 = arith.cmpi sge, %iota3A, %ge3A_1089 : vector<32x128xi32>
    %roll3A_1091 = arith.constant 1 : i32
    %roll3A_1092 = tpu.dynamic_rotate %convert_element_type3A_1087 by %roll3A_1091 dim 1 : vector<32x128xi32>, i32 -> vector<32x128xi32>
    %jit3A_1093 = arith.constant 0 : i32
    %broadcast_in_dim3A_1094 = vector.broadcast %jit3A_1093 : i32 to vector<32x128xi32>
    %select_n3A_1095 = arith.select %ge3A_1090, %roll3A_1092, %broadcast_in_dim3A_1094 : vector<32x128xi1>, vector<32x128xi32>
    %add3A_1096 = arith.addi %convert_element_type3A_1087, %select_n3A_1095 : vector<32x128xi32>
    %ge3A_1097 = arith.constant 2 : i32
    %ge3A_1098 = vector.broadcast %ge3A_1097 : i32 to vector<32x128xi32>
    %ge3A_1099 = arith.cmpi sge, %iota3A, %ge3A_1098 : vector<32x128xi32>
    %roll3A_1100 = arith.constant 2 : i32
    %roll3A_1101 = tpu.dynamic_rotate %add3A_1096 by %roll3A_1100 dim 1 : vector<32x128xi32>, i32 -> vector<32x128xi32>
    %jit3A_1102 = arith.constant 0 : i32
    %broadcast_in_dim3A_1103 = vector.broadcast %jit3A_1102 : i32 to vector<32x128xi32>
    %select_n3A_1104 = arith.select %ge3A_1099, %roll3A_1101, %broadcast_in_dim3A_1103 : vector<32x128xi1>, vector<32x128xi32>
    %add3A_1105 = arith.addi %add3A_1096, %select_n3A_1104 : vector<32x128xi32>
    %ge3A_1106 = arith.constant 4 : i32
    %ge3A_1107 = vector.broadcast %ge3A_1106 : i32 to vector<32x128xi32>
    %ge3A_1108 = arith.cmpi sge, %iota3A, %ge3A_1107 : vector<32x128xi32>
    %roll3A_1109 = arith.constant 4 : i32
    %roll3A_1110 = tpu.dynamic_rotate %add3A_1105 by %roll3A_1109 dim 1 : vector<32x128xi32>, i32 -> vector<32x128xi32>
    %jit3A_1111 = arith.constant 0 : i32
    %broadcast_in_dim3A_1112 = vector.broadcast %jit3A_1111 : i32 to vector<32x128xi32>
    %select_n3A_1113 = arith.select %ge3A_1108, %roll3A_1110, %broadcast_in_dim3A_1112 : vector<32x128xi1>, vector<32x128xi32>
    %add3A_1114 = arith.addi %add3A_1105, %select_n3A_1113 : vector<32x128xi32>
    %ge3A_1115 = arith.constant 8 : i32
    %ge3A_1116 = vector.broadcast %ge3A_1115 : i32 to vector<32x128xi32>
    %ge3A_1117 = arith.cmpi sge, %iota3A, %ge3A_1116 : vector<32x128xi32>
    %roll3A_1118 = arith.constant 8 : i32
    %roll3A_1119 = tpu.dynamic_rotate %add3A_1114 by %roll3A_1118 dim 1 : vector<32x128xi32>, i32 -> vector<32x128xi32>
    %jit3A_1120 = arith.constant 0 : i32
    %broadcast_in_dim3A_1121 = vector.broadcast %jit3A_1120 : i32 to vector<32x128xi32>
    %select_n3A_1122 = arith.select %ge3A_1117, %roll3A_1119, %broadcast_in_dim3A_1121 : vector<32x128xi1>, vector<32x128xi32>
    %add3A_1123 = arith.addi %add3A_1114, %select_n3A_1122 : vector<32x128xi32>
    %ge3A_1124 = arith.constant 16 : i32
    %ge3A_1125 = vector.broadcast %ge3A_1124 : i32 to vector<32x128xi32>
    %ge3A_1126 = arith.cmpi sge, %iota3A, %ge3A_1125 : vector<32x128xi32>
    %roll3A_1127 = arith.constant 16 : i32
    %roll3A_1128 = tpu.dynamic_rotate %add3A_1123 by %roll3A_1127 dim 1 : vector<32x128xi32>, i32 -> vector<32x128xi32>
    %jit3A_1129 = arith.constant 0 : i32
    %broadcast_in_dim3A_1130 = vector.broadcast %jit3A_1129 : i32 to vector<32x128xi32>
    %select_n3A_1131 = arith.select %ge3A_1126, %roll3A_1128, %broadcast_in_dim3A_1130 : vector<32x128xi1>, vector<32x128xi32>
    %add3A_1132 = arith.addi %add3A_1123, %select_n3A_1131 : vector<32x128xi32>
    %ge3A_1133 = arith.constant 32 : i32
    %ge3A_1134 = vector.broadcast %ge3A_1133 : i32 to vector<32x128xi32>
    %ge3A_1135 = arith.cmpi sge, %iota3A, %ge3A_1134 : vector<32x128xi32>
    %roll3A_1136 = arith.constant 32 : i32
    %roll3A_1137 = tpu.dynamic_rotate %add3A_1132 by %roll3A_1136 dim 1 : vector<32x128xi32>, i32 -> vector<32x128xi32>
    %jit3A_1138 = arith.constant 0 : i32
    %broadcast_in_dim3A_1139 = vector.broadcast %jit3A_1138 : i32 to vector<32x128xi32>
    %select_n3A_1140 = arith.select %ge3A_1135, %roll3A_1137, %broadcast_in_dim3A_1139 : vector<32x128xi1>, vector<32x128xi32>
    %add3A_1141 = arith.addi %add3A_1132, %select_n3A_1140 : vector<32x128xi32>
    %ge3A_1142 = arith.constant 64 : i32
    %ge3A_1143 = vector.broadcast %ge3A_1142 : i32 to vector<32x128xi32>
    %ge3A_1144 = arith.cmpi sge, %iota3A, %ge3A_1143 : vector<32x128xi32>
    %roll3A_1145 = arith.constant 64 : i32
    %roll3A_1146 = tpu.dynamic_rotate %add3A_1141 by %roll3A_1145 dim 1 : vector<32x128xi32>, i32 -> vector<32x128xi32>
    %jit3A_1147 = arith.constant 0 : i32
    %broadcast_in_dim3A_1148 = vector.broadcast %jit3A_1147 : i32 to vector<32x128xi32>
    %select_n3A_1149 = arith.select %ge3A_1144, %roll3A_1146, %broadcast_in_dim3A_1148 : vector<32x128xi1>, vector<32x128xi32>
    %add3A_1150 = arith.addi %add3A_1141, %select_n3A_1149 : vector<32x128xi32>
    %reduce_sum3A_1151 = arith.constant dense<0> : vector<32xi32>
    %reduce_sum3A_1152 = vector.multi_reduction <add>, %convert_element_type3A_1087, %reduce_sum3A_1151 [1] : vector<32x128xi32> to vector<32xi32>
    %broadcast_in_dim3A_1153 = vector.shape_cast %reduce_sum3A_1152 : vector<32xi32> to vector<32x1xi32>
    %ge3A_1154 = arith.constant 1 : i32
    %ge3A_1155 = vector.broadcast %ge3A_1154 : i32 to vector<32x1xi32>
    %ge3A_1156 = arith.cmpi sge, %iota3A_2, %ge3A_1155 : vector<32x1xi32>
    %roll3A_1157 = arith.constant 1 : i32
    %roll3A_1158 = tpu.dynamic_rotate %broadcast_in_dim3A_1153 by %roll3A_1157 dim 0 : vector<32x1xi32>, i32 -> vector<32x1xi32>
    %jit3A_1159 = arith.constant 0 : i32
    %broadcast_in_dim3A_1160 = vector.broadcast %jit3A_1159 : i32 to vector<32x1xi32>
    %select_n3A_1161 = arith.select %ge3A_1156, %roll3A_1158, %broadcast_in_dim3A_1160 : vector<32x1xi1>, vector<32x1xi32>
    %add3A_1162 = arith.addi %broadcast_in_dim3A_1153, %select_n3A_1161 : vector<32x1xi32>
    %ge3A_1163 = arith.constant 2 : i32
    %ge3A_1164 = vector.broadcast %ge3A_1163 : i32 to vector<32x1xi32>
    %ge3A_1165 = arith.cmpi sge, %iota3A_2, %ge3A_1164 : vector<32x1xi32>
    %roll3A_1166 = arith.constant 2 : i32
    %roll3A_1167 = tpu.dynamic_rotate %add3A_1162 by %roll3A_1166 dim 0 : vector<32x1xi32>, i32 -> vector<32x1xi32>
    %jit3A_1168 = arith.constant 0 : i32
    %broadcast_in_dim3A_1169 = vector.broadcast %jit3A_1168 : i32 to vector<32x1xi32>
    %select_n3A_1170 = arith.select %ge3A_1165, %roll3A_1167, %broadcast_in_dim3A_1169 : vector<32x1xi1>, vector<32x1xi32>
    %add3A_1171 = arith.addi %add3A_1162, %select_n3A_1170 : vector<32x1xi32>
    %ge3A_1172 = arith.constant 4 : i32
    %ge3A_1173 = vector.broadcast %ge3A_1172 : i32 to vector<32x1xi32>
    %ge3A_1174 = arith.cmpi sge, %iota3A_2, %ge3A_1173 : vector<32x1xi32>
    %roll3A_1175 = arith.constant 4 : i32
    %roll3A_1176 = tpu.dynamic_rotate %add3A_1171 by %roll3A_1175 dim 0 : vector<32x1xi32>, i32 -> vector<32x1xi32>
    %jit3A_1177 = arith.constant 0 : i32
    %broadcast_in_dim3A_1178 = vector.broadcast %jit3A_1177 : i32 to vector<32x1xi32>
    %select_n3A_1179 = arith.select %ge3A_1174, %roll3A_1176, %broadcast_in_dim3A_1178 : vector<32x1xi1>, vector<32x1xi32>
    %add3A_1180 = arith.addi %add3A_1171, %select_n3A_1179 : vector<32x1xi32>
    %ge3A_1181 = arith.constant 8 : i32
    %ge3A_1182 = vector.broadcast %ge3A_1181 : i32 to vector<32x1xi32>
    %ge3A_1183 = arith.cmpi sge, %iota3A_2, %ge3A_1182 : vector<32x1xi32>
    %roll3A_1184 = arith.constant 8 : i32
    %roll3A_1185 = tpu.dynamic_rotate %add3A_1180 by %roll3A_1184 dim 0 : vector<32x1xi32>, i32 -> vector<32x1xi32>
    %jit3A_1186 = arith.constant 0 : i32
    %broadcast_in_dim3A_1187 = vector.broadcast %jit3A_1186 : i32 to vector<32x1xi32>
    %select_n3A_1188 = arith.select %ge3A_1183, %roll3A_1185, %broadcast_in_dim3A_1187 : vector<32x1xi1>, vector<32x1xi32>
    %add3A_1189 = arith.addi %add3A_1180, %select_n3A_1188 : vector<32x1xi32>
    %ge3A_1190 = arith.constant 16 : i32
    %ge3A_1191 = vector.broadcast %ge3A_1190 : i32 to vector<32x1xi32>
    %ge3A_1192 = arith.cmpi sge, %iota3A_2, %ge3A_1191 : vector<32x1xi32>
    %roll3A_1193 = arith.constant 16 : i32
    %roll3A_1194 = tpu.dynamic_rotate %add3A_1189 by %roll3A_1193 dim 0 : vector<32x1xi32>, i32 -> vector<32x1xi32>
    %jit3A_1195 = arith.constant 0 : i32
    %broadcast_in_dim3A_1196 = vector.broadcast %jit3A_1195 : i32 to vector<32x1xi32>
    %select_n3A_1197 = arith.select %ge3A_1192, %roll3A_1194, %broadcast_in_dim3A_1196 : vector<32x1xi1>, vector<32x1xi32>
    %add3A_1198 = arith.addi %add3A_1189, %select_n3A_1197 : vector<32x1xi32>
    %sub3A_1199 = arith.subi %add3A_1150, %convert_element_type3A_1087 : vector<32x128xi32>
    %sub3A_1200 = arith.subi %add3A_1198, %broadcast_in_dim3A_1153 : vector<32x1xi32>
    %add3A_1201 = vector.broadcast %sub3A_1200 : vector<32x1xi32> to vector<32x128xi32>
    %add3A_1202 = arith.addi %sub3A_1199, %add3A_1201 : vector<32x128xi32>
    %reduce_sum3A_1203 = vector.shape_cast %convert_element_type3A_1087 : vector<32x128xi32> to vector<1x32x128xi32>
    %reduce_sum3A_1204 = arith.constant dense<0> : vector<1xi32>
    %reduce_sum3A_1205 = vector.multi_reduction <add>, %reduce_sum3A_1203, %reduce_sum3A_1204 [1, 2] : vector<1x32x128xi32> to vector<1xi32>
    %reduce_sum3A_1206 = vector.shape_cast %reduce_sum3A_1205 : vector<1xi32> to vector<1x1x1xi32>
    %reduce_sum3A_1207 = vector.extract %reduce_sum3A_1206[0, 0, 0] : i32 from vector<1x1x1xi32>
    %add3A_1208 = arith.constant 512 : i32
    %add3A_1209 = arith.addi %reduce_sum3A_1207, %add3A_1208 : i32
    %sub3A_1210 = arith.constant 1 : i32
    %sub3A_1211 = arith.subi %add3A_1209, %sub3A_1210 : i32
    %jit3A_1212 = arith.constant 512 : i32
    %div3A_1213 = arith.divsi %sub3A_1211, %jit3A_1212 : i32
    %sign3A_1214 = arith.constant 0 : i32
    %sign3A_1215 = arith.cmpi sgt, %sub3A_1211, %sign3A_1214 : i32
    %sign3A_1216 = arith.extui %sign3A_1215 : i1 to i32
    %sign3A_1217 = arith.constant 0 : i32
    %sign3A_1218 = arith.cmpi slt, %sub3A_1211, %sign3A_1217 : i32
    %sign3A_1219 = arith.extui %sign3A_1218 : i1 to i32
    %sign3A_1220 = arith.subi %sign3A_1216, %sign3A_1219 : i32
    %sign3A_1221 = arith.constant 0 : i32
    %sign3A_1222 = arith.cmpi sgt, %jit3A_1212, %sign3A_1221 : i32
    %sign3A_1223 = arith.extui %sign3A_1222 : i1 to i32
    %sign3A_1224 = arith.constant 0 : i32
    %sign3A_1225 = arith.cmpi slt, %jit3A_1212, %sign3A_1224 : i32
    %sign3A_1226 = arith.extui %sign3A_1225 : i1 to i32
    %sign3A_1227 = arith.subi %sign3A_1223, %sign3A_1226 : i32
    %ne3A_1228 = arith.cmpi ne, %sign3A_1220, %sign3A_1227 : i32
    %rem3A_1229 = arith.remsi %sub3A_1211, %jit3A_1212 : i32
    %ne3A_1230 = arith.constant 0 : i32
    %ne3A_1231 = arith.cmpi ne, %rem3A_1229, %ne3A_1230 : i32
    %and3A_1232 = arith.andi %ne3A_1228, %ne3A_1231 : i1
    %sub3A_1233 = arith.constant 1 : i32
    %sub3A_1234 = arith.subi %div3A_1213, %sub3A_1233 : i32
    %select_n3A_1235 = arith.select %and3A_1232, %sub3A_1234, %div3A_1213 : i32
    %mul3A_1236 = arith.constant 512 : i32
    %mul3A_1237 = arith.muli %select_n3A_1235, %mul3A_1236 : i32
    %eq3A_1238 = arith.constant 5 : i32
    %eq3A_1239 = vector.broadcast %eq3A_1238 : i32 to vector<32x128xi32>
    %eq3A_1240 = arith.cmpi eq, %get3A_1, %eq3A_1239 : vector<32x128xi32>
    %add3A_1241 = vector.broadcast %add3A_1083 : i32 to vector<32x128xi32>
    %add3A_1242 = arith.addi %add3A_1241, %add3A_1202 : vector<32x128xi32>
    %select_n3A_1243 = arith.select %eq3A_1240, %add3A_1242, %select_n3A_1025 : vector<32x128xi1>, vector<32x128xi32>
    %jit3A_1244 = arith.constant 512 : i32
    %div3A_1245 = arith.divsi %add3A_1083, %jit3A_1244 : i32
    %sign3A_1246 = arith.constant 0 : i32
    %sign3A_1247 = arith.cmpi sgt, %add3A_1083, %sign3A_1246 : i32
    %sign3A_1248 = arith.extui %sign3A_1247 : i1 to i32
    %sign3A_1249 = arith.constant 0 : i32
    %sign3A_1250 = arith.cmpi slt, %add3A_1083, %sign3A_1249 : i32
    %sign3A_1251 = arith.extui %sign3A_1250 : i1 to i32
    %sign3A_1252 = arith.subi %sign3A_1248, %sign3A_1251 : i32
    %sign3A_1253 = arith.constant 0 : i32
    %sign3A_1254 = arith.cmpi sgt, %jit3A_1244, %sign3A_1253 : i32
    %sign3A_1255 = arith.extui %sign3A_1254 : i1 to i32
    %sign3A_1256 = arith.constant 0 : i32
    %sign3A_1257 = arith.cmpi slt, %jit3A_1244, %sign3A_1256 : i32
    %sign3A_1258 = arith.extui %sign3A_1257 : i1 to i32
    %sign3A_1259 = arith.subi %sign3A_1255, %sign3A_1258 : i32
    %ne3A_1260 = arith.cmpi ne, %sign3A_1252, %sign3A_1259 : i32
    %rem3A_1261 = arith.remsi %add3A_1083, %jit3A_1244 : i32
    %ne3A_1262 = arith.constant 0 : i32
    %ne3A_1263 = arith.cmpi ne, %rem3A_1261, %ne3A_1262 : i32
    %and3A_1264 = arith.andi %ne3A_1260, %ne3A_1263 : i1
    %sub3A_1265 = arith.constant 1 : i32
    %sub3A_1266 = arith.subi %div3A_1245, %sub3A_1265 : i32
    %select_n3A_1267 = arith.select %and3A_1264, %sub3A_1266, %div3A_1245 : i32
    %jit3A_1268 = arith.constant 512 : i32
    %div3A_1269 = arith.divsi %mul3A_1237, %jit3A_1268 : i32
    %sign3A_1270 = arith.constant 0 : i32
    %sign3A_1271 = arith.cmpi sgt, %mul3A_1237, %sign3A_1270 : i32
    %sign3A_1272 = arith.extui %sign3A_1271 : i1 to i32
    %sign3A_1273 = arith.constant 0 : i32
    %sign3A_1274 = arith.cmpi slt, %mul3A_1237, %sign3A_1273 : i32
    %sign3A_1275 = arith.extui %sign3A_1274 : i1 to i32
    %sign3A_1276 = arith.subi %sign3A_1272, %sign3A_1275 : i32
    %sign3A_1277 = arith.constant 0 : i32
    %sign3A_1278 = arith.cmpi sgt, %jit3A_1268, %sign3A_1277 : i32
    %sign3A_1279 = arith.extui %sign3A_1278 : i1 to i32
    %sign3A_1280 = arith.constant 0 : i32
    %sign3A_1281 = arith.cmpi slt, %jit3A_1268, %sign3A_1280 : i32
    %sign3A_1282 = arith.extui %sign3A_1281 : i1 to i32
    %sign3A_1283 = arith.subi %sign3A_1279, %sign3A_1282 : i32
    %ne3A_1284 = arith.cmpi ne, %sign3A_1276, %sign3A_1283 : i32
    %rem3A_1285 = arith.remsi %mul3A_1237, %jit3A_1268 : i32
    %ne3A_1286 = arith.constant 0 : i32
    %ne3A_1287 = arith.cmpi ne, %rem3A_1285, %ne3A_1286 : i32
    %and3A_1288 = arith.andi %ne3A_1284, %ne3A_1287 : i1
    %sub3A_1289 = arith.constant 1 : i32
    %sub3A_1290 = arith.subi %div3A_1269, %sub3A_1289 : i32
    %select_n3A_1291 = arith.select %and3A_1288, %sub3A_1290, %div3A_1269 : i32
    %ge3A_1292 = vector.broadcast %select_n3A_1267 : i32 to vector<1x16xi32>
    %ge3A_1293 = arith.cmpi sge, %iota3A_3, %ge3A_1292 : vector<1x16xi32>
    %add3A_1294 = arith.addi %select_n3A_1267, %select_n3A_1291 : i32
    %lt3A_1295 = vector.broadcast %add3A_1294 : i32 to vector<1x16xi32>
    %lt3A_1296 = arith.cmpi slt, %iota3A_3, %lt3A_1295 : vector<1x16xi32>
    %and3A_1297 = arith.andi %ge3A_1293, %lt3A_1296 : vector<1x16xi1>
    %jit3A_1298 = arith.constant 5 : i32
    %broadcast_in_dim3A_1299 = vector.broadcast %jit3A_1298 : i32 to vector<1x16xi32>
    %select_n3A_1300 = arith.select %and3A_1297, %broadcast_in_dim3A_1299, %select_n3A_1082 : vector<1x16xi1>, vector<1x16xi32>
    %add3A_1301 = arith.addi %add3A_1083, %mul3A_1237 : i32
    %eq3A_1302 = arith.constant 6 : i32
    %eq3A_1303 = vector.broadcast %eq3A_1302 : i32 to vector<32x128xi32>
    %eq3A_1304 = arith.cmpi eq, %get3A_1, %eq3A_1303 : vector<32x128xi32>
    %convert_element_type3A_1305 = arith.extui %eq3A_1304 : vector<32x128xi1> to vector<32x128xi32>
    %ge3A_1306 = arith.constant 1 : i32
    %ge3A_1307 = vector.broadcast %ge3A_1306 : i32 to vector<32x128xi32>
    %ge3A_1308 = arith.cmpi sge, %iota3A, %ge3A_1307 : vector<32x128xi32>
    %roll3A_1309 = arith.constant 1 : i32
    %roll3A_1310 = tpu.dynamic_rotate %convert_element_type3A_1305 by %roll3A_1309 dim 1 : vector<32x128xi32>, i32 -> vector<32x128xi32>
    %jit3A_1311 = arith.constant 0 : i32
    %broadcast_in_dim3A_1312 = vector.broadcast %jit3A_1311 : i32 to vector<32x128xi32>
    %select_n3A_1313 = arith.select %ge3A_1308, %roll3A_1310, %broadcast_in_dim3A_1312 : vector<32x128xi1>, vector<32x128xi32>
    %add3A_1314 = arith.addi %convert_element_type3A_1305, %select_n3A_1313 : vector<32x128xi32>
    %ge3A_1315 = arith.constant 2 : i32
    %ge3A_1316 = vector.broadcast %ge3A_1315 : i32 to vector<32x128xi32>
    %ge3A_1317 = arith.cmpi sge, %iota3A, %ge3A_1316 : vector<32x128xi32>
    %roll3A_1318 = arith.constant 2 : i32
    %roll3A_1319 = tpu.dynamic_rotate %add3A_1314 by %roll3A_1318 dim 1 : vector<32x128xi32>, i32 -> vector<32x128xi32>
    %jit3A_1320 = arith.constant 0 : i32
    %broadcast_in_dim3A_1321 = vector.broadcast %jit3A_1320 : i32 to vector<32x128xi32>
    %select_n3A_1322 = arith.select %ge3A_1317, %roll3A_1319, %broadcast_in_dim3A_1321 : vector<32x128xi1>, vector<32x128xi32>
    %add3A_1323 = arith.addi %add3A_1314, %select_n3A_1322 : vector<32x128xi32>
    %ge3A_1324 = arith.constant 4 : i32
    %ge3A_1325 = vector.broadcast %ge3A_1324 : i32 to vector<32x128xi32>
    %ge3A_1326 = arith.cmpi sge, %iota3A, %ge3A_1325 : vector<32x128xi32>
    %roll3A_1327 = arith.constant 4 : i32
    %roll3A_1328 = tpu.dynamic_rotate %add3A_1323 by %roll3A_1327 dim 1 : vector<32x128xi32>, i32 -> vector<32x128xi32>
    %jit3A_1329 = arith.constant 0 : i32
    %broadcast_in_dim3A_1330 = vector.broadcast %jit3A_1329 : i32 to vector<32x128xi32>
    %select_n3A_1331 = arith.select %ge3A_1326, %roll3A_1328, %broadcast_in_dim3A_1330 : vector<32x128xi1>, vector<32x128xi32>
    %add3A_1332 = arith.addi %add3A_1323, %select_n3A_1331 : vector<32x128xi32>
    %ge3A_1333 = arith.constant 8 : i32
    %ge3A_1334 = vector.broadcast %ge3A_1333 : i32 to vector<32x128xi32>
    %ge3A_1335 = arith.cmpi sge, %iota3A, %ge3A_1334 : vector<32x128xi32>
    %roll3A_1336 = arith.constant 8 : i32
    %roll3A_1337 = tpu.dynamic_rotate %add3A_1332 by %roll3A_1336 dim 1 : vector<32x128xi32>, i32 -> vector<32x128xi32>
    %jit3A_1338 = arith.constant 0 : i32
    %broadcast_in_dim3A_1339 = vector.broadcast %jit3A_1338 : i32 to vector<32x128xi32>
    %select_n3A_1340 = arith.select %ge3A_1335, %roll3A_1337, %broadcast_in_dim3A_1339 : vector<32x128xi1>, vector<32x128xi32>
    %add3A_1341 = arith.addi %add3A_1332, %select_n3A_1340 : vector<32x128xi32>
    %ge3A_1342 = arith.constant 16 : i32
    %ge3A_1343 = vector.broadcast %ge3A_1342 : i32 to vector<32x128xi32>
    %ge3A_1344 = arith.cmpi sge, %iota3A, %ge3A_1343 : vector<32x128xi32>
    %roll3A_1345 = arith.constant 16 : i32
    %roll3A_1346 = tpu.dynamic_rotate %add3A_1341 by %roll3A_1345 dim 1 : vector<32x128xi32>, i32 -> vector<32x128xi32>
    %jit3A_1347 = arith.constant 0 : i32
    %broadcast_in_dim3A_1348 = vector.broadcast %jit3A_1347 : i32 to vector<32x128xi32>
    %select_n3A_1349 = arith.select %ge3A_1344, %roll3A_1346, %broadcast_in_dim3A_1348 : vector<32x128xi1>, vector<32x128xi32>
    %add3A_1350 = arith.addi %add3A_1341, %select_n3A_1349 : vector<32x128xi32>
    %ge3A_1351 = arith.constant 32 : i32
    %ge3A_1352 = vector.broadcast %ge3A_1351 : i32 to vector<32x128xi32>
    %ge3A_1353 = arith.cmpi sge, %iota3A, %ge3A_1352 : vector<32x128xi32>
    %roll3A_1354 = arith.constant 32 : i32
    %roll3A_1355 = tpu.dynamic_rotate %add3A_1350 by %roll3A_1354 dim 1 : vector<32x128xi32>, i32 -> vector<32x128xi32>
    %jit3A_1356 = arith.constant 0 : i32
    %broadcast_in_dim3A_1357 = vector.broadcast %jit3A_1356 : i32 to vector<32x128xi32>
    %select_n3A_1358 = arith.select %ge3A_1353, %roll3A_1355, %broadcast_in_dim3A_1357 : vector<32x128xi1>, vector<32x128xi32>
    %add3A_1359 = arith.addi %add3A_1350, %select_n3A_1358 : vector<32x128xi32>
    %ge3A_1360 = arith.constant 64 : i32
    %ge3A_1361 = vector.broadcast %ge3A_1360 : i32 to vector<32x128xi32>
    %ge3A_1362 = arith.cmpi sge, %iota3A, %ge3A_1361 : vector<32x128xi32>
    %roll3A_1363 = arith.constant 64 : i32
    %roll3A_1364 = tpu.dynamic_rotate %add3A_1359 by %roll3A_1363 dim 1 : vector<32x128xi32>, i32 -> vector<32x128xi32>
    %jit3A_1365 = arith.constant 0 : i32
    %broadcast_in_dim3A_1366 = vector.broadcast %jit3A_1365 : i32 to vector<32x128xi32>
    %select_n3A_1367 = arith.select %ge3A_1362, %roll3A_1364, %broadcast_in_dim3A_1366 : vector<32x128xi1>, vector<32x128xi32>
    %add3A_1368 = arith.addi %add3A_1359, %select_n3A_1367 : vector<32x128xi32>
    %reduce_sum3A_1369 = arith.constant dense<0> : vector<32xi32>
    %reduce_sum3A_1370 = vector.multi_reduction <add>, %convert_element_type3A_1305, %reduce_sum3A_1369 [1] : vector<32x128xi32> to vector<32xi32>
    %broadcast_in_dim3A_1371 = vector.shape_cast %reduce_sum3A_1370 : vector<32xi32> to vector<32x1xi32>
    %ge3A_1372 = arith.constant 1 : i32
    %ge3A_1373 = vector.broadcast %ge3A_1372 : i32 to vector<32x1xi32>
    %ge3A_1374 = arith.cmpi sge, %iota3A_2, %ge3A_1373 : vector<32x1xi32>
    %roll3A_1375 = arith.constant 1 : i32
    %roll3A_1376 = tpu.dynamic_rotate %broadcast_in_dim3A_1371 by %roll3A_1375 dim 0 : vector<32x1xi32>, i32 -> vector<32x1xi32>
    %jit3A_1377 = arith.constant 0 : i32
    %broadcast_in_dim3A_1378 = vector.broadcast %jit3A_1377 : i32 to vector<32x1xi32>
    %select_n3A_1379 = arith.select %ge3A_1374, %roll3A_1376, %broadcast_in_dim3A_1378 : vector<32x1xi1>, vector<32x1xi32>
    %add3A_1380 = arith.addi %broadcast_in_dim3A_1371, %select_n3A_1379 : vector<32x1xi32>
    %ge3A_1381 = arith.constant 2 : i32
    %ge3A_1382 = vector.broadcast %ge3A_1381 : i32 to vector<32x1xi32>
    %ge3A_1383 = arith.cmpi sge, %iota3A_2, %ge3A_1382 : vector<32x1xi32>
    %roll3A_1384 = arith.constant 2 : i32
    %roll3A_1385 = tpu.dynamic_rotate %add3A_1380 by %roll3A_1384 dim 0 : vector<32x1xi32>, i32 -> vector<32x1xi32>
    %jit3A_1386 = arith.constant 0 : i32
    %broadcast_in_dim3A_1387 = vector.broadcast %jit3A_1386 : i32 to vector<32x1xi32>
    %select_n3A_1388 = arith.select %ge3A_1383, %roll3A_1385, %broadcast_in_dim3A_1387 : vector<32x1xi1>, vector<32x1xi32>
    %add3A_1389 = arith.addi %add3A_1380, %select_n3A_1388 : vector<32x1xi32>
    %ge3A_1390 = arith.constant 4 : i32
    %ge3A_1391 = vector.broadcast %ge3A_1390 : i32 to vector<32x1xi32>
    %ge3A_1392 = arith.cmpi sge, %iota3A_2, %ge3A_1391 : vector<32x1xi32>
    %roll3A_1393 = arith.constant 4 : i32
    %roll3A_1394 = tpu.dynamic_rotate %add3A_1389 by %roll3A_1393 dim 0 : vector<32x1xi32>, i32 -> vector<32x1xi32>
    %jit3A_1395 = arith.constant 0 : i32
    %broadcast_in_dim3A_1396 = vector.broadcast %jit3A_1395 : i32 to vector<32x1xi32>
    %select_n3A_1397 = arith.select %ge3A_1392, %roll3A_1394, %broadcast_in_dim3A_1396 : vector<32x1xi1>, vector<32x1xi32>
    %add3A_1398 = arith.addi %add3A_1389, %select_n3A_1397 : vector<32x1xi32>
    %ge3A_1399 = arith.constant 8 : i32
    %ge3A_1400 = vector.broadcast %ge3A_1399 : i32 to vector<32x1xi32>
    %ge3A_1401 = arith.cmpi sge, %iota3A_2, %ge3A_1400 : vector<32x1xi32>
    %roll3A_1402 = arith.constant 8 : i32
    %roll3A_1403 = tpu.dynamic_rotate %add3A_1398 by %roll3A_1402 dim 0 : vector<32x1xi32>, i32 -> vector<32x1xi32>
    %jit3A_1404 = arith.constant 0 : i32
    %broadcast_in_dim3A_1405 = vector.broadcast %jit3A_1404 : i32 to vector<32x1xi32>
    %select_n3A_1406 = arith.select %ge3A_1401, %roll3A_1403, %broadcast_in_dim3A_1405 : vector<32x1xi1>, vector<32x1xi32>
    %add3A_1407 = arith.addi %add3A_1398, %select_n3A_1406 : vector<32x1xi32>
    %ge3A_1408 = arith.constant 16 : i32
    %ge3A_1409 = vector.broadcast %ge3A_1408 : i32 to vector<32x1xi32>
    %ge3A_1410 = arith.cmpi sge, %iota3A_2, %ge3A_1409 : vector<32x1xi32>
    %roll3A_1411 = arith.constant 16 : i32
    %roll3A_1412 = tpu.dynamic_rotate %add3A_1407 by %roll3A_1411 dim 0 : vector<32x1xi32>, i32 -> vector<32x1xi32>
    %jit3A_1413 = arith.constant 0 : i32
    %broadcast_in_dim3A_1414 = vector.broadcast %jit3A_1413 : i32 to vector<32x1xi32>
    %select_n3A_1415 = arith.select %ge3A_1410, %roll3A_1412, %broadcast_in_dim3A_1414 : vector<32x1xi1>, vector<32x1xi32>
    %add3A_1416 = arith.addi %add3A_1407, %select_n3A_1415 : vector<32x1xi32>
    %sub3A_1417 = arith.subi %add3A_1368, %convert_element_type3A_1305 : vector<32x128xi32>
    %sub3A_1418 = arith.subi %add3A_1416, %broadcast_in_dim3A_1371 : vector<32x1xi32>
    %add3A_1419 = vector.broadcast %sub3A_1418 : vector<32x1xi32> to vector<32x128xi32>
    %add3A_1420 = arith.addi %sub3A_1417, %add3A_1419 : vector<32x128xi32>
    %reduce_sum3A_1421 = vector.shape_cast %convert_element_type3A_1305 : vector<32x128xi32> to vector<1x32x128xi32>
    %reduce_sum3A_1422 = arith.constant dense<0> : vector<1xi32>
    %reduce_sum3A_1423 = vector.multi_reduction <add>, %reduce_sum3A_1421, %reduce_sum3A_1422 [1, 2] : vector<1x32x128xi32> to vector<1xi32>
    %reduce_sum3A_1424 = vector.shape_cast %reduce_sum3A_1423 : vector<1xi32> to vector<1x1x1xi32>
    %reduce_sum3A_1425 = vector.extract %reduce_sum3A_1424[0, 0, 0] : i32 from vector<1x1x1xi32>
    %add3A_1426 = arith.constant 512 : i32
    %add3A_1427 = arith.addi %reduce_sum3A_1425, %add3A_1426 : i32
    %sub3A_1428 = arith.constant 1 : i32
    %sub3A_1429 = arith.subi %add3A_1427, %sub3A_1428 : i32
    %jit3A_1430 = arith.constant 512 : i32
    %div3A_1431 = arith.divsi %sub3A_1429, %jit3A_1430 : i32
    %sign3A_1432 = arith.constant 0 : i32
    %sign3A_1433 = arith.cmpi sgt, %sub3A_1429, %sign3A_1432 : i32
    %sign3A_1434 = arith.extui %sign3A_1433 : i1 to i32
    %sign3A_1435 = arith.constant 0 : i32
    %sign3A_1436 = arith.cmpi slt, %sub3A_1429, %sign3A_1435 : i32
    %sign3A_1437 = arith.extui %sign3A_1436 : i1 to i32
    %sign3A_1438 = arith.subi %sign3A_1434, %sign3A_1437 : i32
    %sign3A_1439 = arith.constant 0 : i32
    %sign3A_1440 = arith.cmpi sgt, %jit3A_1430, %sign3A_1439 : i32
    %sign3A_1441 = arith.extui %sign3A_1440 : i1 to i32
    %sign3A_1442 = arith.constant 0 : i32
    %sign3A_1443 = arith.cmpi slt, %jit3A_1430, %sign3A_1442 : i32
    %sign3A_1444 = arith.extui %sign3A_1443 : i1 to i32
    %sign3A_1445 = arith.subi %sign3A_1441, %sign3A_1444 : i32
    %ne3A_1446 = arith.cmpi ne, %sign3A_1438, %sign3A_1445 : i32
    %rem3A_1447 = arith.remsi %sub3A_1429, %jit3A_1430 : i32
    %ne3A_1448 = arith.constant 0 : i32
    %ne3A_1449 = arith.cmpi ne, %rem3A_1447, %ne3A_1448 : i32
    %and3A_1450 = arith.andi %ne3A_1446, %ne3A_1449 : i1
    %sub3A_1451 = arith.constant 1 : i32
    %sub3A_1452 = arith.subi %div3A_1431, %sub3A_1451 : i32
    %select_n3A_1453 = arith.select %and3A_1450, %sub3A_1452, %div3A_1431 : i32
    %mul3A_1454 = arith.constant 512 : i32
    %mul3A_1455 = arith.muli %select_n3A_1453, %mul3A_1454 : i32
    %eq3A_1456 = arith.constant 6 : i32
    %eq3A_1457 = vector.broadcast %eq3A_1456 : i32 to vector<32x128xi32>
    %eq3A_1458 = arith.cmpi eq, %get3A_1, %eq3A_1457 : vector<32x128xi32>
    %add3A_1459 = vector.broadcast %add3A_1301 : i32 to vector<32x128xi32>
    %add3A_1460 = arith.addi %add3A_1459, %add3A_1420 : vector<32x128xi32>
    %select_n3A_1461 = arith.select %eq3A_1458, %add3A_1460, %select_n3A_1243 : vector<32x128xi1>, vector<32x128xi32>
    %jit3A_1462 = arith.constant 512 : i32
    %div3A_1463 = arith.divsi %add3A_1301, %jit3A_1462 : i32
    %sign3A_1464 = arith.constant 0 : i32
    %sign3A_1465 = arith.cmpi sgt, %add3A_1301, %sign3A_1464 : i32
    %sign3A_1466 = arith.extui %sign3A_1465 : i1 to i32
    %sign3A_1467 = arith.constant 0 : i32
    %sign3A_1468 = arith.cmpi slt, %add3A_1301, %sign3A_1467 : i32
    %sign3A_1469 = arith.extui %sign3A_1468 : i1 to i32
    %sign3A_1470 = arith.subi %sign3A_1466, %sign3A_1469 : i32
    %sign3A_1471 = arith.constant 0 : i32
    %sign3A_1472 = arith.cmpi sgt, %jit3A_1462, %sign3A_1471 : i32
    %sign3A_1473 = arith.extui %sign3A_1472 : i1 to i32
    %sign3A_1474 = arith.constant 0 : i32
    %sign3A_1475 = arith.cmpi slt, %jit3A_1462, %sign3A_1474 : i32
    %sign3A_1476 = arith.extui %sign3A_1475 : i1 to i32
    %sign3A_1477 = arith.subi %sign3A_1473, %sign3A_1476 : i32
    %ne3A_1478 = arith.cmpi ne, %sign3A_1470, %sign3A_1477 : i32
    %rem3A_1479 = arith.remsi %add3A_1301, %jit3A_1462 : i32
    %ne3A_1480 = arith.constant 0 : i32
    %ne3A_1481 = arith.cmpi ne, %rem3A_1479, %ne3A_1480 : i32
    %and3A_1482 = arith.andi %ne3A_1478, %ne3A_1481 : i1
    %sub3A_1483 = arith.constant 1 : i32
    %sub3A_1484 = arith.subi %div3A_1463, %sub3A_1483 : i32
    %select_n3A_1485 = arith.select %and3A_1482, %sub3A_1484, %div3A_1463 : i32
    %jit3A_1486 = arith.constant 512 : i32
    %div3A_1487 = arith.divsi %mul3A_1455, %jit3A_1486 : i32
    %sign3A_1488 = arith.constant 0 : i32
    %sign3A_1489 = arith.cmpi sgt, %mul3A_1455, %sign3A_1488 : i32
    %sign3A_1490 = arith.extui %sign3A_1489 : i1 to i32
    %sign3A_1491 = arith.constant 0 : i32
    %sign3A_1492 = arith.cmpi slt, %mul3A_1455, %sign3A_1491 : i32
    %sign3A_1493 = arith.extui %sign3A_1492 : i1 to i32
    %sign3A_1494 = arith.subi %sign3A_1490, %sign3A_1493 : i32
    %sign3A_1495 = arith.constant 0 : i32
    %sign3A_1496 = arith.cmpi sgt, %jit3A_1486, %sign3A_1495 : i32
    %sign3A_1497 = arith.extui %sign3A_1496 : i1 to i32
    %sign3A_1498 = arith.constant 0 : i32
    %sign3A_1499 = arith.cmpi slt, %jit3A_1486, %sign3A_1498 : i32
    %sign3A_1500 = arith.extui %sign3A_1499 : i1 to i32
    %sign3A_1501 = arith.subi %sign3A_1497, %sign3A_1500 : i32
    %ne3A_1502 = arith.cmpi ne, %sign3A_1494, %sign3A_1501 : i32
    %rem3A_1503 = arith.remsi %mul3A_1455, %jit3A_1486 : i32
    %ne3A_1504 = arith.constant 0 : i32
    %ne3A_1505 = arith.cmpi ne, %rem3A_1503, %ne3A_1504 : i32
    %and3A_1506 = arith.andi %ne3A_1502, %ne3A_1505 : i1
    %sub3A_1507 = arith.constant 1 : i32
    %sub3A_1508 = arith.subi %div3A_1487, %sub3A_1507 : i32
    %select_n3A_1509 = arith.select %and3A_1506, %sub3A_1508, %div3A_1487 : i32
    %ge3A_1510 = vector.broadcast %select_n3A_1485 : i32 to vector<1x16xi32>
    %ge3A_1511 = arith.cmpi sge, %iota3A_3, %ge3A_1510 : vector<1x16xi32>
    %add3A_1512 = arith.addi %select_n3A_1485, %select_n3A_1509 : i32
    %lt3A_1513 = vector.broadcast %add3A_1512 : i32 to vector<1x16xi32>
    %lt3A_1514 = arith.cmpi slt, %iota3A_3, %lt3A_1513 : vector<1x16xi32>
    %and3A_1515 = arith.andi %ge3A_1511, %lt3A_1514 : vector<1x16xi1>
    %jit3A_1516 = arith.constant 6 : i32
    %broadcast_in_dim3A_1517 = vector.broadcast %jit3A_1516 : i32 to vector<1x16xi32>
    %select_n3A_1518 = arith.select %and3A_1515, %broadcast_in_dim3A_1517, %select_n3A_1300 : vector<1x16xi1>, vector<1x16xi32>
    %add3A_1519 = arith.addi %add3A_1301, %mul3A_1455 : i32
    %eq3A_1520 = arith.constant 7 : i32
    %eq3A_1521 = vector.broadcast %eq3A_1520 : i32 to vector<32x128xi32>
    %eq3A_1522 = arith.cmpi eq, %get3A_1, %eq3A_1521 : vector<32x128xi32>
    %convert_element_type3A_1523 = arith.extui %eq3A_1522 : vector<32x128xi1> to vector<32x128xi32>
    %ge3A_1524 = arith.constant 1 : i32
    %ge3A_1525 = vector.broadcast %ge3A_1524 : i32 to vector<32x128xi32>
    %ge3A_1526 = arith.cmpi sge, %iota3A, %ge3A_1525 : vector<32x128xi32>
    %roll3A_1527 = arith.constant 1 : i32
    %roll3A_1528 = tpu.dynamic_rotate %convert_element_type3A_1523 by %roll3A_1527 dim 1 : vector<32x128xi32>, i32 -> vector<32x128xi32>
    %jit3A_1529 = arith.constant 0 : i32
    %broadcast_in_dim3A_1530 = vector.broadcast %jit3A_1529 : i32 to vector<32x128xi32>
    %select_n3A_1531 = arith.select %ge3A_1526, %roll3A_1528, %broadcast_in_dim3A_1530 : vector<32x128xi1>, vector<32x128xi32>
    %add3A_1532 = arith.addi %convert_element_type3A_1523, %select_n3A_1531 : vector<32x128xi32>
    %ge3A_1533 = arith.constant 2 : i32
    %ge3A_1534 = vector.broadcast %ge3A_1533 : i32 to vector<32x128xi32>
    %ge3A_1535 = arith.cmpi sge, %iota3A, %ge3A_1534 : vector<32x128xi32>
    %roll3A_1536 = arith.constant 2 : i32
    %roll3A_1537 = tpu.dynamic_rotate %add3A_1532 by %roll3A_1536 dim 1 : vector<32x128xi32>, i32 -> vector<32x128xi32>
    %jit3A_1538 = arith.constant 0 : i32
    %broadcast_in_dim3A_1539 = vector.broadcast %jit3A_1538 : i32 to vector<32x128xi32>
    %select_n3A_1540 = arith.select %ge3A_1535, %roll3A_1537, %broadcast_in_dim3A_1539 : vector<32x128xi1>, vector<32x128xi32>
    %add3A_1541 = arith.addi %add3A_1532, %select_n3A_1540 : vector<32x128xi32>
    %ge3A_1542 = arith.constant 4 : i32
    %ge3A_1543 = vector.broadcast %ge3A_1542 : i32 to vector<32x128xi32>
    %ge3A_1544 = arith.cmpi sge, %iota3A, %ge3A_1543 : vector<32x128xi32>
    %roll3A_1545 = arith.constant 4 : i32
    %roll3A_1546 = tpu.dynamic_rotate %add3A_1541 by %roll3A_1545 dim 1 : vector<32x128xi32>, i32 -> vector<32x128xi32>
    %jit3A_1547 = arith.constant 0 : i32
    %broadcast_in_dim3A_1548 = vector.broadcast %jit3A_1547 : i32 to vector<32x128xi32>
    %select_n3A_1549 = arith.select %ge3A_1544, %roll3A_1546, %broadcast_in_dim3A_1548 : vector<32x128xi1>, vector<32x128xi32>
    %add3A_1550 = arith.addi %add3A_1541, %select_n3A_1549 : vector<32x128xi32>
    %ge3A_1551 = arith.constant 8 : i32
    %ge3A_1552 = vector.broadcast %ge3A_1551 : i32 to vector<32x128xi32>
    %ge3A_1553 = arith.cmpi sge, %iota3A, %ge3A_1552 : vector<32x128xi32>
    %roll3A_1554 = arith.constant 8 : i32
    %roll3A_1555 = tpu.dynamic_rotate %add3A_1550 by %roll3A_1554 dim 1 : vector<32x128xi32>, i32 -> vector<32x128xi32>
    %jit3A_1556 = arith.constant 0 : i32
    %broadcast_in_dim3A_1557 = vector.broadcast %jit3A_1556 : i32 to vector<32x128xi32>
    %select_n3A_1558 = arith.select %ge3A_1553, %roll3A_1555, %broadcast_in_dim3A_1557 : vector<32x128xi1>, vector<32x128xi32>
    %add3A_1559 = arith.addi %add3A_1550, %select_n3A_1558 : vector<32x128xi32>
    %ge3A_1560 = arith.constant 16 : i32
    %ge3A_1561 = vector.broadcast %ge3A_1560 : i32 to vector<32x128xi32>
    %ge3A_1562 = arith.cmpi sge, %iota3A, %ge3A_1561 : vector<32x128xi32>
    %roll3A_1563 = arith.constant 16 : i32
    %roll3A_1564 = tpu.dynamic_rotate %add3A_1559 by %roll3A_1563 dim 1 : vector<32x128xi32>, i32 -> vector<32x128xi32>
    %jit3A_1565 = arith.constant 0 : i32
    %broadcast_in_dim3A_1566 = vector.broadcast %jit3A_1565 : i32 to vector<32x128xi32>
    %select_n3A_1567 = arith.select %ge3A_1562, %roll3A_1564, %broadcast_in_dim3A_1566 : vector<32x128xi1>, vector<32x128xi32>
    %add3A_1568 = arith.addi %add3A_1559, %select_n3A_1567 : vector<32x128xi32>
    %ge3A_1569 = arith.constant 32 : i32
    %ge3A_1570 = vector.broadcast %ge3A_1569 : i32 to vector<32x128xi32>
    %ge3A_1571 = arith.cmpi sge, %iota3A, %ge3A_1570 : vector<32x128xi32>
    %roll3A_1572 = arith.constant 32 : i32
    %roll3A_1573 = tpu.dynamic_rotate %add3A_1568 by %roll3A_1572 dim 1 : vector<32x128xi32>, i32 -> vector<32x128xi32>
    %jit3A_1574 = arith.constant 0 : i32
    %broadcast_in_dim3A_1575 = vector.broadcast %jit3A_1574 : i32 to vector<32x128xi32>
    %select_n3A_1576 = arith.select %ge3A_1571, %roll3A_1573, %broadcast_in_dim3A_1575 : vector<32x128xi1>, vector<32x128xi32>
    %add3A_1577 = arith.addi %add3A_1568, %select_n3A_1576 : vector<32x128xi32>
    %ge3A_1578 = arith.constant 64 : i32
    %ge3A_1579 = vector.broadcast %ge3A_1578 : i32 to vector<32x128xi32>
    %ge3A_1580 = arith.cmpi sge, %iota3A, %ge3A_1579 : vector<32x128xi32>
    %roll3A_1581 = arith.constant 64 : i32
    %roll3A_1582 = tpu.dynamic_rotate %add3A_1577 by %roll3A_1581 dim 1 : vector<32x128xi32>, i32 -> vector<32x128xi32>
    %jit3A_1583 = arith.constant 0 : i32
    %broadcast_in_dim3A_1584 = vector.broadcast %jit3A_1583 : i32 to vector<32x128xi32>
    %select_n3A_1585 = arith.select %ge3A_1580, %roll3A_1582, %broadcast_in_dim3A_1584 : vector<32x128xi1>, vector<32x128xi32>
    %add3A_1586 = arith.addi %add3A_1577, %select_n3A_1585 : vector<32x128xi32>
    %reduce_sum3A_1587 = arith.constant dense<0> : vector<32xi32>
    %reduce_sum3A_1588 = vector.multi_reduction <add>, %convert_element_type3A_1523, %reduce_sum3A_1587 [1] : vector<32x128xi32> to vector<32xi32>
    %broadcast_in_dim3A_1589 = vector.shape_cast %reduce_sum3A_1588 : vector<32xi32> to vector<32x1xi32>
    %ge3A_1590 = arith.constant 1 : i32
    %ge3A_1591 = vector.broadcast %ge3A_1590 : i32 to vector<32x1xi32>
    %ge3A_1592 = arith.cmpi sge, %iota3A_2, %ge3A_1591 : vector<32x1xi32>
    %roll3A_1593 = arith.constant 1 : i32
    %roll3A_1594 = tpu.dynamic_rotate %broadcast_in_dim3A_1589 by %roll3A_1593 dim 0 : vector<32x1xi32>, i32 -> vector<32x1xi32>
    %jit3A_1595 = arith.constant 0 : i32
    %broadcast_in_dim3A_1596 = vector.broadcast %jit3A_1595 : i32 to vector<32x1xi32>
    %select_n3A_1597 = arith.select %ge3A_1592, %roll3A_1594, %broadcast_in_dim3A_1596 : vector<32x1xi1>, vector<32x1xi32>
    %add3A_1598 = arith.addi %broadcast_in_dim3A_1589, %select_n3A_1597 : vector<32x1xi32>
    %ge3A_1599 = arith.constant 2 : i32
    %ge3A_1600 = vector.broadcast %ge3A_1599 : i32 to vector<32x1xi32>
    %ge3A_1601 = arith.cmpi sge, %iota3A_2, %ge3A_1600 : vector<32x1xi32>
    %roll3A_1602 = arith.constant 2 : i32
    %roll3A_1603 = tpu.dynamic_rotate %add3A_1598 by %roll3A_1602 dim 0 : vector<32x1xi32>, i32 -> vector<32x1xi32>
    %jit3A_1604 = arith.constant 0 : i32
    %broadcast_in_dim3A_1605 = vector.broadcast %jit3A_1604 : i32 to vector<32x1xi32>
    %select_n3A_1606 = arith.select %ge3A_1601, %roll3A_1603, %broadcast_in_dim3A_1605 : vector<32x1xi1>, vector<32x1xi32>
    %add3A_1607 = arith.addi %add3A_1598, %select_n3A_1606 : vector<32x1xi32>
    %ge3A_1608 = arith.constant 4 : i32
    %ge3A_1609 = vector.broadcast %ge3A_1608 : i32 to vector<32x1xi32>
    %ge3A_1610 = arith.cmpi sge, %iota3A_2, %ge3A_1609 : vector<32x1xi32>
    %roll3A_1611 = arith.constant 4 : i32
    %roll3A_1612 = tpu.dynamic_rotate %add3A_1607 by %roll3A_1611 dim 0 : vector<32x1xi32>, i32 -> vector<32x1xi32>
    %jit3A_1613 = arith.constant 0 : i32
    %broadcast_in_dim3A_1614 = vector.broadcast %jit3A_1613 : i32 to vector<32x1xi32>
    %select_n3A_1615 = arith.select %ge3A_1610, %roll3A_1612, %broadcast_in_dim3A_1614 : vector<32x1xi1>, vector<32x1xi32>
    %add3A_1616 = arith.addi %add3A_1607, %select_n3A_1615 : vector<32x1xi32>
    %ge3A_1617 = arith.constant 8 : i32
    %ge3A_1618 = vector.broadcast %ge3A_1617 : i32 to vector<32x1xi32>
    %ge3A_1619 = arith.cmpi sge, %iota3A_2, %ge3A_1618 : vector<32x1xi32>
    %roll3A_1620 = arith.constant 8 : i32
    %roll3A_1621 = tpu.dynamic_rotate %add3A_1616 by %roll3A_1620 dim 0 : vector<32x1xi32>, i32 -> vector<32x1xi32>
    %jit3A_1622 = arith.constant 0 : i32
    %broadcast_in_dim3A_1623 = vector.broadcast %jit3A_1622 : i32 to vector<32x1xi32>
    %select_n3A_1624 = arith.select %ge3A_1619, %roll3A_1621, %broadcast_in_dim3A_1623 : vector<32x1xi1>, vector<32x1xi32>
    %add3A_1625 = arith.addi %add3A_1616, %select_n3A_1624 : vector<32x1xi32>
    %ge3A_1626 = arith.constant 16 : i32
    %ge3A_1627 = vector.broadcast %ge3A_1626 : i32 to vector<32x1xi32>
    %ge3A_1628 = arith.cmpi sge, %iota3A_2, %ge3A_1627 : vector<32x1xi32>
    %roll3A_1629 = arith.constant 16 : i32
    %roll3A_1630 = tpu.dynamic_rotate %add3A_1625 by %roll3A_1629 dim 0 : vector<32x1xi32>, i32 -> vector<32x1xi32>
    %jit3A_1631 = arith.constant 0 : i32
    %broadcast_in_dim3A_1632 = vector.broadcast %jit3A_1631 : i32 to vector<32x1xi32>
    %select_n3A_1633 = arith.select %ge3A_1628, %roll3A_1630, %broadcast_in_dim3A_1632 : vector<32x1xi1>, vector<32x1xi32>
    %add3A_1634 = arith.addi %add3A_1625, %select_n3A_1633 : vector<32x1xi32>
    %sub3A_1635 = arith.subi %add3A_1586, %convert_element_type3A_1523 : vector<32x128xi32>
    %sub3A_1636 = arith.subi %add3A_1634, %broadcast_in_dim3A_1589 : vector<32x1xi32>
    %add3A_1637 = vector.broadcast %sub3A_1636 : vector<32x1xi32> to vector<32x128xi32>
    %add3A_1638 = arith.addi %sub3A_1635, %add3A_1637 : vector<32x128xi32>
    %reduce_sum3A_1639 = vector.shape_cast %convert_element_type3A_1523 : vector<32x128xi32> to vector<1x32x128xi32>
    %reduce_sum3A_1640 = arith.constant dense<0> : vector<1xi32>
    %reduce_sum3A_1641 = vector.multi_reduction <add>, %reduce_sum3A_1639, %reduce_sum3A_1640 [1, 2] : vector<1x32x128xi32> to vector<1xi32>
    %reduce_sum3A_1642 = vector.shape_cast %reduce_sum3A_1641 : vector<1xi32> to vector<1x1x1xi32>
    %reduce_sum3A_1643 = vector.extract %reduce_sum3A_1642[0, 0, 0] : i32 from vector<1x1x1xi32>
    %add3A_1644 = arith.constant 512 : i32
    %add3A_1645 = arith.addi %reduce_sum3A_1643, %add3A_1644 : i32
    %sub3A_1646 = arith.constant 1 : i32
    %sub3A_1647 = arith.subi %add3A_1645, %sub3A_1646 : i32
    %jit3A_1648 = arith.constant 512 : i32
    %div3A_1649 = arith.divsi %sub3A_1647, %jit3A_1648 : i32
    %sign3A_1650 = arith.constant 0 : i32
    %sign3A_1651 = arith.cmpi sgt, %sub3A_1647, %sign3A_1650 : i32
    %sign3A_1652 = arith.extui %sign3A_1651 : i1 to i32
    %sign3A_1653 = arith.constant 0 : i32
    %sign3A_1654 = arith.cmpi slt, %sub3A_1647, %sign3A_1653 : i32
    %sign3A_1655 = arith.extui %sign3A_1654 : i1 to i32
    %sign3A_1656 = arith.subi %sign3A_1652, %sign3A_1655 : i32
    %sign3A_1657 = arith.constant 0 : i32
    %sign3A_1658 = arith.cmpi sgt, %jit3A_1648, %sign3A_1657 : i32
    %sign3A_1659 = arith.extui %sign3A_1658 : i1 to i32
    %sign3A_1660 = arith.constant 0 : i32
    %sign3A_1661 = arith.cmpi slt, %jit3A_1648, %sign3A_1660 : i32
    %sign3A_1662 = arith.extui %sign3A_1661 : i1 to i32
    %sign3A_1663 = arith.subi %sign3A_1659, %sign3A_1662 : i32
    %ne3A_1664 = arith.cmpi ne, %sign3A_1656, %sign3A_1663 : i32
    %rem3A_1665 = arith.remsi %sub3A_1647, %jit3A_1648 : i32
    %ne3A_1666 = arith.constant 0 : i32
    %ne3A_1667 = arith.cmpi ne, %rem3A_1665, %ne3A_1666 : i32
    %and3A_1668 = arith.andi %ne3A_1664, %ne3A_1667 : i1
    %sub3A_1669 = arith.constant 1 : i32
    %sub3A_1670 = arith.subi %div3A_1649, %sub3A_1669 : i32
    %select_n3A_1671 = arith.select %and3A_1668, %sub3A_1670, %div3A_1649 : i32
    %mul3A_1672 = arith.constant 512 : i32
    %mul3A_1673 = arith.muli %select_n3A_1671, %mul3A_1672 : i32
    %eq3A_1674 = arith.constant 7 : i32
    %eq3A_1675 = vector.broadcast %eq3A_1674 : i32 to vector<32x128xi32>
    %eq3A_1676 = arith.cmpi eq, %get3A_1, %eq3A_1675 : vector<32x128xi32>
    %add3A_1677 = vector.broadcast %add3A_1519 : i32 to vector<32x128xi32>
    %add3A_1678 = arith.addi %add3A_1677, %add3A_1638 : vector<32x128xi32>
    %select_n3A_1679 = arith.select %eq3A_1676, %add3A_1678, %select_n3A_1461 : vector<32x128xi1>, vector<32x128xi32>
    %jit3A_1680 = arith.constant 512 : i32
    %div3A_1681 = arith.divsi %add3A_1519, %jit3A_1680 : i32
    %sign3A_1682 = arith.constant 0 : i32
    %sign3A_1683 = arith.cmpi sgt, %add3A_1519, %sign3A_1682 : i32
    %sign3A_1684 = arith.extui %sign3A_1683 : i1 to i32
    %sign3A_1685 = arith.constant 0 : i32
    %sign3A_1686 = arith.cmpi slt, %add3A_1519, %sign3A_1685 : i32
    %sign3A_1687 = arith.extui %sign3A_1686 : i1 to i32
    %sign3A_1688 = arith.subi %sign3A_1684, %sign3A_1687 : i32
    %sign3A_1689 = arith.constant 0 : i32
    %sign3A_1690 = arith.cmpi sgt, %jit3A_1680, %sign3A_1689 : i32
    %sign3A_1691 = arith.extui %sign3A_1690 : i1 to i32
    %sign3A_1692 = arith.constant 0 : i32
    %sign3A_1693 = arith.cmpi slt, %jit3A_1680, %sign3A_1692 : i32
    %sign3A_1694 = arith.extui %sign3A_1693 : i1 to i32
    %sign3A_1695 = arith.subi %sign3A_1691, %sign3A_1694 : i32
    %ne3A_1696 = arith.cmpi ne, %sign3A_1688, %sign3A_1695 : i32
    %rem3A_1697 = arith.remsi %add3A_1519, %jit3A_1680 : i32
    %ne3A_1698 = arith.constant 0 : i32
    %ne3A_1699 = arith.cmpi ne, %rem3A_1697, %ne3A_1698 : i32
    %and3A_1700 = arith.andi %ne3A_1696, %ne3A_1699 : i1
    %sub3A_1701 = arith.constant 1 : i32
    %sub3A_1702 = arith.subi %div3A_1681, %sub3A_1701 : i32
    %select_n3A_1703 = arith.select %and3A_1700, %sub3A_1702, %div3A_1681 : i32
    %jit3A_1704 = arith.constant 512 : i32
    %div3A_1705 = arith.divsi %mul3A_1673, %jit3A_1704 : i32
    %sign3A_1706 = arith.constant 0 : i32
    %sign3A_1707 = arith.cmpi sgt, %mul3A_1673, %sign3A_1706 : i32
    %sign3A_1708 = arith.extui %sign3A_1707 : i1 to i32
    %sign3A_1709 = arith.constant 0 : i32
    %sign3A_1710 = arith.cmpi slt, %mul3A_1673, %sign3A_1709 : i32
    %sign3A_1711 = arith.extui %sign3A_1710 : i1 to i32
    %sign3A_1712 = arith.subi %sign3A_1708, %sign3A_1711 : i32
    %sign3A_1713 = arith.constant 0 : i32
    %sign3A_1714 = arith.cmpi sgt, %jit3A_1704, %sign3A_1713 : i32
    %sign3A_1715 = arith.extui %sign3A_1714 : i1 to i32
    %sign3A_1716 = arith.constant 0 : i32
    %sign3A_1717 = arith.cmpi slt, %jit3A_1704, %sign3A_1716 : i32
    %sign3A_1718 = arith.extui %sign3A_1717 : i1 to i32
    %sign3A_1719 = arith.subi %sign3A_1715, %sign3A_1718 : i32
    %ne3A_1720 = arith.cmpi ne, %sign3A_1712, %sign3A_1719 : i32
    %rem3A_1721 = arith.remsi %mul3A_1673, %jit3A_1704 : i32
    %ne3A_1722 = arith.constant 0 : i32
    %ne3A_1723 = arith.cmpi ne, %rem3A_1721, %ne3A_1722 : i32
    %and3A_1724 = arith.andi %ne3A_1720, %ne3A_1723 : i1
    %sub3A_1725 = arith.constant 1 : i32
    %sub3A_1726 = arith.subi %div3A_1705, %sub3A_1725 : i32
    %select_n3A_1727 = arith.select %and3A_1724, %sub3A_1726, %div3A_1705 : i32
    %ge3A_1728 = vector.broadcast %select_n3A_1703 : i32 to vector<1x16xi32>
    %ge3A_1729 = arith.cmpi sge, %iota3A_3, %ge3A_1728 : vector<1x16xi32>
    %add3A_1730 = arith.addi %select_n3A_1703, %select_n3A_1727 : i32
    %lt3A_1731 = vector.broadcast %add3A_1730 : i32 to vector<1x16xi32>
    %lt3A_1732 = arith.cmpi slt, %iota3A_3, %lt3A_1731 : vector<1x16xi32>
    %and3A_1733 = arith.andi %ge3A_1729, %lt3A_1732 : vector<1x16xi1>
    %jit3A_1734 = arith.constant 7 : i32
    %broadcast_in_dim3A_1735 = vector.broadcast %jit3A_1734 : i32 to vector<1x16xi32>
    %select_n3A_1736 = arith.select %and3A_1733, %broadcast_in_dim3A_1735, %select_n3A_1518 : vector<1x16xi1>, vector<1x16xi32>
    %add3A_1737 = arith.addi %add3A_1519, %mul3A_1673 : i32
    %swap3A = arith.constant 0 : index
    %swap3A_1738 = arith.constant 0 : index
    %swap3A_1739 = vector.load %arg2[%swap3A, %swap3A_1738] : memref<32x128xi32, #tpu.memory_space<vmem>>, vector<32x128xi32>
    tpu.vector_store %arg2[%swap3A, %swap3A_1738], %select_n3A_1679 {strides = array<i32>} : memref<32x128xi32, #tpu.memory_space<vmem>>, vector<32x128xi32>,
    %swap3A_1740 = arith.constant 0 : index
    %swap3A_1741 = arith.constant 0 : index
    %swap3A_1742 = vector.load %arg3[%swap3A_1740, %swap3A_1741] : memref<1x16xi32, #tpu.memory_space<vmem>>, vector<1x16xi32>
    tpu.vector_store %arg3[%swap3A_1740, %swap3A_1741], %select_n3A_1736 {strides = array<i32>} : memref<1x16xi32, #tpu.memory_space<vmem>>, vector<1x16xi32>,
    %jit3A_1743 = arith.constant 512 : i32
    %div3A_1744 = arith.divsi %add3A_1737, %jit3A_1743 : i32
    %sign3A_1745 = arith.constant 0 : i32
    %sign3A_1746 = arith.cmpi sgt, %add3A_1737, %sign3A_1745 : i32
    %sign3A_1747 = arith.extui %sign3A_1746 : i1 to i32
    %sign3A_1748 = arith.constant 0 : i32
    %sign3A_1749 = arith.cmpi slt, %add3A_1737, %sign3A_1748 : i32
    %sign3A_1750 = arith.extui %sign3A_1749 : i1 to i32
    %sign3A_1751 = arith.subi %sign3A_1747, %sign3A_1750 : i32
    %sign3A_1752 = arith.constant 0 : i32
    %sign3A_1753 = arith.cmpi sgt, %jit3A_1743, %sign3A_1752 : i32
    %sign3A_1754 = arith.extui %sign3A_1753 : i1 to i32
    %sign3A_1755 = arith.constant 0 : i32
    %sign3A_1756 = arith.cmpi slt, %jit3A_1743, %sign3A_1755 : i32
    %sign3A_1757 = arith.extui %sign3A_1756 : i1 to i32
    %sign3A_1758 = arith.subi %sign3A_1754, %sign3A_1757 : i32
    %ne3A_1759 = arith.cmpi ne, %sign3A_1751, %sign3A_1758 : i32
    %rem3A_1760 = arith.remsi %add3A_1737, %jit3A_1743 : i32
    %ne3A_1761 = arith.constant 0 : i32
    %ne3A_1762 = arith.cmpi ne, %rem3A_1760, %ne3A_1761 : i32
    %and3A_1763 = arith.andi %ne3A_1759, %ne3A_1762 : i1
    %sub3A_1764 = arith.constant 1 : i32
    %sub3A_1765 = arith.subi %div3A_1744, %sub3A_1764 : i32
    %select_n3A_1766 = arith.select %and3A_1763, %sub3A_1765, %div3A_1744 : i32
    %lt3A_1767 = vector.broadcast %select_n3A_1766 : i32 to vector<1x16xi32>
    %lt3A_1768 = arith.cmpi slt, %iota3A_3, %lt3A_1767 : vector<1x16xi32>
    %convert_element_type3A_1769 = arith.extui %lt3A_1768 : vector<1x16xi1> to vector<1x16xi32>
    %swap3A_1770 = arith.constant 0 : index
    %swap3A_1771 = arith.constant 0 : index
    %swap3A_1772 = vector.load %arg4[%swap3A_1770, %swap3A_1771] : memref<1x16xi32, #tpu.memory_space<vmem>>, vector<1x16xi32>
    tpu.vector_store %arg4[%swap3A_1770, %swap3A_1771], %convert_element_type3A_1769 {strides = array<i32>} : memref<1x16xi32, #tpu.memory_space<vmem>>, vector<1x16xi32>,
    return
  }
  func.func @transform_0(%arg0: i32) -> (i32, i32) {
    %c0_i32 = arith.constant 0 : i32
    %c0_i32_0 = arith.constant 0 : i32
    %c0_i32_1 = arith.constant 0 : i32
    return %c0_i32, %c0_i32_0 : i32, i32
  }
  func.func @transform_1(%arg0: i32) -> (i32, i32) {
    %c0_i32 = arith.constant 0 : i32
    %c0_i32_0 = arith.constant 0 : i32
    %c0_i32_1 = arith.constant 0 : i32
    return %c0_i32, %c0_i32_0 : i32, i32
  }
  func.func @transform_2(%arg0: i32) -> (i32, i32) {
    %c0_i32 = arith.constant 0 : i32
    %c0_i32_0 = arith.constant 0 : i32
    %c0_i32_1 = arith.constant 0 : i32
    return %c0_i32, %c0_i32_0 : i32, i32
  }
  func.func @transform_3(%arg0: i32) -> (i32, i32) {
    %c0_i32 = arith.constant 0 : i32
    %c0_i32_0 = arith.constant 0 : i32
    %c0_i32_1 = arith.constant 0 : i32
    return %c0_i32, %c0_i32_0 : i32, i32
  }
}

module attributes {stable_mosaic.version = 14 : i64} {
  func.func @_gmm_kernel(%arg0: i32, %arg1: memref<16xi32, #tpu.memory_space<smem>>, %arg2: memref<16xi32, #tpu.memory_space<smem>>, %arg3: memref<512x384xi32, #tpu.memory_space<vmem>>, %arg4: memref<1x768x1024xbf16, #tpu.memory_space<vmem>>, %arg5: memref<1x768x1024xbf16, #tpu.memory_space<vmem>>, %arg6: memref<1x1024x768xbf16, #tpu.memory_space<vmem>>, %arg7: memref<512x384xi32, #tpu.memory_space<vmem>>) attributes {dimension_semantics = [#tpu.dimension_semantics<arbitrary>], iteration_bounds = array<i64: 16>, scalar_prefetch = 2 : i64, scratch_operands = 0 : i64, tpu.core_type = #tpu.core_type<tc>, window_params = [{transform_indices = @transform_0, window_bounds = array<i64: 512, 384>}, {transform_indices = @transform_1, window_bounds = array<i64: 1, 768, 1024>}, {transform_indices = @transform_2, window_bounds = array<i64: 1, 768, 1024>}, {transform_indices = @transform_3, window_bounds = array<i64: 1, 1024, 768>}, {transform_indices = @transform_4, window_bounds = array<i64: 512, 384>}]} {
    %get3A = arith.index_cast %arg0 : i32 to index
    %get3A_0 = memref.load %arg2[%get3A] : memref<16xi32, #tpu.memory_space<smem>>
    %ne3A = arith.constant 0 : i32
    %ne3A_1 = arith.cmpi ne, %get3A_0, %ne3A : i32
    %convert_element_type3A = arith.extui %ne3A_1 : i1 to i32
    %cond3A = arith.constant 0 : i32
    %cond3A_2 = arith.cmpi ne, %convert_element_type3A, %cond3A : i32
    scf.if %cond3A_2 {
      %get3A_3 = arith.constant 0 : index
      %get3A_4 = arith.constant 0 : index
      %get3A_5 = vector.load %arg3[%get3A_3, %get3A_4] : memref<512x384xi32, #tpu.memory_space<vmem>>, vector<512x384xi32>
      %bitcast_convert_type3A = tpu.bitcast %get3A_5 : vector<512x384xi32> -> vector<512x384xi32>
      %and3A = arith.constant 65535 : i32
      %and3A_6 = vector.broadcast %and3A : i32 to vector<512x384xi32>
      %and3A_7 = arith.andi %bitcast_convert_type3A, %and3A_6 : vector<512x384xi32>
      %convert_element_type3A_8 = arith.trunci %and3A_7 : vector<512x384xi32> to vector<512x384xi16>
      %bitcast_convert_type3A_9 = tpu.bitcast %convert_element_type3A_8 : vector<512x384xi16> -> vector<512x384xbf16>
      %shift_right_logical3A = arith.constant 16 : i32
      %shift_right_logical3A_10 = vector.broadcast %shift_right_logical3A : i32 to vector<512x384xi32>
      %shift_right_logical3A_11 = arith.shrui %bitcast_convert_type3A, %shift_right_logical3A_10 : vector<512x384xi32>
      %convert_element_type3A_12 = arith.trunci %shift_right_logical3A_11 : vector<512x384xi32> to vector<512x384xi16>
      %bitcast_convert_type3A_13 = tpu.bitcast %convert_element_type3A_12 : vector<512x384xi16> -> vector<512x384xbf16>
      %concatenate3A = tpu.concatenate %bitcast_convert_type3A_9, %bitcast_convert_type3A_13 in 1 : vector<512x384xbf16>, vector<512x384xbf16> -> vector<512x768xbf16>
      %get3A_14 = arith.constant 0 : index
      %get3A_15 = arith.constant 0 : index
      %get3A_16 = arith.constant 0 : index
      %get3A_17 = vector.load %arg4[%get3A_14, %get3A_15, %get3A_16] : memref<1x768x1024xbf16, #tpu.memory_space<vmem>>, vector<1x768x1024xbf16>
      %get3A_18 = vector.shape_cast %get3A_17 : vector<1x768x1024xbf16> to vector<768x1024xbf16>
      %dot_general3A = arith.constant dense<0.000000e+00> : vector<512x1024xf32>
      %dot_general3A_19 = tpu.matmul %concatenate3A, %get3A_18, %dot_general3A {dimension_numbers = #tpu.dot_dimension_numbers<[1], [0], [0], [1], [0, 0, 1, 1], [], []>, transpose_lhs_hint = false} : vector<512x768xbf16>, vector<768x1024xbf16>, vector<512x1024xf32> -> vector<512x1024xf32>
      %get3A_20 = arith.constant 0 : index
      %get3A_21 = arith.constant 0 : index
      %get3A_22 = arith.constant 0 : index
      %get3A_23 = vector.load %arg5[%get3A_20, %get3A_21, %get3A_22] : memref<1x768x1024xbf16, #tpu.memory_space<vmem>>, vector<1x768x1024xbf16>
      %get3A_24 = vector.shape_cast %get3A_23 : vector<1x768x1024xbf16> to vector<768x1024xbf16>
      %dot_general3A_25 = arith.constant dense<0.000000e+00> : vector<512x1024xf32>
      %dot_general3A_26 = tpu.matmul %concatenate3A, %get3A_24, %dot_general3A_25 {dimension_numbers = #tpu.dot_dimension_numbers<[1], [0], [0], [1], [0, 0, 1, 1], [], []>, transpose_lhs_hint = false} : vector<512x768xbf16>, vector<768x1024xbf16>, vector<512x1024xf32> -> vector<512x1024xf32>
      %logistic3A = arith.negf %dot_general3A_19 : vector<512x1024xf32>
      %logistic3A_27 = math.exp %logistic3A : vector<512x1024xf32>
      %logistic3A_28 = arith.constant 1.000000e+00 : f32
      %logistic3A_29 = vector.broadcast %logistic3A_28 : f32 to vector<512x1024xf32>
      %logistic3A_30 = arith.addf %logistic3A_29, %logistic3A_27 : vector<512x1024xf32>
      %logistic3A_31 = arith.divf %logistic3A_29, %logistic3A_30 : vector<512x1024xf32>
      %mul3A = arith.mulf %dot_general3A_19, %logistic3A_31 : vector<512x1024xf32>
      %mul3A_32 = arith.mulf %mul3A, %dot_general3A_26 : vector<512x1024xf32>
      %convert_element_type3A_33 = arith.truncf %mul3A_32 : vector<512x1024xf32> to vector<512x1024xbf16>
      %get3A_34 = arith.constant 0 : index
      %get3A_35 = arith.constant 0 : index
      %get3A_36 = arith.constant 0 : index
      %get3A_37 = vector.load %arg6[%get3A_34, %get3A_35, %get3A_36] : memref<1x1024x768xbf16, #tpu.memory_space<vmem>>, vector<1x1024x768xbf16>
      %get3A_38 = vector.shape_cast %get3A_37 : vector<1x1024x768xbf16> to vector<1024x768xbf16>
      %dot_general3A_39 = arith.constant dense<0.000000e+00> : vector<512x768xf32>
      %dot_general3A_40 = tpu.matmul %convert_element_type3A_33, %get3A_38, %dot_general3A_39 {dimension_numbers = #tpu.dot_dimension_numbers<[1], [0], [0], [1], [0, 0, 1, 1], [], []>, transpose_lhs_hint = false} : vector<512x1024xbf16>, vector<1024x768xbf16>, vector<512x768xf32> -> vector<512x768xf32>
      %convert_element_type3A_41 = arith.truncf %dot_general3A_40 : vector<512x768xf32> to vector<512x768xbf16>
      %slice3A = vector.extract_strided_slice %convert_element_type3A_41 {offsets = [0, 0], sizes = [512, 384], strides = [1, 1]} : vector<512x768xbf16> to vector<512x384xbf16>
      %bitcast_convert_type3A_42 = tpu.bitcast %slice3A : vector<512x384xbf16> -> vector<512x384xi16>
      %slice3A_43 = vector.extract_strided_slice %convert_element_type3A_41 {offsets = [0, 384], sizes = [512, 384], strides = [1, 1]} : vector<512x768xbf16> to vector<512x384xbf16>
      %bitcast_convert_type3A_44 = tpu.bitcast %slice3A_43 : vector<512x384xbf16> -> vector<512x384xi16>
      %convert_element_type3A_45 = arith.extui %bitcast_convert_type3A_44 : vector<512x384xi16> to vector<512x384xi32>
      %shift_left3A = arith.constant 16 : i32
      %shift_left3A_46 = vector.broadcast %shift_left3A : i32 to vector<512x384xi32>
      %shift_left3A_47 = arith.shli %convert_element_type3A_45, %shift_left3A_46 : vector<512x384xi32>
      %convert_element_type3A_48 = arith.extui %bitcast_convert_type3A_42 : vector<512x384xi16> to vector<512x384xi32>
      %or3A = arith.ori %shift_left3A_47, %convert_element_type3A_48 : vector<512x384xi32>
      %bitcast_convert_type3A_49 = tpu.bitcast %or3A : vector<512x384xi32> -> vector<512x384xi32>
      %swap3A = arith.constant 0 : index
      %swap3A_50 = arith.constant 0 : index
      %swap3A_51 = vector.load %arg7[%swap3A, %swap3A_50] : memref<512x384xi32, #tpu.memory_space<vmem>>, vector<512x384xi32>
      tpu.vector_store %arg7[%swap3A, %swap3A_50], %bitcast_convert_type3A_49 {strides = array<i32>} : memref<512x384xi32, #tpu.memory_space<vmem>>, vector<512x384xi32>,
    } else {
    }
    return
  }
  func.func @transform_0(%arg0: i32, %arg1: memref<16xi32, #tpu.memory_space<smem>>, %arg2: memref<16xi32, #tpu.memory_space<smem>>) -> (i32, i32) {
    %c0_i32 = arith.constant 0 : i32
    %c0_i32_0 = arith.constant 0 : i32
    return %arg0, %c0_i32 : i32, i32
  }
  func.func @transform_1(%arg0: i32, %arg1: memref<16xi32, #tpu.memory_space<smem>>, %arg2: memref<16xi32, #tpu.memory_space<smem>>) -> (i32, i32, i32) {
    %get3A = arith.index_cast %arg0 : i32 to index
    %get3A_0 = memref.load %arg1[%get3A] : memref<16xi32, #tpu.memory_space<smem>>
    %c0_i32 = arith.constant 0 : i32
    %c0_i32_1 = arith.constant 0 : i32
    %c0_i32_2 = arith.constant 0 : i32
    return %get3A_0, %c0_i32, %c0_i32_1 : i32, i32, i32
  }
  func.func @transform_2(%arg0: i32, %arg1: memref<16xi32, #tpu.memory_space<smem>>, %arg2: memref<16xi32, #tpu.memory_space<smem>>) -> (i32, i32, i32) {
    %get3A = arith.index_cast %arg0 : i32 to index
    %get3A_0 = memref.load %arg1[%get3A] : memref<16xi32, #tpu.memory_space<smem>>
    %c0_i32 = arith.constant 0 : i32
    %c0_i32_1 = arith.constant 0 : i32
    %c0_i32_2 = arith.constant 0 : i32
    return %get3A_0, %c0_i32, %c0_i32_1 : i32, i32, i32
  }
  func.func @transform_3(%arg0: i32, %arg1: memref<16xi32, #tpu.memory_space<smem>>, %arg2: memref<16xi32, #tpu.memory_space<smem>>) -> (i32, i32, i32) {
    %get3A = arith.index_cast %arg0 : i32 to index
    %get3A_0 = memref.load %arg1[%get3A] : memref<16xi32, #tpu.memory_space<smem>>
    %c0_i32 = arith.constant 0 : i32
    %c0_i32_1 = arith.constant 0 : i32
    %c0_i32_2 = arith.constant 0 : i32
    return %get3A_0, %c0_i32, %c0_i32_1 : i32, i32, i32
  }
  func.func @transform_4(%arg0: i32, %arg1: memref<16xi32, #tpu.memory_space<smem>>, %arg2: memref<16xi32, #tpu.memory_space<smem>>) -> (i32, i32) {
    %c0_i32 = arith.constant 0 : i32
    %c0_i32_0 = arith.constant 0 : i32
    return %arg0, %c0_i32 : i32, i32
  }
}

module attributes {stable_mosaic.version = 14 : i64} {
  func.func @_final_kernel(%arg0: i32, %arg1: memref<256x768xf32, #tpu.memory_space<vmem>>, %arg2: memref<256x384xi32, #tpu.memory_space<vmem>>, %arg3: memref<256x384xi32, #tpu.memory_space<vmem>>, %arg4: memref<256x2xf32, #tpu.memory_space<vmem>>, %arg5: memref<256x768xf32, #tpu.memory_space<vmem>>) attributes {dimension_semantics = [#tpu.dimension_semantics<parallel>], iteration_bounds = array<i64: 8>, scalar_prefetch = 0 : i64, scratch_operands = 0 : i64, tpu.core_type = #tpu.core_type<tc>, window_params = [{transform_indices = @transform_0, window_bounds = array<i64: 256, 768>}, {transform_indices = @transform_1, window_bounds = array<i64: 256, 384>}, {transform_indices = @transform_2, window_bounds = array<i64: 256, 384>}, {transform_indices = @transform_3, window_bounds = array<i64: 256, 2>}, {transform_indices = @transform_4, window_bounds = array<i64: 256, 768>}]} {
    %get3A = arith.constant 0 : index
    %get3A_0 = arith.constant 0 : index
    %get3A_1 = vector.load %arg4[%get3A, %get3A_0] : memref<256x2xf32, #tpu.memory_space<vmem>>, vector<256x2xf32>
    %slice3A = vector.extract_strided_slice %get3A_1 {offsets = [0, 0], sizes = [256, 1], strides = [1, 1]} : vector<256x2xf32> to vector<256x1xf32>
    %slice3A_2 = vector.extract_strided_slice %get3A_1 {offsets = [0, 1], sizes = [256, 1], strides = [1, 1]} : vector<256x2xf32> to vector<256x1xf32>
    %get3A_3 = arith.constant 0 : index
    %get3A_4 = arith.constant 0 : index
    %get3A_5 = vector.load %arg1[%get3A_3, %get3A_4] : memref<256x768xf32, #tpu.memory_space<vmem>>, vector<256x768xf32>
    %get3A_6 = arith.constant 0 : index
    %get3A_7 = arith.constant 0 : index
    %get3A_8 = vector.load %arg2[%get3A_6, %get3A_7] : memref<256x384xi32, #tpu.memory_space<vmem>>, vector<256x384xi32>
    %bitcast_convert_type3A = tpu.bitcast %get3A_8 : vector<256x384xi32> -> vector<256x384xi32>
    %and3A = arith.constant 65535 : i32
    %and3A_9 = vector.broadcast %and3A : i32 to vector<256x384xi32>
    %and3A_10 = arith.andi %bitcast_convert_type3A, %and3A_9 : vector<256x384xi32>
    %convert_element_type3A = arith.trunci %and3A_10 : vector<256x384xi32> to vector<256x384xi16>
    %bitcast_convert_type3A_11 = tpu.bitcast %convert_element_type3A : vector<256x384xi16> -> vector<256x384xbf16>
    %shift_right_logical3A = arith.constant 16 : i32
    %shift_right_logical3A_12 = vector.broadcast %shift_right_logical3A : i32 to vector<256x384xi32>
    %shift_right_logical3A_13 = arith.shrui %bitcast_convert_type3A, %shift_right_logical3A_12 : vector<256x384xi32>
    %convert_element_type3A_14 = arith.trunci %shift_right_logical3A_13 : vector<256x384xi32> to vector<256x384xi16>
    %bitcast_convert_type3A_15 = tpu.bitcast %convert_element_type3A_14 : vector<256x384xi16> -> vector<256x384xbf16>
    %concatenate3A = tpu.concatenate %bitcast_convert_type3A_11, %bitcast_convert_type3A_15 in 1 : vector<256x384xbf16>, vector<256x384xbf16> -> vector<256x768xbf16>
    %convert_element_type3A_16 = arith.extf %concatenate3A : vector<256x768xbf16> to vector<256x768xf32>
    %mul3A = vector.broadcast %slice3A : vector<256x1xf32> to vector<256x768xf32>
    %mul3A_17 = arith.mulf %mul3A, %convert_element_type3A_16 : vector<256x768xf32>
    %add3A = arith.addf %get3A_5, %mul3A_17 : vector<256x768xf32>
    %get3A_18 = arith.constant 0 : index
    %get3A_19 = arith.constant 0 : index
    %get3A_20 = vector.load %arg3[%get3A_18, %get3A_19] : memref<256x384xi32, #tpu.memory_space<vmem>>, vector<256x384xi32>
    %bitcast_convert_type3A_21 = tpu.bitcast %get3A_20 : vector<256x384xi32> -> vector<256x384xi32>
    %and3A_22 = arith.constant 65535 : i32
    %and3A_23 = vector.broadcast %and3A_22 : i32 to vector<256x384xi32>
    %and3A_24 = arith.andi %bitcast_convert_type3A_21, %and3A_23 : vector<256x384xi32>
    %convert_element_type3A_25 = arith.trunci %and3A_24 : vector<256x384xi32> to vector<256x384xi16>
    %bitcast_convert_type3A_26 = tpu.bitcast %convert_element_type3A_25 : vector<256x384xi16> -> vector<256x384xbf16>
    %shift_right_logical3A_27 = arith.constant 16 : i32
    %shift_right_logical3A_28 = vector.broadcast %shift_right_logical3A_27 : i32 to vector<256x384xi32>
    %shift_right_logical3A_29 = arith.shrui %bitcast_convert_type3A_21, %shift_right_logical3A_28 : vector<256x384xi32>
    %convert_element_type3A_30 = arith.trunci %shift_right_logical3A_29 : vector<256x384xi32> to vector<256x384xi16>
    %bitcast_convert_type3A_31 = tpu.bitcast %convert_element_type3A_30 : vector<256x384xi16> -> vector<256x384xbf16>
    %concatenate3A_32 = tpu.concatenate %bitcast_convert_type3A_26, %bitcast_convert_type3A_31 in 1 : vector<256x384xbf16>, vector<256x384xbf16> -> vector<256x768xbf16>
    %convert_element_type3A_33 = arith.extf %concatenate3A_32 : vector<256x768xbf16> to vector<256x768xf32>
    %mul3A_34 = vector.broadcast %slice3A_2 : vector<256x1xf32> to vector<256x768xf32>
    %mul3A_35 = arith.mulf %mul3A_34, %convert_element_type3A_33 : vector<256x768xf32>
    %add3A_36 = arith.addf %add3A, %mul3A_35 : vector<256x768xf32>
    %swap3A = arith.constant 0 : index
    %swap3A_37 = arith.constant 0 : index
    %swap3A_38 = vector.load %arg5[%swap3A, %swap3A_37] : memref<256x768xf32, #tpu.memory_space<vmem>>, vector<256x768xf32>
    tpu.vector_store %arg5[%swap3A, %swap3A_37], %add3A_36 {strides = array<i32>} : memref<256x768xf32, #tpu.memory_space<vmem>>, vector<256x768xf32>,
    return
  }
  func.func @transform_0(%arg0: i32) -> (i32, i32) {
    %c0_i32 = arith.constant 0 : i32
    %c0_i32_0 = arith.constant 0 : i32
    return %arg0, %c0_i32 : i32, i32
  }
  func.func @transform_1(%arg0: i32) -> (i32, i32) {
    %c0_i32 = arith.constant 0 : i32
    %c0_i32_0 = arith.constant 0 : i32
    return %arg0, %c0_i32 : i32, i32
  }
  func.func @transform_2(%arg0: i32) -> (i32, i32) {
    %add3A = arith.constant 8 : i32
    %add3A_0 = arith.addi %arg0, %add3A : i32
    %c0_i32 = arith.constant 0 : i32
    %c0_i32_1 = arith.constant 0 : i32
    return %add3A_0, %c0_i32 : i32, i32
  }
  func.func @transform_3(%arg0: i32) -> (i32, i32) {
    %c0_i32 = arith.constant 0 : i32
    %c0_i32_0 = arith.constant 0 : i32
    return %arg0, %c0_i32 : i32, i32
  }
  func.func @transform_4(%arg0: i32) -> (i32, i32) {
    %c0_i32 = arith.constant 0 : i32
    %c0_i32_0 = arith.constant 0 : i32
    return %arg0, %c0_i32 : i32, i32
  }
}

</mosaic_0001>

<sc_bundles>
// kernel: kernel.10.cloned.1.call-start
scs
__scs_entry_jumppad:
0x0: {  	(pc) =	sbr.rel $0x88, $3  }
0x1: {  	(tag) =	ssettag $0x0;
	lr =	simm.s32 $0x1  }
0x2: {  	[smem:$0x3F96] =	sst lr;
	_ =	strace $0xD0000000  }
0x3: {  	_ = 	snop  }
0x4: {  	_ = 	snop  }
0x5: {  	_ = 	snop  }
0x6: {  	_ = 	snop  }
0x7: {  	_ = 	snop  }
__scs_overlays_trampoline_lowered:
0x8: {  	[smem:$0x3FA5] =	sst s0  }
0x9: {  	[smem:$0x3FA6] =	sst s1  }
0xa: {  	[smem:$0x3FA7] =	sst s2  }
0xb: {  	[smem:$0x3FA8] =	sst s3  }
0xc: {  	[smem:$0x3FA9] =	sst s4  }
0xd: {  	[smem:$0x3FAA] =	sst s5  }
0xe: {  	[smem:$0x3FAB] =	sst s6  }
0xf: {  	[smem:$0x3FAC] =	sst s7  }
0x10: {  	[smem:$0x3FAD] =	sst s8  }
0x11: {  	[smem:$0x3FAE] =	sst s9;
	s0 =	simm.s32 @!p0 $0x0  }
0x12: {  	s1 =	sld [smem:$0x3F94];
	s0 =	simm.s32 @p0 $0x1  }
0x13: {  	[smem:$0x3FAF] =	sst s0;
	s0 =	simm.s32 @!p1 $0x0  }
0x14: {  	s2 =	sld [smem:$0x3F93];
	s0 =	simm.s32 @p1 $0x1  }
0x15: {  	[smem:$0x3FB0] =	sst s0;
	s0 =	simm.s32 @!p2 $0x0  }
0x16: {  	s3 =	sld [smem:$0x3FDB];
	s0 =	simm.s32 @p2 $0x1  }
0x17: {  	s4 =	simm.s32 $0x1BF5;
	[smem:$0x3FB2] =	sst s0  }
0x18: {  	s0 =	sld [smem:$0x3F95];
	_ =	swait.ge [sflag:s4], $0x0  }
0x19: {  	s7 =	sld [smem:$0x3F96]  }
0x1a: {  	s8 =	sadd.s32 $0xFFFFE003, lr  }
0x1b: {  	s9 =	sadd.s32 $0xFFFFFEF7, lr;
	s5 =	simm.s32 $0xFFFFFFFF;
	p2 =	slt.u32 s8, $0xFFFFF086  }
0x1c: {  	p1 =	slt.u32 s9, $0xF7A;
	s5 =	simm.s32 @!p2 $0x0  }
0x1d: {  	s5 =	simm.s32 @p1 $0x1;
	p0 =	seq.s32 s7, s2  }
0x1e: {  	s7 =	smul.u32 @!p0 $0xF7A, s2;
	p2 =	seq.s32 @!p0 s5, $0x0  }
0x1f: {  	s9 =	smul.u32 $0xF7A, s1;
	s8 =	simm.s32 @!p0 $0x1BF5;
	p2 =	por !p2, p0  }
0x20: {  	[sflag:s8] =	ssyncset.s32 @!p0 $0xFFFFF086;
	s6 =	sadd.s32 @!p0 s3, s7;
	s7 =	simm.s32 @!p0 $0x108  }
0x21: {  	s3 =	sadd.s32 s3, s9;
	s6 =	sadd.s32 @!p0 $0x88, s6;
	s7 =	simm.s32 @p2 $0x1082  }
0x22: {  	[simem:s7], [sflag:s8] =	dma.local @!p0 [hbm:s6], $0xF7A  }
0x23: {  	s9 =	sor.u32 $0xD0000000, s2;
	s6 =	simm.s32 $0x108;
	_ =	swait.ge @!p0 [sflag:s8], $0x0  }
0x24: {  	s3 =	sadd.s32 $0x88, s3;
	s6 =	simm.s32 @!p1 $0x1082;
	[sflag:s4] =	ssyncset.s32 $0xFFFFF086  }
0x25: {  	[simem:s6], [sflag:s4] =	dma.local [hbm:s3], $0xF7A  }
0x26: {  	[smem:$0x3F96] =	sst s1;
	(tag) =	ssettag s2;
	_ =	strace s9  }
0x27: {  	s1 =	sld [smem:$0x3FA6]  }
0x28: {  	s2 =	sld [smem:$0x3FA7]  }
0x29: {  	s4 =	sld [smem:$0x3FA9]  }
0x2a: {  	p0 =	seq.s32 s5, $0x0;
	s5 =	sld [smem:$0x3FAA]  }
0x2b: {  	s6 =	sld [smem:$0x3FAB]  }
0x2c: {  	s7 =	sld [smem:$0x3FAC]  }
0x2d: {  	s3 =	simm.s32 $0x108;
	s8 =	sld [smem:$0x3FAD]  }
0x2e: {  	s3 =	simm.s32 @!p0 $0x1082;
	s9 =	sld [smem:$0x3FAE]  }
0x2f: {  	lr =	sadd.s32 s0, s3;
	s0 =	sld [smem:$0x3FA5]  }
0x30: {  	s3 =	sld [smem:$0x3FA8]  }
0x31: {  	[smem:$0x3FB1] =	sst s10  }
0x32: {  	s10 =	sld [smem:$0x3FAF];
	_ =	sdelay $0x3  }
0x33: {  	p0 =	seq.s32 s10, $0x1;
	s10 =	sld [smem:$0x3FB1];
	_ =	sdelay $0x3  }
0x34: {  	[smem:$0x3FB1] =	sst s10  }
0x35: {  	s10 =	sld [smem:$0x3FB0];
	_ =	sdelay $0x3  }
0x36: {  	p1 =	seq.s32 s10, $0x1;
	s10 =	sld [smem:$0x3FB1];
	_ =	sdelay $0x3  }
0x37: {  	[smem:$0x3FB1] =	sst s10  }
0x38: {  	s10 =	sld [smem:$0x3FB2]  }
0x39: {  	_ = 	snop;
	(pc) =	sbr.ind lr, $3  }
0x3a: {  	_ = 	snop  }
0x3b: {  	_ = 	snop  }
0x3c: {  	p2 =	seq.s32 s10, $0x1;
	s10 =	sld [smem:$0x3FB1]  }
0x3d: {  	_ =	shalt  }
0x3e: {  	_ =	shalt  }
0x3f: {  	_ =	shalt  }
0x40: {  	_ =	shalt  }
0x41: {  	_ =	shalt  }
0x42: {  	_ =	shalt  }
0x43: {  	_ =	shalt  }
0x44: {  	_ =	shalt  }
0x45: {  	_ =	shalt  }
0x46: {  	_ =	shalt  }
0x47: {  	_ =	shalt  }
0x48: {  	_ =	shalt  }
0x49: {  	_ =	shalt  }
0x4a: {  	_ =	shalt  }
0x4b: {  	_ =	shalt  }
0x4c: {  	_ =	shalt  }
0x4d: {  	_ =	shalt  }
0x4e: {  	_ =	shalt  }
0x4f: {  	_ =	shalt  }
0x50: {  	_ =	shalt  }
0x51: {  	_ =	shalt  }
0x52: {  	_ =	shalt  }
0x53: {  	_ =	shalt  }
0x54: {  	_ =	shalt  }
0x55: {  	_ =	shalt  }
0x56: {  	_ =	shalt  }
0x57: {  	_ =	shalt  }
0x58: {  	_ =	shalt  }
0x59: {  	_ =	shalt  }
0x5a: {  	_ =	shalt  }
0x5b: {  	_ =	shalt  }
0x5c: {  	_ =	shalt  }
0x5d: {  	_ =	shalt  }
0x5e: {  	_ =	shalt  }
0x5f: {  	_ =	shalt  }
0x60: {  	_ =	shalt  }
0x61: {  	_ =	shalt  }
0x62: {  	_ =	shalt  }
0x63: {  	_ =	shalt  }
0x64: {  	_ =	shalt  }
0x65: {  	_ =	shalt  }
0x66: {  	_ =	shalt  }
0x67: {  	_ =	shalt  }
0x68: {  	_ =	shalt  }
0x69: {  	_ =	shalt  }
0x6a: {  	_ =	shalt  }
0x6b: {  	_ =	shalt  }
0x6c: {  	_ =	shalt  }
0x6d: {  	_ =	shalt  }
0x6e: {  	_ =	shalt  }
0x6f: {  	_ =	shalt  }
0x70: {  	_ =	shalt  }
0x71: {  	_ =	shalt  }
0x72: {  	_ =	shalt  }
0x73: {  	_ =	shalt  }
0x74: {  	_ =	shalt  }
0x75: {  	_ =	shalt  }
0x76: {  	_ =	shalt  }
0x77: {  	_ =	shalt  }
0x78: {  	_ =	shalt  }
0x79: {  	_ =	shalt  }
0x7a: {  	_ =	shalt  }
0x7b: {  	_ =	shalt  }
0x7c: {  	_ =	shalt  }
0x7d: {  	_ =	shalt  }
0x7e: {  	_ =	shalt  }
0x7f: {  	_ =	shalt  }
0x80: {  	_ =	shalt  }
0x81: {  	_ =	shalt  }
0x82: {  	_ =	shalt  }
0x83: {  	_ =	shalt  }
0x84: {  	_ =	shalt  }
0x85: {  	_ =	shalt  }
0x86: {  	_ =	shalt  }
0x87: {  	_ =	shalt  }
.Lfunc_end0:
.L_simem_size_0:
called_computation_lowered:
.L_overlay_start_0:
0x88: {  	s2 =	sld [smem:$0x3FD9]  }
0x89: {  	s3 =	sld [smem:$0x3FFE];
	_ =	sdelay $0x1  }
0x8a: {  	s1 =	srdreg.scid  }
0x8b: {  	s0 =	sand.u32 $0x1, s1  }
0x8c: {  	s17 =	sshll.u32 s0, $0xA;
	s2 =	sadd.s32 s3, s2  }
0x8d: {  	s2 =	sadd.s32 s2, s17  }
0x8e: {  	[smem:$0x3FBD] =	sst s2  }
0x8f: {  	_ = 	snop  }
0x90: {  	s2 =	sld [smem:$0x3FD0];
	(tm) =	ssettm $0x1  }
0x91: {  	s18 =	sld [smem:$0x3FFB];
	_ =	sdelay $0x3  }
0x92: {  	_ =	strace s18  }
0x93: {  	s3 =	sld [smem:$0x3FFC];
	_ =	sdelay $0x3  }
0x94: {  	_ =	strace s3  }
0x95: {  	s3 =	sld [smem:$0x3FFD];
	_ =	sdelay $0x3  }
0x96: {  	_ =	strace s3  }
0x97: {  	_ =	strace $0x8FFFFFFF  }
0x98: {  	s19 =	sld [smem:$0x3FDB];
	_ =	sdelay $0x1  }
0x99: {  	s4 =	simm.s32 $_scs_section_size  }
0x9a: {  	s5 =	simm.s32 $_size__tile_overlayer_lowered;
	s6 =	simm.s32 $_tile_overlayer_lowered  }
0x9b: {  	s22 =	simm.s32 $0x1BFF;
	s21 =	sshll.u32 s6, $0x1;
	s3 =	sadd.s32 s4, s19  }
0x9c: {  	s7 =	simm.s32 $0x0;
	s20 =	sshll.u32 s5, $0x1;
	s5 =	sadd.s32 s21, s3  }
0x9d: {  	[timem:s7], [sflag:s22] =	dma.local [hbm:s5], s20  }
0x9e: {  	_ =	swait.ge [sflag:s22], s20  }
0x9f: {  	s4 =	ssub.s32 $0x0, s20;
	[sflag:s22] =	ssyncset.done $0x0  }
0xa0: {  	[sflag:s22] =	ssyncadd.s32 s4;
	_ =	sdelay $0x1  }
0xa1: {  	s23 =	simm.s32 $0x1B8B  }
0xa2: {  	_ =	swait.ge [sflag:s23], $0x1  }
0xa3: {  	[sflag:s23] =	ssyncset.done $0x0  }
0xa4: {  	s25 =	simm.s32 $0x1B8E;
	s24 =	sld [smem:$0x3FFE];
	[sflag:s23] =	ssyncadd.s32 $0xFFFFFFFF  }
0xa5: {  	s26 =	simm.s32 $execute0_lowered;
	[smem:$0x3FD2] =	sst s25  }
0xa6: {  	s5 =	sshll.u32 s26, $0x1;
	_ =	strace $0x80000046;
	[dreg:$0x1] =	wrdreg $0xFFFFFFFF  }
0xa7: {  	s28 =	simm.s32 $_size_execute0_lowered;
	s3 =	sadd.s32 s3, s5;
	[dreg:$0x0] =	wrdreg $0x0  }
0xa8: {  	s5 =	sshll.u32 s28, $0x1;
	[dreg:$0x2] =	wrdreg s3  }
0xa9: {  	[dreg:$0x3] =	wrdreg s5  }
0xaa: {  	[dreg:$0x4] =	wrdreg $0xC0  }
0xab: {  	_ =	task [dreg:s7], $0x5FFFF  }
0xac: {  	[dreg:$0x1] =	wrdreg $0xFFFFFFFF  }
0xad: {  	[dreg:$0x0] =	wrdreg $0x60  }
0xae: {  	[dreg:$0x2] =	wrdreg s2  }
0xaf: {  	[dreg:$0x3] =	wrdreg s24  }
0xb0: {  	[dreg:$0x4] =	wrdreg $0x9  }
0xb1: {  	_ =	task.clear_ibuf [dreg:s7], $0x5FFFF;
	_ =	strace $0x90000046  }
0xb2: {  	s29 =	simm.s32 $0x9;
	_ =	strace $0x80000050  }
0xb3: {  	_ =	swait.ge [sflag:s29], $0x1  }
0xb4: {  	[sflag:s29] =	ssyncadd.s32 $0xFFFFFFFF  }
0xb5: {  	_ =	strace $0x90000050  }
0xb6: {  	_ =	sfence  }
0xb7: {  	s30 =	sld [smem:$0x0];
	_ =	sdelay $0x2  }
0xb8: {  	s31 =	sshll.u32 s1, $0xD;
	s1 =	sshrl.u32 s1, $0x2  }
0xb9: {  	s3 =	sand.u32 $0x4000, s31;
	s1 =	sadd.s32 s1, s30  }
0xba: {  	s0 =	sor.u32 s3, s0;
	s1 =	sshll.u32 s1, $0x11  }
0xbb: {  	s0 =	sor.u32 s1, s0  }
0xbc: {  	s0 =	sadd.s32 $0x8F2B, s0  }
0xbd: {  	[sflag:s0] =	ssyncadd.remote.s32 $0x1  }
0xbe: {  	_ =	sfence.sel $0xFFFF  }
0xbf: {  	[dreg:$0x0] =	wrdreg $0xFFFFFFFF;
	(pc) =	sbr.abs _section_cstart, $3  }
0xc0: {  	[dreg:$0x1] =	wrdreg $0xFFFFFFFF  }
0xc1: {  	_ =	task.clear_ibuf [dreg:s7], $0x2FFFF;
	_ =	strace $0x9FFFFFFF  }
0xc2: {  	(tm) =	ssettm $0x7FFFFFFF  }
0xc3: {  	_ =	shalt  }
tec
execute0_lowered:
.L_overlay_start_1:
0x0: {  	(tag) =	ssettag $0x1  }
0x1: {  	s3 =	srdreg.scid  }
0x2: {  	s3 =	sand.u32 $0x1, s3  }
0x3: {  	p0 =	seq.s32 s3, $0x1  }
.Ltmp0:
0x4: {  	_ = 	snop;
	(pc) =	sbr.rel @p0 .LBB2_2-.Ltmp0, $4  }
0x5: {  	s1 =	rddreg [dreg:$0x0]  }
0x6: {  	s0 =	rddreg [dreg:$0x1];
	s2 =	simm.s32 $0x0  }
0x7: {  	[smem:$0x7FF] =	sst s2  }
0x8: {  	s4 =	rddreg [dreg:$0x2];
	s5 =	stileid.u32;
	_ =	strace $0x80000047  }
0x9: {  	s3 =	smul.u32 $0x1800, s5  }
0xa: {  	s4 =	sadd.s32 $0x4200, s0;
	s18 =	stileid.u32  }
0xb: {  	_ =	strace $0x80000048;
	s5 =	sshll.u32 s18, $0x4;
	s1 =	sadd.s32 s1, s3  }
0xc: {  	[tilespmem:s2], [sflag:$0x1] =	stream.linear.gather [hbm4b:s1+s2], $0xC000, $0x200038;
	[tilespmem:$0x18200] =	vst v63  }
0xd: {  	s19 =	sadd.s32 $0x4000, s0;
	s21 =	simm.s32 $0x18000;
	s20 =	sadd.s32 s4, s5  }
0xe: {  	[tilespmem:s21], [sflag:$0x3] =	stream.linear.gather [hbm4b:s20+s2], $0x80, $0x200038;
	[tilespmem:$0x18200] =	vst v63  }
0xf: {  	s22 =	simm.s32 $0x18100;
	s1 =	sadd.s32 s19, s5  }
0x10: {  	[tilespmem:s22], [sflag:$0x5] =	stream.linear.gather [hbm4b:s1+s2], $0x80, $0x200038;
	[tilespmem:$0x18200] =	vst v63  }
0x11: {  	_ =	strace $0x90000048  }
0x12: {  	s23 =	simm.s32 $0x1;
	_ =	strace $0x8000004C  }
0x13: {  	_ =	swait.ge [sflag:s23], $0xC000  }
0x14: {  	[sflag:s23] =	ssyncset.done $0x0  }
0x15: {  	[sflag:s23] =	ssyncadd.s32 $0xFFFF4000  }
0x16: {  	_ =	strace $0x9000004C  }
0x17: {  	s24 =	simm.s32 $0x3;
	_ =	strace $0x8000004D  }
0x18: {  	_ =	swait.ge [sflag:s24], $0x80  }
0x19: {  	[sflag:s24] =	ssyncset.done $0x0  }
0x1a: {  	[sflag:s24] =	ssyncadd.s32 $0xFFFFFF80  }
0x1b: {  	_ =	strace $0x9000004D  }
0x1c: {  	s25 =	simm.s32 $0x5;
	_ =	strace $0x8000004E  }
0x1d: {  	_ =	swait.ge [sflag:s25], $0x80  }
0x1e: {  	[sflag:s25] =	ssyncset.done $0x0  }
0x1f: {  	[sflag:s25] =	ssyncadd.s32 $0xFFFFFF80  }
0x20: {  	_ =	strace $0x9000004E  }
0x21: {  	_ =	strace $0x8000004F  }
0x22: {  	v0 =	vld [tilespmem:$0x18000];
	_ =	sdelay $0x4  }
0x23: {  	v1 =	vshrl.u32 v0, $0x3  }
0x24: {  	v1 =	vmul.u32 $0x18, v1  }
0x25: {  	v2 =	vlaneseq.u32;
	v0 =	vand.u32 $0x7, v0  }
0x26: {  	v46 =	vand.u32 $0x7, v2;
	v47 =	vshrl.u32 v2, $0x3;
	v3 =	vor.u32 v0, v1  }
0x27: {  	v1 =	vmul.u32 $0x8, v47;
	v4 =	vperm.xlane v3, v46;
	_ =	sdelay $0x1  }
0x28: {  	v4 =	vadd.s32 v1, v4  }
0x29: {  	v2 =	vor.u32 $0x8, v2  }
0x2a: {  	v3 =	vperm.xlane v3, v2;
	_ =	sdelay $0x1  }
0x2b: {  	vm0 =	vmmov $0xffff;
	s3 =	sadd.s32 $0x4400, s0;
	v3 =	vadd.s32 v1, v3  }
0x2c: {  	[hbm4b:s3+s2] =	stream.indirect_vreg.scatter [tilespmem:s2], [sflag:$0x7], $0x80, v4, vm0, $0x2000b8;
	[tilespmem:$0x18200] =	vst v63  }
0x2d: {  	vm1 =	vmmov $0xff;
	s26 =	simm.s32 $0x800;
	s4 =	sadd.s32 $0x100, s3  }
0x2e: {  	[hbm4b:s4+s2] =	stream.indirect_vreg.scatter [tilespmem:s26], [sflag:$0x7], $0x80, v4, vm1, $0x2000b8;
	[tilespmem:$0x18200] =	vst v63  }
0x2f: {  	s28 =	simm.s32 $0xC00  }
0x30: {  	[hbm4b:s3+s2] =	stream.indirect_vreg.scatter [tilespmem:s28], [sflag:$0x7], $0x80, v3, vm0, $0x2000b8;
	[tilespmem:$0x18200] =	vst v63  }
0x31: {  	s29 =	simm.s32 $0x1400  }
0x32: {  	[hbm4b:s4+s2] =	stream.indirect_vreg.scatter [tilespmem:s29], [sflag:$0x7], $0x80, v3, vm1, $0x2000b8;
	[tilespmem:$0x18200] =	vst v63  }
0x33: {  	v3 =	vld [tilespmem:$0x18010];
	_ =	sdelay $0x4  }
0x34: {  	v48 =	vshrl.u32 v3, $0x3  }
0x35: {  	v4 =	vmul.u32 $0x18, v48  }
0x36: {  	v3 =	vand.u32 $0x7, v3  }
0x37: {  	v3 =	vor.u32 v3, v4  }
0x38: {  	v4 =	vperm.xlane v3, v46;
	_ =	sdelay $0x1  }
0x39: {  	v4 =	vadd.s32 v1, v4;
	_ =	sdelay $0x1  }
0x3a: {  	v3 =	vperm.xlane v3, v2;
	_ =	sdelay $0x1  }
0x3b: {  	s30 =	simm.s32 $0x1800;
	v3 =	vadd.s32 v1, v3  }
0x3c: {  	[hbm4b:s3+s2] =	stream.indirect_vreg.scatter [tilespmem:s30], [sflag:$0x7], $0x80, v4, vm0, $0x2000b8;
	[tilespmem:$0x18200] =	vst v63  }
0x3d: {  	s31 =	simm.s32 $0x2000  }
0x3e: {  	[hbm4b:s4+s2] =	stream.indirect_vreg.scatter [tilespmem:s31], [sflag:$0x7], $0x80, v4, vm1, $0x2000b8;
	[tilespmem:$0x18200] =	vst v63  }
0x3f: {  	s10 =	simm.s32 $0x2400  }
0x40: {  	[hbm4b:s3+s2] =	stream.indirect_vreg.scatter [tilespmem:s10], [sflag:$0x7], $0x80, v3, vm0, $0x2000b8;
	[tilespmem:$0x18200] =	vst v63  }
0x41: {  	s11 =	simm.s32 $0x2C00  }
0x42: {  	[hbm4b:s4+s2] =	stream.indirect_vreg.scatter [tilespmem:s11], [sflag:$0x7], $0x80, v3, vm1, $0x2000b8;
	[tilespmem:$0x18200] =	vst v63  }
0x43: {  	v3 =	vld [tilespmem:$0x18020];
	_ =	sdelay $0x4  }
0x44: {  	v49 =	vshrl.u32 v3, $0x3  }
0x45: {  	v4 =	vmul.u32 $0x18, v49  }
0x46: {  	v3 =	vand.u32 $0x7, v3  }
0x47: {  	v3 =	vor.u32 v3, v4  }
0x48: {  	v4 =	vperm.xlane v3, v46;
	_ =	sdelay $0x1  }
0x49: {  	v4 =	vadd.s32 v1, v4;
	_ =	sdelay $0x1  }
0x4a: {  	v3 =	vperm.xlane v3, v2;
	_ =	sdelay $0x1  }
0x4b: {  	s12 =	simm.s32 $0x3000;
	v3 =	vadd.s32 v1, v3  }
0x4c: {  	[hbm4b:s3+s2] =	stream.indirect_vreg.scatter [tilespmem:s12], [sflag:$0x7], $0x80, v4, vm0, $0x2000b8;
	[tilespmem:$0x18200] =	vst v63  }
0x4d: {  	s13 =	simm.s32 $0x3800  }
0x4e: {  	[hbm4b:s4+s2] =	stream.indirect_vreg.scatter [tilespmem:s13], [sflag:$0x7], $0x80, v4, vm1, $0x2000b8;
	[tilespmem:$0x18200] =	vst v63  }
0x4f: {  	s14 =	simm.s32 $0x3C00  }
0x50: {  	[hbm4b:s3+s2] =	stream.indirect_vreg.scatter [tilespmem:s14], [sflag:$0x7], $0x80, v3, vm0, $0x2000b8;
	[tilespmem:$0x18200] =	vst v63  }
0x51: {  	s15 =	simm.s32 $0x4400  }
0x52: {  	[hbm4b:s4+s2] =	stream.indirect_vreg.scatter [tilespmem:s15], [sflag:$0x7], $0x80, v3, vm1, $0x2000b8;
	[tilespmem:$0x18200] =	vst v63  }
0x53: {  	v3 =	vld [tilespmem:$0x18030];
	_ =	sdelay $0x4  }
0x54: {  	v50 =	vshrl.u32 v3, $0x3  }
0x55: {  	v4 =	vmul.u32 $0x18, v50  }
0x56: {  	v3 =	vand.u32 $0x7, v3  }
0x57: {  	v3 =	vor.u32 v3, v4  }
0x58: {  	v4 =	vperm.xlane v3, v46;
	_ =	sdelay $0x1  }
0x59: {  	v4 =	vadd.s32 v1, v4;
	_ =	sdelay $0x1  }
0x5a: {  	v3 =	vperm.xlane v3, v2;
	_ =	sdelay $0x1  }
0x5b: {  	s16 =	simm.s32 $0x4800;
	v3 =	vadd.s32 v1, v3  }
0x5c: {  	[hbm4b:s3+s2] =	stream.indirect_vreg.scatter [tilespmem:s16], [sflag:$0x7], $0x80, v4, vm0, $0x2000b8;
	[tilespmem:$0x18200] =	vst v63  }
0x5d: {  	s17 =	simm.s32 $0x5000  }
0x5e: {  	[hbm4b:s4+s2] =	stream.indirect_vreg.scatter [tilespmem:s17], [sflag:$0x7], $0x80, v4, vm1, $0x2000b8;
	[tilespmem:$0x18200] =	vst v63  }
0x5f: {  	s18 =	simm.s32 $0x5400  }
0x60: {  	[hbm4b:s3+s2] =	stream.indirect_vreg.scatter [tilespmem:s18], [sflag:$0x7], $0x80, v3, vm0, $0x2000b8;
	[tilespmem:$0x18200] =	vst v63  }
0x61: {  	s19 =	simm.s32 $0x5C00  }
0x62: {  	[hbm4b:s4+s2] =	stream.indirect_vreg.scatter [tilespmem:s19], [sflag:$0x7], $0x80, v3, vm1, $0x2000b8;
	[tilespmem:$0x18200] =	vst v63  }
0x63: {  	v3 =	vld [tilespmem:$0x18040];
	_ =	sdelay $0x4  }
0x64: {  	v51 =	vshrl.u32 v3, $0x3  }
0x65: {  	v4 =	vmul.u32 $0x18, v51  }
0x66: {  	v3 =	vand.u32 $0x7, v3  }
0x67: {  	v3 =	vor.u32 v3, v4  }
0x68: {  	v4 =	vperm.xlane v3, v46;
	_ =	sdelay $0x1  }
0x69: {  	v4 =	vadd.s32 v1, v4;
	_ =	sdelay $0x1  }
0x6a: {  	v3 =	vperm.xlane v3, v2;
	_ =	sdelay $0x1  }
0x6b: {  	s20 =	simm.s32 $0x6000;
	v3 =	vadd.s32 v1, v3  }
0x6c: {  	[hbm4b:s3+s2] =	stream.indirect_vreg.scatter [tilespmem:s20], [sflag:$0x7], $0x80, v4, vm0, $0x2000b8;
	[tilespmem:$0x18200] =	vst v63  }
0x6d: {  	s21 =	simm.s32 $0x6800  }
0x6e: {  	[hbm4b:s4+s2] =	stream.indirect_vreg.scatter [tilespmem:s21], [sflag:$0x7], $0x80, v4, vm1, $0x2000b8;
	[tilespmem:$0x18200] =	vst v63  }
0x6f: {  	s22 =	simm.s32 $0x6C00  }
0x70: {  	[hbm4b:s3+s2] =	stream.indirect_vreg.scatter [tilespmem:s22], [sflag:$0x7], $0x80, v3, vm0, $0x2000b8;
	[tilespmem:$0x18200] =	vst v63  }
0x71: {  	s23 =	simm.s32 $0x7400  }
0x72: {  	[hbm4b:s4+s2] =	stream.indirect_vreg.scatter [tilespmem:s23], [sflag:$0x7], $0x80, v3, vm1, $0x2000b8;
	[tilespmem:$0x18200] =	vst v63  }
0x73: {  	v3 =	vld [tilespmem:$0x18050];
	_ =	sdelay $0x4  }
0x74: {  	v52 =	vshrl.u32 v3, $0x3  }
0x75: {  	v4 =	vmul.u32 $0x18, v52  }
0x76: {  	v3 =	vand.u32 $0x7, v3  }
0x77: {  	v3 =	vor.u32 v3, v4  }
0x78: {  	v4 =	vperm.xlane v3, v46;
	_ =	sdelay $0x1  }
0x79: {  	v4 =	vadd.s32 v1, v4;
	_ =	sdelay $0x1  }
0x7a: {  	v3 =	vperm.xlane v3, v2;
	_ =	sdelay $0x1  }
0x7b: {  	s24 =	simm.s32 $0x7800;
	v3 =	vadd.s32 v1, v3  }
0x7c: {  	[hbm4b:s3+s2] =	stream.indirect_vreg.scatter [tilespmem:s24], [sflag:$0x7], $0x80, v4, vm0, $0x2000b8;
	[tilespmem:$0x18200] =	vst v63  }
0x7d: {  	s25 =	simm.s32 $0x8000  }
0x7e: {  	[hbm4b:s4+s2] =	stream.indirect_vreg.scatter [tilespmem:s25], [sflag:$0x7], $0x80, v4, vm1, $0x2000b8;
	[tilespmem:$0x18200] =	vst v63  }
0x7f: {  	s26 =	simm.s32 $0x8400  }
0x80: {  	[hbm4b:s3+s2] =	stream.indirect_vreg.scatter [tilespmem:s26], [sflag:$0x7], $0x80, v3, vm0, $0x2000b8;
	[tilespmem:$0x18200] =	vst v63  }
0x81: {  	s28 =	simm.s32 $0x8C00  }
0x82: {  	[hbm4b:s4+s2] =	stream.indirect_vreg.scatter [tilespmem:s28], [sflag:$0x7], $0x80, v3, vm1, $0x2000b8;
	[tilespmem:$0x18200] =	vst v63  }
0x83: {  	v3 =	vld [tilespmem:$0x18060];
	_ =	sdelay $0x4  }
0x84: {  	v53 =	vshrl.u32 v3, $0x3  }
0x85: {  	v4 =	vmul.u32 $0x18, v53  }
0x86: {  	v3 =	vand.u32 $0x7, v3  }
0x87: {  	v3 =	vor.u32 v3, v4  }
0x88: {  	v4 =	vperm.xlane v3, v46;
	_ =	sdelay $0x1  }
0x89: {  	v4 =	vadd.s32 v1, v4;
	_ =	sdelay $0x1  }
0x8a: {  	v3 =	vperm.xlane v3, v2;
	_ =	sdelay $0x1  }
0x8b: {  	s29 =	simm.s32 $0x9000;
	v3 =	vadd.s32 v1, v3  }
0x8c: {  	[hbm4b:s3+s2] =	stream.indirect_vreg.scatter [tilespmem:s29], [sflag:$0x7], $0x80, v4, vm0, $0x2000b8;
	[tilespmem:$0x18200] =	vst v63  }
0x8d: {  	s30 =	simm.s32 $0x9800  }
0x8e: {  	[hbm4b:s4+s2] =	stream.indirect_vreg.scatter [tilespmem:s30], [sflag:$0x7], $0x80, v4, vm1, $0x2000b8;
	[tilespmem:$0x18200] =	vst v63  }
0x8f: {  	s31 =	simm.s32 $0x9C00  }
0x90: {  	[hbm4b:s3+s2] =	stream.indirect_vreg.scatter [tilespmem:s31], [sflag:$0x7], $0x80, v3, vm0, $0x2000b8;
	[tilespmem:$0x18200] =	vst v63  }
0x91: {  	s0 =	simm.s32 $0xA400  }
0x92: {  	[hbm4b:s4+s2] =	stream.indirect_vreg.scatter [tilespmem:s0], [sflag:$0x7], $0x80, v3, vm1, $0x2000b8;
	[tilespmem:$0x18200] =	vst v63  }
0x93: {  	v3 =	vld [tilespmem:$0x18070];
	_ =	sdelay $0x4  }
0x94: {  	v54 =	vshrl.u32 v3, $0x3  }
0x95: {  	v4 =	vmul.u32 $0x18, v54  }
0x96: {  	v3 =	vand.u32 $0x7, v3  }
0x97: {  	v3 =	vor.u32 v3, v4  }
0x98: {  	v4 =	vperm.xlane v3, v46;
	_ =	sdelay $0x1  }
0x99: {  	v4 =	vadd.s32 v1, v4;
	_ =	sdelay $0x1  }
0x9a: {  	v3 =	vperm.xlane v3, v2;
	_ =	sdelay $0x1  }
0x9b: {  	s1 =	simm.s32 $0xA800;
	v3 =	vadd.s32 v1, v3  }
0x9c: {  	[hbm4b:s3+s2] =	stream.indirect_vreg.scatter [tilespmem:s1], [sflag:$0x7], $0x80, v4, vm0, $0x2000b8;
	[tilespmem:$0x18200] =	vst v63  }
0x9d: {  	s5 =	simm.s32 $0xB000  }
0x9e: {  	[hbm4b:s4+s2] =	stream.indirect_vreg.scatter [tilespmem:s5], [sflag:$0x7], $0x80, v4, vm1, $0x2000b8;
	[tilespmem:$0x18200] =	vst v63  }
0x9f: {  	s6 =	simm.s32 $0xB400  }
0xa0: {  	[hbm4b:s3+s2] =	stream.indirect_vreg.scatter [tilespmem:s6], [sflag:$0x7], $0x80, v3, vm0, $0x2000b8;
	[tilespmem:$0x18200] =	vst v63  }
0xa1: {  	s8 =	simm.s32 $0xBC00;
	s7 =	simm.s32 $0x7  }
0xa2: {  	[hbm4b:s4+s2] =	stream.indirect_vreg.scatter [tilespmem:s8], [sflag:$0x7], $0x80, v3, vm1, $0x2000b8;
	[tilespmem:$0x18200] =	vst v63  }
0xa3: {  	_ =	swait.ge [sflag:s7], $0xC000  }
0xa4: {  	[sflag:s7] =	ssyncset.done $0x0  }
0xa5: {  	[sflag:s7] =	ssyncadd.s32 $0xFFFF4000  }
0xa6: {  	v55 =	vld [tilespmem:$0x18100];
	_ =	sdelay $0x4  }
0xa7: {  	v56 =	vshrl.u32 v55, $0x3  }
0xa8: {  	v4 =	vmul.u32 $0x18, v56  }
0xa9: {  	v3 =	vand.u32 $0x7, v55  }
0xaa: {  	v3 =	vor.u32 v3, v4  }
0xab: {  	v4 =	vperm.xlane v3, v46;
	_ =	sdelay $0x1  }
0xac: {  	v4 =	vadd.s32 v1, v4;
	_ =	sdelay $0x1  }
0xad: {  	v3 =	vperm.xlane v3, v2;
	_ =	sdelay $0x1  }
0xae: {  	v3 =	vadd.s32 v1, v3  }
0xaf: {  	[hbm4b:s3+s2] =	stream.indirect_vreg.scatter [tilespmem:s2], [sflag:$0x7], $0x80, v4, vm0, $0x2000b8;
	[tilespmem:$0x18200] =	vst v63  }
0xb0: {  	s9 =	simm.s32 $0x800  }
0xb1: {  	[hbm4b:s4+s2] =	stream.indirect_vreg.scatter [tilespmem:s9], [sflag:$0x7], $0x80, v4, vm1, $0x2000b8;
	[tilespmem:$0x18200] =	vst v63  }
0xb2: {  	s9 =	simm.s32 $0xC00  }
0xb3: {  	[hbm4b:s3+s2] =	stream.indirect_vreg.scatter [tilespmem:s9], [sflag:$0x7], $0x80, v3, vm0, $0x2000b8;
	[tilespmem:$0x18200] =	vst v63  }
0xb4: {  	s9 =	simm.s32 $0x1400  }
0xb5: {  	[hbm4b:s4+s2] =	stream.indirect_vreg.scatter [tilespmem:s9], [sflag:$0x7], $0x80, v3, vm1, $0x2000b8;
	[tilespmem:$0x18200] =	vst v63  }
0xb6: {  	v3 =	vld [tilespmem:$0x18110];
	_ =	sdelay $0x4  }
0xb7: {  	v57 =	vshrl.u32 v3, $0x3  }
0xb8: {  	v4 =	vmul.u32 $0x18, v57  }
0xb9: {  	v3 =	vand.u32 $0x7, v3  }
0xba: {  	v3 =	vor.u32 v3, v4  }
0xbb: {  	v4 =	vperm.xlane v3, v46;
	_ =	sdelay $0x1  }
0xbc: {  	v4 =	vadd.s32 v1, v4;
	_ =	sdelay $0x1  }
0xbd: {  	v3 =	vperm.xlane v3, v2;
	_ =	sdelay $0x1  }
0xbe: {  	s9 =	simm.s32 $0x1800;
	v3 =	vadd.s32 v1, v3  }
0xbf: {  	[hbm4b:s3+s2] =	stream.indirect_vreg.scatter [tilespmem:s9], [sflag:$0x7], $0x80, v4, vm0, $0x2000b8;
	[tilespmem:$0x18200] =	vst v63  }
0xc0: {  	s9 =	simm.s32 $0x2000  }
0xc1: {  	[hbm4b:s4+s2] =	stream.indirect_vreg.scatter [tilespmem:s9], [sflag:$0x7], $0x80, v4, vm1, $0x2000b8;
	[tilespmem:$0x18200] =	vst v63  }
0xc2: {  	_ = 	snop  }
0xc3: {  	[hbm4b:s3+s2] =	stream.indirect_vreg.scatter [tilespmem:s10], [sflag:$0x7], $0x80, v3, vm0, $0x2000b8;
	[tilespmem:$0x18200] =	vst v63  }
0xc4: {  	_ = 	snop  }
0xc5: {  	[hbm4b:s4+s2] =	stream.indirect_vreg.scatter [tilespmem:s11], [sflag:$0x7], $0x80, v3, vm1, $0x2000b8;
	[tilespmem:$0x18200] =	vst v63  }
0xc6: {  	v3 =	vld [tilespmem:$0x18120];
	_ =	sdelay $0x4  }
0xc7: {  	v58 =	vshrl.u32 v3, $0x3  }
0xc8: {  	v4 =	vmul.u32 $0x18, v58  }
0xc9: {  	v3 =	vand.u32 $0x7, v3  }
0xca: {  	v3 =	vor.u32 v3, v4  }
0xcb: {  	v4 =	vperm.xlane v3, v46;
	_ =	sdelay $0x1  }
0xcc: {  	v4 =	vadd.s32 v1, v4;
	_ =	sdelay $0x1  }
0xcd: {  	v3 =	vperm.xlane v3, v2;
	_ =	sdelay $0x1  }
0xce: {  	v3 =	vadd.s32 v1, v3  }
0xcf: {  	[hbm4b:s3+s2] =	stream.indirect_vreg.scatter [tilespmem:s12], [sflag:$0x7], $0x80, v4, vm0, $0x2000b8;
	[tilespmem:$0x18200] =	vst v63  }
0xd0: {  	_ = 	snop  }
0xd1: {  	[hbm4b:s4+s2] =	stream.indirect_vreg.scatter [tilespmem:s13], [sflag:$0x7], $0x80, v4, vm1, $0x2000b8;
	[tilespmem:$0x18200] =	vst v63  }
0xd2: {  	_ = 	snop  }
0xd3: {  	[hbm4b:s3+s2] =	stream.indirect_vreg.scatter [tilespmem:s14], [sflag:$0x7], $0x80, v3, vm0, $0x2000b8;
	[tilespmem:$0x18200] =	vst v63  }
0xd4: {  	_ = 	snop  }
0xd5: {  	[hbm4b:s4+s2] =	stream.indirect_vreg.scatter [tilespmem:s15], [sflag:$0x7], $0x80, v3, vm1, $0x2000b8;
	[tilespmem:$0x18200] =	vst v63  }
0xd6: {  	v3 =	vld [tilespmem:$0x18130];
	_ =	sdelay $0x4  }
0xd7: {  	v59 =	vshrl.u32 v3, $0x3  }
0xd8: {  	v4 =	vmul.u32 $0x18, v59  }
0xd9: {  	v3 =	vand.u32 $0x7, v3  }
0xda: {  	v3 =	vor.u32 v3, v4  }
0xdb: {  	v4 =	vperm.xlane v3, v46;
	_ =	sdelay $0x1  }
0xdc: {  	v4 =	vadd.s32 v1, v4;
	_ =	sdelay $0x1  }
0xdd: {  	v3 =	vperm.xlane v3, v2;
	_ =	sdelay $0x1  }
0xde: {  	v3 =	vadd.s32 v1, v3  }
0xdf: {  	[hbm4b:s3+s2] =	stream.indirect_vreg.scatter [tilespmem:s16], [sflag:$0x7], $0x80, v4, vm0, $0x2000b8;
	[tilespmem:$0x18200] =	vst v63  }
0xe0: {  	_ = 	snop  }
0xe1: {  	[hbm4b:s4+s2] =	stream.indirect_vreg.scatter [tilespmem:s17], [sflag:$0x7], $0x80, v4, vm1, $0x2000b8;
	[tilespmem:$0x18200] =	vst v63  }
0xe2: {  	_ = 	snop  }
0xe3: {  	[hbm4b:s3+s2] =	stream.indirect_vreg.scatter [tilespmem:s18], [sflag:$0x7], $0x80, v3, vm0, $0x2000b8;
	[tilespmem:$0x18200] =	vst v63  }
0xe4: {  	_ = 	snop  }
0xe5: {  	[hbm4b:s4+s2] =	stream.indirect_vreg.scatter [tilespmem:s19], [sflag:$0x7], $0x80, v3, vm1, $0x2000b8;
	[tilespmem:$0x18200] =	vst v63  }
0xe6: {  	v3 =	vld [tilespmem:$0x18140];
	_ =	sdelay $0x4  }
0xe7: {  	v60 =	vshrl.u32 v3, $0x3  }
0xe8: {  	v4 =	vmul.u32 $0x18, v60  }
0xe9: {  	v3 =	vand.u32 $0x7, v3  }
0xea: {  	v3 =	vor.u32 v3, v4  }
0xeb: {  	v4 =	vperm.xlane v3, v46;
	_ =	sdelay $0x1  }
0xec: {  	v4 =	vadd.s32 v1, v4;
	_ =	sdelay $0x1  }
0xed: {  	v3 =	vperm.xlane v3, v2;
	_ =	sdelay $0x1  }
0xee: {  	v3 =	vadd.s32 v1, v3  }
0xef: {  	[hbm4b:s3+s2] =	stream.indirect_vreg.scatter [tilespmem:s20], [sflag:$0x7], $0x80, v4, vm0, $0x2000b8;
	[tilespmem:$0x18200] =	vst v63  }
0xf0: {  	_ = 	snop  }
0xf1: {  	[hbm4b:s4+s2] =	stream.indirect_vreg.scatter [tilespmem:s21], [sflag:$0x7], $0x80, v4, vm1, $0x2000b8;
	[tilespmem:$0x18200] =	vst v63  }
0xf2: {  	_ = 	snop  }
0xf3: {  	[hbm4b:s3+s2] =	stream.indirect_vreg.scatter [tilespmem:s22], [sflag:$0x7], $0x80, v3, vm0, $0x2000b8;
	[tilespmem:$0x18200] =	vst v63  }
0xf4: {  	_ = 	snop  }
0xf5: {  	[hbm4b:s4+s2] =	stream.indirect_vreg.scatter [tilespmem:s23], [sflag:$0x7], $0x80, v3, vm1, $0x2000b8;
	[tilespmem:$0x18200] =	vst v63  }
0xf6: {  	v3 =	vld [tilespmem:$0x18150];
	_ =	sdelay $0x4  }
0xf7: {  	v61 =	vshrl.u32 v3, $0x3  }
0xf8: {  	v4 =	vmul.u32 $0x18, v61  }
0xf9: {  	v3 =	vand.u32 $0x7, v3  }
0xfa: {  	v3 =	vor.u32 v3, v4  }
0xfb: {  	v4 =	vperm.xlane v3, v46;
	_ =	sdelay $0x1  }
0xfc: {  	v4 =	vadd.s32 v1, v4;
	_ =	sdelay $0x1  }
0xfd: {  	v3 =	vperm.xlane v3, v2;
	_ =	sdelay $0x1  }
0xfe: {  	v3 =	vadd.s32 v1, v3  }
0xff: {  	[hbm4b:s3+s2] =	stream.indirect_vreg.scatter [tilespmem:s24], [sflag:$0x7], $0x80, v4, vm0, $0x2000b8;
	[tilespmem:$0x18200] =	vst v63  }
0x100: {  	_ = 	snop  }
0x101: {  	[hbm4b:s4+s2] =	stream.indirect_vreg.scatter [tilespmem:s25], [sflag:$0x7], $0x80, v4, vm1, $0x2000b8;
	[tilespmem:$0x18200] =	vst v63  }
0x102: {  	_ = 	snop  }
0x103: {  	[hbm4b:s3+s2] =	stream.indirect_vreg.scatter [tilespmem:s26], [sflag:$0x7], $0x80, v3, vm0, $0x2000b8;
	[tilespmem:$0x18200] =	vst v63  }
0x104: {  	_ = 	snop  }
0x105: {  	[hbm4b:s4+s2] =	stream.indirect_vreg.scatter [tilespmem:s28], [sflag:$0x7], $0x80, v3, vm1, $0x2000b8;
	[tilespmem:$0x18200] =	vst v63  }
0x106: {  	v3 =	vld [tilespmem:$0x18160];
	_ =	sdelay $0x4  }
0x107: {  	v62 =	vshrl.u32 v3, $0x3  }
0x108: {  	v4 =	vmul.u32 $0x18, v62  }
0x109: {  	v3 =	vand.u32 $0x7, v3  }
0x10a: {  	v3 =	vor.u32 v3, v4  }
0x10b: {  	v4 =	vperm.xlane v3, v46;
	_ =	sdelay $0x1  }
0x10c: {  	v4 =	vadd.s32 v1, v4;
	_ =	sdelay $0x1  }
0x10d: {  	v3 =	vperm.xlane v3, v2;
	_ =	sdelay $0x1  }
0x10e: {  	v3 =	vadd.s32 v1, v3  }
0x10f: {  	[hbm4b:s3+s2] =	stream.indirect_vreg.scatter [tilespmem:s29], [sflag:$0x7], $0x80, v4, vm0, $0x2000b8;
	[tilespmem:$0x18200] =	vst v63  }
0x110: {  	_ = 	snop  }
0x111: {  	[hbm4b:s4+s2] =	stream.indirect_vreg.scatter [tilespmem:s30], [sflag:$0x7], $0x80, v4, vm1, $0x2000b8;
	[tilespmem:$0x18200] =	vst v63  }
0x112: {  	_ = 	snop  }
0x113: {  	[hbm4b:s3+s2] =	stream.indirect_vreg.scatter [tilespmem:s31], [sflag:$0x7], $0x80, v3, vm0, $0x2000b8;
	[tilespmem:$0x18200] =	vst v63  }
0x114: {  	_ = 	snop  }
0x115: {  	[hbm4b:s4+s2] =	stream.indirect_vreg.scatter [tilespmem:s0], [sflag:$0x7], $0x80, v3, vm1, $0x2000b8;
	[tilespmem:$0x18200] =	vst v63  }
0x116: {  	v3 =	vld [tilespmem:$0x18170];
	_ =	sdelay $0x4  }
0x117: {  	v63 =	vshrl.u32 v3, $0x3  }
0x118: {  	v4 =	vmul.u32 $0x18, v63  }
0x119: {  	v3 =	vand.u32 $0x7, v3  }
0x11a: {  	v3 =	vor.u32 v3, v4  }
0x11b: {  	v0 =	vperm.xlane v3, v46;
	_ =	sdelay $0x1  }
0x11c: {  	v0 =	vadd.s32 v1, v0;
	_ =	sdelay $0x1  }
0x11d: {  	v2 =	vperm.xlane v3, v2;
	_ =	sdelay $0x1  }
0x11e: {  	v1 =	vadd.s32 v1, v2  }
0x11f: {  	[hbm4b:s3+s2] =	stream.indirect_vreg.scatter [tilespmem:s1], [sflag:$0x7], $0x80, v0, vm0, $0x2000b8;
	[tilespmem:$0x18200] =	vst v63  }
0x120: {  	_ = 	snop  }
0x121: {  	[hbm4b:s4+s2] =	stream.indirect_vreg.scatter [tilespmem:s5], [sflag:$0x7], $0x80, v0, vm1, $0x2000b8;
	[tilespmem:$0x18200] =	vst v63  }
0x122: {  	_ = 	snop  }
0x123: {  	[hbm4b:s3+s2] =	stream.indirect_vreg.scatter [tilespmem:s6], [sflag:$0x7], $0x80, v1, vm0, $0x2000b8;
	[tilespmem:$0x18200] =	vst v63  }
0x124: {  	_ = 	snop  }
0x125: {  	[hbm4b:s4+s2] =	stream.indirect_vreg.scatter [tilespmem:s8], [sflag:$0x7], $0x80, v1, vm1, $0x2000b8;
	[tilespmem:$0x18200] =	vst v63  }
0x126: {  	s4 =	rddreg [dreg:$0x2];
	_ =	swait.ge [sflag:s7], $0xC000  }
0x127: {  	[sflag:s7] =	ssyncset.done $0x0  }
0x128: {  	[sflag:s7] =	ssyncadd.s32 $0xFFFF4000  }
0x129: {  	s5 =	stileid.u32;
	_ =	strace $0x9000004F  }
.LBB2_2:
0x12a: {  	_ =	sfence.sel $0x180000  }
0x12b: {  	[bflag:$0x0] =	sbarrier.arrive $0xFFFF  }
0x12c: {  	p0 =	sne.s32 s5, $0x0;
	_ =	strace $0x90000047  }
0x12d: {  	s0 =	sadd.s32 @!p0 $0x100000, s4;
	[bflag:$0x2] =	sbarrier.arrive $0xFFFF  }
0x12e: {  	[sflag:s0] =	ssyncadd.tile.s32 @!p0 $0x1;
	_ =	shalt  }
.Lfunc_end2:
_tile_overlayer_lowered:
.L_overlay_start_2:
0x12f: {  	(tag) =	ssettag $0x2  }
0x130: {  	s0 =	rddreg [dreg:$0x0];
	s2 =	stileid.u32  }
0x131: {  	s1 =	rddreg [dreg:$0x1];
	p0 =	sne.s32 s2, $0x0  }
0x132: {  	s3 =	rddreg [dreg:$0x2];
	[bflag:$0x3] =	sbarrier.arrive $0xFFFF;
	s2 =	simm.s32 @!p0 $0x1C01  }
0x133: {  	[timem:s3], [sflag:s2] =	dma.local @!p0 [hbm:s0], s1  }
0x134: {  	s0 =	simm.s32 @!p0 $0x1  }
0x135: {  	_ =	swait.ge @!p0 [sflag:s0], s1  }
0x136: {  	s1 =	ssub.s32 @!p0 $0x0, s1;
	[sflag:s0] =	ssyncset.done @!p0 $0x0  }
0x137: {  	[sflag:s0] =	ssyncadd.s32 @!p0 s1  }
0x138: {  	[bflag:$0x3] =	sbarrier.arrive $0xFFFF  }
0x139: {  	_ =	shalt  }

// kernel: kernel.13.cloned.1.call-start
scs
__scs_entry_jumppad:
0x0: {  	(pc) =	sbr.rel $0x88, $3  }
0x1: {  	(tag) =	ssettag $0x0;
	lr =	simm.s32 $0x1  }
0x2: {  	[smem:$0x3F96] =	sst lr;
	_ =	strace $0xD0000000  }
0x3: {  	_ = 	snop  }
0x4: {  	_ = 	snop  }
0x5: {  	_ = 	snop  }
0x6: {  	_ = 	snop  }
0x7: {  	_ = 	snop  }
__scs_overlays_trampoline_lowered:
0x8: {  	[smem:$0x3FA5] =	sst s0  }
0x9: {  	[smem:$0x3FA6] =	sst s1  }
0xa: {  	[smem:$0x3FA7] =	sst s2  }
0xb: {  	[smem:$0x3FA8] =	sst s3  }
0xc: {  	[smem:$0x3FA9] =	sst s4  }
0xd: {  	[smem:$0x3FAA] =	sst s5  }
0xe: {  	[smem:$0x3FAB] =	sst s6  }
0xf: {  	[smem:$0x3FAC] =	sst s7  }
0x10: {  	[smem:$0x3FAD] =	sst s8  }
0x11: {  	[smem:$0x3FAE] =	sst s9;
	s0 =	simm.s32 @!p0 $0x0  }
0x12: {  	s1 =	sld [smem:$0x3F94];
	s0 =	simm.s32 @p0 $0x1  }
0x13: {  	[smem:$0x3FAF] =	sst s0;
	s0 =	simm.s32 @!p1 $0x0  }
0x14: {  	s2 =	sld [smem:$0x3F93];
	s0 =	simm.s32 @p1 $0x1  }
0x15: {  	[smem:$0x3FB0] =	sst s0;
	s0 =	simm.s32 @!p2 $0x0  }
0x16: {  	s3 =	sld [smem:$0x3FDB];
	s0 =	simm.s32 @p2 $0x1  }
0x17: {  	s4 =	simm.s32 $0x1BF5;
	[smem:$0x3FB2] =	sst s0  }
0x18: {  	s0 =	sld [smem:$0x3F95];
	_ =	swait.ge [sflag:s4], $0x0  }
0x19: {  	s7 =	sld [smem:$0x3F96]  }
0x1a: {  	s8 =	sadd.s32 $0xFFFFE003, lr  }
0x1b: {  	s9 =	sadd.s32 $0xFFFFFEF7, lr;
	s5 =	simm.s32 $0xFFFFFFFF;
	p2 =	slt.u32 s8, $0xFFFFF086  }
0x1c: {  	p1 =	slt.u32 s9, $0xF7A;
	s5 =	simm.s32 @!p2 $0x0  }
0x1d: {  	s5 =	simm.s32 @p1 $0x1;
	p0 =	seq.s32 s7, s2  }
0x1e: {  	s7 =	smul.u32 @!p0 $0xF7A, s2;
	p2 =	seq.s32 @!p0 s5, $0x0  }
0x1f: {  	s9 =	smul.u32 $0xF7A, s1;
	s8 =	simm.s32 @!p0 $0x1BF5;
	p2 =	por !p2, p0  }
0x20: {  	[sflag:s8] =	ssyncset.s32 @!p0 $0xFFFFF086;
	s6 =	sadd.s32 @!p0 s3, s7;
	s7 =	simm.s32 @!p0 $0x108  }
0x21: {  	s3 =	sadd.s32 s3, s9;
	s6 =	sadd.s32 @!p0 $0x88, s6;
	s7 =	simm.s32 @p2 $0x1082  }
0x22: {  	[simem:s7], [sflag:s8] =	dma.local @!p0 [hbm:s6], $0xF7A  }
0x23: {  	s9 =	sor.u32 $0xD0000000, s2;
	s6 =	simm.s32 $0x108;
	_ =	swait.ge @!p0 [sflag:s8], $0x0  }
0x24: {  	s3 =	sadd.s32 $0x88, s3;
	s6 =	simm.s32 @!p1 $0x1082;
	[sflag:s4] =	ssyncset.s32 $0xFFFFF086  }
0x25: {  	[simem:s6], [sflag:s4] =	dma.local [hbm:s3], $0xF7A  }
0x26: {  	[smem:$0x3F96] =	sst s1;
	(tag) =	ssettag s2;
	_ =	strace s9  }
0x27: {  	s1 =	sld [smem:$0x3FA6]  }
0x28: {  	s2 =	sld [smem:$0x3FA7]  }
0x29: {  	s4 =	sld [smem:$0x3FA9]  }
0x2a: {  	p0 =	seq.s32 s5, $0x0;
	s5 =	sld [smem:$0x3FAA]  }
0x2b: {  	s6 =	sld [smem:$0x3FAB]  }
0x2c: {  	s7 =	sld [smem:$0x3FAC]  }
0x2d: {  	s3 =	simm.s32 $0x108;
	s8 =	sld [smem:$0x3FAD]  }
0x2e: {  	s3 =	simm.s32 @!p0 $0x1082;
	s9 =	sld [smem:$0x3FAE]  }
0x2f: {  	lr =	sadd.s32 s0, s3;
	s0 =	sld [smem:$0x3FA5]  }
0x30: {  	s3 =	sld [smem:$0x3FA8]  }
0x31: {  	[smem:$0x3FB1] =	sst s10  }
0x32: {  	s10 =	sld [smem:$0x3FAF];
	_ =	sdelay $0x3  }
0x33: {  	p0 =	seq.s32 s10, $0x1;
	s10 =	sld [smem:$0x3FB1];
	_ =	sdelay $0x3  }
0x34: {  	[smem:$0x3FB1] =	sst s10  }
0x35: {  	s10 =	sld [smem:$0x3FB0];
	_ =	sdelay $0x3  }
0x36: {  	p1 =	seq.s32 s10, $0x1;
	s10 =	sld [smem:$0x3FB1];
	_ =	sdelay $0x3  }
0x37: {  	[smem:$0x3FB1] =	sst s10  }
0x38: {  	s10 =	sld [smem:$0x3FB2]  }
0x39: {  	_ = 	snop;
	(pc) =	sbr.ind lr, $3  }
0x3a: {  	_ = 	snop  }
0x3b: {  	_ = 	snop  }
0x3c: {  	p2 =	seq.s32 s10, $0x1;
	s10 =	sld [smem:$0x3FB1]  }
0x3d: {  	_ =	shalt  }
0x3e: {  	_ =	shalt  }
0x3f: {  	_ =	shalt  }
0x40: {  	_ =	shalt  }
0x41: {  	_ =	shalt  }
0x42: {  	_ =	shalt  }
0x43: {  	_ =	shalt  }
0x44: {  	_ =	shalt  }
0x45: {  	_ =	shalt  }
0x46: {  	_ =	shalt  }
0x47: {  	_ =	shalt  }
0x48: {  	_ =	shalt  }
0x49: {  	_ =	shalt  }
0x4a: {  	_ =	shalt  }
0x4b: {  	_ =	shalt  }
0x4c: {  	_ =	shalt  }
0x4d: {  	_ =	shalt  }
0x4e: {  	_ =	shalt  }
0x4f: {  	_ =	shalt  }
0x50: {  	_ =	shalt  }
0x51: {  	_ =	shalt  }
0x52: {  	_ =	shalt  }
0x53: {  	_ =	shalt  }
0x54: {  	_ =	shalt  }
0x55: {  	_ =	shalt  }
0x56: {  	_ =	shalt  }
0x57: {  	_ =	shalt  }
0x58: {  	_ =	shalt  }
0x59: {  	_ =	shalt  }
0x5a: {  	_ =	shalt  }
0x5b: {  	_ =	shalt  }
0x5c: {  	_ =	shalt  }
0x5d: {  	_ =	shalt  }
0x5e: {  	_ =	shalt  }
0x5f: {  	_ =	shalt  }
0x60: {  	_ =	shalt  }
0x61: {  	_ =	shalt  }
0x62: {  	_ =	shalt  }
0x63: {  	_ =	shalt  }
0x64: {  	_ =	shalt  }
0x65: {  	_ =	shalt  }
0x66: {  	_ =	shalt  }
0x67: {  	_ =	shalt  }
0x68: {  	_ =	shalt  }
0x69: {  	_ =	shalt  }
0x6a: {  	_ =	shalt  }
0x6b: {  	_ =	shalt  }
0x6c: {  	_ =	shalt  }
0x6d: {  	_ =	shalt  }
0x6e: {  	_ =	shalt  }
0x6f: {  	_ =	shalt  }
0x70: {  	_ =	shalt  }
0x71: {  	_ =	shalt  }
0x72: {  	_ =	shalt  }
0x73: {  	_ =	shalt  }
0x74: {  	_ =	shalt  }
0x75: {  	_ =	shalt  }
0x76: {  	_ =	shalt  }
0x77: {  	_ =	shalt  }
0x78: {  	_ =	shalt  }
0x79: {  	_ =	shalt  }
0x7a: {  	_ =	shalt  }
0x7b: {  	_ =	shalt  }
0x7c: {  	_ =	shalt  }
0x7d: {  	_ =	shalt  }
0x7e: {  	_ =	shalt  }
0x7f: {  	_ =	shalt  }
0x80: {  	_ =	shalt  }
0x81: {  	_ =	shalt  }
0x82: {  	_ =	shalt  }
0x83: {  	_ =	shalt  }
0x84: {  	_ =	shalt  }
0x85: {  	_ =	shalt  }
0x86: {  	_ =	shalt  }
0x87: {  	_ =	shalt  }
.Lfunc_end0:
.L_simem_size_0:
called_computation.1_lowered:
.L_overlay_start_0:
0x88: {  	s2 =	sld [smem:$0x3FD9]  }
0x89: {  	s3 =	sld [smem:$0x3FFE];
	_ =	sdelay $0x1  }
0x8a: {  	s1 =	srdreg.scid  }
0x8b: {  	s0 =	sand.u32 $0x1, s1  }
0x8c: {  	s17 =	sshll.u32 s0, $0xA;
	s2 =	sadd.s32 s3, s2  }
0x8d: {  	s2 =	sadd.s32 s2, s17  }
0x8e: {  	[smem:$0x3FBD] =	sst s2  }
0x8f: {  	_ = 	snop  }
0x90: {  	s2 =	sld [smem:$0x3FD0];
	(tm) =	ssettm $0x1  }
0x91: {  	s18 =	sld [smem:$0x3FFB];
	_ =	sdelay $0x3  }
0x92: {  	_ =	strace s18  }
0x93: {  	s3 =	sld [smem:$0x3FFC];
	_ =	sdelay $0x3  }
0x94: {  	_ =	strace s3  }
0x95: {  	s3 =	sld [smem:$0x3FFD];
	_ =	sdelay $0x3  }
0x96: {  	_ =	strace s3  }
0x97: {  	_ =	strace $0x8FFFFFFF  }
0x98: {  	s19 =	sld [smem:$0x3FDB];
	_ =	sdelay $0x1  }
0x99: {  	s4 =	simm.s32 $_scs_section_size  }
0x9a: {  	s5 =	simm.s32 $_size__tile_overlayer_lowered;
	s6 =	simm.s32 $_tile_overlayer_lowered  }
0x9b: {  	s22 =	simm.s32 $0x1BFF;
	s21 =	sshll.u32 s6, $0x1;
	s3 =	sadd.s32 s4, s19  }
0x9c: {  	s7 =	simm.s32 $0x0;
	s20 =	sshll.u32 s5, $0x1;
	s5 =	sadd.s32 s21, s3  }
0x9d: {  	[timem:s7], [sflag:s22] =	dma.local [hbm:s5], s20  }
0x9e: {  	_ =	swait.ge [sflag:s22], s20  }
0x9f: {  	s4 =	ssub.s32 $0x0, s20;
	[sflag:s22] =	ssyncset.done $0x0  }
0xa0: {  	[sflag:s22] =	ssyncadd.s32 s4;
	_ =	sdelay $0x1  }
0xa1: {  	s23 =	simm.s32 $0x1B8B  }
0xa2: {  	_ =	swait.ge [sflag:s23], $0x1  }
0xa3: {  	[sflag:s23] =	ssyncset.done $0x0  }
0xa4: {  	s25 =	simm.s32 $0x1B8E;
	s24 =	sld [smem:$0x3FFE];
	[sflag:s23] =	ssyncadd.s32 $0xFFFFFFFF  }
0xa5: {  	s26 =	simm.s32 $execute0_lowered;
	[smem:$0x3FD2] =	sst s25  }
0xa6: {  	s5 =	sshll.u32 s26, $0x1;
	_ =	strace $0x80000051;
	[dreg:$0x1] =	wrdreg $0xFFFFFFFF  }
0xa7: {  	s28 =	simm.s32 $_size_execute0_lowered;
	s3 =	sadd.s32 s3, s5;
	[dreg:$0x0] =	wrdreg $0x0  }
0xa8: {  	s5 =	sshll.u32 s28, $0x1;
	[dreg:$0x2] =	wrdreg s3  }
0xa9: {  	[dreg:$0x3] =	wrdreg s5  }
0xaa: {  	[dreg:$0x4] =	wrdreg $0xC0  }
0xab: {  	_ =	task [dreg:s7], $0x5FFFF  }
0xac: {  	[dreg:$0x1] =	wrdreg $0xFFFFFFFF  }
0xad: {  	[dreg:$0x0] =	wrdreg $0x60  }
0xae: {  	[dreg:$0x2] =	wrdreg s24  }
0xaf: {  	[dreg:$0x3] =	wrdreg s2  }
0xb0: {  	[dreg:$0x4] =	wrdreg $0x9  }
0xb1: {  	_ =	task.clear_ibuf [dreg:s7], $0x5FFFF;
	_ =	strace $0x90000051  }
0xb2: {  	s29 =	simm.s32 $0x9;
	_ =	strace $0x80000058  }
0xb3: {  	_ =	swait.ge [sflag:s29], $0x1  }
0xb4: {  	[sflag:s29] =	ssyncadd.s32 $0xFFFFFFFF  }
0xb5: {  	_ =	strace $0x90000058  }
0xb6: {  	_ =	sfence  }
0xb7: {  	s30 =	sld [smem:$0x0];
	_ =	sdelay $0x2  }
0xb8: {  	s31 =	sshll.u32 s1, $0xD;
	s1 =	sshrl.u32 s1, $0x2  }
0xb9: {  	s3 =	sand.u32 $0x4000, s31;
	s1 =	sadd.s32 s1, s30  }
0xba: {  	s0 =	sor.u32 s3, s0;
	s1 =	sshll.u32 s1, $0x11  }
0xbb: {  	s0 =	sor.u32 s1, s0  }
0xbc: {  	s0 =	sadd.s32 $0x8F2B, s0  }
0xbd: {  	[sflag:s0] =	ssyncadd.remote.s32 $0x1  }
0xbe: {  	_ =	sfence.sel $0xFFFF  }
0xbf: {  	[dreg:$0x0] =	wrdreg $0xFFFFFFFF;
	(pc) =	sbr.abs _section_cstart, $3  }
0xc0: {  	[dreg:$0x1] =	wrdreg $0xFFFFFFFF  }
0xc1: {  	_ =	task.clear_ibuf [dreg:s7], $0x2FFFF;
	_ =	strace $0x9FFFFFFF  }
0xc2: {  	(tm) =	ssettm $0x7FFFFFFF  }
0xc3: {  	_ =	shalt  }
tec
execute0_lowered:
.L_overlay_start_1:
0x0: {  	(tag) =	ssettag $0x1  }
0x1: {  	s1 =	srdreg.scid  }
0x2: {  	s4 =	rddreg [dreg:$0x0];
	s0 =	stileid.u32  }
0x3: {  	s3 =	rddreg [dreg:$0x1];
	s2 =	simm.s32 $0x0;
	s17 =	simm.s32 $0x900  }
0x4: {  	s18 =	simm.s32 $0xD00;
	s19 =	simm.s32 $0x1500;
	s20 =	simm.s32 $0x1900  }
0x5: {  	s21 =	simm.s32 $0x2100;
	s23 =	simm.s32 $0x2500;
	s24 =	simm.s32 $0x2D00  }
0x6: {  	s25 =	simm.s32 $0x3100;
	s26 =	simm.s32 $0x3900;
	[smem:$0x7FF] =	sst s2  }
0x7: {  	s7 =	simm.s32 $0x100;
	_ =	strace $0x80000052;
	[dreg:$0x5] =	wrdreg s17  }
0x8: {  	s9 =	simm.s32 $0x4500;
	s10 =	simm.s32 $0x4900;
	[dreg:$0x6] =	wrdreg s18  }
0x9: {  	s11 =	simm.s32 $0x5100;
	s12 =	simm.s32 $0x5500;
	[dreg:$0x7] =	wrdreg s19  }
0xa: {  	s13 =	simm.s32 $0x5D00;
	s14 =	simm.s32 $0x6100;
	[dreg:$0x8] =	wrdreg s20  }
0xb: {  	s15 =	simm.s32 $0x6900;
	s16 =	simm.s32 $0x6D00;
	[dreg:$0x9] =	wrdreg s21  }
0xc: {  	s28 =	simm.s32 $0xB100;
	s29 =	simm.s32 $0xB500;
	[dreg:$0xa] =	wrdreg s23  }
0xd: {  	s30 =	simm.s32 $0xBD00;
	s31 =	simm.s32 $0x5;
	[dreg:$0xb] =	wrdreg s24  }
0xe: {  	s1 =	sand.u32 $0x1, s1;
	s6 =	sshll.u32 s0, $0x4;
	[dreg:$0xc] =	wrdreg s25  }
0xf: {  	s5 =	sshll.u32 s1, $0x8;
	s1 =	ssub.s32 $0x2, s1;
	[dreg:$0xd] =	wrdreg s26  }
0x10: {  	s17 =	simm.s32 $0x7500;
	s18 =	simm.s32 $0x7900;
	s19 =	simm.s32 $0x8100  }
0x11: {  	s20 =	simm.s32 $0x8500;
	s21 =	simm.s32 $0x8D00;
	s23 =	simm.s32 $0x9900  }
0x12: {  	s24 =	simm.s32 $0x9D00;
	s25 =	simm.s32 $0xA500;
	s5 =	sor.u32 s6, s5  }
0x13: {  	s22 =	sshrl.u32 s1, $0x1;
	s6 =	sadd.s32 s5, s4;
	s5 =	smul.u32 $0x180, s5  }
0x14: {  	s26 =	simm.s32 $0xA900;
	s1 =	ssub.s32 s1, s22;
	s6 =	sadd.s32 $0x184400, s6  }
0x15: {  	v2 =	vlaneseq.u32;
	s22 =	simm.s32 $0x9100;
	[dreg:$0x3] =	wrdreg s6;
	s3 =	sadd.s32 s3, s5  }
0x16: {  	vm0 =	vmmov $0xffff;
	vm1 =	vmmov $0xff;
	v1 =	vshrl.u32 v2, $0x3;
	s5 =	smax.u32 s1, $0x1;
	s6 =	simm.s32 $0x1;
	s1 =	simm.s32 $0x3  }
0x17: {  	v0 =	vand.u32 $0x7, v2;
	v2 =	vor.u32 $0x8, v2;
	v1 =	vmul.u32 $0x8, v1;
	[dreg:$0x4] =	wrdreg s3;
	s3 =	sadd.s32 $0x4000, s4;
	s4 =	sadd.s32 $0x4100, s4  }
.LBB2_1:
0x18: {  	_ =	strace $0x80000053  }
0x19: {  	s0 =	rddreg [dreg:$0x3]  }
0x1a: {  	[tilespmem:s2], [sflag:$0x1] =	stream.linear.gather [hbm4b:s0+s2], $0x80, $0x200038;
	[tilespmem:$0x18100] =	vst v63  }
0x1b: {  	_ =	strace $0x90000053  }
0x1c: {  	_ =	strace $0x80000054  }
0x1d: {  	_ =	swait.ge [sflag:s6], $0x80  }
0x1e: {  	[sflag:s6] =	ssyncset.done $0x0  }
0x1f: {  	[sflag:s6] =	ssyncadd.s32 $0xFFFFFF80  }
0x20: {  	_ =	strace $0x90000054  }
0x21: {  	_ =	strace $0x80000055  }
0x22: {  	v3 =	vld [tilespmem:$0x0];
	_ =	sdelay $0x4  }
0x23: {  	v4 =	vshrl.u32 v3, $0x3  }
0x24: {  	v4 =	vmul.u32 $0x18, v4  }
0x25: {  	v3 =	vand.u32 $0x7, v3  }
0x26: {  	v3 =	vor.u32 v3, v4  }
0x27: {  	v4 =	vperm.xlane v3, v0;
	_ =	sdelay $0x1  }
0x28: {  	v4 =	vadd.s32 v1, v4;
	_ =	sdelay $0x1  }
0x29: {  	v3 =	vperm.xlane v3, v2;
	_ =	sdelay $0x1  }
0x2a: {  	v3 =	vadd.s32 v1, v3  }
0x2b: {  	[tilespmem:s7], [sflag:$0x5] =	stream.indirect_vreg.gather [hbm4b:s3+s2], $0x80, v4, vm0, $0x2000b8;
	[tilespmem:$0x18100] =	vst v63  }
0x2c: {  	s0 =	rddreg [dreg:$0x5]  }
0x2d: {  	[tilespmem:s0], [sflag:$0x5] =	stream.indirect_vreg.gather [hbm4b:s4+s2], $0x80, v4, vm1, $0x2000b8;
	[tilespmem:$0x18100] =	vst v63  }
0x2e: {  	s8 =	rddreg [dreg:$0x6]  }
0x2f: {  	[tilespmem:s8], [sflag:$0x5] =	stream.indirect_vreg.gather [hbm4b:s3+s2], $0x80, v3, vm0, $0x2000b8;
	[tilespmem:$0x18100] =	vst v63  }
0x30: {  	s0 =	rddreg [dreg:$0x7]  }
0x31: {  	[tilespmem:s0], [sflag:$0x5] =	stream.indirect_vreg.gather [hbm4b:s4+s2], $0x80, v3, vm1, $0x2000b8;
	[tilespmem:$0x18100] =	vst v63  }
0x32: {  	v3 =	vld [tilespmem:$0x10];
	_ =	sdelay $0x4  }
0x33: {  	v57 =	vshrl.u32 v3, $0x3  }
0x34: {  	v4 =	vmul.u32 $0x18, v57  }
0x35: {  	v3 =	vand.u32 $0x7, v3  }
0x36: {  	v3 =	vor.u32 v3, v4  }
0x37: {  	v4 =	vperm.xlane v3, v0;
	_ =	sdelay $0x1  }
0x38: {  	v4 =	vadd.s32 v1, v4;
	_ =	sdelay $0x1  }
0x39: {  	v3 =	vperm.xlane v3, v2;
	_ =	sdelay $0x1  }
0x3a: {  	s0 =	rddreg [dreg:$0x8];
	v3 =	vadd.s32 v1, v3  }
0x3b: {  	[tilespmem:s0], [sflag:$0x5] =	stream.indirect_vreg.gather [hbm4b:s3+s2], $0x80, v4, vm0, $0x2000b8;
	[tilespmem:$0x18100] =	vst v63  }
0x3c: {  	s8 =	rddreg [dreg:$0x9]  }
0x3d: {  	[tilespmem:s8], [sflag:$0x5] =	stream.indirect_vreg.gather [hbm4b:s4+s2], $0x80, v4, vm1, $0x2000b8;
	[tilespmem:$0x18100] =	vst v63  }
0x3e: {  	s0 =	rddreg [dreg:$0xa]  }
0x3f: {  	[tilespmem:s0], [sflag:$0x5] =	stream.indirect_vreg.gather [hbm4b:s3+s2], $0x80, v3, vm0, $0x2000b8;
	[tilespmem:$0x18100] =	vst v63  }
0x40: {  	s8 =	rddreg [dreg:$0xb]  }
0x41: {  	[tilespmem:s8], [sflag:$0x5] =	stream.indirect_vreg.gather [hbm4b:s4+s2], $0x80, v3, vm1, $0x2000b8;
	[tilespmem:$0x18100] =	vst v63  }
0x42: {  	v3 =	vld [tilespmem:$0x20];
	_ =	sdelay $0x4  }
0x43: {  	v58 =	vshrl.u32 v3, $0x3  }
0x44: {  	v4 =	vmul.u32 $0x18, v58  }
0x45: {  	v3 =	vand.u32 $0x7, v3  }
0x46: {  	v3 =	vor.u32 v3, v4  }
0x47: {  	v4 =	vperm.xlane v3, v0;
	_ =	sdelay $0x1  }
0x48: {  	v4 =	vadd.s32 v1, v4;
	_ =	sdelay $0x1  }
0x49: {  	v3 =	vperm.xlane v3, v2;
	_ =	sdelay $0x1  }
0x4a: {  	s0 =	rddreg [dreg:$0xc];
	v3 =	vadd.s32 v1, v3  }
0x4b: {  	[tilespmem:s0], [sflag:$0x5] =	stream.indirect_vreg.gather [hbm4b:s3+s2], $0x80, v4, vm0, $0x2000b8;
	[tilespmem:$0x18100] =	vst v63  }
0x4c: {  	s8 =	rddreg [dreg:$0xd]  }
0x4d: {  	[tilespmem:s8], [sflag:$0x5] =	stream.indirect_vreg.gather [hbm4b:s4+s2], $0x80, v4, vm1, $0x2000b8;
	[tilespmem:$0x18100] =	vst v63  }
0x4e: {  	s8 =	simm.s32 $0x3D00  }
0x4f: {  	[tilespmem:s8], [sflag:$0x5] =	stream.indirect_vreg.gather [hbm4b:s3+s2], $0x80, v3, vm0, $0x2000b8;
	[tilespmem:$0x18100] =	vst v63  }
0x50: {  	_ = 	snop  }
0x51: {  	[tilespmem:s9], [sflag:$0x5] =	stream.indirect_vreg.gather [hbm4b:s4+s2], $0x80, v3, vm1, $0x2000b8;
	[tilespmem:$0x18100] =	vst v63  }
0x52: {  	v3 =	vld [tilespmem:$0x30];
	_ =	sdelay $0x4  }
0x53: {  	v59 =	vshrl.u32 v3, $0x3  }
0x54: {  	v4 =	vmul.u32 $0x18, v59  }
0x55: {  	v3 =	vand.u32 $0x7, v3  }
0x56: {  	v3 =	vor.u32 v3, v4  }
0x57: {  	v4 =	vperm.xlane v3, v0;
	_ =	sdelay $0x1  }
0x58: {  	v4 =	vadd.s32 v1, v4;
	_ =	sdelay $0x1  }
0x59: {  	v3 =	vperm.xlane v3, v2;
	_ =	sdelay $0x1  }
0x5a: {  	v3 =	vadd.s32 v1, v3  }
0x5b: {  	[tilespmem:s10], [sflag:$0x5] =	stream.indirect_vreg.gather [hbm4b:s3+s2], $0x80, v4, vm0, $0x2000b8;
	[tilespmem:$0x18100] =	vst v63  }
0x5c: {  	_ = 	snop  }
0x5d: {  	[tilespmem:s11], [sflag:$0x5] =	stream.indirect_vreg.gather [hbm4b:s4+s2], $0x80, v4, vm1, $0x2000b8;
	[tilespmem:$0x18100] =	vst v63  }
0x5e: {  	_ = 	snop  }
0x5f: {  	[tilespmem:s12], [sflag:$0x5] =	stream.indirect_vreg.gather [hbm4b:s3+s2], $0x80, v3, vm0, $0x2000b8;
	[tilespmem:$0x18100] =	vst v63  }
0x60: {  	_ = 	snop  }
0x61: {  	[tilespmem:s13], [sflag:$0x5] =	stream.indirect_vreg.gather [hbm4b:s4+s2], $0x80, v3, vm1, $0x2000b8;
	[tilespmem:$0x18100] =	vst v63  }
0x62: {  	v3 =	vld [tilespmem:$0x40];
	_ =	sdelay $0x4  }
0x63: {  	v60 =	vshrl.u32 v3, $0x3  }
0x64: {  	v4 =	vmul.u32 $0x18, v60  }
0x65: {  	v3 =	vand.u32 $0x7, v3  }
0x66: {  	v3 =	vor.u32 v3, v4  }
0x67: {  	v4 =	vperm.xlane v3, v0;
	_ =	sdelay $0x1  }
0x68: {  	v4 =	vadd.s32 v1, v4;
	_ =	sdelay $0x1  }
0x69: {  	v3 =	vperm.xlane v3, v2;
	_ =	sdelay $0x1  }
0x6a: {  	v3 =	vadd.s32 v1, v3  }
0x6b: {  	[tilespmem:s14], [sflag:$0x5] =	stream.indirect_vreg.gather [hbm4b:s3+s2], $0x80, v4, vm0, $0x2000b8;
	[tilespmem:$0x18100] =	vst v63  }
0x6c: {  	_ = 	snop  }
0x6d: {  	[tilespmem:s15], [sflag:$0x5] =	stream.indirect_vreg.gather [hbm4b:s4+s2], $0x80, v4, vm1, $0x2000b8;
	[tilespmem:$0x18100] =	vst v63  }
0x6e: {  	_ = 	snop  }
0x6f: {  	[tilespmem:s16], [sflag:$0x5] =	stream.indirect_vreg.gather [hbm4b:s3+s2], $0x80, v3, vm0, $0x2000b8;
	[tilespmem:$0x18100] =	vst v63  }
0x70: {  	_ = 	snop  }
0x71: {  	[tilespmem:s17], [sflag:$0x5] =	stream.indirect_vreg.gather [hbm4b:s4+s2], $0x80, v3, vm1, $0x2000b8;
	[tilespmem:$0x18100] =	vst v63  }
0x72: {  	v3 =	vld [tilespmem:$0x50];
	_ =	sdelay $0x4  }
0x73: {  	v61 =	vshrl.u32 v3, $0x3  }
0x74: {  	v4 =	vmul.u32 $0x18, v61  }
0x75: {  	v3 =	vand.u32 $0x7, v3  }
0x76: {  	v3 =	vor.u32 v3, v4  }
0x77: {  	v4 =	vperm.xlane v3, v0;
	_ =	sdelay $0x1  }
0x78: {  	v4 =	vadd.s32 v1, v4;
	_ =	sdelay $0x1  }
0x79: {  	v3 =	vperm.xlane v3, v2;
	_ =	sdelay $0x1  }
0x7a: {  	v3 =	vadd.s32 v1, v3  }
0x7b: {  	[tilespmem:s18], [sflag:$0x5] =	stream.indirect_vreg.gather [hbm4b:s3+s2], $0x80, v4, vm0, $0x2000b8;
	[tilespmem:$0x18100] =	vst v63  }
0x7c: {  	_ = 	snop  }
0x7d: {  	[tilespmem:s19], [sflag:$0x5] =	stream.indirect_vreg.gather [hbm4b:s4+s2], $0x80, v4, vm1, $0x2000b8;
	[tilespmem:$0x18100] =	vst v63  }
0x7e: {  	_ = 	snop  }
0x7f: {  	[tilespmem:s20], [sflag:$0x5] =	stream.indirect_vreg.gather [hbm4b:s3+s2], $0x80, v3, vm0, $0x2000b8;
	[tilespmem:$0x18100] =	vst v63  }
0x80: {  	_ = 	snop  }
0x81: {  	[tilespmem:s21], [sflag:$0x5] =	stream.indirect_vreg.gather [hbm4b:s4+s2], $0x80, v3, vm1, $0x2000b8;
	[tilespmem:$0x18100] =	vst v63  }
0x82: {  	v3 =	vld [tilespmem:$0x60];
	_ =	sdelay $0x4  }
0x83: {  	v62 =	vshrl.u32 v3, $0x3  }
0x84: {  	v4 =	vmul.u32 $0x18, v62  }
0x85: {  	v3 =	vand.u32 $0x7, v3  }
0x86: {  	v3 =	vor.u32 v3, v4  }
0x87: {  	v4 =	vperm.xlane v3, v0;
	_ =	sdelay $0x1  }
0x88: {  	v4 =	vadd.s32 v1, v4;
	_ =	sdelay $0x1  }
0x89: {  	v3 =	vperm.xlane v3, v2;
	_ =	sdelay $0x1  }
0x8a: {  	v3 =	vadd.s32 v1, v3  }
0x8b: {  	[tilespmem:s22], [sflag:$0x5] =	stream.indirect_vreg.gather [hbm4b:s3+s2], $0x80, v4, vm0, $0x2000b8;
	[tilespmem:$0x18100] =	vst v63  }
0x8c: {  	_ = 	snop  }
0x8d: {  	[tilespmem:s23], [sflag:$0x5] =	stream.indirect_vreg.gather [hbm4b:s4+s2], $0x80, v4, vm1, $0x2000b8;
	[tilespmem:$0x18100] =	vst v63  }
0x8e: {  	_ = 	snop  }
0x8f: {  	[tilespmem:s24], [sflag:$0x5] =	stream.indirect_vreg.gather [hbm4b:s3+s2], $0x80, v3, vm0, $0x2000b8;
	[tilespmem:$0x18100] =	vst v63  }
0x90: {  	_ = 	snop  }
0x91: {  	[tilespmem:s25], [sflag:$0x5] =	stream.indirect_vreg.gather [hbm4b:s4+s2], $0x80, v3, vm1, $0x2000b8;
	[tilespmem:$0x18100] =	vst v63  }
0x92: {  	v3 =	vld [tilespmem:$0x70];
	_ =	sdelay $0x4  }
0x93: {  	v63 =	vshrl.u32 v3, $0x3  }
0x94: {  	v4 =	vmul.u32 $0x18, v63  }
0x95: {  	v3 =	vand.u32 $0x7, v3  }
0x96: {  	v3 =	vor.u32 v3, v4  }
0x97: {  	v4 =	vperm.xlane v3, v0;
	_ =	sdelay $0x1  }
0x98: {  	v4 =	vadd.s32 v1, v4;
	_ =	sdelay $0x1  }
0x99: {  	v3 =	vperm.xlane v3, v2;
	_ =	sdelay $0x1  }
0x9a: {  	v3 =	vadd.s32 v1, v3  }
0x9b: {  	[tilespmem:s26], [sflag:$0x5] =	stream.indirect_vreg.gather [hbm4b:s3+s2], $0x80, v4, vm0, $0x2000b8;
	[tilespmem:$0x18100] =	vst v63  }
0x9c: {  	_ = 	snop  }
0x9d: {  	[tilespmem:s28], [sflag:$0x5] =	stream.indirect_vreg.gather [hbm4b:s4+s2], $0x80, v4, vm1, $0x2000b8;
	[tilespmem:$0x18100] =	vst v63  }
0x9e: {  	_ = 	snop  }
0x9f: {  	[tilespmem:s29], [sflag:$0x5] =	stream.indirect_vreg.gather [hbm4b:s3+s2], $0x80, v3, vm0, $0x2000b8;
	[tilespmem:$0x18100] =	vst v63  }
0xa0: {  	_ = 	snop  }
0xa1: {  	[tilespmem:s30], [sflag:$0x5] =	stream.indirect_vreg.gather [hbm4b:s4+s2], $0x80, v3, vm1, $0x2000b8;
	[tilespmem:$0x18100] =	vst v63  }
0xa2: {  	_ =	swait.ge [sflag:s31], $0xC000  }
0xa3: {  	[sflag:s31] =	ssyncset.done $0x0  }
0xa4: {  	[sflag:s31] =	ssyncadd.s32 $0xFFFF4000  }
0xa5: {  	_ =	strace $0x90000055  }
0xa6: {  	_ =	strace $0x80000056  }
0xa7: {  	s8 =	rddreg [dreg:$0x4]  }
0xa8: {  	[hbm4b:s8+s2] =	stream.linear.scatter [tilespmem:s7], [sflag:$0x3], $0xC000, $0x200038;
	[tilespmem:$0x18100] =	vst v63  }
0xa9: {  	p0 =	sne.s32 s5, $0x1;
	_ =	strace $0x90000056  }
.Ltmp0:
0xaa: {  	_ =	strace $0x80000057;
	(pc) =	sbr.rel @p0 .LBB2_1-.Ltmp0, $4  }
0xab: {  	_ =	swait.ge [sflag:s1], $0xC000  }
0xac: {  	[sflag:s1] =	ssyncset.done $0x0  }
0xad: {  	[sflag:s1] =	ssyncadd.s32 $0xFFFF4000  }
0xae: {  	s5 =	sadd.s32 $0xFFFFFFFF, s5;
	_ =	strace $0x90000057  }
0xaf: {  	_ =	sfence.sel $0x180000  }
0xb0: {  	[bflag:$0x0] =	sbarrier.arrive $0xFFFF  }
0xb1: {  	_ =	strace $0x90000052  }
0xb2: {  	s0 =	stileid.u32;
	[bflag:$0x2] =	sbarrier.arrive $0xFFFF  }
0xb3: {  	p0 =	sne.s32 s0, $0x0;
	s0 =	rddreg [dreg:$0x2]  }
0xb4: {  	s0 =	sadd.s32 @!p0 $0x100000, s0  }
0xb5: {  	[sflag:s0] =	ssyncadd.tile.s32 @!p0 $0x1;
	_ =	shalt  }
.Lfunc_end2:
_tile_overlayer_lowered:
.L_overlay_start_2:
0xb6: {  	(tag) =	ssettag $0x2  }
0xb7: {  	s0 =	rddreg [dreg:$0x0];
	s2 =	stileid.u32  }
0xb8: {  	s1 =	rddreg [dreg:$0x1];
	p0 =	sne.s32 s2, $0x0  }
0xb9: {  	s3 =	rddreg [dreg:$0x2];
	[bflag:$0x3] =	sbarrier.arrive $0xFFFF;
	s2 =	simm.s32 @!p0 $0x1C01  }
0xba: {  	[timem:s3], [sflag:s2] =	dma.local @!p0 [hbm:s0], s1  }
0xbb: {  	s0 =	simm.s32 @!p0 $0x1  }
0xbc: {  	_ =	swait.ge @!p0 [sflag:s0], s1  }
0xbd: {  	s1 =	ssub.s32 @!p0 $0x0, s1;
	[sflag:s0] =	ssyncset.done @!p0 $0x0  }
0xbe: {  	[sflag:s0] =	ssyncadd.s32 @!p0 s1  }
0xbf: {  	[bflag:$0x3] =	sbarrier.arrive $0xFFFF  }
0xc0: {  	_ =	shalt  }

</sc_bundles>
